<compile_context>
chip_gen: v7x
topology: tpu7x:2x2x1
jax: 0.10.2.dev20260603
libtpu: 0.0.44.dev20260713+nightly
codegen_flags: <defaults>
</compile_context>

<pallas_src>
import functools

import jax
import jax.numpy as jnp
from jax import lax
from jax.experimental import pallas as pl
from jax.experimental.pallas import tpu as pltpu
from jax.experimental.pallas import tpu_sc as plsc

N = 10000
E = 320000
D = 128
NUM_LAYERS = 3

_SC_INFO = plsc.get_sparse_core_info()
NC = _SC_INFO.num_cores
NS = _SC_INFO.num_subcores
NW = NC * NS
EPW = E // NW
EB = 40
NBATCH = EPW // EB
CHUNK = 50
NSTEP = NBATCH // 2
TILE_STRIDE = 624
TILE_ROWS = 640



def _edge_kernel_body(k_hbm, qv_hbm, eidx_hbm, out_hbm,
                      eidx, kro, qvo, msg, aggr,
                      sem_gk0, sem_gk1, sem_gq0, sem_gq1):
    cid = lax.axis_index("c")
    sid = lax.axis_index("s")
    wid = cid * NS + sid
    sem_gk = (sem_gk0, sem_gk1)
    sem_gq = (sem_gq0, sem_gq1)

    def _zrow(i, _):
        for j in range(D // 16):
            msg[i, pl.ds(j * 16, 16)] = jnp.zeros((16,), jnp.float32)
        return _
    lax.fori_loop(0, EB, _zrow, None)
    base_row = sid * TILE_STRIDE
    for z in range(TILE_ROWS // EB):
        pltpu.sync_copy(msg, aggr.at[pl.ds(base_row + z * EB, EB)])
    plsc.subcore_barrier()

    def _gissue(slot, b):
        r = lax.rem(b, CHUNK)
        pltpu.async_copy(k_hbm.at[eidx.at[1, r]], kro.at[slot], sem_gk[slot])
        pltpu.async_copy(qv_hbm.at[eidx.at[0, r]], qvo.at[slot], sem_gq[slot])

    def _gwait(slot, b):
        r = lax.rem(b, CHUNK)
        pltpu.make_async_copy(
            k_hbm.at[eidx.at[1, r]], kro.at[slot], sem_gk[slot]).wait()
        pltpu.make_async_copy(
            qv_hbm.at[eidx.at[0, r]], qvo.at[slot], sem_gq[slot]).wait()

    def _compute_scatter(slot, b):
        r = lax.rem(b, CHUNK)
        kr = kro.at[slot]
        qr = qvo.at[slot]

        @plsc.parallel_loop(0, EB, 1, unroll=4)
        def _edge(e):
            for j in range(D // 16):
                kc = kr[e, pl.ds(j * 16, 16)]
                qc = qr[e, pl.ds(j * 16, 16)]
                vc = qr[e, pl.ds(D + j * 16, 16)]
                msg[e, pl.ds(j * 16, 16)] = vc / (1.0 + jnp.exp(-(kc + qc)))

        pltpu.sync_copy(msg, aggr.at[eidx.at[1, r]], add=True)

    pltpu.sync_copy(eidx_hbm.at[:, wid, 0], eidx)
    _gissue(0, 0)

    def _dstep(i, _):
        b0 = 2 * i
        b1 = b0 + 1
        b2 = b0 + 2
        _gissue(1, b1)
        _gwait(0, b0)
        _compute_scatter(0, b0)

        crossing = lax.rem(i, CHUNK // 2) == CHUNK // 2 - 1

        @pl.when(jnp.logical_and(jnp.logical_not(crossing), b2 < NBATCH))
        def _():
            _gissue(0, b2)

        _gwait(1, b1)
        _compute_scatter(1, b1)

        @pl.when(jnp.logical_and(crossing, b2 < NBATCH))
        def _():
            pltpu.sync_copy(eidx_hbm.at[:, wid, lax.div(b2, CHUNK)], eidx)
            _gissue(0, b2)
        return _

    lax.fori_loop(0, NSTEP, _dstep, None)
    plsc.subcore_barrier()

    out_row = cid * N + sid * TILE_STRIDE
    pltpu.sync_copy(aggr.at[pl.ds(sid * TILE_STRIDE, TILE_ROWS)],
                    out_hbm.at[pl.ds(out_row, TILE_ROWS)])


@functools.partial(jax.jit, static_argnames=())
def _edge_stage(k, qv, eidx):
    mesh = plsc.VectorSubcoreMesh(core_axis_name="c", subcore_axis_name="s")
    f = pl.kernel(
        _edge_kernel_body,
        out_type=jax.ShapeDtypeStruct((NC * N, D), jnp.float32),
        mesh=mesh,
        scratch_types=[
            pltpu.VMEM((2, CHUNK, EB), jnp.int32),
            pltpu.VMEM((2, EB, D), jnp.float32),
            pltpu.VMEM((2, EB, 2 * D), jnp.float32),
            pltpu.VMEM((EB, D), jnp.float32),
            pltpu.VMEM_SHARED((N, D), jnp.float32),
            pltpu.SemaphoreType.DMA,
            pltpu.SemaphoreType.DMA,
            pltpu.SemaphoreType.DMA,
            pltpu.SemaphoreType.DMA,
        ],
    )
    return f(k, qv, eidx)



def _proj_body(x_ref, w_ref, b_ref, k_ref, qv_ref, s_ref):
    out = jnp.dot(x_ref[...], w_ref[...],
                  preferred_element_type=jnp.float32) + b_ref[...]
    k_ref[...] = out[:, :D]
    qv_ref[...] = out[:, D:3 * D]
    s_ref[...] = out[:, 3 * D:]


def _proj(x, w4, b4):
    blk = 1000
    grid = (N // blk,)
    return pl.pallas_call(
        _proj_body,
        grid=grid,
        in_specs=[
            pl.BlockSpec((blk, D), lambda i: (i, 0)),
            pl.BlockSpec((D, 4 * D), lambda i: (0, 0)),
            pl.BlockSpec((1, 4 * D), lambda i: (0, 0)),
        ],
        out_specs=[
            pl.BlockSpec((blk, D), lambda i: (i, 0)),
            pl.BlockSpec((blk, 2 * D), lambda i: (i, 0)),
            pl.BlockSpec((blk, D), lambda i: (i, 0)),
        ],
        out_shape=[
            jax.ShapeDtypeStruct((N, D), jnp.float32),
            jax.ShapeDtypeStruct((N, 2 * D), jnp.float32),
            jax.ShapeDtypeStruct((N, D), jnp.float32),
        ],
    )(x, w4, b4)


def _bn_proj_body(p_ref, s_ref, g_ref, bt_ref, w_ref, b_ref,
                  k_ref, qv_ref, sk_ref):
    h = p_ref[:N, :] + p_ref[N:, :] + s_ref[...]
    mu = jnp.mean(h, axis=0, keepdims=True)
    var = jnp.mean((h - mu) * (h - mu), axis=0, keepdims=True)
    hn = g_ref[...] * (h - mu) * lax.rsqrt(var + 1e-5) + bt_ref[...]
    h2 = jnp.maximum(hn, 0.0)
    out = jnp.dot(h2, w_ref[...],
                  preferred_element_type=jnp.float32) + b_ref[...]
    k_ref[...] = out[:, :D]
    qv_ref[...] = out[:, D:3 * D]
    sk_ref[...] = out[:, 3 * D:]


def _bn_proj(p, s, gamma, beta, w4, b4):
    return pl.pallas_call(
        _bn_proj_body,
        out_shape=[
            jax.ShapeDtypeStruct((N, D), jnp.float32),
            jax.ShapeDtypeStruct((N, 2 * D), jnp.float32),
            jax.ShapeDtypeStruct((N, D), jnp.float32),
        ],
    )(p, s, gamma, beta, w4, b4)


def _final_body(p_ref, s_ref, o_ref):
    o_ref[...] = p_ref[:N, :] + p_ref[N:, :] + s_ref[...]


def _final(p, s):
    return pl.pallas_call(
        _final_body,
        out_shape=jax.ShapeDtypeStruct((N, D), jnp.float32),
    )(p, s)



def kernel(x, edge_index, params):
    eidx = edge_index.reshape(2, NW, NBATCH // CHUNK, CHUNK, EB)

    w4s, b4s = [], []
    for p in params:
        w4s.append(jnp.concatenate(
            [p['Wk'], p['Wq'], p['Wv'], p['Ws']], axis=1))
        b4s.append(jnp.concatenate(
            [p['bk'], p['bq'], p['bv'], p['b']]).reshape(1, 4 * D))

    k, qv, s = _proj(x, w4s[0], b4s[0])
    for i in range(NUM_LAYERS):
        part = _edge_stage(k, qv, eidx)
        if i < NUM_LAYERS - 1:
            pr = params[i]
            k, qv, s = _bn_proj(part, s,
                                pr['gamma'].reshape(1, D),
                                pr['beta'].reshape(1, D),
                                w4s[i + 1], b4s[i + 1])
        else:
            return _final(part, s)

# --- scband reference (transcript-rebuilt; emitter-appended) ---
"""Pipeline reference for scband-res-gated-gcn-17721035063717 (READ-ONLY COPY).

The authoritative reference and input builder live on the scoring server;
editing this copy changes nothing except your own understanding.
"""

import jax, jax.numpy as jnp
import numpy as np

N = 10000
E = 320000
D = 128
NUM_LAYERS = 3

def _init_linear(key, din, dout, bias=True):
    k1, k2 = jax.random.split(key)
    s = 1.0 / np.sqrt(din)
    W = jax.random.uniform(k1, (din, dout), minval=-s, maxval=s, dtype=jnp.float32)
    if bias:
        b = jax.random.uniform(k2, (dout,), minval=-s, maxval=s, dtype=jnp.float32)
        return W, b
    return W, None

def setup_inputs(seed: int = 0):
    key = jax.random.key(seed)
    keys = jax.random.split(key, 2 + NUM_LAYERS * 8)
    x = jax.random.normal(keys[0], (N, D), dtype=jnp.float32)
    edge_index = jax.random.randint(keys[1], (2, E), 0, N, dtype=jnp.int32)
    params = []
    ki = 2
    for i in range(NUM_LAYERS):
        p = {}
        for name in ('Wk', 'Wq', 'Wv'):
            W, b = _init_linear(keys[ki], D, D)
            ki += 1
            p[name] = W
            p['b' + name[1]] = b
        Ws, _ = _init_linear(keys[ki], D, D, bias=False)
        ki += 1
        p['Ws'] = Ws
        p['b'] = jnp.zeros((D,), dtype=jnp.float32)
        if i < NUM_LAYERS - 1:
            p['gamma'] = jnp.ones((D,), dtype=jnp.float32)
            p['beta'] = jnp.zeros((D,), dtype=jnp.float32)
        params.append(p)
    return {"x": x, "edge_index": edge_index, "params": tuple(params)}

def _conv(x, edge_index, p):
    # PyG ResGatedGraphConv: out_i = lin_skip(x_i) + sum_j sigmoid(lin_key(x_i) + lin_query(x_j)) * lin_value(x_j) + bias
    src = edge_index[0]
    dst = edge_index[1]
    k = x @ p['Wk'] + p['bk']
    q = x @ p['Wq'] + p['bq']
    v = x @ p['Wv'] + p['bv']
    gate = jax.nn.sigmoid(k[dst] + q[src])
    msg = gate * v[src]
    aggr = jax.ops.segment_sum(msg, dst, num_segments=x.shape[0])
    return aggr + x @ p['Ws'] + p['b']

def _batchnorm(x, gamma, beta, eps=1e-5):
    mu = jnp.mean(x, axis=0)
    var = jnp.var(x, axis=0)
    return gamma * (x - mu) / jnp.sqrt(var + eps) + beta

def reference(x, edge_index, params):
    h = x
    for i in range(NUM_LAYERS):
        h = _conv(h, edge_index, params[i])
        if i < NUM_LAYERS - 1:
            h = _batchnorm(h, params[i]['gamma'], params[i]['beta'])
            h = jax.nn.relu(h)
    return h

if __name__ == "__main__":
    import jax
    _d = setup_inputs()
    print(jax.jit(kernel)(*tuple(_d.values())))

</pallas_src>

<mosaic_0001>
#map = affine_map<(d0, d1) -> (0, 0)>
#map1 = affine_map<(d0, d1) -> (0, 0, 0, 0, 0)>
module attributes {stable_mosaic.version = 14 : i64} {
  func.func @_edge_kernel_body(%arg0: i32, %arg1: i32, %arg2: memref<10000x128xf32, #tpu.memory_space<hbm>>, %arg3: memref<10000x256xf32, #tpu.memory_space<hbm>>, %arg4: memref<2x32x5x50x40xi32, #tpu.memory_space<hbm>>, %arg5: memref<20000x128xf32, #tpu.memory_space<hbm>>, %arg6: memref<2x50x40xi32, #tpu.memory_space<vmem>>, %arg7: memref<2x40x128xf32, #tpu.memory_space<vmem>>, %arg8: memref<2x40x256xf32, #tpu.memory_space<vmem>>, %arg9: memref<40x128xf32, #tpu.memory_space<vmem>>, %arg10: memref<10000x128xf32, #tpu.memory_space<vmem_shared>>, %arg11: memref<!tpu.dma_semaphore, #tpu.memory_space<semaphore_mem>>, %arg12: memref<!tpu.dma_semaphore, #tpu.memory_space<semaphore_mem>>, %arg13: memref<!tpu.dma_semaphore, #tpu.memory_space<semaphore_mem>>, %arg14: memref<!tpu.dma_semaphore, #tpu.memory_space<semaphore_mem>>) attributes {dimension_semantics = [#tpu.dimension_semantics<core_parallel>, #tpu.dimension_semantics<subcore_parallel>], iteration_bounds = array<i64: 2, 16>, scalar_prefetch = 0 : i64, scratch_operands = 9 : i64, tpu.core_type = #tpu.core_type<sc_vector_subcore>, window_params = [{transform_indices = #map}, {transform_indices = #map}, {transform_indices = #map1}, {transform_indices = #map}]} {
    %mul3A = arith.constant 16 : i32
    %mul3A_0 = arith.muli %arg0, %mul3A : i32
    %add3A = arith.addi %mul3A_0, %arg1 : i32
    %scan3A = arith.constant 0 : i32
    %scan3A_1 = arith.constant 40 : i32
    %scan3A_2 = arith.addi %scan3A, %scan3A_1 : i32
    %scan3A_3 = arith.constant 1 : i32
    scf.for %scan3A_77 = %scan3A to %scan3A_2 step %scan3A_3  : i32 {
      %broadcast_in_dim3A = arith.constant 0.000000e+00 : f32
      %broadcast_in_dim3A_78 = vector.broadcast %broadcast_in_dim3A : f32 to vector<16xf32>
      %swap3A = arith.index_cast %scan3A_77 : i32 to index
      %swap3A_79 = arith.constant 0 : index
      %swap3A_80 = tpu.vector_load %arg9[%swap3A, %swap3A_79] {strides = array<i32>} : memref<40x128xf32, #tpu.memory_space<vmem>>, vector<1x16xf32>,
      %swap3A_81 = vector.shape_cast %swap3A_80 : vector<1x16xf32> to vector<16xf32>
      %swap3A_82 = vector.shape_cast %broadcast_in_dim3A_78 : vector<16xf32> to vector<1x16xf32>
      tpu.vector_store %arg9[%swap3A, %swap3A_79], %swap3A_82 {strides = array<i32>} : memref<40x128xf32, #tpu.memory_space<vmem>>, vector<1x16xf32>,
      %broadcast_in_dim3A_83 = arith.constant 0.000000e+00 : f32
      %broadcast_in_dim3A_84 = vector.broadcast %broadcast_in_dim3A_83 : f32 to vector<16xf32>
      %swap3A_85 = arith.index_cast %scan3A_77 : i32 to index
      %swap3A_86 = arith.constant 16 : index
      %swap3A_87 = tpu.vector_load %arg9[%swap3A_85, %swap3A_86] {strides = array<i32>} : memref<40x128xf32, #tpu.memory_space<vmem>>, vector<1x16xf32>,
      %swap3A_88 = vector.shape_cast %swap3A_87 : vector<1x16xf32> to vector<16xf32>
      %swap3A_89 = vector.shape_cast %broadcast_in_dim3A_84 : vector<16xf32> to vector<1x16xf32>
      tpu.vector_store %arg9[%swap3A_85, %swap3A_86], %swap3A_89 {strides = array<i32>} : memref<40x128xf32, #tpu.memory_space<vmem>>, vector<1x16xf32>,
      %broadcast_in_dim3A_90 = arith.constant 0.000000e+00 : f32
      %broadcast_in_dim3A_91 = vector.broadcast %broadcast_in_dim3A_90 : f32 to vector<16xf32>
      %swap3A_92 = arith.index_cast %scan3A_77 : i32 to index
      %swap3A_93 = arith.constant 32 : index
      %swap3A_94 = tpu.vector_load %arg9[%swap3A_92, %swap3A_93] {strides = array<i32>} : memref<40x128xf32, #tpu.memory_space<vmem>>, vector<1x16xf32>,
      %swap3A_95 = vector.shape_cast %swap3A_94 : vector<1x16xf32> to vector<16xf32>
      %swap3A_96 = vector.shape_cast %broadcast_in_dim3A_91 : vector<16xf32> to vector<1x16xf32>
      tpu.vector_store %arg9[%swap3A_92, %swap3A_93], %swap3A_96 {strides = array<i32>} : memref<40x128xf32, #tpu.memory_space<vmem>>, vector<1x16xf32>,
      %broadcast_in_dim3A_97 = arith.constant 0.000000e+00 : f32
      %broadcast_in_dim3A_98 = vector.broadcast %broadcast_in_dim3A_97 : f32 to vector<16xf32>
      %swap3A_99 = arith.index_cast %scan3A_77 : i32 to index
      %swap3A_100 = arith.constant 48 : index
      %swap3A_101 = tpu.vector_load %arg9[%swap3A_99, %swap3A_100] {strides = array<i32>} : memref<40x128xf32, #tpu.memory_space<vmem>>, vector<1x16xf32>,
      %swap3A_102 = vector.shape_cast %swap3A_101 : vector<1x16xf32> to vector<16xf32>
      %swap3A_103 = vector.shape_cast %broadcast_in_dim3A_98 : vector<16xf32> to vector<1x16xf32>
      tpu.vector_store %arg9[%swap3A_99, %swap3A_100], %swap3A_103 {strides = array<i32>} : memref<40x128xf32, #tpu.memory_space<vmem>>, vector<1x16xf32>,
      %broadcast_in_dim3A_104 = arith.constant 0.000000e+00 : f32
      %broadcast_in_dim3A_105 = vector.broadcast %broadcast_in_dim3A_104 : f32 to vector<16xf32>
      %swap3A_106 = arith.index_cast %scan3A_77 : i32 to index
      %swap3A_107 = arith.constant 64 : index
      %swap3A_108 = tpu.vector_load %arg9[%swap3A_106, %swap3A_107] {strides = array<i32>} : memref<40x128xf32, #tpu.memory_space<vmem>>, vector<1x16xf32>,
      %swap3A_109 = vector.shape_cast %swap3A_108 : vector<1x16xf32> to vector<16xf32>
      %swap3A_110 = vector.shape_cast %broadcast_in_dim3A_105 : vector<16xf32> to vector<1x16xf32>
      tpu.vector_store %arg9[%swap3A_106, %swap3A_107], %swap3A_110 {strides = array<i32>} : memref<40x128xf32, #tpu.memory_space<vmem>>, vector<1x16xf32>,
      %broadcast_in_dim3A_111 = arith.constant 0.000000e+00 : f32
      %broadcast_in_dim3A_112 = vector.broadcast %broadcast_in_dim3A_111 : f32 to vector<16xf32>
      %swap3A_113 = arith.index_cast %scan3A_77 : i32 to index
      %swap3A_114 = arith.constant 80 : index
      %swap3A_115 = tpu.vector_load %arg9[%swap3A_113, %swap3A_114] {strides = array<i32>} : memref<40x128xf32, #tpu.memory_space<vmem>>, vector<1x16xf32>,
      %swap3A_116 = vector.shape_cast %swap3A_115 : vector<1x16xf32> to vector<16xf32>
      %swap3A_117 = vector.shape_cast %broadcast_in_dim3A_112 : vector<16xf32> to vector<1x16xf32>
      tpu.vector_store %arg9[%swap3A_113, %swap3A_114], %swap3A_117 {strides = array<i32>} : memref<40x128xf32, #tpu.memory_space<vmem>>, vector<1x16xf32>,
      %broadcast_in_dim3A_118 = arith.constant 0.000000e+00 : f32
      %broadcast_in_dim3A_119 = vector.broadcast %broadcast_in_dim3A_118 : f32 to vector<16xf32>
      %swap3A_120 = arith.index_cast %scan3A_77 : i32 to index
      %swap3A_121 = arith.constant 96 : index
      %swap3A_122 = tpu.vector_load %arg9[%swap3A_120, %swap3A_121] {strides = array<i32>} : memref<40x128xf32, #tpu.memory_space<vmem>>, vector<1x16xf32>,
      %swap3A_123 = vector.shape_cast %swap3A_122 : vector<1x16xf32> to vector<16xf32>
      %swap3A_124 = vector.shape_cast %broadcast_in_dim3A_119 : vector<16xf32> to vector<1x16xf32>
      tpu.vector_store %arg9[%swap3A_120, %swap3A_121], %swap3A_124 {strides = array<i32>} : memref<40x128xf32, #tpu.memory_space<vmem>>, vector<1x16xf32>,
      %broadcast_in_dim3A_125 = arith.constant 0.000000e+00 : f32
      %broadcast_in_dim3A_126 = vector.broadcast %broadcast_in_dim3A_125 : f32 to vector<16xf32>
      %swap3A_127 = arith.index_cast %scan3A_77 : i32 to index
      %swap3A_128 = arith.constant 112 : index
      %swap3A_129 = tpu.vector_load %arg9[%swap3A_127, %swap3A_128] {strides = array<i32>} : memref<40x128xf32, #tpu.memory_space<vmem>>, vector<1x16xf32>,
      %swap3A_130 = vector.shape_cast %swap3A_129 : vector<1x16xf32> to vector<16xf32>
      %swap3A_131 = vector.shape_cast %broadcast_in_dim3A_126 : vector<16xf32> to vector<1x16xf32>
      tpu.vector_store %arg9[%swap3A_127, %swap3A_128], %swap3A_131 {strides = array<i32>} : memref<40x128xf32, #tpu.memory_space<vmem>>, vector<1x16xf32>,
    }
    %scan3A_4 = arith.constant 40 : i32
    %mul3A_5 = arith.constant 624 : i32
    %mul3A_6 = arith.muli %arg1, %mul3A_5 : i32
    %add3A_7 = arith.constant 0 : i32
    %add3A_8 = arith.addi %mul3A_6, %add3A_7 : i32
    "tpu.region"() ({
      %run_scoped3A_77 = tpu.sem_alloc : memref<!tpu.dma_semaphore, #tpu.memory_space<semaphore_mem>>
      %dma_start3A_78 = arith.constant 0 : i32
      %dma_start3A_79 = tpu.memref_slice %arg10[%add3A_8, %dma_start3A_78] : memref<10000x128xf32, #tpu.memory_space<vmem_shared>> -> memref<40x128xf32, #tpu.memory_space<vmem_shared>>
      %dma_start3A_80 = arith.constant 0 : i32
      %dma_start3A_81 = tpu.memref_slice %arg10[%add3A_8, %dma_start3A_80] : memref<10000x128xf32, #tpu.memory_space<vmem_shared>> -> memref<40x128xf32, #tpu.memory_space<vmem_shared>>
      tpu.enqueue_dma source(%arg9 : memref<40x128xf32, #tpu.memory_space<vmem>>) target(%dma_start3A_81 : memref<40x128xf32, #tpu.memory_space<vmem_shared>>) target_semaphore(%run_scoped3A_77 : memref<!tpu.dma_semaphore, #tpu.memory_space<semaphore_mem>>)
      %dma_wait3A = arith.constant 0 : i32
      %dma_wait3A_82 = tpu.memref_slice %arg10[%add3A_8, %dma_wait3A] : memref<10000x128xf32, #tpu.memory_space<vmem_shared>> -> memref<40x128xf32, #tpu.memory_space<vmem_shared>>
      %dma_wait3A_83 = arith.constant 0 : i32
      %dma_wait3A_84 = tpu.memref_slice %arg10[%add3A_8, %dma_wait3A_83] : memref<10000x128xf32, #tpu.memory_space<vmem_shared>> -> memref<40x128xf32, #tpu.memory_space<vmem_shared>>
      tpu.wait_dma2 semaphore(%run_scoped3A_77 : memref<!tpu.dma_semaphore, #tpu.memory_space<semaphore_mem>>) src(%arg9 : memref<40x128xf32, #tpu.memory_space<vmem>>) dst(%dma_wait3A_84 : memref<40x128xf32, #tpu.memory_space<vmem_shared>>)
      tpu.yield
    }) : () -> ()
    %add3A_9 = arith.constant 40 : i32
    %add3A_10 = arith.addi %mul3A_6, %add3A_9 : i32
    "tpu.region"() ({
      %run_scoped3A_77 = tpu.sem_alloc : memref<!tpu.dma_semaphore, #tpu.memory_space<semaphore_mem>>
      %dma_start3A_78 = arith.constant 0 : i32
      %dma_start3A_79 = tpu.memref_slice %arg10[%add3A_10, %dma_start3A_78] : memref<10000x128xf32, #tpu.memory_space<vmem_shared>> -> memref<40x128xf32, #tpu.memory_space<vmem_shared>>
      %dma_start3A_80 = arith.constant 0 : i32
      %dma_start3A_81 = tpu.memref_slice %arg10[%add3A_10, %dma_start3A_80] : memref<10000x128xf32, #tpu.memory_space<vmem_shared>> -> memref<40x128xf32, #tpu.memory_space<vmem_shared>>
      tpu.enqueue_dma source(%arg9 : memref<40x128xf32, #tpu.memory_space<vmem>>) target(%dma_start3A_81 : memref<40x128xf32, #tpu.memory_space<vmem_shared>>) target_semaphore(%run_scoped3A_77 : memref<!tpu.dma_semaphore, #tpu.memory_space<semaphore_mem>>)
      %dma_wait3A = arith.constant 0 : i32
      %dma_wait3A_82 = tpu.memref_slice %arg10[%add3A_10, %dma_wait3A] : memref<10000x128xf32, #tpu.memory_space<vmem_shared>> -> memref<40x128xf32, #tpu.memory_space<vmem_shared>>
      %dma_wait3A_83 = arith.constant 0 : i32
      %dma_wait3A_84 = tpu.memref_slice %arg10[%add3A_10, %dma_wait3A_83] : memref<10000x128xf32, #tpu.memory_space<vmem_shared>> -> memref<40x128xf32, #tpu.memory_space<vmem_shared>>
      tpu.wait_dma2 semaphore(%run_scoped3A_77 : memref<!tpu.dma_semaphore, #tpu.memory_space<semaphore_mem>>) src(%arg9 : memref<40x128xf32, #tpu.memory_space<vmem>>) dst(%dma_wait3A_84 : memref<40x128xf32, #tpu.memory_space<vmem_shared>>)
      tpu.yield
    }) : () -> ()
    %add3A_11 = arith.constant 80 : i32
    %add3A_12 = arith.addi %mul3A_6, %add3A_11 : i32
    "tpu.region"() ({
      %run_scoped3A_77 = tpu.sem_alloc : memref<!tpu.dma_semaphore, #tpu.memory_space<semaphore_mem>>
      %dma_start3A_78 = arith.constant 0 : i32
      %dma_start3A_79 = tpu.memref_slice %arg10[%add3A_12, %dma_start3A_78] : memref<10000x128xf32, #tpu.memory_space<vmem_shared>> -> memref<40x128xf32, #tpu.memory_space<vmem_shared>>
      %dma_start3A_80 = arith.constant 0 : i32
      %dma_start3A_81 = tpu.memref_slice %arg10[%add3A_12, %dma_start3A_80] : memref<10000x128xf32, #tpu.memory_space<vmem_shared>> -> memref<40x128xf32, #tpu.memory_space<vmem_shared>>
      tpu.enqueue_dma source(%arg9 : memref<40x128xf32, #tpu.memory_space<vmem>>) target(%dma_start3A_81 : memref<40x128xf32, #tpu.memory_space<vmem_shared>>) target_semaphore(%run_scoped3A_77 : memref<!tpu.dma_semaphore, #tpu.memory_space<semaphore_mem>>)
      %dma_wait3A = arith.constant 0 : i32
      %dma_wait3A_82 = tpu.memref_slice %arg10[%add3A_12, %dma_wait3A] : memref<10000x128xf32, #tpu.memory_space<vmem_shared>> -> memref<40x128xf32, #tpu.memory_space<vmem_shared>>
      %dma_wait3A_83 = arith.constant 0 : i32
      %dma_wait3A_84 = tpu.memref_slice %arg10[%add3A_12, %dma_wait3A_83] : memref<10000x128xf32, #tpu.memory_space<vmem_shared>> -> memref<40x128xf32, #tpu.memory_space<vmem_shared>>
      tpu.wait_dma2 semaphore(%run_scoped3A_77 : memref<!tpu.dma_semaphore, #tpu.memory_space<semaphore_mem>>) src(%arg9 : memref<40x128xf32, #tpu.memory_space<vmem>>) dst(%dma_wait3A_84 : memref<40x128xf32, #tpu.memory_space<vmem_shared>>)
      tpu.yield
    }) : () -> ()
    %add3A_13 = arith.constant 120 : i32
    %add3A_14 = arith.addi %mul3A_6, %add3A_13 : i32
    "tpu.region"() ({
      %run_scoped3A_77 = tpu.sem_alloc : memref<!tpu.dma_semaphore, #tpu.memory_space<semaphore_mem>>
      %dma_start3A_78 = arith.constant 0 : i32
      %dma_start3A_79 = tpu.memref_slice %arg10[%add3A_14, %dma_start3A_78] : memref<10000x128xf32, #tpu.memory_space<vmem_shared>> -> memref<40x128xf32, #tpu.memory_space<vmem_shared>>
      %dma_start3A_80 = arith.constant 0 : i32
      %dma_start3A_81 = tpu.memref_slice %arg10[%add3A_14, %dma_start3A_80] : memref<10000x128xf32, #tpu.memory_space<vmem_shared>> -> memref<40x128xf32, #tpu.memory_space<vmem_shared>>
      tpu.enqueue_dma source(%arg9 : memref<40x128xf32, #tpu.memory_space<vmem>>) target(%dma_start3A_81 : memref<40x128xf32, #tpu.memory_space<vmem_shared>>) target_semaphore(%run_scoped3A_77 : memref<!tpu.dma_semaphore, #tpu.memory_space<semaphore_mem>>)
      %dma_wait3A = arith.constant 0 : i32
      %dma_wait3A_82 = tpu.memref_slice %arg10[%add3A_14, %dma_wait3A] : memref<10000x128xf32, #tpu.memory_space<vmem_shared>> -> memref<40x128xf32, #tpu.memory_space<vmem_shared>>
      %dma_wait3A_83 = arith.constant 0 : i32
      %dma_wait3A_84 = tpu.memref_slice %arg10[%add3A_14, %dma_wait3A_83] : memref<10000x128xf32, #tpu.memory_space<vmem_shared>> -> memref<40x128xf32, #tpu.memory_space<vmem_shared>>
      tpu.wait_dma2 semaphore(%run_scoped3A_77 : memref<!tpu.dma_semaphore, #tpu.memory_space<semaphore_mem>>) src(%arg9 : memref<40x128xf32, #tpu.memory_space<vmem>>) dst(%dma_wait3A_84 : memref<40x128xf32, #tpu.memory_space<vmem_shared>>)
      tpu.yield
    }) : () -> ()
    %add3A_15 = arith.constant 160 : i32
    %add3A_16 = arith.addi %mul3A_6, %add3A_15 : i32
    "tpu.region"() ({
      %run_scoped3A_77 = tpu.sem_alloc : memref<!tpu.dma_semaphore, #tpu.memory_space<semaphore_mem>>
      %dma_start3A_78 = arith.constant 0 : i32
      %dma_start3A_79 = tpu.memref_slice %arg10[%add3A_16, %dma_start3A_78] : memref<10000x128xf32, #tpu.memory_space<vmem_shared>> -> memref<40x128xf32, #tpu.memory_space<vmem_shared>>
      %dma_start3A_80 = arith.constant 0 : i32
      %dma_start3A_81 = tpu.memref_slice %arg10[%add3A_16, %dma_start3A_80] : memref<10000x128xf32, #tpu.memory_space<vmem_shared>> -> memref<40x128xf32, #tpu.memory_space<vmem_shared>>
      tpu.enqueue_dma source(%arg9 : memref<40x128xf32, #tpu.memory_space<vmem>>) target(%dma_start3A_81 : memref<40x128xf32, #tpu.memory_space<vmem_shared>>) target_semaphore(%run_scoped3A_77 : memref<!tpu.dma_semaphore, #tpu.memory_space<semaphore_mem>>)
      %dma_wait3A = arith.constant 0 : i32
      %dma_wait3A_82 = tpu.memref_slice %arg10[%add3A_16, %dma_wait3A] : memref<10000x128xf32, #tpu.memory_space<vmem_shared>> -> memref<40x128xf32, #tpu.memory_space<vmem_shared>>
      %dma_wait3A_83 = arith.constant 0 : i32
      %dma_wait3A_84 = tpu.memref_slice %arg10[%add3A_16, %dma_wait3A_83] : memref<10000x128xf32, #tpu.memory_space<vmem_shared>> -> memref<40x128xf32, #tpu.memory_space<vmem_shared>>
      tpu.wait_dma2 semaphore(%run_scoped3A_77 : memref<!tpu.dma_semaphore, #tpu.memory_space<semaphore_mem>>) src(%arg9 : memref<40x128xf32, #tpu.memory_space<vmem>>) dst(%dma_wait3A_84 : memref<40x128xf32, #tpu.memory_space<vmem_shared>>)
      tpu.yield
    }) : () -> ()
    %add3A_17 = arith.constant 200 : i32
    %add3A_18 = arith.addi %mul3A_6, %add3A_17 : i32
    "tpu.region"() ({
      %run_scoped3A_77 = tpu.sem_alloc : memref<!tpu.dma_semaphore, #tpu.memory_space<semaphore_mem>>
      %dma_start3A_78 = arith.constant 0 : i32
      %dma_start3A_79 = tpu.memref_slice %arg10[%add3A_18, %dma_start3A_78] : memref<10000x128xf32, #tpu.memory_space<vmem_shared>> -> memref<40x128xf32, #tpu.memory_space<vmem_shared>>
      %dma_start3A_80 = arith.constant 0 : i32
      %dma_start3A_81 = tpu.memref_slice %arg10[%add3A_18, %dma_start3A_80] : memref<10000x128xf32, #tpu.memory_space<vmem_shared>> -> memref<40x128xf32, #tpu.memory_space<vmem_shared>>
      tpu.enqueue_dma source(%arg9 : memref<40x128xf32, #tpu.memory_space<vmem>>) target(%dma_start3A_81 : memref<40x128xf32, #tpu.memory_space<vmem_shared>>) target_semaphore(%run_scoped3A_77 : memref<!tpu.dma_semaphore, #tpu.memory_space<semaphore_mem>>)
      %dma_wait3A = arith.constant 0 : i32
      %dma_wait3A_82 = tpu.memref_slice %arg10[%add3A_18, %dma_wait3A] : memref<10000x128xf32, #tpu.memory_space<vmem_shared>> -> memref<40x128xf32, #tpu.memory_space<vmem_shared>>
      %dma_wait3A_83 = arith.constant 0 : i32
      %dma_wait3A_84 = tpu.memref_slice %arg10[%add3A_18, %dma_wait3A_83] : memref<10000x128xf32, #tpu.memory_space<vmem_shared>> -> memref<40x128xf32, #tpu.memory_space<vmem_shared>>
      tpu.wait_dma2 semaphore(%run_scoped3A_77 : memref<!tpu.dma_semaphore, #tpu.memory_space<semaphore_mem>>) src(%arg9 : memref<40x128xf32, #tpu.memory_space<vmem>>) dst(%dma_wait3A_84 : memref<40x128xf32, #tpu.memory_space<vmem_shared>>)
      tpu.yield
    }) : () -> ()
    %add3A_19 = arith.constant 240 : i32
    %add3A_20 = arith.addi %mul3A_6, %add3A_19 : i32
    "tpu.region"() ({
      %run_scoped3A_77 = tpu.sem_alloc : memref<!tpu.dma_semaphore, #tpu.memory_space<semaphore_mem>>
      %dma_start3A_78 = arith.constant 0 : i32
      %dma_start3A_79 = tpu.memref_slice %arg10[%add3A_20, %dma_start3A_78] : memref<10000x128xf32, #tpu.memory_space<vmem_shared>> -> memref<40x128xf32, #tpu.memory_space<vmem_shared>>
      %dma_start3A_80 = arith.constant 0 : i32
      %dma_start3A_81 = tpu.memref_slice %arg10[%add3A_20, %dma_start3A_80] : memref<10000x128xf32, #tpu.memory_space<vmem_shared>> -> memref<40x128xf32, #tpu.memory_space<vmem_shared>>
      tpu.enqueue_dma source(%arg9 : memref<40x128xf32, #tpu.memory_space<vmem>>) target(%dma_start3A_81 : memref<40x128xf32, #tpu.memory_space<vmem_shared>>) target_semaphore(%run_scoped3A_77 : memref<!tpu.dma_semaphore, #tpu.memory_space<semaphore_mem>>)
      %dma_wait3A = arith.constant 0 : i32
      %dma_wait3A_82 = tpu.memref_slice %arg10[%add3A_20, %dma_wait3A] : memref<10000x128xf32, #tpu.memory_space<vmem_shared>> -> memref<40x128xf32, #tpu.memory_space<vmem_shared>>
      %dma_wait3A_83 = arith.constant 0 : i32
      %dma_wait3A_84 = tpu.memref_slice %arg10[%add3A_20, %dma_wait3A_83] : memref<10000x128xf32, #tpu.memory_space<vmem_shared>> -> memref<40x128xf32, #tpu.memory_space<vmem_shared>>
      tpu.wait_dma2 semaphore(%run_scoped3A_77 : memref<!tpu.dma_semaphore, #tpu.memory_space<semaphore_mem>>) src(%arg9 : memref<40x128xf32, #tpu.memory_space<vmem>>) dst(%dma_wait3A_84 : memref<40x128xf32, #tpu.memory_space<vmem_shared>>)
      tpu.yield
    }) : () -> ()
    %add3A_21 = arith.constant 280 : i32
    %add3A_22 = arith.addi %mul3A_6, %add3A_21 : i32
    "tpu.region"() ({
      %run_scoped3A_77 = tpu.sem_alloc : memref<!tpu.dma_semaphore, #tpu.memory_space<semaphore_mem>>
      %dma_start3A_78 = arith.constant 0 : i32
      %dma_start3A_79 = tpu.memref_slice %arg10[%add3A_22, %dma_start3A_78] : memref<10000x128xf32, #tpu.memory_space<vmem_shared>> -> memref<40x128xf32, #tpu.memory_space<vmem_shared>>
      %dma_start3A_80 = arith.constant 0 : i32
      %dma_start3A_81 = tpu.memref_slice %arg10[%add3A_22, %dma_start3A_80] : memref<10000x128xf32, #tpu.memory_space<vmem_shared>> -> memref<40x128xf32, #tpu.memory_space<vmem_shared>>
      tpu.enqueue_dma source(%arg9 : memref<40x128xf32, #tpu.memory_space<vmem>>) target(%dma_start3A_81 : memref<40x128xf32, #tpu.memory_space<vmem_shared>>) target_semaphore(%run_scoped3A_77 : memref<!tpu.dma_semaphore, #tpu.memory_space<semaphore_mem>>)
      %dma_wait3A = arith.constant 0 : i32
      %dma_wait3A_82 = tpu.memref_slice %arg10[%add3A_22, %dma_wait3A] : memref<10000x128xf32, #tpu.memory_space<vmem_shared>> -> memref<40x128xf32, #tpu.memory_space<vmem_shared>>
      %dma_wait3A_83 = arith.constant 0 : i32
      %dma_wait3A_84 = tpu.memref_slice %arg10[%add3A_22, %dma_wait3A_83] : memref<10000x128xf32, #tpu.memory_space<vmem_shared>> -> memref<40x128xf32, #tpu.memory_space<vmem_shared>>
      tpu.wait_dma2 semaphore(%run_scoped3A_77 : memref<!tpu.dma_semaphore, #tpu.memory_space<semaphore_mem>>) src(%arg9 : memref<40x128xf32, #tpu.memory_space<vmem>>) dst(%dma_wait3A_84 : memref<40x128xf32, #tpu.memory_space<vmem_shared>>)
      tpu.yield
    }) : () -> ()
    %add3A_23 = arith.constant 320 : i32
    %add3A_24 = arith.addi %mul3A_6, %add3A_23 : i32
    "tpu.region"() ({
      %run_scoped3A_77 = tpu.sem_alloc : memref<!tpu.dma_semaphore, #tpu.memory_space<semaphore_mem>>
      %dma_start3A_78 = arith.constant 0 : i32
      %dma_start3A_79 = tpu.memref_slice %arg10[%add3A_24, %dma_start3A_78] : memref<10000x128xf32, #tpu.memory_space<vmem_shared>> -> memref<40x128xf32, #tpu.memory_space<vmem_shared>>
      %dma_start3A_80 = arith.constant 0 : i32
      %dma_start3A_81 = tpu.memref_slice %arg10[%add3A_24, %dma_start3A_80] : memref<10000x128xf32, #tpu.memory_space<vmem_shared>> -> memref<40x128xf32, #tpu.memory_space<vmem_shared>>
      tpu.enqueue_dma source(%arg9 : memref<40x128xf32, #tpu.memory_space<vmem>>) target(%dma_start3A_81 : memref<40x128xf32, #tpu.memory_space<vmem_shared>>) target_semaphore(%run_scoped3A_77 : memref<!tpu.dma_semaphore, #tpu.memory_space<semaphore_mem>>)
      %dma_wait3A = arith.constant 0 : i32
      %dma_wait3A_82 = tpu.memref_slice %arg10[%add3A_24, %dma_wait3A] : memref<10000x128xf32, #tpu.memory_space<vmem_shared>> -> memref<40x128xf32, #tpu.memory_space<vmem_shared>>
      %dma_wait3A_83 = arith.constant 0 : i32
      %dma_wait3A_84 = tpu.memref_slice %arg10[%add3A_24, %dma_wait3A_83] : memref<10000x128xf32, #tpu.memory_space<vmem_shared>> -> memref<40x128xf32, #tpu.memory_space<vmem_shared>>
      tpu.wait_dma2 semaphore(%run_scoped3A_77 : memref<!tpu.dma_semaphore, #tpu.memory_space<semaphore_mem>>) src(%arg9 : memref<40x128xf32, #tpu.memory_space<vmem>>) dst(%dma_wait3A_84 : memref<40x128xf32, #tpu.memory_space<vmem_shared>>)
      tpu.yield
    }) : () -> ()
    %add3A_25 = arith.constant 360 : i32
    %add3A_26 = arith.addi %mul3A_6, %add3A_25 : i32
    "tpu.region"() ({
      %run_scoped3A_77 = tpu.sem_alloc : memref<!tpu.dma_semaphore, #tpu.memory_space<semaphore_mem>>
      %dma_start3A_78 = arith.constant 0 : i32
      %dma_start3A_79 = tpu.memref_slice %arg10[%add3A_26, %dma_start3A_78] : memref<10000x128xf32, #tpu.memory_space<vmem_shared>> -> memref<40x128xf32, #tpu.memory_space<vmem_shared>>
      %dma_start3A_80 = arith.constant 0 : i32
      %dma_start3A_81 = tpu.memref_slice %arg10[%add3A_26, %dma_start3A_80] : memref<10000x128xf32, #tpu.memory_space<vmem_shared>> -> memref<40x128xf32, #tpu.memory_space<vmem_shared>>
      tpu.enqueue_dma source(%arg9 : memref<40x128xf32, #tpu.memory_space<vmem>>) target(%dma_start3A_81 : memref<40x128xf32, #tpu.memory_space<vmem_shared>>) target_semaphore(%run_scoped3A_77 : memref<!tpu.dma_semaphore, #tpu.memory_space<semaphore_mem>>)
      %dma_wait3A = arith.constant 0 : i32
      %dma_wait3A_82 = tpu.memref_slice %arg10[%add3A_26, %dma_wait3A] : memref<10000x128xf32, #tpu.memory_space<vmem_shared>> -> memref<40x128xf32, #tpu.memory_space<vmem_shared>>
      %dma_wait3A_83 = arith.constant 0 : i32
      %dma_wait3A_84 = tpu.memref_slice %arg10[%add3A_26, %dma_wait3A_83] : memref<10000x128xf32, #tpu.memory_space<vmem_shared>> -> memref<40x128xf32, #tpu.memory_space<vmem_shared>>
      tpu.wait_dma2 semaphore(%run_scoped3A_77 : memref<!tpu.dma_semaphore, #tpu.memory_space<semaphore_mem>>) src(%arg9 : memref<40x128xf32, #tpu.memory_space<vmem>>) dst(%dma_wait3A_84 : memref<40x128xf32, #tpu.memory_space<vmem_shared>>)
      tpu.yield
    }) : () -> ()
    %add3A_27 = arith.constant 400 : i32
    %add3A_28 = arith.addi %mul3A_6, %add3A_27 : i32
    "tpu.region"() ({
      %run_scoped3A_77 = tpu.sem_alloc : memref<!tpu.dma_semaphore, #tpu.memory_space<semaphore_mem>>
      %dma_start3A_78 = arith.constant 0 : i32
      %dma_start3A_79 = tpu.memref_slice %arg10[%add3A_28, %dma_start3A_78] : memref<10000x128xf32, #tpu.memory_space<vmem_shared>> -> memref<40x128xf32, #tpu.memory_space<vmem_shared>>
      %dma_start3A_80 = arith.constant 0 : i32
      %dma_start3A_81 = tpu.memref_slice %arg10[%add3A_28, %dma_start3A_80] : memref<10000x128xf32, #tpu.memory_space<vmem_shared>> -> memref<40x128xf32, #tpu.memory_space<vmem_shared>>
      tpu.enqueue_dma source(%arg9 : memref<40x128xf32, #tpu.memory_space<vmem>>) target(%dma_start3A_81 : memref<40x128xf32, #tpu.memory_space<vmem_shared>>) target_semaphore(%run_scoped3A_77 : memref<!tpu.dma_semaphore, #tpu.memory_space<semaphore_mem>>)
      %dma_wait3A = arith.constant 0 : i32
      %dma_wait3A_82 = tpu.memref_slice %arg10[%add3A_28, %dma_wait3A] : memref<10000x128xf32, #tpu.memory_space<vmem_shared>> -> memref<40x128xf32, #tpu.memory_space<vmem_shared>>
      %dma_wait3A_83 = arith.constant 0 : i32
      %dma_wait3A_84 = tpu.memref_slice %arg10[%add3A_28, %dma_wait3A_83] : memref<10000x128xf32, #tpu.memory_space<vmem_shared>> -> memref<40x128xf32, #tpu.memory_space<vmem_shared>>
      tpu.wait_dma2 semaphore(%run_scoped3A_77 : memref<!tpu.dma_semaphore, #tpu.memory_space<semaphore_mem>>) src(%arg9 : memref<40x128xf32, #tpu.memory_space<vmem>>) dst(%dma_wait3A_84 : memref<40x128xf32, #tpu.memory_space<vmem_shared>>)
      tpu.yield
    }) : () -> ()
    %add3A_29 = arith.constant 440 : i32
    %add3A_30 = arith.addi %mul3A_6, %add3A_29 : i32
    "tpu.region"() ({
      %run_scoped3A_77 = tpu.sem_alloc : memref<!tpu.dma_semaphore, #tpu.memory_space<semaphore_mem>>
      %dma_start3A_78 = arith.constant 0 : i32
      %dma_start3A_79 = tpu.memref_slice %arg10[%add3A_30, %dma_start3A_78] : memref<10000x128xf32, #tpu.memory_space<vmem_shared>> -> memref<40x128xf32, #tpu.memory_space<vmem_shared>>
      %dma_start3A_80 = arith.constant 0 : i32
      %dma_start3A_81 = tpu.memref_slice %arg10[%add3A_30, %dma_start3A_80] : memref<10000x128xf32, #tpu.memory_space<vmem_shared>> -> memref<40x128xf32, #tpu.memory_space<vmem_shared>>
      tpu.enqueue_dma source(%arg9 : memref<40x128xf32, #tpu.memory_space<vmem>>) target(%dma_start3A_81 : memref<40x128xf32, #tpu.memory_space<vmem_shared>>) target_semaphore(%run_scoped3A_77 : memref<!tpu.dma_semaphore, #tpu.memory_space<semaphore_mem>>)
      %dma_wait3A = arith.constant 0 : i32
      %dma_wait3A_82 = tpu.memref_slice %arg10[%add3A_30, %dma_wait3A] : memref<10000x128xf32, #tpu.memory_space<vmem_shared>> -> memref<40x128xf32, #tpu.memory_space<vmem_shared>>
      %dma_wait3A_83 = arith.constant 0 : i32
      %dma_wait3A_84 = tpu.memref_slice %arg10[%add3A_30, %dma_wait3A_83] : memref<10000x128xf32, #tpu.memory_space<vmem_shared>> -> memref<40x128xf32, #tpu.memory_space<vmem_shared>>
      tpu.wait_dma2 semaphore(%run_scoped3A_77 : memref<!tpu.dma_semaphore, #tpu.memory_space<semaphore_mem>>) src(%arg9 : memref<40x128xf32, #tpu.memory_space<vmem>>) dst(%dma_wait3A_84 : memref<40x128xf32, #tpu.memory_space<vmem_shared>>)
      tpu.yield
    }) : () -> ()
    %add3A_31 = arith.constant 480 : i32
    %add3A_32 = arith.addi %mul3A_6, %add3A_31 : i32
    "tpu.region"() ({
      %run_scoped3A_77 = tpu.sem_alloc : memref<!tpu.dma_semaphore, #tpu.memory_space<semaphore_mem>>
      %dma_start3A_78 = arith.constant 0 : i32
      %dma_start3A_79 = tpu.memref_slice %arg10[%add3A_32, %dma_start3A_78] : memref<10000x128xf32, #tpu.memory_space<vmem_shared>> -> memref<40x128xf32, #tpu.memory_space<vmem_shared>>
      %dma_start3A_80 = arith.constant 0 : i32
      %dma_start3A_81 = tpu.memref_slice %arg10[%add3A_32, %dma_start3A_80] : memref<10000x128xf32, #tpu.memory_space<vmem_shared>> -> memref<40x128xf32, #tpu.memory_space<vmem_shared>>
      tpu.enqueue_dma source(%arg9 : memref<40x128xf32, #tpu.memory_space<vmem>>) target(%dma_start3A_81 : memref<40x128xf32, #tpu.memory_space<vmem_shared>>) target_semaphore(%run_scoped3A_77 : memref<!tpu.dma_semaphore, #tpu.memory_space<semaphore_mem>>)
      %dma_wait3A = arith.constant 0 : i32
      %dma_wait3A_82 = tpu.memref_slice %arg10[%add3A_32, %dma_wait3A] : memref<10000x128xf32, #tpu.memory_space<vmem_shared>> -> memref<40x128xf32, #tpu.memory_space<vmem_shared>>
      %dma_wait3A_83 = arith.constant 0 : i32
      %dma_wait3A_84 = tpu.memref_slice %arg10[%add3A_32, %dma_wait3A_83] : memref<10000x128xf32, #tpu.memory_space<vmem_shared>> -> memref<40x128xf32, #tpu.memory_space<vmem_shared>>
      tpu.wait_dma2 semaphore(%run_scoped3A_77 : memref<!tpu.dma_semaphore, #tpu.memory_space<semaphore_mem>>) src(%arg9 : memref<40x128xf32, #tpu.memory_space<vmem>>) dst(%dma_wait3A_84 : memref<40x128xf32, #tpu.memory_space<vmem_shared>>)
      tpu.yield
    }) : () -> ()
    %add3A_33 = arith.constant 520 : i32
    %add3A_34 = arith.addi %mul3A_6, %add3A_33 : i32
    "tpu.region"() ({
      %run_scoped3A_77 = tpu.sem_alloc : memref<!tpu.dma_semaphore, #tpu.memory_space<semaphore_mem>>
      %dma_start3A_78 = arith.constant 0 : i32
      %dma_start3A_79 = tpu.memref_slice %arg10[%add3A_34, %dma_start3A_78] : memref<10000x128xf32, #tpu.memory_space<vmem_shared>> -> memref<40x128xf32, #tpu.memory_space<vmem_shared>>
      %dma_start3A_80 = arith.constant 0 : i32
      %dma_start3A_81 = tpu.memref_slice %arg10[%add3A_34, %dma_start3A_80] : memref<10000x128xf32, #tpu.memory_space<vmem_shared>> -> memref<40x128xf32, #tpu.memory_space<vmem_shared>>
      tpu.enqueue_dma source(%arg9 : memref<40x128xf32, #tpu.memory_space<vmem>>) target(%dma_start3A_81 : memref<40x128xf32, #tpu.memory_space<vmem_shared>>) target_semaphore(%run_scoped3A_77 : memref<!tpu.dma_semaphore, #tpu.memory_space<semaphore_mem>>)
      %dma_wait3A = arith.constant 0 : i32
      %dma_wait3A_82 = tpu.memref_slice %arg10[%add3A_34, %dma_wait3A] : memref<10000x128xf32, #tpu.memory_space<vmem_shared>> -> memref<40x128xf32, #tpu.memory_space<vmem_shared>>
      %dma_wait3A_83 = arith.constant 0 : i32
      %dma_wait3A_84 = tpu.memref_slice %arg10[%add3A_34, %dma_wait3A_83] : memref<10000x128xf32, #tpu.memory_space<vmem_shared>> -> memref<40x128xf32, #tpu.memory_space<vmem_shared>>
      tpu.wait_dma2 semaphore(%run_scoped3A_77 : memref<!tpu.dma_semaphore, #tpu.memory_space<semaphore_mem>>) src(%arg9 : memref<40x128xf32, #tpu.memory_space<vmem>>) dst(%dma_wait3A_84 : memref<40x128xf32, #tpu.memory_space<vmem_shared>>)
      tpu.yield
    }) : () -> ()
    %add3A_35 = arith.constant 560 : i32
    %add3A_36 = arith.addi %mul3A_6, %add3A_35 : i32
    "tpu.region"() ({
      %run_scoped3A_77 = tpu.sem_alloc : memref<!tpu.dma_semaphore, #tpu.memory_space<semaphore_mem>>
      %dma_start3A_78 = arith.constant 0 : i32
      %dma_start3A_79 = tpu.memref_slice %arg10[%add3A_36, %dma_start3A_78] : memref<10000x128xf32, #tpu.memory_space<vmem_shared>> -> memref<40x128xf32, #tpu.memory_space<vmem_shared>>
      %dma_start3A_80 = arith.constant 0 : i32
      %dma_start3A_81 = tpu.memref_slice %arg10[%add3A_36, %dma_start3A_80] : memref<10000x128xf32, #tpu.memory_space<vmem_shared>> -> memref<40x128xf32, #tpu.memory_space<vmem_shared>>
      tpu.enqueue_dma source(%arg9 : memref<40x128xf32, #tpu.memory_space<vmem>>) target(%dma_start3A_81 : memref<40x128xf32, #tpu.memory_space<vmem_shared>>) target_semaphore(%run_scoped3A_77 : memref<!tpu.dma_semaphore, #tpu.memory_space<semaphore_mem>>)
      %dma_wait3A = arith.constant 0 : i32
      %dma_wait3A_82 = tpu.memref_slice %arg10[%add3A_36, %dma_wait3A] : memref<10000x128xf32, #tpu.memory_space<vmem_shared>> -> memref<40x128xf32, #tpu.memory_space<vmem_shared>>
      %dma_wait3A_83 = arith.constant 0 : i32
      %dma_wait3A_84 = tpu.memref_slice %arg10[%add3A_36, %dma_wait3A_83] : memref<10000x128xf32, #tpu.memory_space<vmem_shared>> -> memref<40x128xf32, #tpu.memory_space<vmem_shared>>
      tpu.wait_dma2 semaphore(%run_scoped3A_77 : memref<!tpu.dma_semaphore, #tpu.memory_space<semaphore_mem>>) src(%arg9 : memref<40x128xf32, #tpu.memory_space<vmem>>) dst(%dma_wait3A_84 : memref<40x128xf32, #tpu.memory_space<vmem_shared>>)
      tpu.yield
    }) : () -> ()
    %add3A_37 = arith.constant 600 : i32
    %add3A_38 = arith.addi %mul3A_6, %add3A_37 : i32
    "tpu.region"() ({
      %run_scoped3A_77 = tpu.sem_alloc : memref<!tpu.dma_semaphore, #tpu.memory_space<semaphore_mem>>
      %dma_start3A_78 = arith.constant 0 : i32
      %dma_start3A_79 = tpu.memref_slice %arg10[%add3A_38, %dma_start3A_78] : memref<10000x128xf32, #tpu.memory_space<vmem_shared>> -> memref<40x128xf32, #tpu.memory_space<vmem_shared>>
      %dma_start3A_80 = arith.constant 0 : i32
      %dma_start3A_81 = tpu.memref_slice %arg10[%add3A_38, %dma_start3A_80] : memref<10000x128xf32, #tpu.memory_space<vmem_shared>> -> memref<40x128xf32, #tpu.memory_space<vmem_shared>>
      tpu.enqueue_dma source(%arg9 : memref<40x128xf32, #tpu.memory_space<vmem>>) target(%dma_start3A_81 : memref<40x128xf32, #tpu.memory_space<vmem_shared>>) target_semaphore(%run_scoped3A_77 : memref<!tpu.dma_semaphore, #tpu.memory_space<semaphore_mem>>)
      %dma_wait3A = arith.constant 0 : i32
      %dma_wait3A_82 = tpu.memref_slice %arg10[%add3A_38, %dma_wait3A] : memref<10000x128xf32, #tpu.memory_space<vmem_shared>> -> memref<40x128xf32, #tpu.memory_space<vmem_shared>>
      %dma_wait3A_83 = arith.constant 0 : i32
      %dma_wait3A_84 = tpu.memref_slice %arg10[%add3A_38, %dma_wait3A_83] : memref<10000x128xf32, #tpu.memory_space<vmem_shared>> -> memref<40x128xf32, #tpu.memory_space<vmem_shared>>
      tpu.wait_dma2 semaphore(%run_scoped3A_77 : memref<!tpu.dma_semaphore, #tpu.memory_space<semaphore_mem>>) src(%arg9 : memref<40x128xf32, #tpu.memory_space<vmem>>) dst(%dma_wait3A_84 : memref<40x128xf32, #tpu.memory_space<vmem_shared>>)
      tpu.yield
    }) : () -> ()
    %barrier3A = arith.constant 0 : index
    tpu.barrier barrier_id(%barrier3A)
    %run_scoped3A = arith.constant 0 : i32
    "tpu.region"() ({
      %run_scoped3A_77 = tpu.sem_alloc : memref<!tpu.dma_semaphore, #tpu.memory_space<semaphore_mem>>
      %dma_start3A_78 = arith.constant 0 : i32
      %dma_start3A_79 = arith.constant 0 : i32
      %dma_start3A_80 = arith.constant 0 : i32
      %dma_start3A_81 = tpu.memref_slice %arg4[%dma_start3A_78, %add3A, %run_scoped3A, %dma_start3A_79, %dma_start3A_80] : memref<2x32x5x50x40xi32, #tpu.memory_space<hbm>> -> memref<2x1x1x50x40xi32, #tpu.memory_space<hbm>>
      %dma_start3A_82 = tpu.memref_squeeze %dma_start3A_81 : memref<2x1x1x50x40xi32, #tpu.memory_space<hbm>> -> memref<2x50x40xi32, #tpu.memory_space<hbm>>
      %dma_start3A_83 = arith.constant 0 : i32
      %dma_start3A_84 = arith.constant 0 : i32
      %dma_start3A_85 = arith.constant 0 : i32
      %dma_start3A_86 = tpu.memref_slice %arg4[%dma_start3A_83, %add3A, %run_scoped3A, %dma_start3A_84, %dma_start3A_85] : memref<2x32x5x50x40xi32, #tpu.memory_space<hbm>> -> memref<2x1x1x50x40xi32, #tpu.memory_space<hbm>>
      %dma_start3A_87 = tpu.memref_squeeze %dma_start3A_86 : memref<2x1x1x50x40xi32, #tpu.memory_space<hbm>> -> memref<2x50x40xi32, #tpu.memory_space<hbm>>
      tpu.enqueue_dma source(%dma_start3A_87 : memref<2x50x40xi32, #tpu.memory_space<hbm>>) target(%arg6 : memref<2x50x40xi32, #tpu.memory_space<vmem>>) target_semaphore(%run_scoped3A_77 : memref<!tpu.dma_semaphore, #tpu.memory_space<semaphore_mem>>)
      %dma_wait3A = arith.constant 0 : i32
      %dma_wait3A_88 = arith.constant 0 : i32
      %dma_wait3A_89 = arith.constant 0 : i32
      %dma_wait3A_90 = tpu.memref_slice %arg4[%dma_wait3A, %add3A, %run_scoped3A, %dma_wait3A_88, %dma_wait3A_89] : memref<2x32x5x50x40xi32, #tpu.memory_space<hbm>> -> memref<2x1x1x50x40xi32, #tpu.memory_space<hbm>>
      %dma_wait3A_91 = tpu.memref_squeeze %dma_wait3A_90 : memref<2x1x1x50x40xi32, #tpu.memory_space<hbm>> -> memref<2x50x40xi32, #tpu.memory_space<hbm>>
      %dma_wait3A_92 = arith.constant 0 : i32
      %dma_wait3A_93 = arith.constant 0 : i32
      %dma_wait3A_94 = arith.constant 0 : i32
      %dma_wait3A_95 = tpu.memref_slice %arg4[%dma_wait3A_92, %add3A, %run_scoped3A, %dma_wait3A_93, %dma_wait3A_94] : memref<2x32x5x50x40xi32, #tpu.memory_space<hbm>> -> memref<2x1x1x50x40xi32, #tpu.memory_space<hbm>>
      %dma_wait3A_96 = tpu.memref_squeeze %dma_wait3A_95 : memref<2x1x1x50x40xi32, #tpu.memory_space<hbm>> -> memref<2x50x40xi32, #tpu.memory_space<hbm>>
      tpu.wait_dma2 semaphore(%run_scoped3A_77 : memref<!tpu.dma_semaphore, #tpu.memory_space<semaphore_mem>>) src(%dma_wait3A_96 : memref<2x50x40xi32, #tpu.memory_space<hbm>>) dst(%arg6 : memref<2x50x40xi32, #tpu.memory_space<vmem>>)
      tpu.yield
    }) : () -> ()
    %rem3A = arith.constant 0 : i32
    %rem3A_39 = arith.constant 50 : i32
    %rem3A_40 = arith.remsi %rem3A, %rem3A_39 : i32
    %dma_start3A = arith.constant 1 : i32
    %dma_start3A_41 = arith.constant 0 : i32
    %dma_start3A_42 = arith.constant 0 : i32
    %dma_start3A_43 = arith.constant 0 : i32
    %dma_start3A_44 = tpu.memref_slice %arg7[%dma_start3A_41, %dma_start3A_42, %dma_start3A_43] : memref<2x40x128xf32, #tpu.memory_space<vmem>> -> memref<1x40x128xf32, #tpu.memory_space<vmem>>
    %dma_start3A_45 = tpu.memref_squeeze %dma_start3A_44 : memref<1x40x128xf32, #tpu.memory_space<vmem>> -> memref<40x128xf32, #tpu.memory_space<vmem>>
    %dma_start3A_46 = arith.constant 0 : i32
    %dma_start3A_47 = tpu.memref_slice %arg6[%dma_start3A, %rem3A_40, %dma_start3A_46] : memref<2x50x40xi32, #tpu.memory_space<vmem>> -> memref<1x1x40xi32, #tpu.memory_space<vmem>>
    %dma_start3A_48 = tpu.memref_squeeze %dma_start3A_47 : memref<1x1x40xi32, #tpu.memory_space<vmem>> -> memref<40xi32, #tpu.memory_space<vmem>>
    %dma_start3A_49 = arith.constant 0 : i32
    %dma_start3A_50 = arith.constant 0 : i32
    %dma_start3A_51 = tpu.memref_slice %arg2[%dma_start3A_49, %dma_start3A_50] : memref<10000x128xf32, #tpu.memory_space<hbm>> -> memref<10000x128xf32, #tpu.memory_space<hbm>>
    tpu.enqueue_indirect_dma source(%dma_start3A_51 : memref<10000x128xf32, #tpu.memory_space<hbm>>) target(%dma_start3A_45 : memref<40x128xf32, #tpu.memory_space<vmem>>) offsets(%dma_start3A_48 : memref<40xi32, #tpu.memory_space<vmem>>) semaphore(%arg11 : memref<!tpu.dma_semaphore, #tpu.memory_space<semaphore_mem>>)
    %dma_start3A_52 = arith.constant 0 : i32
    %dma_start3A_53 = arith.constant 0 : i32
    %dma_start3A_54 = arith.constant 0 : i32
    %dma_start3A_55 = arith.constant 0 : i32
    %dma_start3A_56 = tpu.memref_slice %arg8[%dma_start3A_53, %dma_start3A_54, %dma_start3A_55] : memref<2x40x256xf32, #tpu.memory_space<vmem>> -> memref<1x40x256xf32, #tpu.memory_space<vmem>>
    %dma_start3A_57 = tpu.memref_squeeze %dma_start3A_56 : memref<1x40x256xf32, #tpu.memory_space<vmem>> -> memref<40x256xf32, #tpu.memory_space<vmem>>
    %dma_start3A_58 = arith.constant 0 : i32
    %dma_start3A_59 = tpu.memref_slice %arg6[%dma_start3A_52, %rem3A_40, %dma_start3A_58] : memref<2x50x40xi32, #tpu.memory_space<vmem>> -> memref<1x1x40xi32, #tpu.memory_space<vmem>>
    %dma_start3A_60 = tpu.memref_squeeze %dma_start3A_59 : memref<1x1x40xi32, #tpu.memory_space<vmem>> -> memref<40xi32, #tpu.memory_space<vmem>>
    %dma_start3A_61 = arith.constant 0 : i32
    %dma_start3A_62 = arith.constant 0 : i32
    %dma_start3A_63 = tpu.memref_slice %arg3[%dma_start3A_61, %dma_start3A_62] : memref<10000x256xf32, #tpu.memory_space<hbm>> -> memref<10000x256xf32, #tpu.memory_space<hbm>>
    tpu.enqueue_indirect_dma source(%dma_start3A_63 : memref<10000x256xf32, #tpu.memory_space<hbm>>) target(%dma_start3A_57 : memref<40x256xf32, #tpu.memory_space<vmem>>) offsets(%dma_start3A_60 : memref<40xi32, #tpu.memory_space<vmem>>) semaphore(%arg13 : memref<!tpu.dma_semaphore, #tpu.memory_space<semaphore_mem>>)
    %scan3A_64 = arith.constant 0 : i32
    %scan3A_65 = arith.constant 125 : i32
    %scan3A_66 = arith.addi %scan3A_64, %scan3A_65 : i32
    %scan3A_67 = arith.constant 1 : i32
    scf.for %scan3A_77 = %scan3A_64 to %scan3A_66 step %scan3A_67  : i32 {
      %mul3A_78 = arith.constant 2 : i32
      %mul3A_79 = arith.muli %mul3A_78, %scan3A_77 : i32
      %add3A_80 = arith.constant 1 : i32
      %add3A_81 = arith.addi %mul3A_79, %add3A_80 : i32
      %add3A_82 = arith.constant 2 : i32
      %add3A_83 = arith.addi %mul3A_79, %add3A_82 : i32
      %rem3A_84 = arith.constant 50 : i32
      %rem3A_85 = arith.remsi %add3A_81, %rem3A_84 : i32
      %dma_start3A_86 = arith.constant 1 : i32
      %dma_start3A_87 = arith.constant 1 : i32
      %dma_start3A_88 = arith.constant 0 : i32
      %dma_start3A_89 = arith.constant 0 : i32
      %dma_start3A_90 = tpu.memref_slice %arg7[%dma_start3A_87, %dma_start3A_88, %dma_start3A_89] : memref<2x40x128xf32, #tpu.memory_space<vmem>> -> memref<1x40x128xf32, #tpu.memory_space<vmem>>
      %dma_start3A_91 = tpu.memref_squeeze %dma_start3A_90 : memref<1x40x128xf32, #tpu.memory_space<vmem>> -> memref<40x128xf32, #tpu.memory_space<vmem>>
      %dma_start3A_92 = arith.constant 0 : i32
      %dma_start3A_93 = tpu.memref_slice %arg6[%dma_start3A_86, %rem3A_85, %dma_start3A_92] : memref<2x50x40xi32, #tpu.memory_space<vmem>> -> memref<1x1x40xi32, #tpu.memory_space<vmem>>
      %dma_start3A_94 = tpu.memref_squeeze %dma_start3A_93 : memref<1x1x40xi32, #tpu.memory_space<vmem>> -> memref<40xi32, #tpu.memory_space<vmem>>
      %dma_start3A_95 = arith.constant 0 : i32
      %dma_start3A_96 = arith.constant 0 : i32
      %dma_start3A_97 = tpu.memref_slice %arg2[%dma_start3A_95, %dma_start3A_96] : memref<10000x128xf32, #tpu.memory_space<hbm>> -> memref<10000x128xf32, #tpu.memory_space<hbm>>
      tpu.enqueue_indirect_dma source(%dma_start3A_97 : memref<10000x128xf32, #tpu.memory_space<hbm>>) target(%dma_start3A_91 : memref<40x128xf32, #tpu.memory_space<vmem>>) offsets(%dma_start3A_94 : memref<40xi32, #tpu.memory_space<vmem>>) semaphore(%arg12 : memref<!tpu.dma_semaphore, #tpu.memory_space<semaphore_mem>>)
      %dma_start3A_98 = arith.constant 0 : i32
      %dma_start3A_99 = arith.constant 1 : i32
      %dma_start3A_100 = arith.constant 0 : i32
      %dma_start3A_101 = arith.constant 0 : i32
      %dma_start3A_102 = tpu.memref_slice %arg8[%dma_start3A_99, %dma_start3A_100, %dma_start3A_101] : memref<2x40x256xf32, #tpu.memory_space<vmem>> -> memref<1x40x256xf32, #tpu.memory_space<vmem>>
      %dma_start3A_103 = tpu.memref_squeeze %dma_start3A_102 : memref<1x40x256xf32, #tpu.memory_space<vmem>> -> memref<40x256xf32, #tpu.memory_space<vmem>>
      %dma_start3A_104 = arith.constant 0 : i32
      %dma_start3A_105 = tpu.memref_slice %arg6[%dma_start3A_98, %rem3A_85, %dma_start3A_104] : memref<2x50x40xi32, #tpu.memory_space<vmem>> -> memref<1x1x40xi32, #tpu.memory_space<vmem>>
      %dma_start3A_106 = tpu.memref_squeeze %dma_start3A_105 : memref<1x1x40xi32, #tpu.memory_space<vmem>> -> memref<40xi32, #tpu.memory_space<vmem>>
      %dma_start3A_107 = arith.constant 0 : i32
      %dma_start3A_108 = arith.constant 0 : i32
      %dma_start3A_109 = tpu.memref_slice %arg3[%dma_start3A_107, %dma_start3A_108] : memref<10000x256xf32, #tpu.memory_space<hbm>> -> memref<10000x256xf32, #tpu.memory_space<hbm>>
      tpu.enqueue_indirect_dma source(%dma_start3A_109 : memref<10000x256xf32, #tpu.memory_space<hbm>>) target(%dma_start3A_103 : memref<40x256xf32, #tpu.memory_space<vmem>>) offsets(%dma_start3A_106 : memref<40xi32, #tpu.memory_space<vmem>>) semaphore(%arg14 : memref<!tpu.dma_semaphore, #tpu.memory_space<semaphore_mem>>)
      %rem3A_110 = arith.constant 50 : i32
      %rem3A_111 = arith.remsi %mul3A_79, %rem3A_110 : i32
      %dma_wait3A = arith.constant 1 : i32
      %dma_wait3A_112 = arith.constant 0 : i32
      %dma_wait3A_113 = arith.constant 0 : i32
      %dma_wait3A_114 = arith.constant 0 : i32
      %dma_wait3A_115 = tpu.memref_slice %arg7[%dma_wait3A_112, %dma_wait3A_113, %dma_wait3A_114] : memref<2x40x128xf32, #tpu.memory_space<vmem>> -> memref<1x40x128xf32, #tpu.memory_space<vmem>>
      %dma_wait3A_116 = tpu.memref_squeeze %dma_wait3A_115 : memref<1x40x128xf32, #tpu.memory_space<vmem>> -> memref<40x128xf32, #tpu.memory_space<vmem>>
      %dma_wait3A_117 = arith.constant 0 : i32
      %dma_wait3A_118 = tpu.memref_slice %arg6[%dma_wait3A, %rem3A_111, %dma_wait3A_117] : memref<2x50x40xi32, #tpu.memory_space<vmem>> -> memref<1x1x40xi32, #tpu.memory_space<vmem>>
      %dma_wait3A_119 = tpu.memref_squeeze %dma_wait3A_118 : memref<1x1x40xi32, #tpu.memory_space<vmem>> -> memref<40xi32, #tpu.memory_space<vmem>>
      %dma_wait3A_120 = arith.constant 0 : i32
      %dma_wait3A_121 = arith.constant 0 : i32
      %dma_wait3A_122 = tpu.memref_slice %arg2[%dma_wait3A_120, %dma_wait3A_121] : memref<10000x128xf32, #tpu.memory_space<hbm>> -> memref<10000x128xf32, #tpu.memory_space<hbm>>
      tpu.wait_indirect_dma semaphore(%arg11 : memref<!tpu.dma_semaphore, #tpu.memory_space<semaphore_mem>>) src(%dma_wait3A_122 : memref<10000x128xf32, #tpu.memory_space<hbm>>) dst(%dma_wait3A_116 : memref<40x128xf32, #tpu.memory_space<vmem>>)
      %dma_wait3A_123 = arith.constant 0 : i32
      %dma_wait3A_124 = arith.constant 0 : i32
      %dma_wait3A_125 = arith.constant 0 : i32
      %dma_wait3A_126 = arith.constant 0 : i32
      %dma_wait3A_127 = tpu.memref_slice %arg8[%dma_wait3A_124, %dma_wait3A_125, %dma_wait3A_126] : memref<2x40x256xf32, #tpu.memory_space<vmem>> -> memref<1x40x256xf32, #tpu.memory_space<vmem>>
      %dma_wait3A_128 = tpu.memref_squeeze %dma_wait3A_127 : memref<1x40x256xf32, #tpu.memory_space<vmem>> -> memref<40x256xf32, #tpu.memory_space<vmem>>
      %dma_wait3A_129 = arith.constant 0 : i32
      %dma_wait3A_130 = tpu.memref_slice %arg6[%dma_wait3A_123, %rem3A_111, %dma_wait3A_129] : memref<2x50x40xi32, #tpu.memory_space<vmem>> -> memref<1x1x40xi32, #tpu.memory_space<vmem>>
      %dma_wait3A_131 = tpu.memref_squeeze %dma_wait3A_130 : memref<1x1x40xi32, #tpu.memory_space<vmem>> -> memref<40xi32, #tpu.memory_space<vmem>>
      %dma_wait3A_132 = arith.constant 0 : i32
      %dma_wait3A_133 = arith.constant 0 : i32
      %dma_wait3A_134 = tpu.memref_slice %arg3[%dma_wait3A_132, %dma_wait3A_133] : memref<10000x256xf32, #tpu.memory_space<hbm>> -> memref<10000x256xf32, #tpu.memory_space<hbm>>
      tpu.wait_indirect_dma semaphore(%arg13 : memref<!tpu.dma_semaphore, #tpu.memory_space<semaphore_mem>>) src(%dma_wait3A_134 : memref<10000x256xf32, #tpu.memory_space<hbm>>) dst(%dma_wait3A_128 : memref<40x256xf32, #tpu.memory_space<vmem>>)
      %rem3A_135 = arith.constant 50 : i32
      %rem3A_136 = arith.remsi %mul3A_79, %rem3A_135 : i32
      %parallel_loop3A = arith.constant 0 : i32
      %parallel_loop3A_137 = arith.constant 40 : i32
      %parallel_loop3A_138 = arith.constant 1 : i32
      %parallel_loop3A_139 = arith.constant 0 : i32
      %parallel_loop3A_140 = arith.constant 0 : i32
      scf.for %parallel_loop3A_188 = %parallel_loop3A to %parallel_loop3A_137 step %parallel_loop3A_138  : i32 {
        %parallel_loop3A_189 = arith.constant 0 : i32
        %parallel_loop3A_190 = arith.constant 0 : i32
        %parallel_loop3A_191 = tpu.memref_slice %arg7[%parallel_loop3A_139, %parallel_loop3A_189, %parallel_loop3A_190] : memref<2x40x128xf32, #tpu.memory_space<vmem>> -> memref<1x40x128xf32, #tpu.memory_space<vmem>>
        %parallel_loop3A_192 = tpu.memref_squeeze %parallel_loop3A_191 : memref<1x40x128xf32, #tpu.memory_space<vmem>> -> memref<40x128xf32, #tpu.memory_space<vmem>>
        %parallel_loop3A_193 = arith.index_cast %parallel_loop3A_188 : i32 to index
        %parallel_loop3A_194 = arith.constant 0 : index
        %parallel_loop3A_195 = tpu.vector_load %parallel_loop3A_192[%parallel_loop3A_193, %parallel_loop3A_194] {strides = array<i32>} : memref<40x128xf32, #tpu.memory_space<vmem>>, vector<1x16xf32>,
        %parallel_loop3A_196 = vector.shape_cast %parallel_loop3A_195 : vector<1x16xf32> to vector<16xf32>
        %parallel_loop3A_197 = arith.constant 0 : i32
        %parallel_loop3A_198 = arith.constant 0 : i32
        %parallel_loop3A_199 = tpu.memref_slice %arg8[%parallel_loop3A_140, %parallel_loop3A_197, %parallel_loop3A_198] : memref<2x40x256xf32, #tpu.memory_space<vmem>> -> memref<1x40x256xf32, #tpu.memory_space<vmem>>
        %parallel_loop3A_200 = tpu.memref_squeeze %parallel_loop3A_199 : memref<1x40x256xf32, #tpu.memory_space<vmem>> -> memref<40x256xf32, #tpu.memory_space<vmem>>
        %parallel_loop3A_201 = arith.index_cast %parallel_loop3A_188 : i32 to index
        %parallel_loop3A_202 = arith.constant 0 : index
        %parallel_loop3A_203 = tpu.vector_load %parallel_loop3A_200[%parallel_loop3A_201, %parallel_loop3A_202] {strides = array<i32>} : memref<40x256xf32, #tpu.memory_space<vmem>>, vector<1x16xf32>,
        %parallel_loop3A_204 = vector.shape_cast %parallel_loop3A_203 : vector<1x16xf32> to vector<16xf32>
        %parallel_loop3A_205 = arith.constant 0 : i32
        %parallel_loop3A_206 = arith.constant 0 : i32
        %parallel_loop3A_207 = tpu.memref_slice %arg8[%parallel_loop3A_140, %parallel_loop3A_205, %parallel_loop3A_206] : memref<2x40x256xf32, #tpu.memory_space<vmem>> -> memref<1x40x256xf32, #tpu.memory_space<vmem>>
        %parallel_loop3A_208 = tpu.memref_squeeze %parallel_loop3A_207 : memref<1x40x256xf32, #tpu.memory_space<vmem>> -> memref<40x256xf32, #tpu.memory_space<vmem>>
        %parallel_loop3A_209 = arith.index_cast %parallel_loop3A_188 : i32 to index
        %parallel_loop3A_210 = arith.constant 128 : index
        %parallel_loop3A_211 = tpu.vector_load %parallel_loop3A_208[%parallel_loop3A_209, %parallel_loop3A_210] {strides = array<i32>} : memref<40x256xf32, #tpu.memory_space<vmem>>, vector<1x16xf32>,
        %parallel_loop3A_212 = vector.shape_cast %parallel_loop3A_211 : vector<1x16xf32> to vector<16xf32>
        %parallel_loop3A_213 = arith.addf %parallel_loop3A_196, %parallel_loop3A_204 : vector<16xf32>
        %parallel_loop3A_214 = arith.constant 0.000000e+00 : f32
        %parallel_loop3A_215 = vector.broadcast %parallel_loop3A_214 : f32 to vector<16xf32>
        %parallel_loop3A_216 = arith.subf %parallel_loop3A_215, %parallel_loop3A_213 : vector<16xf32>
        %parallel_loop3A_217 = math.exp %parallel_loop3A_216 : vector<16xf32>
        %parallel_loop3A_218 = arith.constant 1.000000e+00 : f32
        %parallel_loop3A_219 = vector.broadcast %parallel_loop3A_218 : f32 to vector<16xf32>
        %parallel_loop3A_220 = arith.addf %parallel_loop3A_219, %parallel_loop3A_217 : vector<16xf32>
        %parallel_loop3A_221 = arith.divf %parallel_loop3A_212, %parallel_loop3A_220 : vector<16xf32>
        %parallel_loop3A_222 = arith.index_cast %parallel_loop3A_188 : i32 to index
        %parallel_loop3A_223 = arith.constant 0 : index
        %parallel_loop3A_224 = tpu.vector_load %arg9[%parallel_loop3A_222, %parallel_loop3A_223] {strides = array<i32>} : memref<40x128xf32, #tpu.memory_space<vmem>>, vector<1x16xf32>,
        %parallel_loop3A_225 = vector.shape_cast %parallel_loop3A_224 : vector<1x16xf32> to vector<16xf32>
        %parallel_loop3A_226 = vector.shape_cast %parallel_loop3A_221 : vector<16xf32> to vector<1x16xf32>
        tpu.vector_store %arg9[%parallel_loop3A_222, %parallel_loop3A_223], %parallel_loop3A_226 {strides = array<i32>} : memref<40x128xf32, #tpu.memory_space<vmem>>, vector<1x16xf32>,
        %parallel_loop3A_227 = arith.constant 0 : i32
        %parallel_loop3A_228 = arith.constant 0 : i32
        %parallel_loop3A_229 = tpu.memref_slice %arg7[%parallel_loop3A_139, %parallel_loop3A_227, %parallel_loop3A_228] : memref<2x40x128xf32, #tpu.memory_space<vmem>> -> memref<1x40x128xf32, #tpu.memory_space<vmem>>
        %parallel_loop3A_230 = tpu.memref_squeeze %parallel_loop3A_229 : memref<1x40x128xf32, #tpu.memory_space<vmem>> -> memref<40x128xf32, #tpu.memory_space<vmem>>
        %parallel_loop3A_231 = arith.index_cast %parallel_loop3A_188 : i32 to index
        %parallel_loop3A_232 = arith.constant 16 : index
        %parallel_loop3A_233 = tpu.vector_load %parallel_loop3A_230[%parallel_loop3A_231, %parallel_loop3A_232] {strides = array<i32>} : memref<40x128xf32, #tpu.memory_space<vmem>>, vector<1x16xf32>,
        %parallel_loop3A_234 = vector.shape_cast %parallel_loop3A_233 : vector<1x16xf32> to vector<16xf32>
        %parallel_loop3A_235 = arith.constant 0 : i32
        %parallel_loop3A_236 = arith.constant 0 : i32
        %parallel_loop3A_237 = tpu.memref_slice %arg8[%parallel_loop3A_140, %parallel_loop3A_235, %parallel_loop3A_236] : memref<2x40x256xf32, #tpu.memory_space<vmem>> -> memref<1x40x256xf32, #tpu.memory_space<vmem>>
        %parallel_loop3A_238 = tpu.memref_squeeze %parallel_loop3A_237 : memref<1x40x256xf32, #tpu.memory_space<vmem>> -> memref<40x256xf32, #tpu.memory_space<vmem>>
        %parallel_loop3A_239 = arith.index_cast %parallel_loop3A_188 : i32 to index
        %parallel_loop3A_240 = arith.constant 16 : index
        %parallel_loop3A_241 = tpu.vector_load %parallel_loop3A_238[%parallel_loop3A_239, %parallel_loop3A_240] {strides = array<i32>} : memref<40x256xf32, #tpu.memory_space<vmem>>, vector<1x16xf32>,
        %parallel_loop3A_242 = vector.shape_cast %parallel_loop3A_241 : vector<1x16xf32> to vector<16xf32>
        %parallel_loop3A_243 = arith.constant 0 : i32
        %parallel_loop3A_244 = arith.constant 0 : i32
        %parallel_loop3A_245 = tpu.memref_slice %arg8[%parallel_loop3A_140, %parallel_loop3A_243, %parallel_loop3A_244] : memref<2x40x256xf32, #tpu.memory_space<vmem>> -> memref<1x40x256xf32, #tpu.memory_space<vmem>>
        %parallel_loop3A_246 = tpu.memref_squeeze %parallel_loop3A_245 : memref<1x40x256xf32, #tpu.memory_space<vmem>> -> memref<40x256xf32, #tpu.memory_space<vmem>>
        %parallel_loop3A_247 = arith.index_cast %parallel_loop3A_188 : i32 to index
        %parallel_loop3A_248 = arith.constant 144 : index
        %parallel_loop3A_249 = tpu.vector_load %parallel_loop3A_246[%parallel_loop3A_247, %parallel_loop3A_248] {strides = array<i32>} : memref<40x256xf32, #tpu.memory_space<vmem>>, vector<1x16xf32>,
        %parallel_loop3A_250 = vector.shape_cast %parallel_loop3A_249 : vector<1x16xf32> to vector<16xf32>
        %parallel_loop3A_251 = arith.addf %parallel_loop3A_234, %parallel_loop3A_242 : vector<16xf32>
        %parallel_loop3A_252 = arith.constant 0.000000e+00 : f32
        %parallel_loop3A_253 = vector.broadcast %parallel_loop3A_252 : f32 to vector<16xf32>
        %parallel_loop3A_254 = arith.subf %parallel_loop3A_253, %parallel_loop3A_251 : vector<16xf32>
        %parallel_loop3A_255 = math.exp %parallel_loop3A_254 : vector<16xf32>
        %parallel_loop3A_256 = arith.constant 1.000000e+00 : f32
        %parallel_loop3A_257 = vector.broadcast %parallel_loop3A_256 : f32 to vector<16xf32>
        %parallel_loop3A_258 = arith.addf %parallel_loop3A_257, %parallel_loop3A_255 : vector<16xf32>
        %parallel_loop3A_259 = arith.divf %parallel_loop3A_250, %parallel_loop3A_258 : vector<16xf32>
        %parallel_loop3A_260 = arith.index_cast %parallel_loop3A_188 : i32 to index
        %parallel_loop3A_261 = arith.constant 16 : index
        %parallel_loop3A_262 = tpu.vector_load %arg9[%parallel_loop3A_260, %parallel_loop3A_261] {strides = array<i32>} : memref<40x128xf32, #tpu.memory_space<vmem>>, vector<1x16xf32>,
        %parallel_loop3A_263 = vector.shape_cast %parallel_loop3A_262 : vector<1x16xf32> to vector<16xf32>
        %parallel_loop3A_264 = vector.shape_cast %parallel_loop3A_259 : vector<16xf32> to vector<1x16xf32>
        tpu.vector_store %arg9[%parallel_loop3A_260, %parallel_loop3A_261], %parallel_loop3A_264 {strides = array<i32>} : memref<40x128xf32, #tpu.memory_space<vmem>>, vector<1x16xf32>,
        %parallel_loop3A_265 = arith.constant 0 : i32
        %parallel_loop3A_266 = arith.constant 0 : i32
        %parallel_loop3A_267 = tpu.memref_slice %arg7[%parallel_loop3A_139, %parallel_loop3A_265, %parallel_loop3A_266] : memref<2x40x128xf32, #tpu.memory_space<vmem>> -> memref<1x40x128xf32, #tpu.memory_space<vmem>>
        %parallel_loop3A_268 = tpu.memref_squeeze %parallel_loop3A_267 : memref<1x40x128xf32, #tpu.memory_space<vmem>> -> memref<40x128xf32, #tpu.memory_space<vmem>>
        %parallel_loop3A_269 = arith.index_cast %parallel_loop3A_188 : i32 to index
        %parallel_loop3A_270 = arith.constant 32 : index
        %parallel_loop3A_271 = tpu.vector_load %parallel_loop3A_268[%parallel_loop3A_269, %parallel_loop3A_270] {strides = array<i32>} : memref<40x128xf32, #tpu.memory_space<vmem>>, vector<1x16xf32>,
        %parallel_loop3A_272 = vector.shape_cast %parallel_loop3A_271 : vector<1x16xf32> to vector<16xf32>
        %parallel_loop3A_273 = arith.constant 0 : i32
        %parallel_loop3A_274 = arith.constant 0 : i32
        %parallel_loop3A_275 = tpu.memref_slice %arg8[%parallel_loop3A_140, %parallel_loop3A_273, %parallel_loop3A_274] : memref<2x40x256xf32, #tpu.memory_space<vmem>> -> memref<1x40x256xf32, #tpu.memory_space<vmem>>
        %parallel_loop3A_276 = tpu.memref_squeeze %parallel_loop3A_275 : memref<1x40x256xf32, #tpu.memory_space<vmem>> -> memref<40x256xf32, #tpu.memory_space<vmem>>
        %parallel_loop3A_277 = arith.index_cast %parallel_loop3A_188 : i32 to index
        %parallel_loop3A_278 = arith.constant 32 : index
        %parallel_loop3A_279 = tpu.vector_load %parallel_loop3A_276[%parallel_loop3A_277, %parallel_loop3A_278] {strides = array<i32>} : memref<40x256xf32, #tpu.memory_space<vmem>>, vector<1x16xf32>,
        %parallel_loop3A_280 = vector.shape_cast %parallel_loop3A_279 : vector<1x16xf32> to vector<16xf32>
        %parallel_loop3A_281 = arith.constant 0 : i32
        %parallel_loop3A_282 = arith.constant 0 : i32
        %parallel_loop3A_283 = tpu.memref_slice %arg8[%parallel_loop3A_140, %parallel_loop3A_281, %parallel_loop3A_282] : memref<2x40x256xf32, #tpu.memory_space<vmem>> -> memref<1x40x256xf32, #tpu.memory_space<vmem>>
        %parallel_loop3A_284 = tpu.memref_squeeze %parallel_loop3A_283 : memref<1x40x256xf32, #tpu.memory_space<vmem>> -> memref<40x256xf32, #tpu.memory_space<vmem>>
        %parallel_loop3A_285 = arith.index_cast %parallel_loop3A_188 : i32 to index
        %parallel_loop3A_286 = arith.constant 160 : index
        %parallel_loop3A_287 = tpu.vector_load %parallel_loop3A_284[%parallel_loop3A_285, %parallel_loop3A_286] {strides = array<i32>} : memref<40x256xf32, #tpu.memory_space<vmem>>, vector<1x16xf32>,
        %parallel_loop3A_288 = vector.shape_cast %parallel_loop3A_287 : vector<1x16xf32> to vector<16xf32>
        %parallel_loop3A_289 = arith.addf %parallel_loop3A_272, %parallel_loop3A_280 : vector<16xf32>
        %parallel_loop3A_290 = arith.constant 0.000000e+00 : f32
        %parallel_loop3A_291 = vector.broadcast %parallel_loop3A_290 : f32 to vector<16xf32>
        %parallel_loop3A_292 = arith.subf %parallel_loop3A_291, %parallel_loop3A_289 : vector<16xf32>
        %parallel_loop3A_293 = math.exp %parallel_loop3A_292 : vector<16xf32>
        %parallel_loop3A_294 = arith.constant 1.000000e+00 : f32
        %parallel_loop3A_295 = vector.broadcast %parallel_loop3A_294 : f32 to vector<16xf32>
        %parallel_loop3A_296 = arith.addf %parallel_loop3A_295, %parallel_loop3A_293 : vector<16xf32>
        %parallel_loop3A_297 = arith.divf %parallel_loop3A_288, %parallel_loop3A_296 : vector<16xf32>
        %parallel_loop3A_298 = arith.index_cast %parallel_loop3A_188 : i32 to index
        %parallel_loop3A_299 = arith.constant 32 : index
        %parallel_loop3A_300 = tpu.vector_load %arg9[%parallel_loop3A_298, %parallel_loop3A_299] {strides = array<i32>} : memref<40x128xf32, #tpu.memory_space<vmem>>, vector<1x16xf32>,
        %parallel_loop3A_301 = vector.shape_cast %parallel_loop3A_300 : vector<1x16xf32> to vector<16xf32>
        %parallel_loop3A_302 = vector.shape_cast %parallel_loop3A_297 : vector<16xf32> to vector<1x16xf32>
        tpu.vector_store %arg9[%parallel_loop3A_298, %parallel_loop3A_299], %parallel_loop3A_302 {strides = array<i32>} : memref<40x128xf32, #tpu.memory_space<vmem>>, vector<1x16xf32>,
        %parallel_loop3A_303 = arith.constant 0 : i32
        %parallel_loop3A_304 = arith.constant 0 : i32
        %parallel_loop3A_305 = tpu.memref_slice %arg7[%parallel_loop3A_139, %parallel_loop3A_303, %parallel_loop3A_304] : memref<2x40x128xf32, #tpu.memory_space<vmem>> -> memref<1x40x128xf32, #tpu.memory_space<vmem>>
        %parallel_loop3A_306 = tpu.memref_squeeze %parallel_loop3A_305 : memref<1x40x128xf32, #tpu.memory_space<vmem>> -> memref<40x128xf32, #tpu.memory_space<vmem>>
        %parallel_loop3A_307 = arith.index_cast %parallel_loop3A_188 : i32 to index
        %parallel_loop3A_308 = arith.constant 48 : index
        %parallel_loop3A_309 = tpu.vector_load %parallel_loop3A_306[%parallel_loop3A_307, %parallel_loop3A_308] {strides = array<i32>} : memref<40x128xf32, #tpu.memory_space<vmem>>, vector<1x16xf32>,
        %parallel_loop3A_310 = vector.shape_cast %parallel_loop3A_309 : vector<1x16xf32> to vector<16xf32>
        %parallel_loop3A_311 = arith.constant 0 : i32
        %parallel_loop3A_312 = arith.constant 0 : i32
        %parallel_loop3A_313 = tpu.memref_slice %arg8[%parallel_loop3A_140, %parallel_loop3A_311, %parallel_loop3A_312] : memref<2x40x256xf32, #tpu.memory_space<vmem>> -> memref<1x40x256xf32, #tpu.memory_space<vmem>>
        %parallel_loop3A_314 = tpu.memref_squeeze %parallel_loop3A_313 : memref<1x40x256xf32, #tpu.memory_space<vmem>> -> memref<40x256xf32, #tpu.memory_space<vmem>>
        %parallel_loop3A_315 = arith.index_cast %parallel_loop3A_188 : i32 to index
        %parallel_loop3A_316 = arith.constant 48 : index
        %parallel_loop3A_317 = tpu.vector_load %parallel_loop3A_314[%parallel_loop3A_315, %parallel_loop3A_316] {strides = array<i32>} : memref<40x256xf32, #tpu.memory_space<vmem>>, vector<1x16xf32>,
        %parallel_loop3A_318 = vector.shape_cast %parallel_loop3A_317 : vector<1x16xf32> to vector<16xf32>
        %parallel_loop3A_319 = arith.constant 0 : i32
        %parallel_loop3A_320 = arith.constant 0 : i32
        %parallel_loop3A_321 = tpu.memref_slice %arg8[%parallel_loop3A_140, %parallel_loop3A_319, %parallel_loop3A_320] : memref<2x40x256xf32, #tpu.memory_space<vmem>> -> memref<1x40x256xf32, #tpu.memory_space<vmem>>
        %parallel_loop3A_322 = tpu.memref_squeeze %parallel_loop3A_321 : memref<1x40x256xf32, #tpu.memory_space<vmem>> -> memref<40x256xf32, #tpu.memory_space<vmem>>
        %parallel_loop3A_323 = arith.index_cast %parallel_loop3A_188 : i32 to index
        %parallel_loop3A_324 = arith.constant 176 : index
        %parallel_loop3A_325 = tpu.vector_load %parallel_loop3A_322[%parallel_loop3A_323, %parallel_loop3A_324] {strides = array<i32>} : memref<40x256xf32, #tpu.memory_space<vmem>>, vector<1x16xf32>,
        %parallel_loop3A_326 = vector.shape_cast %parallel_loop3A_325 : vector<1x16xf32> to vector<16xf32>
        %parallel_loop3A_327 = arith.addf %parallel_loop3A_310, %parallel_loop3A_318 : vector<16xf32>
        %parallel_loop3A_328 = arith.constant 0.000000e+00 : f32
        %parallel_loop3A_329 = vector.broadcast %parallel_loop3A_328 : f32 to vector<16xf32>
        %parallel_loop3A_330 = arith.subf %parallel_loop3A_329, %parallel_loop3A_327 : vector<16xf32>
        %parallel_loop3A_331 = math.exp %parallel_loop3A_330 : vector<16xf32>
        %parallel_loop3A_332 = arith.constant 1.000000e+00 : f32
        %parallel_loop3A_333 = vector.broadcast %parallel_loop3A_332 : f32 to vector<16xf32>
        %parallel_loop3A_334 = arith.addf %parallel_loop3A_333, %parallel_loop3A_331 : vector<16xf32>
        %parallel_loop3A_335 = arith.divf %parallel_loop3A_326, %parallel_loop3A_334 : vector<16xf32>
        %parallel_loop3A_336 = arith.index_cast %parallel_loop3A_188 : i32 to index
        %parallel_loop3A_337 = arith.constant 48 : index
        %parallel_loop3A_338 = tpu.vector_load %arg9[%parallel_loop3A_336, %parallel_loop3A_337] {strides = array<i32>} : memref<40x128xf32, #tpu.memory_space<vmem>>, vector<1x16xf32>,
        %parallel_loop3A_339 = vector.shape_cast %parallel_loop3A_338 : vector<1x16xf32> to vector<16xf32>
        %parallel_loop3A_340 = vector.shape_cast %parallel_loop3A_335 : vector<16xf32> to vector<1x16xf32>
        tpu.vector_store %arg9[%parallel_loop3A_336, %parallel_loop3A_337], %parallel_loop3A_340 {strides = array<i32>} : memref<40x128xf32, #tpu.memory_space<vmem>>, vector<1x16xf32>,
        %parallel_loop3A_341 = arith.constant 0 : i32
        %parallel_loop3A_342 = arith.constant 0 : i32
        %parallel_loop3A_343 = tpu.memref_slice %arg7[%parallel_loop3A_139, %parallel_loop3A_341, %parallel_loop3A_342] : memref<2x40x128xf32, #tpu.memory_space<vmem>> -> memref<1x40x128xf32, #tpu.memory_space<vmem>>
        %parallel_loop3A_344 = tpu.memref_squeeze %parallel_loop3A_343 : memref<1x40x128xf32, #tpu.memory_space<vmem>> -> memref<40x128xf32, #tpu.memory_space<vmem>>
        %parallel_loop3A_345 = arith.index_cast %parallel_loop3A_188 : i32 to index
        %parallel_loop3A_346 = arith.constant 64 : index
        %parallel_loop3A_347 = tpu.vector_load %parallel_loop3A_344[%parallel_loop3A_345, %parallel_loop3A_346] {strides = array<i32>} : memref<40x128xf32, #tpu.memory_space<vmem>>, vector<1x16xf32>,
        %parallel_loop3A_348 = vector.shape_cast %parallel_loop3A_347 : vector<1x16xf32> to vector<16xf32>
        %parallel_loop3A_349 = arith.constant 0 : i32
        %parallel_loop3A_350 = arith.constant 0 : i32
        %parallel_loop3A_351 = tpu.memref_slice %arg8[%parallel_loop3A_140, %parallel_loop3A_349, %parallel_loop3A_350] : memref<2x40x256xf32, #tpu.memory_space<vmem>> -> memref<1x40x256xf32, #tpu.memory_space<vmem>>
        %parallel_loop3A_352 = tpu.memref_squeeze %parallel_loop3A_351 : memref<1x40x256xf32, #tpu.memory_space<vmem>> -> memref<40x256xf32, #tpu.memory_space<vmem>>
        %parallel_loop3A_353 = arith.index_cast %parallel_loop3A_188 : i32 to index
        %parallel_loop3A_354 = arith.constant 64 : index
        %parallel_loop3A_355 = tpu.vector_load %parallel_loop3A_352[%parallel_loop3A_353, %parallel_loop3A_354] {strides = array<i32>} : memref<40x256xf32, #tpu.memory_space<vmem>>, vector<1x16xf32>,
        %parallel_loop3A_356 = vector.shape_cast %parallel_loop3A_355 : vector<1x16xf32> to vector<16xf32>
        %parallel_loop3A_357 = arith.constant 0 : i32
        %parallel_loop3A_358 = arith.constant 0 : i32
        %parallel_loop3A_359 = tpu.memref_slice %arg8[%parallel_loop3A_140, %parallel_loop3A_357, %parallel_loop3A_358] : memref<2x40x256xf32, #tpu.memory_space<vmem>> -> memref<1x40x256xf32, #tpu.memory_space<vmem>>
        %parallel_loop3A_360 = tpu.memref_squeeze %parallel_loop3A_359 : memref<1x40x256xf32, #tpu.memory_space<vmem>> -> memref<40x256xf32, #tpu.memory_space<vmem>>
        %parallel_loop3A_361 = arith.index_cast %parallel_loop3A_188 : i32 to index
        %parallel_loop3A_362 = arith.constant 192 : index
        %parallel_loop3A_363 = tpu.vector_load %parallel_loop3A_360[%parallel_loop3A_361, %parallel_loop3A_362] {strides = array<i32>} : memref<40x256xf32, #tpu.memory_space<vmem>>, vector<1x16xf32>,
        %parallel_loop3A_364 = vector.shape_cast %parallel_loop3A_363 : vector<1x16xf32> to vector<16xf32>
        %parallel_loop3A_365 = arith.addf %parallel_loop3A_348, %parallel_loop3A_356 : vector<16xf32>
        %parallel_loop3A_366 = arith.constant 0.000000e+00 : f32
        %parallel_loop3A_367 = vector.broadcast %parallel_loop3A_366 : f32 to vector<16xf32>
        %parallel_loop3A_368 = arith.subf %parallel_loop3A_367, %parallel_loop3A_365 : vector<16xf32>
        %parallel_loop3A_369 = math.exp %parallel_loop3A_368 : vector<16xf32>
        %parallel_loop3A_370 = arith.constant 1.000000e+00 : f32
        %parallel_loop3A_371 = vector.broadcast %parallel_loop3A_370 : f32 to vector<16xf32>
        %parallel_loop3A_372 = arith.addf %parallel_loop3A_371, %parallel_loop3A_369 : vector<16xf32>
        %parallel_loop3A_373 = arith.divf %parallel_loop3A_364, %parallel_loop3A_372 : vector<16xf32>
        %parallel_loop3A_374 = arith.index_cast %parallel_loop3A_188 : i32 to index
        %parallel_loop3A_375 = arith.constant 64 : index
        %parallel_loop3A_376 = tpu.vector_load %arg9[%parallel_loop3A_374, %parallel_loop3A_375] {strides = array<i32>} : memref<40x128xf32, #tpu.memory_space<vmem>>, vector<1x16xf32>,
        %parallel_loop3A_377 = vector.shape_cast %parallel_loop3A_376 : vector<1x16xf32> to vector<16xf32>
        %parallel_loop3A_378 = vector.shape_cast %parallel_loop3A_373 : vector<16xf32> to vector<1x16xf32>
        tpu.vector_store %arg9[%parallel_loop3A_374, %parallel_loop3A_375], %parallel_loop3A_378 {strides = array<i32>} : memref<40x128xf32, #tpu.memory_space<vmem>>, vector<1x16xf32>,
        %parallel_loop3A_379 = arith.constant 0 : i32
        %parallel_loop3A_380 = arith.constant 0 : i32
        %parallel_loop3A_381 = tpu.memref_slice %arg7[%parallel_loop3A_139, %parallel_loop3A_379, %parallel_loop3A_380] : memref<2x40x128xf32, #tpu.memory_space<vmem>> -> memref<1x40x128xf32, #tpu.memory_space<vmem>>
        %parallel_loop3A_382 = tpu.memref_squeeze %parallel_loop3A_381 : memref<1x40x128xf32, #tpu.memory_space<vmem>> -> memref<40x128xf32, #tpu.memory_space<vmem>>
        %parallel_loop3A_383 = arith.index_cast %parallel_loop3A_188 : i32 to index
        %parallel_loop3A_384 = arith.constant 80 : index
        %parallel_loop3A_385 = tpu.vector_load %parallel_loop3A_382[%parallel_loop3A_383, %parallel_loop3A_384] {strides = array<i32>} : memref<40x128xf32, #tpu.memory_space<vmem>>, vector<1x16xf32>,
        %parallel_loop3A_386 = vector.shape_cast %parallel_loop3A_385 : vector<1x16xf32> to vector<16xf32>
        %parallel_loop3A_387 = arith.constant 0 : i32
        %parallel_loop3A_388 = arith.constant 0 : i32
        %parallel_loop3A_389 = tpu.memref_slice %arg8[%parallel_loop3A_140, %parallel_loop3A_387, %parallel_loop3A_388] : memref<2x40x256xf32, #tpu.memory_space<vmem>> -> memref<1x40x256xf32, #tpu.memory_space<vmem>>
        %parallel_loop3A_390 = tpu.memref_squeeze %parallel_loop3A_389 : memref<1x40x256xf32, #tpu.memory_space<vmem>> -> memref<40x256xf32, #tpu.memory_space<vmem>>
        %parallel_loop3A_391 = arith.index_cast %parallel_loop3A_188 : i32 to index
        %parallel_loop3A_392 = arith.constant 80 : index
        %parallel_loop3A_393 = tpu.vector_load %parallel_loop3A_390[%parallel_loop3A_391, %parallel_loop3A_392] {strides = array<i32>} : memref<40x256xf32, #tpu.memory_space<vmem>>, vector<1x16xf32>,
        %parallel_loop3A_394 = vector.shape_cast %parallel_loop3A_393 : vector<1x16xf32> to vector<16xf32>
        %parallel_loop3A_395 = arith.constant 0 : i32
        %parallel_loop3A_396 = arith.constant 0 : i32
        %parallel_loop3A_397 = tpu.memref_slice %arg8[%parallel_loop3A_140, %parallel_loop3A_395, %parallel_loop3A_396] : memref<2x40x256xf32, #tpu.memory_space<vmem>> -> memref<1x40x256xf32, #tpu.memory_space<vmem>>
        %parallel_loop3A_398 = tpu.memref_squeeze %parallel_loop3A_397 : memref<1x40x256xf32, #tpu.memory_space<vmem>> -> memref<40x256xf32, #tpu.memory_space<vmem>>
        %parallel_loop3A_399 = arith.index_cast %parallel_loop3A_188 : i32 to index
        %parallel_loop3A_400 = arith.constant 208 : index
        %parallel_loop3A_401 = tpu.vector_load %parallel_loop3A_398[%parallel_loop3A_399, %parallel_loop3A_400] {strides = array<i32>} : memref<40x256xf32, #tpu.memory_space<vmem>>, vector<1x16xf32>,
        %parallel_loop3A_402 = vector.shape_cast %parallel_loop3A_401 : vector<1x16xf32> to vector<16xf32>
        %parallel_loop3A_403 = arith.addf %parallel_loop3A_386, %parallel_loop3A_394 : vector<16xf32>
        %parallel_loop3A_404 = arith.constant 0.000000e+00 : f32
        %parallel_loop3A_405 = vector.broadcast %parallel_loop3A_404 : f32 to vector<16xf32>
        %parallel_loop3A_406 = arith.subf %parallel_loop3A_405, %parallel_loop3A_403 : vector<16xf32>
        %parallel_loop3A_407 = math.exp %parallel_loop3A_406 : vector<16xf32>
        %parallel_loop3A_408 = arith.constant 1.000000e+00 : f32
        %parallel_loop3A_409 = vector.broadcast %parallel_loop3A_408 : f32 to vector<16xf32>
        %parallel_loop3A_410 = arith.addf %parallel_loop3A_409, %parallel_loop3A_407 : vector<16xf32>
        %parallel_loop3A_411 = arith.divf %parallel_loop3A_402, %parallel_loop3A_410 : vector<16xf32>
        %parallel_loop3A_412 = arith.index_cast %parallel_loop3A_188 : i32 to index
        %parallel_loop3A_413 = arith.constant 80 : index
        %parallel_loop3A_414 = tpu.vector_load %arg9[%parallel_loop3A_412, %parallel_loop3A_413] {strides = array<i32>} : memref<40x128xf32, #tpu.memory_space<vmem>>, vector<1x16xf32>,
        %parallel_loop3A_415 = vector.shape_cast %parallel_loop3A_414 : vector<1x16xf32> to vector<16xf32>
        %parallel_loop3A_416 = vector.shape_cast %parallel_loop3A_411 : vector<16xf32> to vector<1x16xf32>
        tpu.vector_store %arg9[%parallel_loop3A_412, %parallel_loop3A_413], %parallel_loop3A_416 {strides = array<i32>} : memref<40x128xf32, #tpu.memory_space<vmem>>, vector<1x16xf32>,
        %parallel_loop3A_417 = arith.constant 0 : i32
        %parallel_loop3A_418 = arith.constant 0 : i32
        %parallel_loop3A_419 = tpu.memref_slice %arg7[%parallel_loop3A_139, %parallel_loop3A_417, %parallel_loop3A_418] : memref<2x40x128xf32, #tpu.memory_space<vmem>> -> memref<1x40x128xf32, #tpu.memory_space<vmem>>
        %parallel_loop3A_420 = tpu.memref_squeeze %parallel_loop3A_419 : memref<1x40x128xf32, #tpu.memory_space<vmem>> -> memref<40x128xf32, #tpu.memory_space<vmem>>
        %parallel_loop3A_421 = arith.index_cast %parallel_loop3A_188 : i32 to index
        %parallel_loop3A_422 = arith.constant 96 : index
        %parallel_loop3A_423 = tpu.vector_load %parallel_loop3A_420[%parallel_loop3A_421, %parallel_loop3A_422] {strides = array<i32>} : memref<40x128xf32, #tpu.memory_space<vmem>>, vector<1x16xf32>,
        %parallel_loop3A_424 = vector.shape_cast %parallel_loop3A_423 : vector<1x16xf32> to vector<16xf32>
        %parallel_loop3A_425 = arith.constant 0 : i32
        %parallel_loop3A_426 = arith.constant 0 : i32
        %parallel_loop3A_427 = tpu.memref_slice %arg8[%parallel_loop3A_140, %parallel_loop3A_425, %parallel_loop3A_426] : memref<2x40x256xf32, #tpu.memory_space<vmem>> -> memref<1x40x256xf32, #tpu.memory_space<vmem>>
        %parallel_loop3A_428 = tpu.memref_squeeze %parallel_loop3A_427 : memref<1x40x256xf32, #tpu.memory_space<vmem>> -> memref<40x256xf32, #tpu.memory_space<vmem>>
        %parallel_loop3A_429 = arith.index_cast %parallel_loop3A_188 : i32 to index
        %parallel_loop3A_430 = arith.constant 96 : index
        %parallel_loop3A_431 = tpu.vector_load %parallel_loop3A_428[%parallel_loop3A_429, %parallel_loop3A_430] {strides = array<i32>} : memref<40x256xf32, #tpu.memory_space<vmem>>, vector<1x16xf32>,
        %parallel_loop3A_432 = vector.shape_cast %parallel_loop3A_431 : vector<1x16xf32> to vector<16xf32>
        %parallel_loop3A_433 = arith.constant 0 : i32
        %parallel_loop3A_434 = arith.constant 0 : i32
        %parallel_loop3A_435 = tpu.memref_slice %arg8[%parallel_loop3A_140, %parallel_loop3A_433, %parallel_loop3A_434] : memref<2x40x256xf32, #tpu.memory_space<vmem>> -> memref<1x40x256xf32, #tpu.memory_space<vmem>>
        %parallel_loop3A_436 = tpu.memref_squeeze %parallel_loop3A_435 : memref<1x40x256xf32, #tpu.memory_space<vmem>> -> memref<40x256xf32, #tpu.memory_space<vmem>>
        %parallel_loop3A_437 = arith.index_cast %parallel_loop3A_188 : i32 to index
        %parallel_loop3A_438 = arith.constant 224 : index
        %parallel_loop3A_439 = tpu.vector_load %parallel_loop3A_436[%parallel_loop3A_437, %parallel_loop3A_438] {strides = array<i32>} : memref<40x256xf32, #tpu.memory_space<vmem>>, vector<1x16xf32>,
        %parallel_loop3A_440 = vector.shape_cast %parallel_loop3A_439 : vector<1x16xf32> to vector<16xf32>
        %parallel_loop3A_441 = arith.addf %parallel_loop3A_424, %parallel_loop3A_432 : vector<16xf32>
        %parallel_loop3A_442 = arith.constant 0.000000e+00 : f32
        %parallel_loop3A_443 = vector.broadcast %parallel_loop3A_442 : f32 to vector<16xf32>
        %parallel_loop3A_444 = arith.subf %parallel_loop3A_443, %parallel_loop3A_441 : vector<16xf32>
        %parallel_loop3A_445 = math.exp %parallel_loop3A_444 : vector<16xf32>
        %parallel_loop3A_446 = arith.constant 1.000000e+00 : f32
        %parallel_loop3A_447 = vector.broadcast %parallel_loop3A_446 : f32 to vector<16xf32>
        %parallel_loop3A_448 = arith.addf %parallel_loop3A_447, %parallel_loop3A_445 : vector<16xf32>
        %parallel_loop3A_449 = arith.divf %parallel_loop3A_440, %parallel_loop3A_448 : vector<16xf32>
        %parallel_loop3A_450 = arith.index_cast %parallel_loop3A_188 : i32 to index
        %parallel_loop3A_451 = arith.constant 96 : index
        %parallel_loop3A_452 = tpu.vector_load %arg9[%parallel_loop3A_450, %parallel_loop3A_451] {strides = array<i32>} : memref<40x128xf32, #tpu.memory_space<vmem>>, vector<1x16xf32>,
        %parallel_loop3A_453 = vector.shape_cast %parallel_loop3A_452 : vector<1x16xf32> to vector<16xf32>
        %parallel_loop3A_454 = vector.shape_cast %parallel_loop3A_449 : vector<16xf32> to vector<1x16xf32>
        tpu.vector_store %arg9[%parallel_loop3A_450, %parallel_loop3A_451], %parallel_loop3A_454 {strides = array<i32>} : memref<40x128xf32, #tpu.memory_space<vmem>>, vector<1x16xf32>,
        %parallel_loop3A_455 = arith.constant 0 : i32
        %parallel_loop3A_456 = arith.constant 0 : i32
        %parallel_loop3A_457 = tpu.memref_slice %arg7[%parallel_loop3A_139, %parallel_loop3A_455, %parallel_loop3A_456] : memref<2x40x128xf32, #tpu.memory_space<vmem>> -> memref<1x40x128xf32, #tpu.memory_space<vmem>>
        %parallel_loop3A_458 = tpu.memref_squeeze %parallel_loop3A_457 : memref<1x40x128xf32, #tpu.memory_space<vmem>> -> memref<40x128xf32, #tpu.memory_space<vmem>>
        %parallel_loop3A_459 = arith.index_cast %parallel_loop3A_188 : i32 to index
        %parallel_loop3A_460 = arith.constant 112 : index
        %parallel_loop3A_461 = tpu.vector_load %parallel_loop3A_458[%parallel_loop3A_459, %parallel_loop3A_460] {strides = array<i32>} : memref<40x128xf32, #tpu.memory_space<vmem>>, vector<1x16xf32>,
        %parallel_loop3A_462 = vector.shape_cast %parallel_loop3A_461 : vector<1x16xf32> to vector<16xf32>
        %parallel_loop3A_463 = arith.constant 0 : i32
        %parallel_loop3A_464 = arith.constant 0 : i32
        %parallel_loop3A_465 = tpu.memref_slice %arg8[%parallel_loop3A_140, %parallel_loop3A_463, %parallel_loop3A_464] : memref<2x40x256xf32, #tpu.memory_space<vmem>> -> memref<1x40x256xf32, #tpu.memory_space<vmem>>
        %parallel_loop3A_466 = tpu.memref_squeeze %parallel_loop3A_465 : memref<1x40x256xf32, #tpu.memory_space<vmem>> -> memref<40x256xf32, #tpu.memory_space<vmem>>
        %parallel_loop3A_467 = arith.index_cast %parallel_loop3A_188 : i32 to index
        %parallel_loop3A_468 = arith.constant 112 : index
        %parallel_loop3A_469 = tpu.vector_load %parallel_loop3A_466[%parallel_loop3A_467, %parallel_loop3A_468] {strides = array<i32>} : memref<40x256xf32, #tpu.memory_space<vmem>>, vector<1x16xf32>,
        %parallel_loop3A_470 = vector.shape_cast %parallel_loop3A_469 : vector<1x16xf32> to vector<16xf32>
        %parallel_loop3A_471 = arith.constant 0 : i32
        %parallel_loop3A_472 = arith.constant 0 : i32
        %parallel_loop3A_473 = tpu.memref_slice %arg8[%parallel_loop3A_140, %parallel_loop3A_471, %parallel_loop3A_472] : memref<2x40x256xf32, #tpu.memory_space<vmem>> -> memref<1x40x256xf32, #tpu.memory_space<vmem>>
        %parallel_loop3A_474 = tpu.memref_squeeze %parallel_loop3A_473 : memref<1x40x256xf32, #tpu.memory_space<vmem>> -> memref<40x256xf32, #tpu.memory_space<vmem>>
        %parallel_loop3A_475 = arith.index_cast %parallel_loop3A_188 : i32 to index
        %parallel_loop3A_476 = arith.constant 240 : index
        %parallel_loop3A_477 = tpu.vector_load %parallel_loop3A_474[%parallel_loop3A_475, %parallel_loop3A_476] {strides = array<i32>} : memref<40x256xf32, #tpu.memory_space<vmem>>, vector<1x16xf32>,
        %parallel_loop3A_478 = vector.shape_cast %parallel_loop3A_477 : vector<1x16xf32> to vector<16xf32>
        %parallel_loop3A_479 = arith.addf %parallel_loop3A_462, %parallel_loop3A_470 : vector<16xf32>
        %parallel_loop3A_480 = arith.constant 0.000000e+00 : f32
        %parallel_loop3A_481 = vector.broadcast %parallel_loop3A_480 : f32 to vector<16xf32>
        %parallel_loop3A_482 = arith.subf %parallel_loop3A_481, %parallel_loop3A_479 : vector<16xf32>
        %parallel_loop3A_483 = math.exp %parallel_loop3A_482 : vector<16xf32>
        %parallel_loop3A_484 = arith.constant 1.000000e+00 : f32
        %parallel_loop3A_485 = vector.broadcast %parallel_loop3A_484 : f32 to vector<16xf32>
        %parallel_loop3A_486 = arith.addf %parallel_loop3A_485, %parallel_loop3A_483 : vector<16xf32>
        %parallel_loop3A_487 = arith.divf %parallel_loop3A_478, %parallel_loop3A_486 : vector<16xf32>
        %parallel_loop3A_488 = arith.index_cast %parallel_loop3A_188 : i32 to index
        %parallel_loop3A_489 = arith.constant 112 : index
        %parallel_loop3A_490 = tpu.vector_load %arg9[%parallel_loop3A_488, %parallel_loop3A_489] {strides = array<i32>} : memref<40x128xf32, #tpu.memory_space<vmem>>, vector<1x16xf32>,
        %parallel_loop3A_491 = vector.shape_cast %parallel_loop3A_490 : vector<1x16xf32> to vector<16xf32>
        %parallel_loop3A_492 = vector.shape_cast %parallel_loop3A_487 : vector<16xf32> to vector<1x16xf32>
        tpu.vector_store %arg9[%parallel_loop3A_488, %parallel_loop3A_489], %parallel_loop3A_492 {strides = array<i32>} : memref<40x128xf32, #tpu.memory_space<vmem>>, vector<1x16xf32>,
      } {sc.loop_unroll_factor = 4 : i64, sc.parallel_access}
      %run_scoped3A_141 = arith.constant 1 : i32
      "tpu.region"() ({
        %run_scoped3A_188 = tpu.sem_alloc : memref<!tpu.dma_semaphore, #tpu.memory_space<semaphore_mem>>
        %dma_start3A_189 = arith.constant 0 : i32
        %dma_start3A_190 = tpu.memref_slice %arg6[%run_scoped3A_141, %rem3A_136, %dma_start3A_189] : memref<2x50x40xi32, #tpu.memory_space<vmem>> -> memref<1x1x40xi32, #tpu.memory_space<vmem>>
        %dma_start3A_191 = tpu.memref_squeeze %dma_start3A_190 : memref<1x1x40xi32, #tpu.memory_space<vmem>> -> memref<40xi32, #tpu.memory_space<vmem>>
        %dma_start3A_192 = arith.constant 0 : i32
        %dma_start3A_193 = arith.constant 0 : i32
        %dma_start3A_194 = tpu.memref_slice %arg10[%dma_start3A_192, %dma_start3A_193] : memref<10000x128xf32, #tpu.memory_space<vmem_shared>> -> memref<10000x128xf32, #tpu.memory_space<vmem_shared>>
        tpu.enqueue_indirect_dma source(%arg9 : memref<40x128xf32, #tpu.memory_space<vmem>>) target(%dma_start3A_194 : memref<10000x128xf32, #tpu.memory_space<vmem_shared>>) offsets(%dma_start3A_191 : memref<40xi32, #tpu.memory_space<vmem>>) semaphore(%run_scoped3A_188 : memref<!tpu.dma_semaphore, #tpu.memory_space<semaphore_mem>>) {add = true}
        %dma_wait3A_195 = arith.constant 0 : i32
        %dma_wait3A_196 = tpu.memref_slice %arg6[%run_scoped3A_141, %rem3A_136, %dma_wait3A_195] : memref<2x50x40xi32, #tpu.memory_space<vmem>> -> memref<1x1x40xi32, #tpu.memory_space<vmem>>
        %dma_wait3A_197 = tpu.memref_squeeze %dma_wait3A_196 : memref<1x1x40xi32, #tpu.memory_space<vmem>> -> memref<40xi32, #tpu.memory_space<vmem>>
        %dma_wait3A_198 = arith.constant 0 : i32
        %dma_wait3A_199 = arith.constant 0 : i32
        %dma_wait3A_200 = tpu.memref_slice %arg10[%dma_wait3A_198, %dma_wait3A_199] : memref<10000x128xf32, #tpu.memory_space<vmem_shared>> -> memref<10000x128xf32, #tpu.memory_space<vmem_shared>>
        tpu.wait_indirect_dma semaphore(%run_scoped3A_188 : memref<!tpu.dma_semaphore, #tpu.memory_space<semaphore_mem>>) src(%arg9 : memref<40x128xf32, #tpu.memory_space<vmem>>) dst(%dma_wait3A_200 : memref<10000x128xf32, #tpu.memory_space<vmem_shared>>)
        tpu.yield
      }) : () -> ()
      %rem3A_142 = arith.constant 25 : i32
      %rem3A_143 = arith.remsi %scan3A_77, %rem3A_142 : i32
      %eq3A = arith.constant 24 : i32
      %eq3A_144 = arith.cmpi eq, %rem3A_143, %eq3A : i32
      %not3A = arith.constant true
      %not3A_145 = arith.xori %eq3A_144, %not3A : i1
      %lt3A = arith.constant 250 : i32
      %lt3A_146 = arith.cmpi slt, %add3A_83, %lt3A : i32
      %and3A = arith.andi %not3A_145, %lt3A_146 : i1
      %convert_element_type3A = arith.extui %and3A : i1 to i32
      %cond3A = arith.constant 0 : i32
      %cond3A_147 = arith.cmpi ne, %convert_element_type3A, %cond3A : i32
      scf.if %cond3A_147 {
        %rem3A_188 = arith.constant 50 : i32
        %rem3A_189 = arith.remsi %add3A_83, %rem3A_188 : i32
        %dma_start3A_190 = arith.constant 1 : i32
        %dma_start3A_191 = arith.constant 0 : i32
        %dma_start3A_192 = arith.constant 0 : i32
        %dma_start3A_193 = arith.constant 0 : i32
        %dma_start3A_194 = tpu.memref_slice %arg7[%dma_start3A_191, %dma_start3A_192, %dma_start3A_193] : memref<2x40x128xf32, #tpu.memory_space<vmem>> -> memref<1x40x128xf32, #tpu.memory_space<vmem>>
        %dma_start3A_195 = tpu.memref_squeeze %dma_start3A_194 : memref<1x40x128xf32, #tpu.memory_space<vmem>> -> memref<40x128xf32, #tpu.memory_space<vmem>>
        %dma_start3A_196 = arith.constant 0 : i32
        %dma_start3A_197 = tpu.memref_slice %arg6[%dma_start3A_190, %rem3A_189, %dma_start3A_196] : memref<2x50x40xi32, #tpu.memory_space<vmem>> -> memref<1x1x40xi32, #tpu.memory_space<vmem>>
        %dma_start3A_198 = tpu.memref_squeeze %dma_start3A_197 : memref<1x1x40xi32, #tpu.memory_space<vmem>> -> memref<40xi32, #tpu.memory_space<vmem>>
        %dma_start3A_199 = arith.constant 0 : i32
        %dma_start3A_200 = arith.constant 0 : i32
        %dma_start3A_201 = tpu.memref_slice %arg2[%dma_start3A_199, %dma_start3A_200] : memref<10000x128xf32, #tpu.memory_space<hbm>> -> memref<10000x128xf32, #tpu.memory_space<hbm>>
        tpu.enqueue_indirect_dma source(%dma_start3A_201 : memref<10000x128xf32, #tpu.memory_space<hbm>>) target(%dma_start3A_195 : memref<40x128xf32, #tpu.memory_space<vmem>>) offsets(%dma_start3A_198 : memref<40xi32, #tpu.memory_space<vmem>>) semaphore(%arg11 : memref<!tpu.dma_semaphore, #tpu.memory_space<semaphore_mem>>)
        %dma_start3A_202 = arith.constant 0 : i32
        %dma_start3A_203 = arith.constant 0 : i32
        %dma_start3A_204 = arith.constant 0 : i32
        %dma_start3A_205 = arith.constant 0 : i32
        %dma_start3A_206 = tpu.memref_slice %arg8[%dma_start3A_203, %dma_start3A_204, %dma_start3A_205] : memref<2x40x256xf32, #tpu.memory_space<vmem>> -> memref<1x40x256xf32, #tpu.memory_space<vmem>>
        %dma_start3A_207 = tpu.memref_squeeze %dma_start3A_206 : memref<1x40x256xf32, #tpu.memory_space<vmem>> -> memref<40x256xf32, #tpu.memory_space<vmem>>
        %dma_start3A_208 = arith.constant 0 : i32
        %dma_start3A_209 = tpu.memref_slice %arg6[%dma_start3A_202, %rem3A_189, %dma_start3A_208] : memref<2x50x40xi32, #tpu.memory_space<vmem>> -> memref<1x1x40xi32, #tpu.memory_space<vmem>>
        %dma_start3A_210 = tpu.memref_squeeze %dma_start3A_209 : memref<1x1x40xi32, #tpu.memory_space<vmem>> -> memref<40xi32, #tpu.memory_space<vmem>>
        %dma_start3A_211 = arith.constant 0 : i32
        %dma_start3A_212 = arith.constant 0 : i32
        %dma_start3A_213 = tpu.memref_slice %arg3[%dma_start3A_211, %dma_start3A_212] : memref<10000x256xf32, #tpu.memory_space<hbm>> -> memref<10000x256xf32, #tpu.memory_space<hbm>>
        tpu.enqueue_indirect_dma source(%dma_start3A_213 : memref<10000x256xf32, #tpu.memory_space<hbm>>) target(%dma_start3A_207 : memref<40x256xf32, #tpu.memory_space<vmem>>) offsets(%dma_start3A_210 : memref<40xi32, #tpu.memory_space<vmem>>) semaphore(%arg13 : memref<!tpu.dma_semaphore, #tpu.memory_space<semaphore_mem>>)
      } else {
      }
      %rem3A_148 = arith.constant 50 : i32
      %rem3A_149 = arith.remsi %add3A_81, %rem3A_148 : i32
      %dma_wait3A_150 = arith.constant 1 : i32
      %dma_wait3A_151 = arith.constant 1 : i32
      %dma_wait3A_152 = arith.constant 0 : i32
      %dma_wait3A_153 = arith.constant 0 : i32
      %dma_wait3A_154 = tpu.memref_slice %arg7[%dma_wait3A_151, %dma_wait3A_152, %dma_wait3A_153] : memref<2x40x128xf32, #tpu.memory_space<vmem>> -> memref<1x40x128xf32, #tpu.memory_space<vmem>>
      %dma_wait3A_155 = tpu.memref_squeeze %dma_wait3A_154 : memref<1x40x128xf32, #tpu.memory_space<vmem>> -> memref<40x128xf32, #tpu.memory_space<vmem>>
      %dma_wait3A_156 = arith.constant 0 : i32
      %dma_wait3A_157 = tpu.memref_slice %arg6[%dma_wait3A_150, %rem3A_149, %dma_wait3A_156] : memref<2x50x40xi32, #tpu.memory_space<vmem>> -> memref<1x1x40xi32, #tpu.memory_space<vmem>>
      %dma_wait3A_158 = tpu.memref_squeeze %dma_wait3A_157 : memref<1x1x40xi32, #tpu.memory_space<vmem>> -> memref<40xi32, #tpu.memory_space<vmem>>
      %dma_wait3A_159 = arith.constant 0 : i32
      %dma_wait3A_160 = arith.constant 0 : i32
      %dma_wait3A_161 = tpu.memref_slice %arg2[%dma_wait3A_159, %dma_wait3A_160] : memref<10000x128xf32, #tpu.memory_space<hbm>> -> memref<10000x128xf32, #tpu.memory_space<hbm>>
      tpu.wait_indirect_dma semaphore(%arg12 : memref<!tpu.dma_semaphore, #tpu.memory_space<semaphore_mem>>) src(%dma_wait3A_161 : memref<10000x128xf32, #tpu.memory_space<hbm>>) dst(%dma_wait3A_155 : memref<40x128xf32, #tpu.memory_space<vmem>>)
      %dma_wait3A_162 = arith.constant 0 : i32
      %dma_wait3A_163 = arith.constant 1 : i32
      %dma_wait3A_164 = arith.constant 0 : i32
      %dma_wait3A_165 = arith.constant 0 : i32
      %dma_wait3A_166 = tpu.memref_slice %arg8[%dma_wait3A_163, %dma_wait3A_164, %dma_wait3A_165] : memref<2x40x256xf32, #tpu.memory_space<vmem>> -> memref<1x40x256xf32, #tpu.memory_space<vmem>>
      %dma_wait3A_167 = tpu.memref_squeeze %dma_wait3A_166 : memref<1x40x256xf32, #tpu.memory_space<vmem>> -> memref<40x256xf32, #tpu.memory_space<vmem>>
      %dma_wait3A_168 = arith.constant 0 : i32
      %dma_wait3A_169 = tpu.memref_slice %arg6[%dma_wait3A_162, %rem3A_149, %dma_wait3A_168] : memref<2x50x40xi32, #tpu.memory_space<vmem>> -> memref<1x1x40xi32, #tpu.memory_space<vmem>>
      %dma_wait3A_170 = tpu.memref_squeeze %dma_wait3A_169 : memref<1x1x40xi32, #tpu.memory_space<vmem>> -> memref<40xi32, #tpu.memory_space<vmem>>
      %dma_wait3A_171 = arith.constant 0 : i32
      %dma_wait3A_172 = arith.constant 0 : i32
      %dma_wait3A_173 = tpu.memref_slice %arg3[%dma_wait3A_171, %dma_wait3A_172] : memref<10000x256xf32, #tpu.memory_space<hbm>> -> memref<10000x256xf32, #tpu.memory_space<hbm>>
      tpu.wait_indirect_dma semaphore(%arg14 : memref<!tpu.dma_semaphore, #tpu.memory_space<semaphore_mem>>) src(%dma_wait3A_173 : memref<10000x256xf32, #tpu.memory_space<hbm>>) dst(%dma_wait3A_167 : memref<40x256xf32, #tpu.memory_space<vmem>>)
      %rem3A_174 = arith.constant 50 : i32
      %rem3A_175 = arith.remsi %add3A_81, %rem3A_174 : i32
      %parallel_loop3A_176 = arith.constant 0 : i32
      %parallel_loop3A_177 = arith.constant 40 : i32
      %parallel_loop3A_178 = arith.constant 1 : i32
      %parallel_loop3A_179 = arith.constant 1 : i32
      %parallel_loop3A_180 = arith.constant 1 : i32
      scf.for %parallel_loop3A_188 = %parallel_loop3A_176 to %parallel_loop3A_177 step %parallel_loop3A_178  : i32 {
        %parallel_loop3A_189 = arith.constant 0 : i32
        %parallel_loop3A_190 = arith.constant 0 : i32
        %parallel_loop3A_191 = tpu.memref_slice %arg7[%parallel_loop3A_179, %parallel_loop3A_189, %parallel_loop3A_190] : memref<2x40x128xf32, #tpu.memory_space<vmem>> -> memref<1x40x128xf32, #tpu.memory_space<vmem>>
        %parallel_loop3A_192 = tpu.memref_squeeze %parallel_loop3A_191 : memref<1x40x128xf32, #tpu.memory_space<vmem>> -> memref<40x128xf32, #tpu.memory_space<vmem>>
        %parallel_loop3A_193 = arith.index_cast %parallel_loop3A_188 : i32 to index
        %parallel_loop3A_194 = arith.constant 0 : index
        %parallel_loop3A_195 = tpu.vector_load %parallel_loop3A_192[%parallel_loop3A_193, %parallel_loop3A_194] {strides = array<i32>} : memref<40x128xf32, #tpu.memory_space<vmem>>, vector<1x16xf32>,
        %parallel_loop3A_196 = vector.shape_cast %parallel_loop3A_195 : vector<1x16xf32> to vector<16xf32>
        %parallel_loop3A_197 = arith.constant 0 : i32
        %parallel_loop3A_198 = arith.constant 0 : i32
        %parallel_loop3A_199 = tpu.memref_slice %arg8[%parallel_loop3A_180, %parallel_loop3A_197, %parallel_loop3A_198] : memref<2x40x256xf32, #tpu.memory_space<vmem>> -> memref<1x40x256xf32, #tpu.memory_space<vmem>>
        %parallel_loop3A_200 = tpu.memref_squeeze %parallel_loop3A_199 : memref<1x40x256xf32, #tpu.memory_space<vmem>> -> memref<40x256xf32, #tpu.memory_space<vmem>>
        %parallel_loop3A_201 = arith.index_cast %parallel_loop3A_188 : i32 to index
        %parallel_loop3A_202 = arith.constant 0 : index
        %parallel_loop3A_203 = tpu.vector_load %parallel_loop3A_200[%parallel_loop3A_201, %parallel_loop3A_202] {strides = array<i32>} : memref<40x256xf32, #tpu.memory_space<vmem>>, vector<1x16xf32>,
        %parallel_loop3A_204 = vector.shape_cast %parallel_loop3A_203 : vector<1x16xf32> to vector<16xf32>
        %parallel_loop3A_205 = arith.constant 0 : i32
        %parallel_loop3A_206 = arith.constant 0 : i32
        %parallel_loop3A_207 = tpu.memref_slice %arg8[%parallel_loop3A_180, %parallel_loop3A_205, %parallel_loop3A_206] : memref<2x40x256xf32, #tpu.memory_space<vmem>> -> memref<1x40x256xf32, #tpu.memory_space<vmem>>
        %parallel_loop3A_208 = tpu.memref_squeeze %parallel_loop3A_207 : memref<1x40x256xf32, #tpu.memory_space<vmem>> -> memref<40x256xf32, #tpu.memory_space<vmem>>
        %parallel_loop3A_209 = arith.index_cast %parallel_loop3A_188 : i32 to index
        %parallel_loop3A_210 = arith.constant 128 : index
        %parallel_loop3A_211 = tpu.vector_load %parallel_loop3A_208[%parallel_loop3A_209, %parallel_loop3A_210] {strides = array<i32>} : memref<40x256xf32, #tpu.memory_space<vmem>>, vector<1x16xf32>,
        %parallel_loop3A_212 = vector.shape_cast %parallel_loop3A_211 : vector<1x16xf32> to vector<16xf32>
        %parallel_loop3A_213 = arith.addf %parallel_loop3A_196, %parallel_loop3A_204 : vector<16xf32>
        %parallel_loop3A_214 = arith.constant 0.000000e+00 : f32
        %parallel_loop3A_215 = vector.broadcast %parallel_loop3A_214 : f32 to vector<16xf32>
        %parallel_loop3A_216 = arith.subf %parallel_loop3A_215, %parallel_loop3A_213 : vector<16xf32>
        %parallel_loop3A_217 = math.exp %parallel_loop3A_216 : vector<16xf32>
        %parallel_loop3A_218 = arith.constant 1.000000e+00 : f32
        %parallel_loop3A_219 = vector.broadcast %parallel_loop3A_218 : f32 to vector<16xf32>
        %parallel_loop3A_220 = arith.addf %parallel_loop3A_219, %parallel_loop3A_217 : vector<16xf32>
        %parallel_loop3A_221 = arith.divf %parallel_loop3A_212, %parallel_loop3A_220 : vector<16xf32>
        %parallel_loop3A_222 = arith.index_cast %parallel_loop3A_188 : i32 to index
        %parallel_loop3A_223 = arith.constant 0 : index
        %parallel_loop3A_224 = tpu.vector_load %arg9[%parallel_loop3A_222, %parallel_loop3A_223] {strides = array<i32>} : memref<40x128xf32, #tpu.memory_space<vmem>>, vector<1x16xf32>,
        %parallel_loop3A_225 = vector.shape_cast %parallel_loop3A_224 : vector<1x16xf32> to vector<16xf32>
        %parallel_loop3A_226 = vector.shape_cast %parallel_loop3A_221 : vector<16xf32> to vector<1x16xf32>
        tpu.vector_store %arg9[%parallel_loop3A_222, %parallel_loop3A_223], %parallel_loop3A_226 {strides = array<i32>} : memref<40x128xf32, #tpu.memory_space<vmem>>, vector<1x16xf32>,
        %parallel_loop3A_227 = arith.constant 0 : i32
        %parallel_loop3A_228 = arith.constant 0 : i32
        %parallel_loop3A_229 = tpu.memref_slice %arg7[%parallel_loop3A_179, %parallel_loop3A_227, %parallel_loop3A_228] : memref<2x40x128xf32, #tpu.memory_space<vmem>> -> memref<1x40x128xf32, #tpu.memory_space<vmem>>
        %parallel_loop3A_230 = tpu.memref_squeeze %parallel_loop3A_229 : memref<1x40x128xf32, #tpu.memory_space<vmem>> -> memref<40x128xf32, #tpu.memory_space<vmem>>
        %parallel_loop3A_231 = arith.index_cast %parallel_loop3A_188 : i32 to index
        %parallel_loop3A_232 = arith.constant 16 : index
        %parallel_loop3A_233 = tpu.vector_load %parallel_loop3A_230[%parallel_loop3A_231, %parallel_loop3A_232] {strides = array<i32>} : memref<40x128xf32, #tpu.memory_space<vmem>>, vector<1x16xf32>,
        %parallel_loop3A_234 = vector.shape_cast %parallel_loop3A_233 : vector<1x16xf32> to vector<16xf32>
        %parallel_loop3A_235 = arith.constant 0 : i32
        %parallel_loop3A_236 = arith.constant 0 : i32
        %parallel_loop3A_237 = tpu.memref_slice %arg8[%parallel_loop3A_180, %parallel_loop3A_235, %parallel_loop3A_236] : memref<2x40x256xf32, #tpu.memory_space<vmem>> -> memref<1x40x256xf32, #tpu.memory_space<vmem>>
        %parallel_loop3A_238 = tpu.memref_squeeze %parallel_loop3A_237 : memref<1x40x256xf32, #tpu.memory_space<vmem>> -> memref<40x256xf32, #tpu.memory_space<vmem>>
        %parallel_loop3A_239 = arith.index_cast %parallel_loop3A_188 : i32 to index
        %parallel_loop3A_240 = arith.constant 16 : index
        %parallel_loop3A_241 = tpu.vector_load %parallel_loop3A_238[%parallel_loop3A_239, %parallel_loop3A_240] {strides = array<i32>} : memref<40x256xf32, #tpu.memory_space<vmem>>, vector<1x16xf32>,
        %parallel_loop3A_242 = vector.shape_cast %parallel_loop3A_241 : vector<1x16xf32> to vector<16xf32>
        %parallel_loop3A_243 = arith.constant 0 : i32
        %parallel_loop3A_244 = arith.constant 0 : i32
        %parallel_loop3A_245 = tpu.memref_slice %arg8[%parallel_loop3A_180, %parallel_loop3A_243, %parallel_loop3A_244] : memref<2x40x256xf32, #tpu.memory_space<vmem>> -> memref<1x40x256xf32, #tpu.memory_space<vmem>>
        %parallel_loop3A_246 = tpu.memref_squeeze %parallel_loop3A_245 : memref<1x40x256xf32, #tpu.memory_space<vmem>> -> memref<40x256xf32, #tpu.memory_space<vmem>>
        %parallel_loop3A_247 = arith.index_cast %parallel_loop3A_188 : i32 to index
        %parallel_loop3A_248 = arith.constant 144 : index
        %parallel_loop3A_249 = tpu.vector_load %parallel_loop3A_246[%parallel_loop3A_247, %parallel_loop3A_248] {strides = array<i32>} : memref<40x256xf32, #tpu.memory_space<vmem>>, vector<1x16xf32>,
        %parallel_loop3A_250 = vector.shape_cast %parallel_loop3A_249 : vector<1x16xf32> to vector<16xf32>
        %parallel_loop3A_251 = arith.addf %parallel_loop3A_234, %parallel_loop3A_242 : vector<16xf32>
        %parallel_loop3A_252 = arith.constant 0.000000e+00 : f32
        %parallel_loop3A_253 = vector.broadcast %parallel_loop3A_252 : f32 to vector<16xf32>
        %parallel_loop3A_254 = arith.subf %parallel_loop3A_253, %parallel_loop3A_251 : vector<16xf32>
        %parallel_loop3A_255 = math.exp %parallel_loop3A_254 : vector<16xf32>
        %parallel_loop3A_256 = arith.constant 1.000000e+00 : f32
        %parallel_loop3A_257 = vector.broadcast %parallel_loop3A_256 : f32 to vector<16xf32>
        %parallel_loop3A_258 = arith.addf %parallel_loop3A_257, %parallel_loop3A_255 : vector<16xf32>
        %parallel_loop3A_259 = arith.divf %parallel_loop3A_250, %parallel_loop3A_258 : vector<16xf32>
        %parallel_loop3A_260 = arith.index_cast %parallel_loop3A_188 : i32 to index
        %parallel_loop3A_261 = arith.constant 16 : index
        %parallel_loop3A_262 = tpu.vector_load %arg9[%parallel_loop3A_260, %parallel_loop3A_261] {strides = array<i32>} : memref<40x128xf32, #tpu.memory_space<vmem>>, vector<1x16xf32>,
        %parallel_loop3A_263 = vector.shape_cast %parallel_loop3A_262 : vector<1x16xf32> to vector<16xf32>
        %parallel_loop3A_264 = vector.shape_cast %parallel_loop3A_259 : vector<16xf32> to vector<1x16xf32>
        tpu.vector_store %arg9[%parallel_loop3A_260, %parallel_loop3A_261], %parallel_loop3A_264 {strides = array<i32>} : memref<40x128xf32, #tpu.memory_space<vmem>>, vector<1x16xf32>,
        %parallel_loop3A_265 = arith.constant 0 : i32
        %parallel_loop3A_266 = arith.constant 0 : i32
        %parallel_loop3A_267 = tpu.memref_slice %arg7[%parallel_loop3A_179, %parallel_loop3A_265, %parallel_loop3A_266] : memref<2x40x128xf32, #tpu.memory_space<vmem>> -> memref<1x40x128xf32, #tpu.memory_space<vmem>>
        %parallel_loop3A_268 = tpu.memref_squeeze %parallel_loop3A_267 : memref<1x40x128xf32, #tpu.memory_space<vmem>> -> memref<40x128xf32, #tpu.memory_space<vmem>>
        %parallel_loop3A_269 = arith.index_cast %parallel_loop3A_188 : i32 to index
        %parallel_loop3A_270 = arith.constant 32 : index
        %parallel_loop3A_271 = tpu.vector_load %parallel_loop3A_268[%parallel_loop3A_269, %parallel_loop3A_270] {strides = array<i32>} : memref<40x128xf32, #tpu.memory_space<vmem>>, vector<1x16xf32>,
        %parallel_loop3A_272 = vector.shape_cast %parallel_loop3A_271 : vector<1x16xf32> to vector<16xf32>
        %parallel_loop3A_273 = arith.constant 0 : i32
        %parallel_loop3A_274 = arith.constant 0 : i32
        %parallel_loop3A_275 = tpu.memref_slice %arg8[%parallel_loop3A_180, %parallel_loop3A_273, %parallel_loop3A_274] : memref<2x40x256xf32, #tpu.memory_space<vmem>> -> memref<1x40x256xf32, #tpu.memory_space<vmem>>
        %parallel_loop3A_276 = tpu.memref_squeeze %parallel_loop3A_275 : memref<1x40x256xf32, #tpu.memory_space<vmem>> -> memref<40x256xf32, #tpu.memory_space<vmem>>
        %parallel_loop3A_277 = arith.index_cast %parallel_loop3A_188 : i32 to index
        %parallel_loop3A_278 = arith.constant 32 : index
        %parallel_loop3A_279 = tpu.vector_load %parallel_loop3A_276[%parallel_loop3A_277, %parallel_loop3A_278] {strides = array<i32>} : memref<40x256xf32, #tpu.memory_space<vmem>>, vector<1x16xf32>,
        %parallel_loop3A_280 = vector.shape_cast %parallel_loop3A_279 : vector<1x16xf32> to vector<16xf32>
        %parallel_loop3A_281 = arith.constant 0 : i32
        %parallel_loop3A_282 = arith.constant 0 : i32
        %parallel_loop3A_283 = tpu.memref_slice %arg8[%parallel_loop3A_180, %parallel_loop3A_281, %parallel_loop3A_282] : memref<2x40x256xf32, #tpu.memory_space<vmem>> -> memref<1x40x256xf32, #tpu.memory_space<vmem>>
        %parallel_loop3A_284 = tpu.memref_squeeze %parallel_loop3A_283 : memref<1x40x256xf32, #tpu.memory_space<vmem>> -> memref<40x256xf32, #tpu.memory_space<vmem>>
        %parallel_loop3A_285 = arith.index_cast %parallel_loop3A_188 : i32 to index
        %parallel_loop3A_286 = arith.constant 160 : index
        %parallel_loop3A_287 = tpu.vector_load %parallel_loop3A_284[%parallel_loop3A_285, %parallel_loop3A_286] {strides = array<i32>} : memref<40x256xf32, #tpu.memory_space<vmem>>, vector<1x16xf32>,
        %parallel_loop3A_288 = vector.shape_cast %parallel_loop3A_287 : vector<1x16xf32> to vector<16xf32>
        %parallel_loop3A_289 = arith.addf %parallel_loop3A_272, %parallel_loop3A_280 : vector<16xf32>
        %parallel_loop3A_290 = arith.constant 0.000000e+00 : f32
        %parallel_loop3A_291 = vector.broadcast %parallel_loop3A_290 : f32 to vector<16xf32>
        %parallel_loop3A_292 = arith.subf %parallel_loop3A_291, %parallel_loop3A_289 : vector<16xf32>
        %parallel_loop3A_293 = math.exp %parallel_loop3A_292 : vector<16xf32>
        %parallel_loop3A_294 = arith.constant 1.000000e+00 : f32
        %parallel_loop3A_295 = vector.broadcast %parallel_loop3A_294 : f32 to vector<16xf32>
        %parallel_loop3A_296 = arith.addf %parallel_loop3A_295, %parallel_loop3A_293 : vector<16xf32>
        %parallel_loop3A_297 = arith.divf %parallel_loop3A_288, %parallel_loop3A_296 : vector<16xf32>
        %parallel_loop3A_298 = arith.index_cast %parallel_loop3A_188 : i32 to index
        %parallel_loop3A_299 = arith.constant 32 : index
        %parallel_loop3A_300 = tpu.vector_load %arg9[%parallel_loop3A_298, %parallel_loop3A_299] {strides = array<i32>} : memref<40x128xf32, #tpu.memory_space<vmem>>, vector<1x16xf32>,
        %parallel_loop3A_301 = vector.shape_cast %parallel_loop3A_300 : vector<1x16xf32> to vector<16xf32>
        %parallel_loop3A_302 = vector.shape_cast %parallel_loop3A_297 : vector<16xf32> to vector<1x16xf32>
        tpu.vector_store %arg9[%parallel_loop3A_298, %parallel_loop3A_299], %parallel_loop3A_302 {strides = array<i32>} : memref<40x128xf32, #tpu.memory_space<vmem>>, vector<1x16xf32>,
        %parallel_loop3A_303 = arith.constant 0 : i32
        %parallel_loop3A_304 = arith.constant 0 : i32
        %parallel_loop3A_305 = tpu.memref_slice %arg7[%parallel_loop3A_179, %parallel_loop3A_303, %parallel_loop3A_304] : memref<2x40x128xf32, #tpu.memory_space<vmem>> -> memref<1x40x128xf32, #tpu.memory_space<vmem>>
        %parallel_loop3A_306 = tpu.memref_squeeze %parallel_loop3A_305 : memref<1x40x128xf32, #tpu.memory_space<vmem>> -> memref<40x128xf32, #tpu.memory_space<vmem>>
        %parallel_loop3A_307 = arith.index_cast %parallel_loop3A_188 : i32 to index
        %parallel_loop3A_308 = arith.constant 48 : index
        %parallel_loop3A_309 = tpu.vector_load %parallel_loop3A_306[%parallel_loop3A_307, %parallel_loop3A_308] {strides = array<i32>} : memref<40x128xf32, #tpu.memory_space<vmem>>, vector<1x16xf32>,
        %parallel_loop3A_310 = vector.shape_cast %parallel_loop3A_309 : vector<1x16xf32> to vector<16xf32>
        %parallel_loop3A_311 = arith.constant 0 : i32
        %parallel_loop3A_312 = arith.constant 0 : i32
        %parallel_loop3A_313 = tpu.memref_slice %arg8[%parallel_loop3A_180, %parallel_loop3A_311, %parallel_loop3A_312] : memref<2x40x256xf32, #tpu.memory_space<vmem>> -> memref<1x40x256xf32, #tpu.memory_space<vmem>>
        %parallel_loop3A_314 = tpu.memref_squeeze %parallel_loop3A_313 : memref<1x40x256xf32, #tpu.memory_space<vmem>> -> memref<40x256xf32, #tpu.memory_space<vmem>>
        %parallel_loop3A_315 = arith.index_cast %parallel_loop3A_188 : i32 to index
        %parallel_loop3A_316 = arith.constant 48 : index
        %parallel_loop3A_317 = tpu.vector_load %parallel_loop3A_314[%parallel_loop3A_315, %parallel_loop3A_316] {strides = array<i32>} : memref<40x256xf32, #tpu.memory_space<vmem>>, vector<1x16xf32>,
        %parallel_loop3A_318 = vector.shape_cast %parallel_loop3A_317 : vector<1x16xf32> to vector<16xf32>
        %parallel_loop3A_319 = arith.constant 0 : i32
        %parallel_loop3A_320 = arith.constant 0 : i32
        %parallel_loop3A_321 = tpu.memref_slice %arg8[%parallel_loop3A_180, %parallel_loop3A_319, %parallel_loop3A_320] : memref<2x40x256xf32, #tpu.memory_space<vmem>> -> memref<1x40x256xf32, #tpu.memory_space<vmem>>
        %parallel_loop3A_322 = tpu.memref_squeeze %parallel_loop3A_321 : memref<1x40x256xf32, #tpu.memory_space<vmem>> -> memref<40x256xf32, #tpu.memory_space<vmem>>
        %parallel_loop3A_323 = arith.index_cast %parallel_loop3A_188 : i32 to index
        %parallel_loop3A_324 = arith.constant 176 : index
        %parallel_loop3A_325 = tpu.vector_load %parallel_loop3A_322[%parallel_loop3A_323, %parallel_loop3A_324] {strides = array<i32>} : memref<40x256xf32, #tpu.memory_space<vmem>>, vector<1x16xf32>,
        %parallel_loop3A_326 = vector.shape_cast %parallel_loop3A_325 : vector<1x16xf32> to vector<16xf32>
        %parallel_loop3A_327 = arith.addf %parallel_loop3A_310, %parallel_loop3A_318 : vector<16xf32>
        %parallel_loop3A_328 = arith.constant 0.000000e+00 : f32
        %parallel_loop3A_329 = vector.broadcast %parallel_loop3A_328 : f32 to vector<16xf32>
        %parallel_loop3A_330 = arith.subf %parallel_loop3A_329, %parallel_loop3A_327 : vector<16xf32>
        %parallel_loop3A_331 = math.exp %parallel_loop3A_330 : vector<16xf32>
        %parallel_loop3A_332 = arith.constant 1.000000e+00 : f32
        %parallel_loop3A_333 = vector.broadcast %parallel_loop3A_332 : f32 to vector<16xf32>
        %parallel_loop3A_334 = arith.addf %parallel_loop3A_333, %parallel_loop3A_331 : vector<16xf32>
        %parallel_loop3A_335 = arith.divf %parallel_loop3A_326, %parallel_loop3A_334 : vector<16xf32>
        %parallel_loop3A_336 = arith.index_cast %parallel_loop3A_188 : i32 to index
        %parallel_loop3A_337 = arith.constant 48 : index
        %parallel_loop3A_338 = tpu.vector_load %arg9[%parallel_loop3A_336, %parallel_loop3A_337] {strides = array<i32>} : memref<40x128xf32, #tpu.memory_space<vmem>>, vector<1x16xf32>,
        %parallel_loop3A_339 = vector.shape_cast %parallel_loop3A_338 : vector<1x16xf32> to vector<16xf32>
        %parallel_loop3A_340 = vector.shape_cast %parallel_loop3A_335 : vector<16xf32> to vector<1x16xf32>
        tpu.vector_store %arg9[%parallel_loop3A_336, %parallel_loop3A_337], %parallel_loop3A_340 {strides = array<i32>} : memref<40x128xf32, #tpu.memory_space<vmem>>, vector<1x16xf32>,
        %parallel_loop3A_341 = arith.constant 0 : i32
        %parallel_loop3A_342 = arith.constant 0 : i32
        %parallel_loop3A_343 = tpu.memref_slice %arg7[%parallel_loop3A_179, %parallel_loop3A_341, %parallel_loop3A_342] : memref<2x40x128xf32, #tpu.memory_space<vmem>> -> memref<1x40x128xf32, #tpu.memory_space<vmem>>
        %parallel_loop3A_344 = tpu.memref_squeeze %parallel_loop3A_343 : memref<1x40x128xf32, #tpu.memory_space<vmem>> -> memref<40x128xf32, #tpu.memory_space<vmem>>
        %parallel_loop3A_345 = arith.index_cast %parallel_loop3A_188 : i32 to index
        %parallel_loop3A_346 = arith.constant 64 : index
        %parallel_loop3A_347 = tpu.vector_load %parallel_loop3A_344[%parallel_loop3A_345, %parallel_loop3A_346] {strides = array<i32>} : memref<40x128xf32, #tpu.memory_space<vmem>>, vector<1x16xf32>,
        %parallel_loop3A_348 = vector.shape_cast %parallel_loop3A_347 : vector<1x16xf32> to vector<16xf32>
        %parallel_loop3A_349 = arith.constant 0 : i32
        %parallel_loop3A_350 = arith.constant 0 : i32
        %parallel_loop3A_351 = tpu.memref_slice %arg8[%parallel_loop3A_180, %parallel_loop3A_349, %parallel_loop3A_350] : memref<2x40x256xf32, #tpu.memory_space<vmem>> -> memref<1x40x256xf32, #tpu.memory_space<vmem>>
        %parallel_loop3A_352 = tpu.memref_squeeze %parallel_loop3A_351 : memref<1x40x256xf32, #tpu.memory_space<vmem>> -> memref<40x256xf32, #tpu.memory_space<vmem>>
        %parallel_loop3A_353 = arith.index_cast %parallel_loop3A_188 : i32 to index
        %parallel_loop3A_354 = arith.constant 64 : index
        %parallel_loop3A_355 = tpu.vector_load %parallel_loop3A_352[%parallel_loop3A_353, %parallel_loop3A_354] {strides = array<i32>} : memref<40x256xf32, #tpu.memory_space<vmem>>, vector<1x16xf32>,
        %parallel_loop3A_356 = vector.shape_cast %parallel_loop3A_355 : vector<1x16xf32> to vector<16xf32>
        %parallel_loop3A_357 = arith.constant 0 : i32
        %parallel_loop3A_358 = arith.constant 0 : i32
        %parallel_loop3A_359 = tpu.memref_slice %arg8[%parallel_loop3A_180, %parallel_loop3A_357, %parallel_loop3A_358] : memref<2x40x256xf32, #tpu.memory_space<vmem>> -> memref<1x40x256xf32, #tpu.memory_space<vmem>>
        %parallel_loop3A_360 = tpu.memref_squeeze %parallel_loop3A_359 : memref<1x40x256xf32, #tpu.memory_space<vmem>> -> memref<40x256xf32, #tpu.memory_space<vmem>>
        %parallel_loop3A_361 = arith.index_cast %parallel_loop3A_188 : i32 to index
        %parallel_loop3A_362 = arith.constant 192 : index
        %parallel_loop3A_363 = tpu.vector_load %parallel_loop3A_360[%parallel_loop3A_361, %parallel_loop3A_362] {strides = array<i32>} : memref<40x256xf32, #tpu.memory_space<vmem>>, vector<1x16xf32>,
        %parallel_loop3A_364 = vector.shape_cast %parallel_loop3A_363 : vector<1x16xf32> to vector<16xf32>
        %parallel_loop3A_365 = arith.addf %parallel_loop3A_348, %parallel_loop3A_356 : vector<16xf32>
        %parallel_loop3A_366 = arith.constant 0.000000e+00 : f32
        %parallel_loop3A_367 = vector.broadcast %parallel_loop3A_366 : f32 to vector<16xf32>
        %parallel_loop3A_368 = arith.subf %parallel_loop3A_367, %parallel_loop3A_365 : vector<16xf32>
        %parallel_loop3A_369 = math.exp %parallel_loop3A_368 : vector<16xf32>
        %parallel_loop3A_370 = arith.constant 1.000000e+00 : f32
        %parallel_loop3A_371 = vector.broadcast %parallel_loop3A_370 : f32 to vector<16xf32>
        %parallel_loop3A_372 = arith.addf %parallel_loop3A_371, %parallel_loop3A_369 : vector<16xf32>
        %parallel_loop3A_373 = arith.divf %parallel_loop3A_364, %parallel_loop3A_372 : vector<16xf32>
        %parallel_loop3A_374 = arith.index_cast %parallel_loop3A_188 : i32 to index
        %parallel_loop3A_375 = arith.constant 64 : index
        %parallel_loop3A_376 = tpu.vector_load %arg9[%parallel_loop3A_374, %parallel_loop3A_375] {strides = array<i32>} : memref<40x128xf32, #tpu.memory_space<vmem>>, vector<1x16xf32>,
        %parallel_loop3A_377 = vector.shape_cast %parallel_loop3A_376 : vector<1x16xf32> to vector<16xf32>
        %parallel_loop3A_378 = vector.shape_cast %parallel_loop3A_373 : vector<16xf32> to vector<1x16xf32>
        tpu.vector_store %arg9[%parallel_loop3A_374, %parallel_loop3A_375], %parallel_loop3A_378 {strides = array<i32>} : memref<40x128xf32, #tpu.memory_space<vmem>>, vector<1x16xf32>,
        %parallel_loop3A_379 = arith.constant 0 : i32
        %parallel_loop3A_380 = arith.constant 0 : i32
        %parallel_loop3A_381 = tpu.memref_slice %arg7[%parallel_loop3A_179, %parallel_loop3A_379, %parallel_loop3A_380] : memref<2x40x128xf32, #tpu.memory_space<vmem>> -> memref<1x40x128xf32, #tpu.memory_space<vmem>>
        %parallel_loop3A_382 = tpu.memref_squeeze %parallel_loop3A_381 : memref<1x40x128xf32, #tpu.memory_space<vmem>> -> memref<40x128xf32, #tpu.memory_space<vmem>>
        %parallel_loop3A_383 = arith.index_cast %parallel_loop3A_188 : i32 to index
        %parallel_loop3A_384 = arith.constant 80 : index
        %parallel_loop3A_385 = tpu.vector_load %parallel_loop3A_382[%parallel_loop3A_383, %parallel_loop3A_384] {strides = array<i32>} : memref<40x128xf32, #tpu.memory_space<vmem>>, vector<1x16xf32>,
        %parallel_loop3A_386 = vector.shape_cast %parallel_loop3A_385 : vector<1x16xf32> to vector<16xf32>
        %parallel_loop3A_387 = arith.constant 0 : i32
        %parallel_loop3A_388 = arith.constant 0 : i32
        %parallel_loop3A_389 = tpu.memref_slice %arg8[%parallel_loop3A_180, %parallel_loop3A_387, %parallel_loop3A_388] : memref<2x40x256xf32, #tpu.memory_space<vmem>> -> memref<1x40x256xf32, #tpu.memory_space<vmem>>
        %parallel_loop3A_390 = tpu.memref_squeeze %parallel_loop3A_389 : memref<1x40x256xf32, #tpu.memory_space<vmem>> -> memref<40x256xf32, #tpu.memory_space<vmem>>
        %parallel_loop3A_391 = arith.index_cast %parallel_loop3A_188 : i32 to index
        %parallel_loop3A_392 = arith.constant 80 : index
        %parallel_loop3A_393 = tpu.vector_load %parallel_loop3A_390[%parallel_loop3A_391, %parallel_loop3A_392] {strides = array<i32>} : memref<40x256xf32, #tpu.memory_space<vmem>>, vector<1x16xf32>,
        %parallel_loop3A_394 = vector.shape_cast %parallel_loop3A_393 : vector<1x16xf32> to vector<16xf32>
        %parallel_loop3A_395 = arith.constant 0 : i32
        %parallel_loop3A_396 = arith.constant 0 : i32
        %parallel_loop3A_397 = tpu.memref_slice %arg8[%parallel_loop3A_180, %parallel_loop3A_395, %parallel_loop3A_396] : memref<2x40x256xf32, #tpu.memory_space<vmem>> -> memref<1x40x256xf32, #tpu.memory_space<vmem>>
        %parallel_loop3A_398 = tpu.memref_squeeze %parallel_loop3A_397 : memref<1x40x256xf32, #tpu.memory_space<vmem>> -> memref<40x256xf32, #tpu.memory_space<vmem>>
        %parallel_loop3A_399 = arith.index_cast %parallel_loop3A_188 : i32 to index
        %parallel_loop3A_400 = arith.constant 208 : index
        %parallel_loop3A_401 = tpu.vector_load %parallel_loop3A_398[%parallel_loop3A_399, %parallel_loop3A_400] {strides = array<i32>} : memref<40x256xf32, #tpu.memory_space<vmem>>, vector<1x16xf32>,
        %parallel_loop3A_402 = vector.shape_cast %parallel_loop3A_401 : vector<1x16xf32> to vector<16xf32>
        %parallel_loop3A_403 = arith.addf %parallel_loop3A_386, %parallel_loop3A_394 : vector<16xf32>
        %parallel_loop3A_404 = arith.constant 0.000000e+00 : f32
        %parallel_loop3A_405 = vector.broadcast %parallel_loop3A_404 : f32 to vector<16xf32>
        %parallel_loop3A_406 = arith.subf %parallel_loop3A_405, %parallel_loop3A_403 : vector<16xf32>
        %parallel_loop3A_407 = math.exp %parallel_loop3A_406 : vector<16xf32>
        %parallel_loop3A_408 = arith.constant 1.000000e+00 : f32
        %parallel_loop3A_409 = vector.broadcast %parallel_loop3A_408 : f32 to vector<16xf32>
        %parallel_loop3A_410 = arith.addf %parallel_loop3A_409, %parallel_loop3A_407 : vector<16xf32>
        %parallel_loop3A_411 = arith.divf %parallel_loop3A_402, %parallel_loop3A_410 : vector<16xf32>
        %parallel_loop3A_412 = arith.index_cast %parallel_loop3A_188 : i32 to index
        %parallel_loop3A_413 = arith.constant 80 : index
        %parallel_loop3A_414 = tpu.vector_load %arg9[%parallel_loop3A_412, %parallel_loop3A_413] {strides = array<i32>} : memref<40x128xf32, #tpu.memory_space<vmem>>, vector<1x16xf32>,
        %parallel_loop3A_415 = vector.shape_cast %parallel_loop3A_414 : vector<1x16xf32> to vector<16xf32>
        %parallel_loop3A_416 = vector.shape_cast %parallel_loop3A_411 : vector<16xf32> to vector<1x16xf32>
        tpu.vector_store %arg9[%parallel_loop3A_412, %parallel_loop3A_413], %parallel_loop3A_416 {strides = array<i32>} : memref<40x128xf32, #tpu.memory_space<vmem>>, vector<1x16xf32>,
        %parallel_loop3A_417 = arith.constant 0 : i32
        %parallel_loop3A_418 = arith.constant 0 : i32
        %parallel_loop3A_419 = tpu.memref_slice %arg7[%parallel_loop3A_179, %parallel_loop3A_417, %parallel_loop3A_418] : memref<2x40x128xf32, #tpu.memory_space<vmem>> -> memref<1x40x128xf32, #tpu.memory_space<vmem>>
        %parallel_loop3A_420 = tpu.memref_squeeze %parallel_loop3A_419 : memref<1x40x128xf32, #tpu.memory_space<vmem>> -> memref<40x128xf32, #tpu.memory_space<vmem>>
        %parallel_loop3A_421 = arith.index_cast %parallel_loop3A_188 : i32 to index
        %parallel_loop3A_422 = arith.constant 96 : index
        %parallel_loop3A_423 = tpu.vector_load %parallel_loop3A_420[%parallel_loop3A_421, %parallel_loop3A_422] {strides = array<i32>} : memref<40x128xf32, #tpu.memory_space<vmem>>, vector<1x16xf32>,
        %parallel_loop3A_424 = vector.shape_cast %parallel_loop3A_423 : vector<1x16xf32> to vector<16xf32>
        %parallel_loop3A_425 = arith.constant 0 : i32
        %parallel_loop3A_426 = arith.constant 0 : i32
        %parallel_loop3A_427 = tpu.memref_slice %arg8[%parallel_loop3A_180, %parallel_loop3A_425, %parallel_loop3A_426] : memref<2x40x256xf32, #tpu.memory_space<vmem>> -> memref<1x40x256xf32, #tpu.memory_space<vmem>>
        %parallel_loop3A_428 = tpu.memref_squeeze %parallel_loop3A_427 : memref<1x40x256xf32, #tpu.memory_space<vmem>> -> memref<40x256xf32, #tpu.memory_space<vmem>>
        %parallel_loop3A_429 = arith.index_cast %parallel_loop3A_188 : i32 to index
        %parallel_loop3A_430 = arith.constant 96 : index
        %parallel_loop3A_431 = tpu.vector_load %parallel_loop3A_428[%parallel_loop3A_429, %parallel_loop3A_430] {strides = array<i32>} : memref<40x256xf32, #tpu.memory_space<vmem>>, vector<1x16xf32>,
        %parallel_loop3A_432 = vector.shape_cast %parallel_loop3A_431 : vector<1x16xf32> to vector<16xf32>
        %parallel_loop3A_433 = arith.constant 0 : i32
        %parallel_loop3A_434 = arith.constant 0 : i32
        %parallel_loop3A_435 = tpu.memref_slice %arg8[%parallel_loop3A_180, %parallel_loop3A_433, %parallel_loop3A_434] : memref<2x40x256xf32, #tpu.memory_space<vmem>> -> memref<1x40x256xf32, #tpu.memory_space<vmem>>
        %parallel_loop3A_436 = tpu.memref_squeeze %parallel_loop3A_435 : memref<1x40x256xf32, #tpu.memory_space<vmem>> -> memref<40x256xf32, #tpu.memory_space<vmem>>
        %parallel_loop3A_437 = arith.index_cast %parallel_loop3A_188 : i32 to index
        %parallel_loop3A_438 = arith.constant 224 : index
        %parallel_loop3A_439 = tpu.vector_load %parallel_loop3A_436[%parallel_loop3A_437, %parallel_loop3A_438] {strides = array<i32>} : memref<40x256xf32, #tpu.memory_space<vmem>>, vector<1x16xf32>,
        %parallel_loop3A_440 = vector.shape_cast %parallel_loop3A_439 : vector<1x16xf32> to vector<16xf32>
        %parallel_loop3A_441 = arith.addf %parallel_loop3A_424, %parallel_loop3A_432 : vector<16xf32>
        %parallel_loop3A_442 = arith.constant 0.000000e+00 : f32
        %parallel_loop3A_443 = vector.broadcast %parallel_loop3A_442 : f32 to vector<16xf32>
        %parallel_loop3A_444 = arith.subf %parallel_loop3A_443, %parallel_loop3A_441 : vector<16xf32>
        %parallel_loop3A_445 = math.exp %parallel_loop3A_444 : vector<16xf32>
        %parallel_loop3A_446 = arith.constant 1.000000e+00 : f32
        %parallel_loop3A_447 = vector.broadcast %parallel_loop3A_446 : f32 to vector<16xf32>
        %parallel_loop3A_448 = arith.addf %parallel_loop3A_447, %parallel_loop3A_445 : vector<16xf32>
        %parallel_loop3A_449 = arith.divf %parallel_loop3A_440, %parallel_loop3A_448 : vector<16xf32>
        %parallel_loop3A_450 = arith.index_cast %parallel_loop3A_188 : i32 to index
        %parallel_loop3A_451 = arith.constant 96 : index
        %parallel_loop3A_452 = tpu.vector_load %arg9[%parallel_loop3A_450, %parallel_loop3A_451] {strides = array<i32>} : memref<40x128xf32, #tpu.memory_space<vmem>>, vector<1x16xf32>,
        %parallel_loop3A_453 = vector.shape_cast %parallel_loop3A_452 : vector<1x16xf32> to vector<16xf32>
        %parallel_loop3A_454 = vector.shape_cast %parallel_loop3A_449 : vector<16xf32> to vector<1x16xf32>
        tpu.vector_store %arg9[%parallel_loop3A_450, %parallel_loop3A_451], %parallel_loop3A_454 {strides = array<i32>} : memref<40x128xf32, #tpu.memory_space<vmem>>, vector<1x16xf32>,
        %parallel_loop3A_455 = arith.constant 0 : i32
        %parallel_loop3A_456 = arith.constant 0 : i32
        %parallel_loop3A_457 = tpu.memref_slice %arg7[%parallel_loop3A_179, %parallel_loop3A_455, %parallel_loop3A_456] : memref<2x40x128xf32, #tpu.memory_space<vmem>> -> memref<1x40x128xf32, #tpu.memory_space<vmem>>
        %parallel_loop3A_458 = tpu.memref_squeeze %parallel_loop3A_457 : memref<1x40x128xf32, #tpu.memory_space<vmem>> -> memref<40x128xf32, #tpu.memory_space<vmem>>
        %parallel_loop3A_459 = arith.index_cast %parallel_loop3A_188 : i32 to index
        %parallel_loop3A_460 = arith.constant 112 : index
        %parallel_loop3A_461 = tpu.vector_load %parallel_loop3A_458[%parallel_loop3A_459, %parallel_loop3A_460] {strides = array<i32>} : memref<40x128xf32, #tpu.memory_space<vmem>>, vector<1x16xf32>,
        %parallel_loop3A_462 = vector.shape_cast %parallel_loop3A_461 : vector<1x16xf32> to vector<16xf32>
        %parallel_loop3A_463 = arith.constant 0 : i32
        %parallel_loop3A_464 = arith.constant 0 : i32
        %parallel_loop3A_465 = tpu.memref_slice %arg8[%parallel_loop3A_180, %parallel_loop3A_463, %parallel_loop3A_464] : memref<2x40x256xf32, #tpu.memory_space<vmem>> -> memref<1x40x256xf32, #tpu.memory_space<vmem>>
        %parallel_loop3A_466 = tpu.memref_squeeze %parallel_loop3A_465 : memref<1x40x256xf32, #tpu.memory_space<vmem>> -> memref<40x256xf32, #tpu.memory_space<vmem>>
        %parallel_loop3A_467 = arith.index_cast %parallel_loop3A_188 : i32 to index
        %parallel_loop3A_468 = arith.constant 112 : index
        %parallel_loop3A_469 = tpu.vector_load %parallel_loop3A_466[%parallel_loop3A_467, %parallel_loop3A_468] {strides = array<i32>} : memref<40x256xf32, #tpu.memory_space<vmem>>, vector<1x16xf32>,
        %parallel_loop3A_470 = vector.shape_cast %parallel_loop3A_469 : vector<1x16xf32> to vector<16xf32>
        %parallel_loop3A_471 = arith.constant 0 : i32
        %parallel_loop3A_472 = arith.constant 0 : i32
        %parallel_loop3A_473 = tpu.memref_slice %arg8[%parallel_loop3A_180, %parallel_loop3A_471, %parallel_loop3A_472] : memref<2x40x256xf32, #tpu.memory_space<vmem>> -> memref<1x40x256xf32, #tpu.memory_space<vmem>>
        %parallel_loop3A_474 = tpu.memref_squeeze %parallel_loop3A_473 : memref<1x40x256xf32, #tpu.memory_space<vmem>> -> memref<40x256xf32, #tpu.memory_space<vmem>>
        %parallel_loop3A_475 = arith.index_cast %parallel_loop3A_188 : i32 to index
        %parallel_loop3A_476 = arith.constant 240 : index
        %parallel_loop3A_477 = tpu.vector_load %parallel_loop3A_474[%parallel_loop3A_475, %parallel_loop3A_476] {strides = array<i32>} : memref<40x256xf32, #tpu.memory_space<vmem>>, vector<1x16xf32>,
        %parallel_loop3A_478 = vector.shape_cast %parallel_loop3A_477 : vector<1x16xf32> to vector<16xf32>
        %parallel_loop3A_479 = arith.addf %parallel_loop3A_462, %parallel_loop3A_470 : vector<16xf32>
        %parallel_loop3A_480 = arith.constant 0.000000e+00 : f32
        %parallel_loop3A_481 = vector.broadcast %parallel_loop3A_480 : f32 to vector<16xf32>
        %parallel_loop3A_482 = arith.subf %parallel_loop3A_481, %parallel_loop3A_479 : vector<16xf32>
        %parallel_loop3A_483 = math.exp %parallel_loop3A_482 : vector<16xf32>
        %parallel_loop3A_484 = arith.constant 1.000000e+00 : f32
        %parallel_loop3A_485 = vector.broadcast %parallel_loop3A_484 : f32 to vector<16xf32>
        %parallel_loop3A_486 = arith.addf %parallel_loop3A_485, %parallel_loop3A_483 : vector<16xf32>
        %parallel_loop3A_487 = arith.divf %parallel_loop3A_478, %parallel_loop3A_486 : vector<16xf32>
        %parallel_loop3A_488 = arith.index_cast %parallel_loop3A_188 : i32 to index
        %parallel_loop3A_489 = arith.constant 112 : index
        %parallel_loop3A_490 = tpu.vector_load %arg9[%parallel_loop3A_488, %parallel_loop3A_489] {strides = array<i32>} : memref<40x128xf32, #tpu.memory_space<vmem>>, vector<1x16xf32>,
        %parallel_loop3A_491 = vector.shape_cast %parallel_loop3A_490 : vector<1x16xf32> to vector<16xf32>
        %parallel_loop3A_492 = vector.shape_cast %parallel_loop3A_487 : vector<16xf32> to vector<1x16xf32>
        tpu.vector_store %arg9[%parallel_loop3A_488, %parallel_loop3A_489], %parallel_loop3A_492 {strides = array<i32>} : memref<40x128xf32, #tpu.memory_space<vmem>>, vector<1x16xf32>,
      } {sc.loop_unroll_factor = 4 : i64, sc.parallel_access}
      %run_scoped3A_181 = arith.constant 1 : i32
      "tpu.region"() ({
        %run_scoped3A_188 = tpu.sem_alloc : memref<!tpu.dma_semaphore, #tpu.memory_space<semaphore_mem>>
        %dma_start3A_189 = arith.constant 0 : i32
        %dma_start3A_190 = tpu.memref_slice %arg6[%run_scoped3A_181, %rem3A_175, %dma_start3A_189] : memref<2x50x40xi32, #tpu.memory_space<vmem>> -> memref<1x1x40xi32, #tpu.memory_space<vmem>>
        %dma_start3A_191 = tpu.memref_squeeze %dma_start3A_190 : memref<1x1x40xi32, #tpu.memory_space<vmem>> -> memref<40xi32, #tpu.memory_space<vmem>>
        %dma_start3A_192 = arith.constant 0 : i32
        %dma_start3A_193 = arith.constant 0 : i32
        %dma_start3A_194 = tpu.memref_slice %arg10[%dma_start3A_192, %dma_start3A_193] : memref<10000x128xf32, #tpu.memory_space<vmem_shared>> -> memref<10000x128xf32, #tpu.memory_space<vmem_shared>>
        tpu.enqueue_indirect_dma source(%arg9 : memref<40x128xf32, #tpu.memory_space<vmem>>) target(%dma_start3A_194 : memref<10000x128xf32, #tpu.memory_space<vmem_shared>>) offsets(%dma_start3A_191 : memref<40xi32, #tpu.memory_space<vmem>>) semaphore(%run_scoped3A_188 : memref<!tpu.dma_semaphore, #tpu.memory_space<semaphore_mem>>) {add = true}
        %dma_wait3A_195 = arith.constant 0 : i32
        %dma_wait3A_196 = tpu.memref_slice %arg6[%run_scoped3A_181, %rem3A_175, %dma_wait3A_195] : memref<2x50x40xi32, #tpu.memory_space<vmem>> -> memref<1x1x40xi32, #tpu.memory_space<vmem>>
        %dma_wait3A_197 = tpu.memref_squeeze %dma_wait3A_196 : memref<1x1x40xi32, #tpu.memory_space<vmem>> -> memref<40xi32, #tpu.memory_space<vmem>>
        %dma_wait3A_198 = arith.constant 0 : i32
        %dma_wait3A_199 = arith.constant 0 : i32
        %dma_wait3A_200 = tpu.memref_slice %arg10[%dma_wait3A_198, %dma_wait3A_199] : memref<10000x128xf32, #tpu.memory_space<vmem_shared>> -> memref<10000x128xf32, #tpu.memory_space<vmem_shared>>
        tpu.wait_indirect_dma semaphore(%run_scoped3A_188 : memref<!tpu.dma_semaphore, #tpu.memory_space<semaphore_mem>>) src(%arg9 : memref<40x128xf32, #tpu.memory_space<vmem>>) dst(%dma_wait3A_200 : memref<10000x128xf32, #tpu.memory_space<vmem_shared>>)
        tpu.yield
      }) : () -> ()
      %lt3A_182 = arith.constant 250 : i32
      %lt3A_183 = arith.cmpi slt, %add3A_83, %lt3A_182 : i32
      %and3A_184 = arith.andi %eq3A_144, %lt3A_183 : i1
      %convert_element_type3A_185 = arith.extui %and3A_184 : i1 to i32
      %cond3A_186 = arith.constant 0 : i32
      %cond3A_187 = arith.cmpi ne, %convert_element_type3A_185, %cond3A_186 : i32
      scf.if %cond3A_187 {
        %div3A = arith.constant 50 : i32
        %div3A_188 = arith.divsi %add3A_83, %div3A : i32
        "tpu.region"() ({
          %run_scoped3A_215 = tpu.sem_alloc : memref<!tpu.dma_semaphore, #tpu.memory_space<semaphore_mem>>
          %dma_start3A_216 = arith.constant 0 : i32
          %dma_start3A_217 = arith.constant 0 : i32
          %dma_start3A_218 = arith.constant 0 : i32
          %dma_start3A_219 = tpu.memref_slice %arg4[%dma_start3A_216, %add3A, %div3A_188, %dma_start3A_217, %dma_start3A_218] : memref<2x32x5x50x40xi32, #tpu.memory_space<hbm>> -> memref<2x1x1x50x40xi32, #tpu.memory_space<hbm>>
          %dma_start3A_220 = tpu.memref_squeeze %dma_start3A_219 : memref<2x1x1x50x40xi32, #tpu.memory_space<hbm>> -> memref<2x50x40xi32, #tpu.memory_space<hbm>>
          %dma_start3A_221 = arith.constant 0 : i32
          %dma_start3A_222 = arith.constant 0 : i32
          %dma_start3A_223 = arith.constant 0 : i32
          %dma_start3A_224 = tpu.memref_slice %arg4[%dma_start3A_221, %add3A, %div3A_188, %dma_start3A_222, %dma_start3A_223] : memref<2x32x5x50x40xi32, #tpu.memory_space<hbm>> -> memref<2x1x1x50x40xi32, #tpu.memory_space<hbm>>
          %dma_start3A_225 = tpu.memref_squeeze %dma_start3A_224 : memref<2x1x1x50x40xi32, #tpu.memory_space<hbm>> -> memref<2x50x40xi32, #tpu.memory_space<hbm>>
          tpu.enqueue_dma source(%dma_start3A_225 : memref<2x50x40xi32, #tpu.memory_space<hbm>>) target(%arg6 : memref<2x50x40xi32, #tpu.memory_space<vmem>>) target_semaphore(%run_scoped3A_215 : memref<!tpu.dma_semaphore, #tpu.memory_space<semaphore_mem>>)
          %dma_wait3A_226 = arith.constant 0 : i32
          %dma_wait3A_227 = arith.constant 0 : i32
          %dma_wait3A_228 = arith.constant 0 : i32
          %dma_wait3A_229 = tpu.memref_slice %arg4[%dma_wait3A_226, %add3A, %div3A_188, %dma_wait3A_227, %dma_wait3A_228] : memref<2x32x5x50x40xi32, #tpu.memory_space<hbm>> -> memref<2x1x1x50x40xi32, #tpu.memory_space<hbm>>
          %dma_wait3A_230 = tpu.memref_squeeze %dma_wait3A_229 : memref<2x1x1x50x40xi32, #tpu.memory_space<hbm>> -> memref<2x50x40xi32, #tpu.memory_space<hbm>>
          %dma_wait3A_231 = arith.constant 0 : i32
          %dma_wait3A_232 = arith.constant 0 : i32
          %dma_wait3A_233 = arith.constant 0 : i32
          %dma_wait3A_234 = tpu.memref_slice %arg4[%dma_wait3A_231, %add3A, %div3A_188, %dma_wait3A_232, %dma_wait3A_233] : memref<2x32x5x50x40xi32, #tpu.memory_space<hbm>> -> memref<2x1x1x50x40xi32, #tpu.memory_space<hbm>>
          %dma_wait3A_235 = tpu.memref_squeeze %dma_wait3A_234 : memref<2x1x1x50x40xi32, #tpu.memory_space<hbm>> -> memref<2x50x40xi32, #tpu.memory_space<hbm>>
          tpu.wait_dma2 semaphore(%run_scoped3A_215 : memref<!tpu.dma_semaphore, #tpu.memory_space<semaphore_mem>>) src(%dma_wait3A_235 : memref<2x50x40xi32, #tpu.memory_space<hbm>>) dst(%arg6 : memref<2x50x40xi32, #tpu.memory_space<vmem>>)
          tpu.yield
        }) : () -> ()
        %rem3A_189 = arith.constant 50 : i32
        %rem3A_190 = arith.remsi %add3A_83, %rem3A_189 : i32
        %dma_start3A_191 = arith.constant 1 : i32
        %dma_start3A_192 = arith.constant 0 : i32
        %dma_start3A_193 = arith.constant 0 : i32
        %dma_start3A_194 = arith.constant 0 : i32
        %dma_start3A_195 = tpu.memref_slice %arg7[%dma_start3A_192, %dma_start3A_193, %dma_start3A_194] : memref<2x40x128xf32, #tpu.memory_space<vmem>> -> memref<1x40x128xf32, #tpu.memory_space<vmem>>
        %dma_start3A_196 = tpu.memref_squeeze %dma_start3A_195 : memref<1x40x128xf32, #tpu.memory_space<vmem>> -> memref<40x128xf32, #tpu.memory_space<vmem>>
        %dma_start3A_197 = arith.constant 0 : i32
        %dma_start3A_198 = tpu.memref_slice %arg6[%dma_start3A_191, %rem3A_190, %dma_start3A_197] : memref<2x50x40xi32, #tpu.memory_space<vmem>> -> memref<1x1x40xi32, #tpu.memory_space<vmem>>
        %dma_start3A_199 = tpu.memref_squeeze %dma_start3A_198 : memref<1x1x40xi32, #tpu.memory_space<vmem>> -> memref<40xi32, #tpu.memory_space<vmem>>
        %dma_start3A_200 = arith.constant 0 : i32
        %dma_start3A_201 = arith.constant 0 : i32
        %dma_start3A_202 = tpu.memref_slice %arg2[%dma_start3A_200, %dma_start3A_201] : memref<10000x128xf32, #tpu.memory_space<hbm>> -> memref<10000x128xf32, #tpu.memory_space<hbm>>
        tpu.enqueue_indirect_dma source(%dma_start3A_202 : memref<10000x128xf32, #tpu.memory_space<hbm>>) target(%dma_start3A_196 : memref<40x128xf32, #tpu.memory_space<vmem>>) offsets(%dma_start3A_199 : memref<40xi32, #tpu.memory_space<vmem>>) semaphore(%arg11 : memref<!tpu.dma_semaphore, #tpu.memory_space<semaphore_mem>>)
        %dma_start3A_203 = arith.constant 0 : i32
        %dma_start3A_204 = arith.constant 0 : i32
        %dma_start3A_205 = arith.constant 0 : i32
        %dma_start3A_206 = arith.constant 0 : i32
        %dma_start3A_207 = tpu.memref_slice %arg8[%dma_start3A_204, %dma_start3A_205, %dma_start3A_206] : memref<2x40x256xf32, #tpu.memory_space<vmem>> -> memref<1x40x256xf32, #tpu.memory_space<vmem>>
        %dma_start3A_208 = tpu.memref_squeeze %dma_start3A_207 : memref<1x40x256xf32, #tpu.memory_space<vmem>> -> memref<40x256xf32, #tpu.memory_space<vmem>>
        %dma_start3A_209 = arith.constant 0 : i32
        %dma_start3A_210 = tpu.memref_slice %arg6[%dma_start3A_203, %rem3A_190, %dma_start3A_209] : memref<2x50x40xi32, #tpu.memory_space<vmem>> -> memref<1x1x40xi32, #tpu.memory_space<vmem>>
        %dma_start3A_211 = tpu.memref_squeeze %dma_start3A_210 : memref<1x1x40xi32, #tpu.memory_space<vmem>> -> memref<40xi32, #tpu.memory_space<vmem>>
        %dma_start3A_212 = arith.constant 0 : i32
        %dma_start3A_213 = arith.constant 0 : i32
        %dma_start3A_214 = tpu.memref_slice %arg3[%dma_start3A_212, %dma_start3A_213] : memref<10000x256xf32, #tpu.memory_space<hbm>> -> memref<10000x256xf32, #tpu.memory_space<hbm>>
        tpu.enqueue_indirect_dma source(%dma_start3A_214 : memref<10000x256xf32, #tpu.memory_space<hbm>>) target(%dma_start3A_208 : memref<40x256xf32, #tpu.memory_space<vmem>>) offsets(%dma_start3A_211 : memref<40xi32, #tpu.memory_space<vmem>>) semaphore(%arg13 : memref<!tpu.dma_semaphore, #tpu.memory_space<semaphore_mem>>)
      } else {
      }
    }
    %scan3A_68 = arith.constant 125 : i32
    %barrier3A_69 = arith.constant 0 : index
    tpu.barrier barrier_id(%barrier3A_69)
    %mul3A_70 = arith.constant 10000 : i32
    %mul3A_71 = arith.muli %arg0, %mul3A_70 : i32
    %mul3A_72 = arith.constant 624 : i32
    %mul3A_73 = arith.muli %arg1, %mul3A_72 : i32
    %add3A_74 = arith.addi %mul3A_71, %mul3A_73 : i32
    %mul3A_75 = arith.constant 624 : i32
    %mul3A_76 = arith.muli %arg1, %mul3A_75 : i32
    "tpu.region"() ({
      %run_scoped3A_77 = tpu.sem_alloc : memref<!tpu.dma_semaphore, #tpu.memory_space<semaphore_mem>>
      %dma_start3A_78 = arith.constant 0 : i32
      %dma_start3A_79 = tpu.memref_slice %arg5[%add3A_74, %dma_start3A_78] : memref<20000x128xf32, #tpu.memory_space<hbm>> -> memref<640x128xf32, #tpu.memory_space<hbm>>
      %dma_start3A_80 = arith.constant 0 : i32
      %dma_start3A_81 = tpu.memref_slice %arg10[%mul3A_76, %dma_start3A_80] : memref<10000x128xf32, #tpu.memory_space<vmem_shared>> -> memref<640x128xf32, #tpu.memory_space<vmem_shared>>
      tpu.enqueue_dma source(%dma_start3A_81 : memref<640x128xf32, #tpu.memory_space<vmem_shared>>) target(%dma_start3A_79 : memref<640x128xf32, #tpu.memory_space<hbm>>) target_semaphore(%run_scoped3A_77 : memref<!tpu.dma_semaphore, #tpu.memory_space<semaphore_mem>>)
      %dma_wait3A = arith.constant 0 : i32
      %dma_wait3A_82 = tpu.memref_slice %arg5[%add3A_74, %dma_wait3A] : memref<20000x128xf32, #tpu.memory_space<hbm>> -> memref<640x128xf32, #tpu.memory_space<hbm>>
      %dma_wait3A_83 = arith.constant 0 : i32
      %dma_wait3A_84 = tpu.memref_slice %arg10[%mul3A_76, %dma_wait3A_83] : memref<10000x128xf32, #tpu.memory_space<vmem_shared>> -> memref<640x128xf32, #tpu.memory_space<vmem_shared>>
      tpu.wait_dma2 semaphore(%run_scoped3A_77 : memref<!tpu.dma_semaphore, #tpu.memory_space<semaphore_mem>>) src(%dma_wait3A_84 : memref<640x128xf32, #tpu.memory_space<vmem_shared>>) dst(%dma_wait3A_82 : memref<640x128xf32, #tpu.memory_space<hbm>>)
      tpu.yield
    }) : () -> ()
    return
  }
}

</mosaic_0001>

<sc_bundles>
// kernel: _edge_stage.3.cloned.1.call-start
scs
__scs_entry_jumppad:
0x0: {  	(pc) =	sbr.rel $0x88, $3  }
0x1: {  	(tag) =	ssettag $0x0;
	lr =	simm.s32 $0x1  }
0x2: {  	[smem:$0x3F9E] =	sst lr;
	_ =	strace $0xD0000000  }
0x3: {  	_ = 	snop  }
0x4: {  	_ = 	snop  }
0x5: {  	_ = 	snop  }
0x6: {  	_ = 	snop  }
0x7: {  	_ = 	snop  }
__scs_overlays_trampoline_lowered:
0x8: {  	[smem:$0x3FAD] =	sst s0  }
0x9: {  	[smem:$0x3FAE] =	sst s1  }
0xa: {  	[smem:$0x3FAF] =	sst s2  }
0xb: {  	[smem:$0x3FB0] =	sst s3  }
0xc: {  	[smem:$0x3FB1] =	sst s4  }
0xd: {  	[smem:$0x3FB2] =	sst s5  }
0xe: {  	[smem:$0x3FB3] =	sst s6  }
0xf: {  	[smem:$0x3FB4] =	sst s7  }
0x10: {  	[smem:$0x3FB5] =	sst s8  }
0x11: {  	[smem:$0x3FB6] =	sst s9;
	s0 =	simm.s32 @!p0 $0x0  }
0x12: {  	s1 =	sld [smem:$0x3F9C];
	s0 =	simm.s32 @p0 $0x1  }
0x13: {  	[smem:$0x3FB7] =	sst s0;
	s0 =	simm.s32 @!p1 $0x0  }
0x14: {  	s2 =	sld [smem:$0x3F9B];
	s0 =	simm.s32 @p1 $0x1  }
0x15: {  	[smem:$0x3FB8] =	sst s0;
	s0 =	simm.s32 @!p2 $0x0  }
0x16: {  	s3 =	sld [smem:$0x3FDB];
	s0 =	simm.s32 @p2 $0x1  }
0x17: {  	s4 =	simm.s32 $0x1BF5;
	[smem:$0x3FBA] =	sst s0  }
0x18: {  	s0 =	sld [smem:$0x3F9D];
	_ =	swait.ge [sflag:s4], $0x0  }
0x19: {  	s7 =	sld [smem:$0x3F9E]  }
0x1a: {  	s8 =	sadd.s32 $0xFFFFE003, lr  }
0x1b: {  	s9 =	sadd.s32 $0xFFFFFEF7, lr;
	s5 =	simm.s32 $0xFFFFFFFF;
	p2 =	slt.u32 s8, $0xFFFFF086  }
0x1c: {  	p1 =	slt.u32 s9, $0xF7A;
	s5 =	simm.s32 @!p2 $0x0  }
0x1d: {  	s5 =	simm.s32 @p1 $0x1;
	p0 =	seq.s32 s7, s2  }
0x1e: {  	s7 =	smul.u32 @!p0 $0xF7A, s2;
	p2 =	seq.s32 @!p0 s5, $0x0  }
0x1f: {  	s9 =	smul.u32 $0xF7A, s1;
	s8 =	simm.s32 @!p0 $0x1BF5;
	p2 =	por !p2, p0  }
0x20: {  	[sflag:s8] =	ssyncset.s32 @!p0 $0xFFFFF086;
	s6 =	sadd.s32 @!p0 s3, s7;
	s7 =	simm.s32 @!p0 $0x108  }
0x21: {  	s3 =	sadd.s32 s3, s9;
	s6 =	sadd.s32 @!p0 $0x88, s6;
	s7 =	simm.s32 @p2 $0x1082  }
0x22: {  	[simem:s7], [sflag:s8] =	dma.local @!p0 [hbm:s6], $0xF7A  }
0x23: {  	s9 =	sor.u32 $0xD0000000, s2;
	s6 =	simm.s32 $0x108;
	_ =	swait.ge @!p0 [sflag:s8], $0x0  }
0x24: {  	s3 =	sadd.s32 $0x88, s3;
	s6 =	simm.s32 @!p1 $0x1082;
	[sflag:s4] =	ssyncset.s32 $0xFFFFF086  }
0x25: {  	[simem:s6], [sflag:s4] =	dma.local [hbm:s3], $0xF7A  }
0x26: {  	[smem:$0x3F9E] =	sst s1;
	(tag) =	ssettag s2;
	_ =	strace s9  }
0x27: {  	s1 =	sld [smem:$0x3FAE]  }
0x28: {  	s2 =	sld [smem:$0x3FAF]  }
0x29: {  	s4 =	sld [smem:$0x3FB1]  }
0x2a: {  	p0 =	seq.s32 s5, $0x0;
	s5 =	sld [smem:$0x3FB2]  }
0x2b: {  	s6 =	sld [smem:$0x3FB3]  }
0x2c: {  	s7 =	sld [smem:$0x3FB4]  }
0x2d: {  	s3 =	simm.s32 $0x108;
	s8 =	sld [smem:$0x3FB5]  }
0x2e: {  	s3 =	simm.s32 @!p0 $0x1082;
	s9 =	sld [smem:$0x3FB6]  }
0x2f: {  	lr =	sadd.s32 s0, s3;
	s0 =	sld [smem:$0x3FAD]  }
0x30: {  	s3 =	sld [smem:$0x3FB0]  }
0x31: {  	[smem:$0x3FB9] =	sst s10  }
0x32: {  	s10 =	sld [smem:$0x3FB7];
	_ =	sdelay $0x3  }
0x33: {  	p0 =	seq.s32 s10, $0x1;
	s10 =	sld [smem:$0x3FB9];
	_ =	sdelay $0x3  }
0x34: {  	[smem:$0x3FB9] =	sst s10  }
0x35: {  	s10 =	sld [smem:$0x3FB8];
	_ =	sdelay $0x3  }
0x36: {  	p1 =	seq.s32 s10, $0x1;
	s10 =	sld [smem:$0x3FB9];
	_ =	sdelay $0x3  }
0x37: {  	[smem:$0x3FB9] =	sst s10  }
0x38: {  	s10 =	sld [smem:$0x3FBA]  }
0x39: {  	_ = 	snop;
	(pc) =	sbr.ind lr, $3  }
0x3a: {  	_ = 	snop  }
0x3b: {  	_ = 	snop  }
0x3c: {  	p2 =	seq.s32 s10, $0x1;
	s10 =	sld [smem:$0x3FB9]  }
0x3d: {  	_ =	shalt  }
0x3e: {  	_ =	shalt  }
0x3f: {  	_ =	shalt  }
0x40: {  	_ =	shalt  }
0x41: {  	_ =	shalt  }
0x42: {  	_ =	shalt  }
0x43: {  	_ =	shalt  }
0x44: {  	_ =	shalt  }
0x45: {  	_ =	shalt  }
0x46: {  	_ =	shalt  }
0x47: {  	_ =	shalt  }
0x48: {  	_ =	shalt  }
0x49: {  	_ =	shalt  }
0x4a: {  	_ =	shalt  }
0x4b: {  	_ =	shalt  }
0x4c: {  	_ =	shalt  }
0x4d: {  	_ =	shalt  }
0x4e: {  	_ =	shalt  }
0x4f: {  	_ =	shalt  }
0x50: {  	_ =	shalt  }
0x51: {  	_ =	shalt  }
0x52: {  	_ =	shalt  }
0x53: {  	_ =	shalt  }
0x54: {  	_ =	shalt  }
0x55: {  	_ =	shalt  }
0x56: {  	_ =	shalt  }
0x57: {  	_ =	shalt  }
0x58: {  	_ =	shalt  }
0x59: {  	_ =	shalt  }
0x5a: {  	_ =	shalt  }
0x5b: {  	_ =	shalt  }
0x5c: {  	_ =	shalt  }
0x5d: {  	_ =	shalt  }
0x5e: {  	_ =	shalt  }
0x5f: {  	_ =	shalt  }
0x60: {  	_ =	shalt  }
0x61: {  	_ =	shalt  }
0x62: {  	_ =	shalt  }
0x63: {  	_ =	shalt  }
0x64: {  	_ =	shalt  }
0x65: {  	_ =	shalt  }
0x66: {  	_ =	shalt  }
0x67: {  	_ =	shalt  }
0x68: {  	_ =	shalt  }
0x69: {  	_ =	shalt  }
0x6a: {  	_ =	shalt  }
0x6b: {  	_ =	shalt  }
0x6c: {  	_ =	shalt  }
0x6d: {  	_ =	shalt  }
0x6e: {  	_ =	shalt  }
0x6f: {  	_ =	shalt  }
0x70: {  	_ =	shalt  }
0x71: {  	_ =	shalt  }
0x72: {  	_ =	shalt  }
0x73: {  	_ =	shalt  }
0x74: {  	_ =	shalt  }
0x75: {  	_ =	shalt  }
0x76: {  	_ =	shalt  }
0x77: {  	_ =	shalt  }
0x78: {  	_ =	shalt  }
0x79: {  	_ =	shalt  }
0x7a: {  	_ =	shalt  }
0x7b: {  	_ =	shalt  }
0x7c: {  	_ =	shalt  }
0x7d: {  	_ =	shalt  }
0x7e: {  	_ =	shalt  }
0x7f: {  	_ =	shalt  }
0x80: {  	_ =	shalt  }
0x81: {  	_ =	shalt  }
0x82: {  	_ =	shalt  }
0x83: {  	_ =	shalt  }
0x84: {  	_ =	shalt  }
0x85: {  	_ =	shalt  }
0x86: {  	_ =	shalt  }
0x87: {  	_ =	shalt  }
.Lfunc_end0:
.L_simem_size_0:
called_computation_lowered:
.L_overlay_start_0:
0x88: {  	s2 =	sld [smem:$0x3FD9]  }
0x89: {  	s3 =	sld [smem:$0x3FFE];
	_ =	sdelay $0x1  }
0x8a: {  	s1 =	srdreg.scid  }
0x8b: {  	s0 =	sand.u32 $0x1, s1  }
0x8c: {  	s17 =	sshll.u32 s0, $0xA;
	s2 =	sadd.s32 s3, s2  }
0x8d: {  	s2 =	sadd.s32 s2, s17  }
0x8e: {  	[smem:$0x3FC5] =	sst s2  }
0x8f: {  	_ = 	snop  }
0x90: {  	s2 =	sld [smem:$0x3FC9]  }
0x91: {  	s18 =	sld [smem:$0x3FC8]  }
0x92: {  	s4 =	sld [smem:$0x3FD0];
	(tm) =	ssettm $0x1  }
0x93: {  	s5 =	sld [smem:$0x3FFB];
	_ =	sdelay $0x3  }
0x94: {  	_ =	strace s5  }
0x95: {  	s5 =	sld [smem:$0x3FFC];
	_ =	sdelay $0x3  }
0x96: {  	_ =	strace s5  }
0x97: {  	s5 =	sld [smem:$0x3FFD];
	_ =	sdelay $0x3  }
0x98: {  	_ =	strace s5  }
0x99: {  	_ =	strace $0x8FFFFFFF  }
0x9a: {  	s19 =	sld [smem:$0x3FDB];
	_ =	sdelay $0x1  }
0x9b: {  	s6 =	simm.s32 $_scs_section_size  }
0x9c: {  	s7 =	simm.s32 $_size__tile_overlayer_lowered;
	s8 =	simm.s32 $_tile_overlayer_lowered  }
0x9d: {  	s22 =	simm.s32 $0x1BFF;
	s21 =	sshll.u32 s8, $0x1;
	s5 =	sadd.s32 s6, s19  }
0x9e: {  	s9 =	simm.s32 $0x0;
	s20 =	sshll.u32 s7, $0x1;
	s7 =	sadd.s32 s21, s5  }
0x9f: {  	[timem:s9], [sflag:s22] =	dma.local [hbm:s7], s20  }
0xa0: {  	_ =	swait.ge [sflag:s22], s20  }
0xa1: {  	s6 =	ssub.s32 $0x0, s20;
	[sflag:s22] =	ssyncset.done $0x0  }
0xa2: {  	[sflag:s22] =	ssyncadd.s32 s6;
	_ =	sdelay $0x1  }
0xa3: {  	s23 =	simm.s32 $0x1B8B  }
0xa4: {  	_ =	swait.ge [sflag:s23], $0x1  }
0xa5: {  	[sflag:s23] =	ssyncset.done $0x0  }
0xa6: {  	s25 =	simm.s32 $0x1B8E;
	s24 =	sld [smem:$0x3FFE];
	[sflag:s23] =	ssyncadd.s32 $0xFFFFFFFF  }
0xa7: {  	s26 =	simm.s32 $execute0_lowered;
	[smem:$0x3FD2] =	sst s25  }
0xa8: {  	s7 =	sshll.u32 s26, $0x1;
	_ =	strace $0x80000046;
	[dreg:$0x1] =	wrdreg $0xFFFFFFFF  }
0xa9: {  	s28 =	simm.s32 $_size_execute0_lowered;
	s5 =	sadd.s32 s5, s7;
	[dreg:$0x0] =	wrdreg $0x0  }
0xaa: {  	s7 =	sshll.u32 s28, $0x1;
	[dreg:$0x2] =	wrdreg s5  }
0xab: {  	[dreg:$0x3] =	wrdreg s7  }
0xac: {  	[dreg:$0x4] =	wrdreg $0xC0  }
0xad: {  	_ =	task [dreg:s9], $0x5FFFF  }
0xae: {  	[dreg:$0x1] =	wrdreg $0xFFFFFFFF  }
0xaf: {  	[dreg:$0x0] =	wrdreg $0x60  }
0xb0: {  	[dreg:$0x2] =	wrdreg s2  }
0xb1: {  	[dreg:$0x3] =	wrdreg s18  }
0xb2: {  	[dreg:$0x4] =	wrdreg s24  }
0xb3: {  	[dreg:$0x5] =	wrdreg s4  }
0xb4: {  	[dreg:$0x6] =	wrdreg $0xC4000  }
0xb5: {  	[dreg:$0x7] =	wrdreg $0x9  }
0xb6: {  	_ =	task.clear_ibuf [dreg:s9], $0x8FFFF;
	_ =	strace $0x90000046  }
0xb7: {  	s29 =	simm.s32 $0x9;
	_ =	strace $0x80000048  }
0xb8: {  	_ =	swait.ge [sflag:s29], $0x1  }
0xb9: {  	[sflag:s29] =	ssyncadd.s32 $0xFFFFFFFF  }
0xba: {  	_ =	strace $0x90000048  }
0xbb: {  	_ =	sfence  }
0xbc: {  	s30 =	sld [smem:$0x0];
	_ =	sdelay $0x2  }
0xbd: {  	s31 =	sshll.u32 s1, $0xD;
	s1 =	sshrl.u32 s1, $0x2  }
0xbe: {  	s3 =	sand.u32 $0x4000, s31;
	s1 =	sadd.s32 s1, s30  }
0xbf: {  	s0 =	sor.u32 s3, s0;
	s1 =	sshll.u32 s1, $0x11  }
0xc0: {  	s0 =	sor.u32 s1, s0  }
0xc1: {  	s0 =	sadd.s32 $0x8F2B, s0  }
0xc2: {  	[sflag:s0] =	ssyncadd.remote.s32 $0x1  }
0xc3: {  	_ =	sfence.sel $0xFFFF  }
0xc4: {  	[dreg:$0x0] =	wrdreg $0xFFFFFFFF;
	(pc) =	sbr.abs _section_cstart, $3  }
0xc5: {  	[dreg:$0x1] =	wrdreg $0xFFFFFFFF  }
0xc6: {  	_ =	task.clear_ibuf [dreg:s9], $0x2FFFF;
	_ =	strace $0x9FFFFFFF  }
0xc7: {  	(tm) =	ssettm $0x7FFFFFFF  }
tec
execute0_lowered:
.L_overlay_start_1:
0x0: {  	(tag) =	ssettag $0x1  }
0x1: {  	s0 =	rddreg [dreg:$0x2];
	s5 =	stileid.u32  }
0x2: {  	s1 =	rddreg [dreg:$0x3];
	s4 =	smul.u32 $0x4E000, s5  }
0x3: {  	s6 =	rddreg [dreg:$0x4];
	s7 =	simm.s32 $0x0  }
0x4: {  	[smem:$0x7FF] =	sst s7;
	s8 =	sadd.s32 $0x400, s0;
	s4 =	sshrl.u32 s4, $0x2  }
0x5: {  	_ =	strace $0x80000047;
	[smem:$0x7F9] =	sst s8;
	s4 =	sadd.s32 s4, s6  }
0x6: {  	s6 =	sadd.s32 $0x1400, s4;
	[smem:$0x7FD] =	sst s4  }
0x7: {  	s16 =	sadd.s32 $0x2800, s4;
	[smem:$0x7E9] =	sst s6  }
0x8: {  	s17 =	sadd.s32 $0x3C00, s4;
	[smem:$0x7EA] =	sst s16  }
0x9: {  	s18 =	sadd.s32 $0x5000, s4;
	[smem:$0x7EB] =	sst s17  }
0xa: {  	s19 =	sadd.s32 $0x6400, s4;
	[smem:$0x7EC] =	sst s18  }
0xb: {  	s2 =	srdreg.scid;
	s20 =	sadd.s32 $0x7800, s4;
	[smem:$0x7ED] =	sst s19  }
0xc: {  	s2 =	sand.u32 $0x1, s2;
	s21 =	sadd.s32 $0x8C00, s4;
	[smem:$0x7EE] =	sst s20  }
0xd: {  	s3 =	ssub.s32 $0x2, s2;
	s22 =	sadd.s32 $0xA000, s4;
	[smem:$0x7EF] =	sst s21  }
0xe: {  	s15 =	sshll.u32 s2, $0x4;
	s23 =	sadd.s32 $0xB400, s4;
	[smem:$0x7F0] =	sst s22  }
0xf: {  	s2 =	smul.u32 $0x27100, s2;
	s24 =	sadd.s32 $0xC800, s4;
	[smem:$0x7F1] =	sst s23  }
0x10: {  	s14 =	sshrl.u32 s3, $0x1;
	s25 =	sadd.s32 $0xDC00, s4;
	[smem:$0x7F2] =	sst s24  }
0x11: {  	s0 =	ssub.s32 s3, s14;
	s26 =	sadd.s32 $0xF000, s4;
	[smem:$0x7F3] =	sst s25  }
0x12: {  	s3 =	sor.u32 s5, s15;
	s28 =	sadd.s32 $0x10400, s4;
	[smem:$0x7F4] =	sst s26  }
0x13: {  	s5 =	smul.u32 $0x2700, s5;
	s29 =	sadd.s32 $0x11800, s4;
	[smem:$0x7F5] =	sst s28  }
0x14: {  	s3 =	smul.u32 $0x8C00, s3;
	s0 =	smax.u32 s0, $0x1;
	[smem:$0x7F8] =	sst s29  }
.Ltmp0:
0x15: {  	s31 =	sadd.s32 $0x12C00, s4;
	[smem:$0x7FB] =	sst s0;
	(pc) =	sbr.rel .LBB2_1-.Ltmp0, $4  }
0x16: {  	s2 =	sadd.s32 s5, s2;
	[smem:$0x7FC] =	sst s31  }
0x17: {  	v3 =	vlaneseq.u32;
	[smem:$0x7F6] =	sst s3;
	s3 =	sshrl.u32 s3, $0x3;
	s1 =	sadd.s32 s1, s2  }
0x18: {  	v0 =	vimm.f32 $0.0e+00;
	vm0 =	vmmov $0xffff;
	v2 =	vshrl.u32 v3, $0x3;
	[smem:$0x7F7] =	sst s1;
	s30 =	sadd.s32 s8, s3  }
0x19: {  	v1 =	vand.u32 $0x7, v3;
	v3 =	vor.u32 $0x8, v3;
	v2 =	vmul.u32 $0x8, v2;
	[smem:$0x7FA] =	sst s30  }
.LBB2_11:
0x1a: {  	[bflag:$0x0] =	sbarrier.arrive $0xFFFF  }
0x1b: {  	s4 =	sld [smem:$0x7FD]  }
0x1c: {  	s0 =	stileid.u32;
	s2 =	sld [smem:$0x7F7]  }
0x1d: {  	s0 =	sshll.u32 s0, $0x6  }
0x1e: {  	s30 =	simm.s32 $0x5;
	s0 =	sor.u32 $0x1C05, s0;
	s1 =	sshrl.u32 s4, $0x3  }
0x1f: {  	[hbm:s2], [sflag:s0] =	dma.local [spmem:s1], $0x2800  }
0x20: {  	_ =	swait.ge [sflag:s30], $0x2800  }
0x21: {  	s7 =	sld [smem:$0x7E8]  }
0x22: {  	s31 =	sld [smem:$0x7FB];
	_ =	sdelay $0x1  }
0x23: {  	s7 =	sadd.s32 $0x1, s7  }
0x24: {  	p0 =	sne.s32 s7, s31  }
.Ltmp1:
0x25: {  	_ = 	snop;
	(pc) =	sbr.rel @!p0 .LBB2_12-.Ltmp1, $3  }
0x26: {  	_ =	sdelay $0x1  }
0x27: {  	[sflag:s30] =	ssyncset.done $0x0  }
0x28: {  	[sflag:s30] =	ssyncadd.s32 $0xFFFFD800  }
.LBB2_1:
0x29: {  	[smem:$0x7E8] =	sst s7;
	s0 =	simm.s32 $0x0;
	s1 =	simm.s32 $0x200  }
.LBB2_2:
0x2a: {  	p0 =	sne.s32 s1, $0x4E00;
	[tilespmem:s0+$0xB070] =	vst v0  }
0x2b: {  	[tilespmem:s0+$0xB000] =	vst v0  }
0x2c: {  	[tilespmem:s0+$0xB010] =	vst v0  }
.Ltmp2:
0x2d: {  	[tilespmem:s0+$0xB020] =	vst v0;
	(pc) =	sbr.rel @p0 .LBB2_2-.Ltmp2, $4  }
0x2e: {  	[tilespmem:s0+$0xB030] =	vst v0  }
0x2f: {  	[tilespmem:s0+$0xB040] =	vst v0  }
0x30: {  	[tilespmem:s0+$0xB050] =	vst v0  }
0x31: {  	[tilespmem:s0+$0xB060] =	vst v0;
	s0 =	sshra.s32 s1, $0x2;
	s1 =	sadd.s32 $0x200, s1  }
0x32: {  	[tilespmem:s0+$0xB070] =	vst v0  }
0x33: {  	[tilespmem:s0+$0xB000] =	vst v0  }
0x34: {  	[tilespmem:s0+$0xB010] =	vst v0  }
0x35: {  	[tilespmem:s0+$0xB020] =	vst v0  }
0x36: {  	[tilespmem:s0+$0xB030] =	vst v0  }
0x37: {  	[tilespmem:s0+$0xB040] =	vst v0  }
0x38: {  	[tilespmem:s0+$0xB050] =	vst v0  }
0x39: {  	[tilespmem:s0+$0xB060] =	vst v0;
	s1 =	simm.s32 $0xB000;
	s2 =	simm.s32 $0x5  }
0x3a: {  	[spmem:s4] =	stream.linear.scatter [tilespmem:s1], [sflag:$0x5], $0x1400, $0x38;
	[tilespmem:$0x1FC80] =	vst v63  }
0x3b: {  	_ =	swait.ge [sflag:s2], $0x1400  }
0x3c: {  	s5 =	sld [smem:$0x7E9]  }
0x3d: {  	[sflag:s2] =	ssyncset.done $0x0  }
0x3e: {  	[sflag:s2] =	ssyncadd.s32 $0xFFFFEC00  }
0x3f: {  	[spmem:s5] =	stream.linear.scatter [tilespmem:s1], [sflag:$0x5], $0x1400, $0x38;
	[tilespmem:$0x1FC80] =	vst v63  }
0x40: {  	_ =	swait.ge [sflag:s2], $0x1400  }
0x41: {  	s6 =	sld [smem:$0x7EA]  }
0x42: {  	[sflag:s2] =	ssyncset.done $0x0  }
0x43: {  	[sflag:s2] =	ssyncadd.s32 $0xFFFFEC00  }
0x44: {  	[spmem:s6] =	stream.linear.scatter [tilespmem:s1], [sflag:$0x5], $0x1400, $0x38;
	[tilespmem:$0x1FC80] =	vst v63  }
0x45: {  	_ =	swait.ge [sflag:s2], $0x1400  }
0x46: {  	s7 =	sld [smem:$0x7EB]  }
0x47: {  	[sflag:s2] =	ssyncset.done $0x0  }
0x48: {  	[sflag:s2] =	ssyncadd.s32 $0xFFFFEC00  }
0x49: {  	[spmem:s7] =	stream.linear.scatter [tilespmem:s1], [sflag:$0x5], $0x1400, $0x38;
	[tilespmem:$0x1FC80] =	vst v63  }
0x4a: {  	_ =	swait.ge [sflag:s2], $0x1400  }
0x4b: {  	s8 =	sld [smem:$0x7EC]  }
0x4c: {  	[sflag:s2] =	ssyncset.done $0x0  }
0x4d: {  	[sflag:s2] =	ssyncadd.s32 $0xFFFFEC00  }
0x4e: {  	[spmem:s8] =	stream.linear.scatter [tilespmem:s1], [sflag:$0x5], $0x1400, $0x38;
	[tilespmem:$0x1FC80] =	vst v63  }
0x4f: {  	_ =	swait.ge [sflag:s2], $0x1400  }
0x50: {  	s9 =	sld [smem:$0x7ED]  }
0x51: {  	[sflag:s2] =	ssyncset.done $0x0  }
0x52: {  	[sflag:s2] =	ssyncadd.s32 $0xFFFFEC00  }
0x53: {  	[spmem:s9] =	stream.linear.scatter [tilespmem:s1], [sflag:$0x5], $0x1400, $0x38;
	[tilespmem:$0x1FC80] =	vst v63  }
0x54: {  	_ =	swait.ge [sflag:s2], $0x1400  }
0x55: {  	s10 =	sld [smem:$0x7EE]  }
0x56: {  	[sflag:s2] =	ssyncset.done $0x0  }
0x57: {  	[sflag:s2] =	ssyncadd.s32 $0xFFFFEC00  }
0x58: {  	[spmem:s10] =	stream.linear.scatter [tilespmem:s1], [sflag:$0x5], $0x1400, $0x38;
	[tilespmem:$0x1FC80] =	vst v63  }
0x59: {  	_ =	swait.ge [sflag:s2], $0x1400  }
0x5a: {  	s11 =	sld [smem:$0x7EF]  }
0x5b: {  	[sflag:s2] =	ssyncset.done $0x0  }
0x5c: {  	[sflag:s2] =	ssyncadd.s32 $0xFFFFEC00  }
0x5d: {  	[spmem:s11] =	stream.linear.scatter [tilespmem:s1], [sflag:$0x5], $0x1400, $0x38;
	[tilespmem:$0x1FC80] =	vst v63  }
0x5e: {  	_ =	swait.ge [sflag:s2], $0x1400  }
0x5f: {  	s12 =	sld [smem:$0x7F0]  }
0x60: {  	[sflag:s2] =	ssyncset.done $0x0  }
0x61: {  	[sflag:s2] =	ssyncadd.s32 $0xFFFFEC00  }
0x62: {  	[spmem:s12] =	stream.linear.scatter [tilespmem:s1], [sflag:$0x5], $0x1400, $0x38;
	[tilespmem:$0x1FC80] =	vst v63  }
0x63: {  	_ =	swait.ge [sflag:s2], $0x1400  }
0x64: {  	s13 =	sld [smem:$0x7F1]  }
0x65: {  	[sflag:s2] =	ssyncset.done $0x0  }
0x66: {  	[sflag:s2] =	ssyncadd.s32 $0xFFFFEC00  }
0x67: {  	[spmem:s13] =	stream.linear.scatter [tilespmem:s1], [sflag:$0x5], $0x1400, $0x38;
	[tilespmem:$0x1FC80] =	vst v63  }
0x68: {  	_ =	swait.ge [sflag:s2], $0x1400  }
0x69: {  	s14 =	sld [smem:$0x7F2]  }
0x6a: {  	[sflag:s2] =	ssyncset.done $0x0  }
0x6b: {  	[sflag:s2] =	ssyncadd.s32 $0xFFFFEC00  }
0x6c: {  	[spmem:s14] =	stream.linear.scatter [tilespmem:s1], [sflag:$0x5], $0x1400, $0x38;
	[tilespmem:$0x1FC80] =	vst v63  }
0x6d: {  	_ =	swait.ge [sflag:s2], $0x1400  }
0x6e: {  	s15 =	sld [smem:$0x7F3]  }
0x6f: {  	[sflag:s2] =	ssyncset.done $0x0  }
0x70: {  	[sflag:s2] =	ssyncadd.s32 $0xFFFFEC00  }
0x71: {  	[spmem:s15] =	stream.linear.scatter [tilespmem:s1], [sflag:$0x5], $0x1400, $0x38;
	[tilespmem:$0x1FC80] =	vst v63  }
0x72: {  	_ =	swait.ge [sflag:s2], $0x1400  }
0x73: {  	s16 =	sld [smem:$0x7F4]  }
0x74: {  	[sflag:s2] =	ssyncset.done $0x0  }
0x75: {  	[sflag:s2] =	ssyncadd.s32 $0xFFFFEC00  }
0x76: {  	[spmem:s16] =	stream.linear.scatter [tilespmem:s1], [sflag:$0x5], $0x1400, $0x38;
	[tilespmem:$0x1FC80] =	vst v63  }
0x77: {  	_ =	swait.ge [sflag:s2], $0x1400  }
0x78: {  	s17 =	sld [smem:$0x7F5]  }
0x79: {  	[sflag:s2] =	ssyncset.done $0x0  }
0x7a: {  	[sflag:s2] =	ssyncadd.s32 $0xFFFFEC00  }
0x7b: {  	[spmem:s17] =	stream.linear.scatter [tilespmem:s1], [sflag:$0x5], $0x1400, $0x38;
	[tilespmem:$0x1FC80] =	vst v63  }
0x7c: {  	_ =	swait.ge [sflag:s2], $0x1400  }
0x7d: {  	s18 =	sld [smem:$0x7F8]  }
0x7e: {  	[sflag:s2] =	ssyncset.done $0x0  }
0x7f: {  	[sflag:s2] =	ssyncadd.s32 $0xFFFFEC00  }
0x80: {  	[spmem:s18] =	stream.linear.scatter [tilespmem:s1], [sflag:$0x5], $0x1400, $0x38;
	[tilespmem:$0x1FC80] =	vst v63  }
0x81: {  	_ =	swait.ge [sflag:s2], $0x1400  }
0x82: {  	s19 =	sld [smem:$0x7FC]  }
0x83: {  	[sflag:s2] =	ssyncset.done $0x0  }
0x84: {  	[sflag:s2] =	ssyncadd.s32 $0xFFFFEC00  }
0x85: {  	[spmem:s19] =	stream.linear.scatter [tilespmem:s1], [sflag:$0x5], $0x1400, $0x38;
	[tilespmem:$0x1FC80] =	vst v63  }
0x86: {  	_ =	swait.ge [sflag:s2], $0x1400  }
0x87: {  	[sflag:s2] =	ssyncset.done $0x0  }
0x88: {  	[sflag:s2] =	ssyncadd.s32 $0xFFFFEC00  }
0x89: {  	[bflag:$0x0] =	sbarrier.arrive $0xFFFF  }
0x8a: {  	s21 =	sld [smem:$0x7FA];
	_ =	sdelay $0x1  }
0x8b: {  	s20 =	simm.s32 $0x0  }
0x8c: {  	[tilespmem:s20], [sflag:$0x5] =	stream.linear.gather [hbm4b:s21+s20], $0x1900, $0x38;
	[tilespmem:$0x1FC80] =	vst v63  }
0x8d: {  	s22 =	simm.s32 $0x1C00;
	s0 =	sadd.s32 $0x23000, s21  }
0x8e: {  	[tilespmem:s22], [sflag:$0x5] =	stream.linear.gather [hbm4b:s0+s20], $0x1900, $0x38;
	[tilespmem:$0x1FC80] =	vst v63  }
0x8f: {  	_ =	swait.ge [sflag:s2], $0x3200  }
0x90: {  	[sflag:s2] =	ssyncset.done $0x0  }
0x91: {  	[sflag:s2] =	ssyncadd.s32 $0xFFFFCE00  }
0x92: {  	s24 =	simm.s32 $0x28;
	s3 =	simm.s32 $0x3800;
	s23 =	rddreg [dreg:$0x0]  }
0x93: {  	[tilespmem:s3], [sflag:$0x1] =	stream.indirect.gather [hbm4b:s23+s24], $0x80, s22, s24, $0xb8;
	[tilespmem:$0x1FC80] =	vst v63  }
0x94: {  	v4 =	vld [tilespmem:$0x0];
	_ =	sdelay $0x4  }
0x95: {  	v5 =	vshll.u32 v4, $0x1  }
0x96: {  	v4 =	vand.u32 $0x7, v4;
	v5 =	vand.u32 $0xFFFFFFF0, v5  }
0x97: {  	v4 =	vor.u32 v4, v5  }
0x98: {  	v5 =	vperm.xlane v4, v1;
	_ =	sdelay $0x1  }
0x99: {  	v4 =	vperm.xlane v4, v3;
	v5 =	vadd.s32 v2, v5;
	_ =	sdelay $0x1  }
0x9a: {  	v4 =	vadd.s32 v2, v4;
	_ =	sdelay $0x1  }
0x9b: {  	s26 =	simm.s32 $0x6000;
	s25 =	rddreg [dreg:$0x1]  }
0x9c: {  	[tilespmem:s26], [sflag:$0x3] =	stream.indirect_vreg.gather [hbm4b:s25+s20], $0x80, v5, vm0, $0xb8;
	[tilespmem:$0x1FC80] =	vst v63  }
0x9d: {  	s28 =	simm.s32 $0x6800  }
0x9e: {  	[tilespmem:s28], [sflag:$0x3] =	stream.indirect_vreg.gather [hbm4b:s25+s20], $0x80, v4, vm0, $0xb8;
	[tilespmem:$0x1FC80] =	vst v63  }
0x9f: {  	v4 =	vld [tilespmem:$0x10];
	_ =	sdelay $0x4  }
0xa0: {  	v5 =	vshll.u32 v4, $0x1  }
0xa1: {  	v4 =	vand.u32 $0x7, v4;
	v5 =	vand.u32 $0xFFFFFFF0, v5  }
0xa2: {  	v4 =	vor.u32 v4, v5  }
0xa3: {  	v5 =	vperm.xlane v4, v1;
	_ =	sdelay $0x1  }
0xa4: {  	v4 =	vperm.xlane v4, v3;
	v5 =	vadd.s32 v2, v5;
	_ =	sdelay $0x1  }
0xa5: {  	v4 =	vadd.s32 v2, v4;
	_ =	sdelay $0x1  }
0xa6: {  	s29 =	simm.s32 $0x7000  }
0xa7: {  	[tilespmem:s29], [sflag:$0x3] =	stream.indirect_vreg.gather [hbm4b:s25+s20], $0x80, v5, vm0, $0xb8;
	[tilespmem:$0x1FC80] =	vst v63  }
0xa8: {  	s30 =	simm.s32 $0x7800  }
0xa9: {  	[tilespmem:s30], [sflag:$0x3] =	stream.indirect_vreg.gather [hbm4b:s25+s20], $0x80, v4, vm0, $0xb8;
	[tilespmem:$0x1FC80] =	vst v63  }
0xaa: {  	v4 =	vld.msk [tilespmem:$0x20], $0xff;
	_ =	sdelay $0x4  }
0xab: {  	v5 =	vshll.u32 v4, $0x1  }
0xac: {  	v4 =	vand.u32 $0x7, v4;
	v5 =	vand.u32 $0xFFFFFFF0, v5  }
0xad: {  	v4 =	vor.u32 v4, v5  }
0xae: {  	v4 =	vperm.xlane v4, v1;
	_ =	sdelay $0x1  }
0xaf: {  	v4 =	vadd.s32 v2, v4  }
.Ltmp3:
0xb0: {  	_ = 	snop;
	(pc) =	sbr.rel .LBB2_4-.Ltmp3, $3  }
0xb1: {  	_ =	sdelay $0x1  }
0xb2: {  	s31 =	simm.s32 $0x8000;
	s6 =	simm.s32 $0x0  }
0xb3: {  	[tilespmem:s31], [sflag:$0x3] =	stream.indirect_vreg.gather [hbm4b:s25+s20], $0x80, v4, vm0, $0xb8;
	[tilespmem:$0x1FC80] =	vst v63  }
.LBB2_10:
0xb4: {  	s6 =	sadd.s32 $0x1, s6  }
0xb5: {  	p0 =	sne.s32 s6, $0x7D  }
.Ltmp4:
0xb6: {  	_ = 	snop;
	(pc) =	sbr.rel @!p0 .LBB2_11-.Ltmp4, $1  }
0xb7: {  	_ =	sdelay $0x3  }
.LBB2_4:
0xb8: {  	s0 =	sshllo.u32 s6, $0x1  }
0xb9: {  	s1 =	sand.u32 $0xFF, s0  }
0xba: {  	s1 =	smul.u32 $0x29, s1;
	_ =	sdelay $0x1  }
0xbb: {  	s1 =	sshrl.u32 s1, $0xB  }
0xbc: {  	s1 =	smul.u32 $0x32, s1;
	_ =	sdelay $0x1  }
0xbd: {  	s0 =	ssub.s32 s0, s1  }
0xbe: {  	s0 =	sand.u32 $0xFF, s0  }
0xbf: {  	s11 =	rddreg [dreg:$0x0];
	s0 =	sshll.u32 s0, $0x7  }
0xc0: {  	s2 =	simm.s32 $0x28;
	s3 =	simm.s32 $0x4C00;
	s4 =	sadd.s32 $0x1C00, s0  }
0xc1: {  	[tilespmem:s3], [sflag:$0x2] =	stream.indirect.gather [hbm4b:s11+s2], $0x80, s4, s2, $0xb8;
	[tilespmem:$0x1FC80] =	vst v63  }
0xc2: {  	v4 =	vld [tilespmem:s0+$0x0];
	_ =	sdelay $0x4  }
0xc3: {  	v5 =	vshll.u32 v4, $0x1  }
0xc4: {  	v4 =	vand.u32 $0x7, v4;
	v5 =	vand.u32 $0xFFFFFFF0, v5  }
0xc5: {  	v4 =	vor.u32 v4, v5  }
0xc6: {  	v5 =	vperm.xlane v4, v1;
	_ =	sdelay $0x1  }
0xc7: {  	v4 =	vperm.xlane v4, v3;
	v5 =	vadd.s32 v2, v5;
	_ =	sdelay $0x1  }
0xc8: {  	v4 =	vadd.s32 v2, v4;
	_ =	sdelay $0x1  }
0xc9: {  	s12 =	rddreg [dreg:$0x1];
	s13 =	simm.s32 $0x8800;
	s14 =	simm.s32 $0x0  }
0xca: {  	[tilespmem:s13], [sflag:$0x4] =	stream.indirect_vreg.gather [hbm4b:s12+s14], $0x80, v5, vm0, $0xb8;
	[tilespmem:$0x1FC80] =	vst v63  }
0xcb: {  	s17 =	simm.s32 $0x9000  }
0xcc: {  	[tilespmem:s17], [sflag:$0x4] =	stream.indirect_vreg.gather [hbm4b:s12+s14], $0x80, v4, vm0, $0xb8;
	[tilespmem:$0x1FC80] =	vst v63  }
0xcd: {  	v4 =	vld [tilespmem:s0+$0x10];
	_ =	sdelay $0x4  }
0xce: {  	v5 =	vshll.u32 v4, $0x1  }
0xcf: {  	v4 =	vand.u32 $0x7, v4;
	v5 =	vand.u32 $0xFFFFFFF0, v5  }
0xd0: {  	v4 =	vor.u32 v4, v5  }
0xd1: {  	v5 =	vperm.xlane v4, v1;
	_ =	sdelay $0x1  }
0xd2: {  	v4 =	vperm.xlane v4, v3;
	v5 =	vadd.s32 v2, v5;
	_ =	sdelay $0x1  }
0xd3: {  	v4 =	vadd.s32 v2, v4;
	_ =	sdelay $0x1  }
0xd4: {  	s18 =	simm.s32 $0x9800  }
0xd5: {  	[tilespmem:s18], [sflag:$0x4] =	stream.indirect_vreg.gather [hbm4b:s12+s14], $0x80, v5, vm0, $0xb8;
	[tilespmem:$0x1FC80] =	vst v63  }
0xd6: {  	s19 =	simm.s32 $0xA000;
	s0 =	sor.u32 $0x20, s0  }
0xd7: {  	[tilespmem:s19], [sflag:$0x4] =	stream.indirect_vreg.gather [hbm4b:s12+s14], $0x80, v4, vm0, $0xb8;
	[tilespmem:$0x1FC80] =	vst v63  }
0xd8: {  	v4 =	vld.msk [tilespmem:s0+$0x0], $0xff;
	_ =	sdelay $0x4  }
0xd9: {  	v5 =	vshll.u32 v4, $0x1  }
0xda: {  	v4 =	vand.u32 $0x7, v4;
	v5 =	vand.u32 $0xFFFFFFF0, v5  }
0xdb: {  	v4 =	vor.u32 v4, v5  }
0xdc: {  	v4 =	vperm.xlane v4, v1;
	_ =	sdelay $0x1  }
0xdd: {  	v4 =	vadd.s32 v2, v4;
	_ =	sdelay $0x2  }
0xde: {  	[smem:$0x7E6] =	sst s6  }
0xdf: {  	s20 =	simm.s32 $0xA800;
	s21 =	simm.s32 $0x1;
	[smem:$0x7C5] =	sst s4  }
0xe0: {  	[tilespmem:s20], [sflag:$0x4] =	stream.indirect_vreg.gather [hbm4b:s12+s14], $0x80, v4, vm0, $0xb8;
	[tilespmem:$0x1FC80] =	vst v63  }
0xe1: {  	_ =	swait.ge [sflag:s21], $0x1400  }
0xe2: {  	[sflag:s21] =	ssyncset.done $0x0  }
0xe3: {  	s22 =	simm.s32 $0x3;
	[sflag:s21] =	ssyncadd.s32 $0xFFFFEC00  }
0xe4: {  	s24 =	simm.s32 $0x180;
	_ =	swait.ge [sflag:s22], $0x2800  }
0xe5: {  	s26 =	simm.s32 $0x3900;
	s23 =	sand.u32 $0x3800, s14;
	[sflag:s22] =	ssyncset.done $0x0  }
0xe6: {  	s5 =	sand.u32 $0x380, s24;
	s25 =	sadd.s32 $0x6000, s23;
	[sflag:s22] =	ssyncadd.s32 $0xFFFFD800  }
0xe7: {  	s8 =	sor.u32 s5, s25;
	v4 =	vld [tilespmem:s26+$0x80]  }
0xe8: {  	v5 =	vld [tilespmem:s8+$0x0];
	_ =	sdelay $0x2  }
0xe9: {  	s7 =	sand.u32 $0x200, s14  }
0xea: {  	s9 =	simm.s32 $0x80;
	s15 =	sor.u32 s7, s25;
	v6 =	vld [tilespmem:s26+$0xFFFFFF00]  }
0xeb: {  	s2 =	sand.u32 $0x280, s9;
	v7 =	vld [tilespmem:s15+$0x0];
	v4 =	vadd.f32 v5, v4  }
0xec: {  	s16 =	sor.u32 s2, s25;
	v8 =	vld [tilespmem:s26+$0xFFFFFF80]  }
0xed: {  	v5 =	vld [tilespmem:s16+$0x0];
	v4 =	vsub.f32 $0.0e+00, v4  }
0xee: {  	s10 =	simm.s32 $0x100  }
0xef: {  	s4 =	sand.u32 $0x300, s10;
	v4 =	vmul.f32 $1.442695020e+00, v4  }
0xf0: {  	s2 =	sor.u32 s4, s25;
	v6 =	vadd.f32 v7, v6  }
0xf1: {  	v9 =	vld [tilespmem:s2+$0x0];
	(erf) = vpow2.f32 v4  }
0xf2: {  	v7 =	vld [tilespmem:s26+$0x0];
	v5 =	vadd.f32 v5, v8;
	v4 =	vsub.f32 $0.0e+00, v6;
	_ =	sdelay $0x1  }
0xf3: {  	v5 =	vsub.f32 $0.0e+00, v5;
	v4 =	vmul.f32 $1.442695020e+00, v4;
	_ =	sdelay $0x1  }
0xf4: {  	(erf) = vpow2.f32 v4;
	v4 =	vmul.f32 $1.442695020e+00, v5  }
0xf5: {  	v6 =	vadd.f32 v9, v7;
	_ =	sdelay $0x1  }
0xf6: {  	v5 =	vsub.f32 $0.0e+00, v6  }
0xf7: {  	(erf) = vpow2.f32 v4;
	v4 =	vpop (erf)  }
0xf8: {  	v5 =	vmul.f32 $1.442695020e+00, v5;
	v4 =	vadd.f32 $1.000000000e+00, v4;
	_ =	sdelay $0x1  }
0xf9: {  	(erf) = vpow2.f32 v5;
	_ =	sdelay $0x1  }
0xfa: {  	s11 =	sand.u32 $0x7, s14;
	(erf) = vrcp.f32 v4;
	v4 =	vpop (erf)  }
0xfb: {  	s3 =	sshll.u32 s11, $0x7;
	v4 =	vadd.f32 $1.000000000e+00, v4  }
0xfc: {  	s3 =	sadd.s32 $0x0, s3  }
0xfd: {  	p0 =	por $0x0, $0x0;
	s5 =	simm.s32 $0x1;
	s24 =	sadd.s32 $0x180, s3;
	(erf) = vrcp.f32 v4  }
0xfe: {  	s5 =	simm.s32 @!p0 $0x0;
	s12 =	sor.u32 $0x400, s24;
	v5 =	vpop (erf)  }
0xff: {  	s13 =	sshll.u32 s5, $0x9;
	v5 =	vadd.f32 $1.000000000e+00, v5;
	v4 =	vld [tilespmem:s12+$0x6000]  }
0x100: {  	s7 =	sadd.s32 $0x0, s13  }
0x101: {  	s4 =	sor.u32 $0x400, s7;
	v6 =	vpop (erf)  }
0x102: {  	v7 =	vld [tilespmem:s4+$0x6000];
	v6 =	vadd.f32 $1.000000000e+00, v6;
	(erf) = vrcp.f32 v5  }
0x103: {  	v5 =	vpop (erf)  }
0x104: {  	s5 =	sadd.s32 $0x80, s3;
	s14 =	sand.u32 $0x3, s14;
	(erf) = vrcp.f32 v6;
	v4 =	vmul.f32 v5, v4  }
0x105: {  	s1 =	simm.s32 $0xB100;
	s17 =	sor.u32 $0x400, s5;
	s3 =	sshll.u32 s14, $0x8  }
0x106: {  	s3 =	sadd.s32 $0x0, s3;
	v5 =	vld [tilespmem:s17+$0x6000];
	[tilespmem:s1+$0x80] =	vst v4;
	v6 =	vpop (erf)  }
0x107: {  	s9 =	sadd.s32 $0x100, s3;
	v4 =	vld [tilespmem:s26+$0x90];
	v6 =	vmul.f32 v6, v7  }
0x108: {  	s3 =	sor.u32 $0x400, s9;
	v8 =	vld [tilespmem:s8+$0x10]  }
0x109: {  	v7 =	vld [tilespmem:s3+$0x6000];
	_ =	sdelay $0x1  }
0x10a: {  	[tilespmem:s1+$0xFFFFFF00] =	vst v6;
	v6 =	vpop (erf)  }
0x10b: {  	v5 =	vmul.f32 v6, v5  }
0x10c: {  	v9 =	vld [tilespmem:s26+$0xFFFFFF10];
	v4 =	vadd.f32 v8, v4;
	v8 =	vpop (erf)  }
0x10d: {  	v6 =	vld [tilespmem:s15+$0x10];
	v7 =	vmul.f32 v8, v7;
	[tilespmem:s1+$0xFFFFFF80] =	vst v5  }
0x10e: {  	v5 =	vld [tilespmem:s26+$0xFFFFFF90]  }
0x10f: {  	v4 =	vsub.f32 $0.0e+00, v4;
	[tilespmem:s1+$0x0] =	vst v7;
	v7 =	vld [tilespmem:s16+$0x10];
	_ =	sdelay $0x1  }
0x110: {  	v4 =	vmul.f32 $1.442695020e+00, v4;
	v8 =	vld [tilespmem:s26+$0x10]  }
0x111: {  	v6 =	vadd.f32 v6, v9;
	v9 =	vld [tilespmem:s2+$0x10]  }
0x112: {  	(erf) = vpow2.f32 v4  }
0x113: {  	v4 =	vsub.f32 $0.0e+00, v6;
	v5 =	vadd.f32 v7, v5;
	_ =	sdelay $0x1  }
0x114: {  	v4 =	vmul.f32 $1.442695020e+00, v4;
	v5 =	vsub.f32 $0.0e+00, v5  }
0x115: {  	v6 =	vadd.f32 v9, v8  }
0x116: {  	(erf) = vpow2.f32 v4;
	v5 =	vmul.f32 $1.442695020e+00, v5  }
0x117: {  	v4 =	vsub.f32 $0.0e+00, v6  }
0x118: {  	(erf) = vpow2.f32 v5  }
0x119: {  	v4 =	vmul.f32 $1.442695020e+00, v4  }
0x11a: {  	v5 =	vpop (erf)  }
0x11b: {  	(erf) = vpow2.f32 v4;
	v5 =	vadd.f32 $1.000000000e+00, v5;
	_ =	sdelay $0x1  }
0x11c: {  	(erf) = vrcp.f32 v5;
	_ =	sdelay $0x1  }
0x11d: {  	v4 =	vpop (erf)  }
0x11e: {  	v4 =	vadd.f32 $1.000000000e+00, v4  }
0x11f: {  	s18 =	sor.u32 $0x410, s24;
	v5 =	vpop (erf)  }
0x120: {  	(erf) = vrcp.f32 v4;
	v4 =	vld [tilespmem:s18+$0x6000];
	v5 =	vadd.f32 $1.000000000e+00, v5;
	_ =	sdelay $0x1  }
0x121: {  	v6 =	vpop (erf)  }
0x122: {  	v6 =	vadd.f32 $1.000000000e+00, v6;
	(erf) = vrcp.f32 v5  }
0x123: {  	s19 =	sor.u32 $0x410, s7;
	v5 =	vpop (erf)  }
0x124: {  	v7 =	vld [tilespmem:s19+$0x6000];
	(erf) = vrcp.f32 v6;
	v4 =	vmul.f32 v5, v4  }
0x125: {  	s20 =	sor.u32 $0x410, s5  }
0x126: {  	v5 =	vld [tilespmem:s20+$0x6000];
	[tilespmem:s1+$0x90] =	vst v4  }
0x127: {  	v4 =	vld [tilespmem:s26+$0xA0]  }
0x128: {  	s21 =	sor.u32 $0x410, s9;
	v6 =	vpop (erf);
	v8 =	vld [tilespmem:s8+$0x20]  }
0x129: {  	v6 =	vmul.f32 v6, v7;
	v7 =	vld [tilespmem:s21+$0x6000];
	_ =	sdelay $0x1  }
0x12a: {  	[tilespmem:s1+$0xFFFFFF10] =	vst v6;
	v9 =	vpop (erf)  }
0x12b: {  	v6 =	vld [tilespmem:s26+$0xFFFFFF20];
	v5 =	vmul.f32 v9, v5  }
0x12c: {  	v10 =	vld [tilespmem:s15+$0x20];
	v4 =	vadd.f32 v8, v4;
	v8 =	vpop (erf)  }
0x12d: {  	v7 =	vmul.f32 v8, v7;
	[tilespmem:s1+$0xFFFFFF90] =	vst v5  }
0x12e: {  	v5 =	vld [tilespmem:s26+$0xFFFFFFA0]  }
0x12f: {  	v4 =	vsub.f32 $0.0e+00, v4;
	[tilespmem:s1+$0x10] =	vst v7;
	v7 =	vld [tilespmem:s16+$0x20];
	_ =	sdelay $0x1  }
0x130: {  	v4 =	vmul.f32 $1.442695020e+00, v4;
	v6 =	vadd.f32 v10, v6;
	v8 =	vld [tilespmem:s26+$0x20]  }
0x131: {  	v9 =	vld [tilespmem:s2+$0x20]  }
0x132: {  	(erf) = vpow2.f32 v4;
	v4 =	vsub.f32 $0.0e+00, v6  }
0x133: {  	v5 =	vadd.f32 v7, v5  }
0x134: {  	v4 =	vmul.f32 $1.442695020e+00, v4  }
0x135: {  	v5 =	vsub.f32 $0.0e+00, v5  }
0x136: {  	v6 =	vadd.f32 v9, v8;
	(erf) = vpow2.f32 v4  }
0x137: {  	v4 =	vmul.f32 $1.442695020e+00, v5  }
0x138: {  	s22 =	simm.s32 $0x400;
	v5 =	vsub.f32 $0.0e+00, v6  }
0x139: {  	s23 =	simm.s32 $0x380;
	s3 =	sand.u32 $0x3800, s22;
	(erf) = vpow2.f32 v4  }
0x13a: {  	s13 =	simm.s32 $0x3B00;
	s4 =	sand.u32 $0x380, s23;
	s3 =	sadd.s32 $0x6000, s3;
	v5 =	vmul.f32 $1.442695020e+00, v5  }
0x13b: {  	s21 =	sor.u32 s4, s3;
	v6 =	vld [tilespmem:s13+$0x80];
	v4 =	vpop (erf)  }
0x13c: {  	s25 =	simm.s32 $0x200;
	(erf) = vpow2.f32 v5;
	v5 =	vld [tilespmem:s21+$0x0];
	v4 =	vadd.f32 $1.000000000e+00, v4  }
0x13d: {  	s4 =	sand.u32 $0x200, s25  }
0x13e: {  	s10 =	sor.u32 s4, s3;
	(erf) = vrcp.f32 v4  }
0x13f: {  	s0 =	simm.s32 $0x280;
	v7 =	vld [tilespmem:s10+$0x0];
	v8 =	vpop (erf)  }
0x140: {  	s6 =	sand.u32 $0x280, s0;
	v4 =	vld [tilespmem:s13+$0xFFFFFF00];
	v8 =	vadd.f32 $1.000000000e+00, v8  }
0x141: {  	s22 =	sor.u32 s6, s3;
	s6 =	simm.s32 $0x300;
	v10 =	vld [tilespmem:s13+$0xFFFFFF80];
	v5 =	vadd.f32 v5, v6  }
0x142: {  	s11 =	sor.u32 $0x420, s24;
	s4 =	sand.u32 $0x300, s6;
	v9 =	vld [tilespmem:s22+$0x0];
	(erf) = vrcp.f32 v8;
	v11 =	vpop (erf)  }
0x143: {  	s18 =	sor.u32 s4, s3;
	v6 =	vld [tilespmem:s11+$0x6000];
	v5 =	vsub.f32 $0.0e+00, v5;
	v11 =	vadd.f32 $1.000000000e+00, v11  }
0x144: {  	v8 =	vld [tilespmem:s18+$0x0]  }
0x145: {  	v4 =	vadd.f32 v7, v4;
	v7 =	vld [tilespmem:s13+$0x0];
	v5 =	vmul.f32 $1.442695020e+00, v5  }
0x146: {  	s12 =	sor.u32 $0x420, s7;
	v12 =	vpop (erf);
	(erf) = vrcp.f32 v11  }
0x147: {  	v13 =	vld [tilespmem:s12+$0x6000];
	v9 =	vadd.f32 v9, v10;
	(erf) = vpow2.f32 v5;
	v11 =	vpop (erf)  }
0x148: {  	v4 =	vsub.f32 $0.0e+00, v4;
	v5 =	vmul.f32 v11, v6  }
0x149: {  	s14 =	sor.u32 $0x420, s5;
	v9 =	vsub.f32 $0.0e+00, v9;
	v6 =	vadd.f32 $1.000000000e+00, v12  }
0x14a: {  	v10 =	vld [tilespmem:s14+$0x6000];
	v4 =	vmul.f32 $1.442695020e+00, v4;
	v7 =	vadd.f32 v8, v7;
	[tilespmem:s1+$0xA0] =	vst v5  }
0x14b: {  	(erf) = vrcp.f32 v6;
	v6 =	vmul.f32 $1.442695020e+00, v9;
	v8 =	vpop (erf);
	v5 =	vld [tilespmem:s26+$0xB0]  }
0x14c: {  	v7 =	vsub.f32 $0.0e+00, v7;
	(erf) = vpow2.f32 v4;
	v4 =	vld [tilespmem:s8+$0x30];
	v8 =	vmul.f32 v8, v13  }
0x14d: {  	(erf) = vpow2.f32 v6  }
0x14e: {  	v7 =	vmul.f32 $1.442695020e+00, v7  }
0x14f: {  	[tilespmem:s1+$0xFFFFFF20] =	vst v8;
	v6 =	vpop (erf)  }
0x150: {  	(erf) = vpow2.f32 v7;
	v7 =	vld [tilespmem:s26+$0xFFFFFF30];
	v8 =	vpop (erf);
	v6 =	vmul.f32 v6, v10  }
0x151: {  	s17 =	sor.u32 $0x420, s9;
	v4 =	vadd.f32 v4, v5;
	v5 =	vld [tilespmem:s15+$0x30];
	v8 =	vadd.f32 $1.000000000e+00, v8  }
0x152: {  	v9 =	vld [tilespmem:s17+$0x6000];
	[tilespmem:s1+$0xFFFFFFA0] =	vst v6  }
0x153: {  	v4 =	vsub.f32 $0.0e+00, v4;
	(erf) = vrcp.f32 v8;
	v8 =	vld [tilespmem:s26+$0xFFFFFFB0]  }
0x154: {  	v11 =	vld [tilespmem:s16+$0x30];
	v6 =	vpop (erf)  }
0x155: {  	s19 =	simm.s32 $0x4;
	v10 =	vpop (erf);
	v4 =	vmul.f32 $1.442695020e+00, v4  }
0x156: {  	s3 =	sand.u32 $0x7, s19;
	v10 =	vadd.f32 $1.000000000e+00, v10;
	v5 =	vadd.f32 v5, v7;
	v7 =	vpop (erf)  }
0x157: {  	s3 =	sshll.u32 s3, $0x7;
	(erf) = vpow2.f32 v4;
	v4 =	vadd.f32 $1.000000000e+00, v7  }
0x158: {  	p0 =	por !p0, !p0;
	s4 =	simm.s32 $0x1;
	s3 =	sadd.s32 $0x400, s3;
	(erf) = vrcp.f32 v10  }
0x159: {  	s4 =	simm.s32 @!p0 $0x0;
	s12 =	sadd.s32 $0x180, s3;
	v6 =	vmul.f32 v6, v9;
	(erf) = vrcp.f32 v4;
	v4 =	vadd.f32 v11, v8  }
0x15a: {  	s4 =	sshll.u32 s4, $0x9;
	s20 =	sor.u32 $0x400, s12;
	v5 =	vsub.f32 $0.0e+00, v5  }
0x15b: {  	s0 =	sadd.s32 $0x400, s4;
	v9 =	vld [tilespmem:s20+$0x6000];
	[tilespmem:s1+$0x20] =	vst v6;
	v7 =	vpop (erf);
	v4 =	vsub.f32 $0.0e+00, v4  }
0x15c: {  	s25 =	sor.u32 $0x400, s0;
	v6 =	vld [tilespmem:s26+$0x30];
	v7 =	vadd.f32 $1.000000000e+00, v7;
	v5 =	vmul.f32 $1.442695020e+00, v5  }
0x15d: {  	v8 =	vld [tilespmem:s25+$0x6000];
	v4 =	vmul.f32 $1.442695020e+00, v4  }
0x15e: {  	s23 =	simm.s32 $0x2;
	(erf) = vrcp.f32 v7;
	v7 =	vld [tilespmem:s2+$0x30]  }
0x15f: {  	s4 =	sand.u32 $0x3, s23;
	(erf) = vpow2.f32 v5  }
0x160: {  	s31 =	sadd.s32 $0x80, s3;
	s4 =	sshll.u32 s4, $0x8;
	v5 =	vpop (erf)  }
0x161: {  	s3 =	sor.u32 $0x400, s31;
	s4 =	sadd.s32 $0x400, s4;
	(erf) = vpow2.f32 v4;
	v4 =	vpop (erf)  }
0x162: {  	s19 =	sadd.s32 $0x100, s4;
	v5 =	vmul.f32 v5, v9;
	v9 =	vld [tilespmem:s3+$0x6000];
	v11 =	vpop (erf)  }
0x163: {  	s4 =	sor.u32 $0x400, s19;
	v6 =	vadd.f32 v7, v6;
	v7 =	vmul.f32 v11, v8  }
0x164: {  	v10 =	vld [tilespmem:s4+$0x6000]  }
0x165: {  	v4 =	vadd.f32 $1.000000000e+00, v4  }
0x166: {  	s23 =	simm.s32 $0xB300;
	v11 =	vpop (erf)  }
0x167: {  	(erf) = vrcp.f32 v4;
	v4 =	vsub.f32 $0.0e+00, v6;
	v6 =	vmul.f32 v11, v9;
	[tilespmem:s23+$0xFFFFFF00] =	vst v7;
	v7 =	vpop (erf)  }
0x168: {  	[tilespmem:s23+$0x80] =	vst v5;
	v11 =	vpop (erf)  }
0x169: {  	v5 =	vld [tilespmem:s13+$0x90];
	[tilespmem:s23+$0xFFFFFF80] =	vst v6;
	v6 =	vmul.f32 v7, v10;
	v7 =	vadd.f32 $1.000000000e+00, v11  }
0x16a: {  	v8 =	vld [tilespmem:s21+$0x10];
	v4 =	vmul.f32 $1.442695020e+00, v4  }
0x16b: {  	v9 =	vld [tilespmem:s13+$0xFFFFFF10]  }
0x16c: {  	v12 =	vld [tilespmem:s10+$0x10];
	(erf) = vpow2.f32 v4  }
0x16d: {  	s4 =	sor.u32 $0x430, s24;
	(erf) = vrcp.f32 v7;
	v7 =	vpop (erf)  }
0x16e: {  	v4 =	vld [tilespmem:s4+$0x6000];
	v7 =	vadd.f32 $1.000000000e+00, v7  }
0x16f: {  	v5 =	vadd.f32 v8, v5  }
0x170: {  	v10 =	vld [tilespmem:s13+$0xFFFFFF90]  }
0x171: {  	[tilespmem:s23+$0x0] =	vst v6;
	v6 =	vld [tilespmem:s22+$0x10];
	v5 =	vsub.f32 $0.0e+00, v5;
	v9 =	vadd.f32 v12, v9  }
0x172: {  	(erf) = vrcp.f32 v7;
	v7 =	vpop (erf)  }
0x173: {  	v8 =	vld [tilespmem:s13+$0x10];
	v5 =	vmul.f32 $1.442695020e+00, v5;
	v4 =	vmul.f32 v7, v4;
	v7 =	vsub.f32 $0.0e+00, v9  }
0x174: {  	s6 =	sor.u32 $0x430, s7;
	v11 =	vld [tilespmem:s18+$0x10];
	[smem:$0x7D4] =	sst s5  }
0x175: {  	(erf) = vpow2.f32 v5;
	v5 =	vld [tilespmem:s6+$0x6000];
	[tilespmem:s1+$0xB0] =	vst v4;
	v4 =	vmul.f32 $1.442695020e+00, v7  }
0x176: {  	v6 =	vadd.f32 v6, v10  }
0x177: {  	s11 =	sor.u32 $0x430, s5  }
0x178: {  	v6 =	vsub.f32 $0.0e+00, v6;
	v9 =	vld [tilespmem:s11+$0x6000];
	v10 =	vpop (erf)  }
0x179: {  	v7 =	vadd.f32 v11, v8;
	v8 =	vld [tilespmem:s26+$0xC0];
	(erf) = vpow2.f32 v4;
	v4 =	vpop (erf)  }
0x17a: {  	v11 =	vld [tilespmem:s8+$0x40];
	v4 =	vmul.f32 v4, v5;
	v5 =	vmul.f32 $1.442695020e+00, v6  }
0x17b: {  	v10 =	vadd.f32 $1.000000000e+00, v10;
	v7 =	vsub.f32 $0.0e+00, v7;
	_ =	sdelay $0x1  }
0x17c: {  	(erf) = vrcp.f32 v10;
	v6 =	vmul.f32 $1.442695020e+00, v7  }
0x17d: {  	(erf) = vpow2.f32 v5;
	v5 =	vpop (erf)  }
0x17e: {  	s14 =	sor.u32 $0x430, s9;
	(erf) = vpow2.f32 v6;
	v6 =	vadd.f32 v11, v8;
	v5 =	vmul.f32 v5, v9  }
0x17f: {  	v7 =	vld [tilespmem:s14+$0x6000];
	[tilespmem:s1+$0xFFFFFF30] =	vst v4;
	v4 =	vpop (erf)  }
0x180: {  	v8 =	vld [tilespmem:s26+$0xFFFFFF40];
	v4 =	vadd.f32 $1.000000000e+00, v4;
	[tilespmem:s1+$0xFFFFFFB0] =	vst v5;
	v5 =	vsub.f32 $0.0e+00, v6  }
0x181: {  	v9 =	vld [tilespmem:s15+$0x40]  }
0x182: {  	(erf) = vrcp.f32 v4;
	v4 =	vld [tilespmem:s26+$0xFFFFFFC0];
	v5 =	vmul.f32 $1.442695020e+00, v5  }
0x183: {  	v6 =	vld [tilespmem:s16+$0x40];
	_ =	sdelay $0x1  }
0x184: {  	v11 =	vpop (erf)  }
0x185: {  	s20 =	sor.u32 $0x410, s31;
	v11 =	vadd.f32 $1.000000000e+00, v11;
	(erf) = vpow2.f32 v5;
	v5 =	vpop (erf)  }
0x186: {  	s25 =	sor.u32 $0x410, s19;
	v12 =	vld [tilespmem:s20+$0x6000];
	v8 =	vadd.f32 v9, v8;
	v5 =	vmul.f32 v5, v7;
	v9 =	vpop (erf)  }
0x187: {  	s4 =	sor.u32 $0x410, s12;
	v13 =	vld [tilespmem:s25+$0x6000];
	(erf) = vrcp.f32 v11;
	v6 =	vadd.f32 v6, v4;
	v14 =	vpop (erf)  }
0x188: {  	s17 =	sor.u32 $0x410, s0;
	v8 =	vsub.f32 $0.0e+00, v8;
	v7 =	vld [tilespmem:s4+$0x6000];
	[tilespmem:s1+$0x30] =	vst v5;
	v5 =	vadd.f32 $1.000000000e+00, v14  }
0x189: {  	s6 =	sor.u32 $0x440, s7;
	v10 =	vld [tilespmem:s17+$0x6000];
	v9 =	vadd.f32 $1.000000000e+00, v9;
	v6 =	vsub.f32 $0.0e+00, v6  }
0x18a: {  	s11 =	smov.u32 s19;
	s19 =	smov.u32 s7;
	s7 =	sor.u32 $0x440, s5;
	v11 =	vld [tilespmem:s6+$0x6000];
	v8 =	vmul.f32 $1.442695020e+00, v8  }
0x18b: {  	v4 =	vld [tilespmem:s7+$0x6000];
	(erf) = vrcp.f32 v9;
	v6 =	vmul.f32 $1.442695020e+00, v6  }
0x18c: {  	v9 =	vld [tilespmem:s26+$0x40];
	[smem:$0x7D2] =	sst s9;
	(erf) = vrcp.f32 v5;
	v5 =	vpop (erf)  }
0x18d: {  	v14 =	vld [tilespmem:s2+$0x40];
	(erf) = vpow2.f32 v8;
	v7 =	vmul.f32 v5, v7  }
0x18e: {  	(erf) = vpow2.f32 v6  }
0x18f: {  	v6 =	vpop (erf);
	[tilespmem:s23+$0x90] =	vst v7  }
0x190: {  	v6 =	vadd.f32 $1.000000000e+00, v6;
	v8 =	vpop (erf);
	v7 =	vld [tilespmem:s13+$0xA0]  }
0x191: {  	v8 =	vmul.f32 v8, v10;
	v15 =	vld [tilespmem:s21+$0x20]  }
0x192: {  	s14 =	sor.u32 $0x440, s9;
	(erf) = vrcp.f32 v6;
	v6 =	vadd.f32 v14, v9  }
0x193: {  	v5 =	vld [tilespmem:s14+$0x6000];
	[tilespmem:s23+$0xFFFFFF10] =	vst v8  }
0x194: {  	v6 =	vsub.f32 $0.0e+00, v6;
	v8 =	vld [tilespmem:s13+$0xFFFFFF20];
	v9 =	vpop (erf);
	[dreg:$0x6] =	wrdreg s10  }
0x195: {  	v10 =	vld [tilespmem:s10+$0x20];
	v9 =	vmul.f32 v9, v12;
	v12 =	vpop (erf)  }
0x196: {  	v6 =	vmul.f32 $1.442695020e+00, v6;
	v7 =	vadd.f32 v15, v7;
	v15 =	vpop (erf)  }
0x197: {  	s17 =	sor.u32 $0x440, s24;
	v12 =	vmul.f32 v12, v13;
	[tilespmem:s23+$0xFFFFFF90] =	vst v9;
	v9 =	vadd.f32 $1.000000000e+00, v15;
	v13 =	vpop (erf)  }
0x198: {  	v14 =	vld [tilespmem:s17+$0x6000];
	(erf) = vpow2.f32 v6;
	v7 =	vsub.f32 $0.0e+00, v7;
	v6 =	vadd.f32 $1.000000000e+00, v13  }
0x199: {  	v15 =	vld [tilespmem:s13+$0xFFFFFFA0]  }
0x19a: {  	[tilespmem:s23+$0x10] =	vst v12;
	v12 =	vld [tilespmem:s22+$0x20];
	(erf) = vrcp.f32 v9;
	v8 =	vadd.f32 v10, v8;
	v7 =	vmul.f32 $1.442695020e+00, v7  }
0x19b: {  	(erf) = vrcp.f32 v6  }
0x19c: {  	v6 =	vpop (erf);
	(erf) = vpow2.f32 v7;
	v7 =	vsub.f32 $0.0e+00, v8  }
0x19d: {  	v9 =	vld [tilespmem:s13+$0x20];
	v6 =	vmul.f32 v6, v14  }
0x19e: {  	v10 =	vld [tilespmem:s18+$0x20];
	[dreg:$0x8] =	wrdreg s18;
	v7 =	vmul.f32 $1.442695020e+00, v7  }
0x19f: {  	[tilespmem:s1+$0xC0] =	vst v6;
	v6 =	vadd.f32 v12, v15  }
0x1a0: {  	(erf) = vpow2.f32 v7  }
0x1a1: {  	v8 =	vld [tilespmem:s26+$0xD0];
	v6 =	vsub.f32 $0.0e+00, v6  }
0x1a2: {  	v12 =	vld [tilespmem:s8+$0x50]  }
0x1a3: {  	v9 =	vadd.f32 v10, v9;
	v6 =	vmul.f32 $1.442695020e+00, v6  }
0x1a4: {  	v7 =	vpop (erf)  }
0x1a5: {  	v9 =	vsub.f32 $0.0e+00, v9;
	v10 =	vpop (erf);
	(erf) = vpow2.f32 v6  }
0x1a6: {  	s20 =	simm.s32 $0x800;
	v7 =	vadd.f32 $1.000000000e+00, v7;
	v13 =	vpop (erf)  }
0x1a7: {  	s25 =	simm.s32 $0x580;
	s3 =	sand.u32 $0x3800, s20;
	v9 =	vmul.f32 $1.442695020e+00, v9;
	v8 =	vadd.f32 v12, v8;
	v6 =	vpop (erf)  }
0x1a8: {  	s30 =	simm.s32 $0x3D00;
	s3 =	sadd.s32 $0x6000, s3;
	s4 =	sand.u32 $0x380, s25;
	(erf) = vrcp.f32 v7;
	v6 =	vadd.f32 $1.000000000e+00, v6  }
0x1a9: {  	s5 =	simm.s32 $0x400;
	s14 =	sor.u32 s4, s3;
	v12 =	vld [tilespmem:s30+$0x80];
	(erf) = vpow2.f32 v9;
	v8 =	vsub.f32 $0.0e+00, v8;
	v15 =	vpop (erf)  }
0x1aa: {  	s4 =	sand.u32 $0x200, s5;
	v7 =	vld [tilespmem:s14+$0x0];
	(erf) = vrcp.f32 v6;
	v15 =	vadd.f32 $1.000000000e+00, v15  }
0x1ab: {  	s9 =	simm.s32 $0x480;
	s28 =	sor.u32 s4, s3;
	v16 =	vld [tilespmem:s30+$0xFFFFFF80];
	v8 =	vmul.f32 $1.442695020e+00, v8  }
0x1ac: {  	s6 =	sand.u32 $0x280, s9;
	s17 =	simm.s32 $0x500;
	v14 =	vld [tilespmem:s28+$0x0]  }
0x1ad: {  	s4 =	sand.u32 $0x300, s17;
	s17 =	sor.u32 s6, s3;
	v9 =	vld [tilespmem:s30+$0xFFFFFF00];
	(erf) = vpow2.f32 v8  }
0x1ae: {  	s7 =	sor.u32 $0x420, s12;
	v8 =	vld [tilespmem:s17+$0x0];
	(erf) = vrcp.f32 v15;
	v15 =	vpop (erf)  }
0x1af: {  	v6 =	vld [tilespmem:s7+$0x6000];
	v7 =	vadd.f32 v7, v12;
	v15 =	vadd.f32 $1.000000000e+00, v15  }
0x1b0: {  	s20 =	sor.u32 $0x420, s0;
	v17 =	vld [tilespmem:s30+$0x0]  }
0x1b1: {  	s25 =	sor.u32 s4, s3;
	v19 =	vld [tilespmem:s20+$0x6000];
	v10 =	vmul.f32 v10, v11;
	v7 =	vsub.f32 $0.0e+00, v7;
	v18 =	vpop (erf)  }
0x1b2: {  	s5 =	sor.u32 $0x420, s11;
	v12 =	vld [tilespmem:s25+$0x0];
	v9 =	vadd.f32 v14, v9;
	v11 =	vpop (erf)  }
0x1b3: {  	v20 =	vld [tilespmem:s5+$0x6000];
	[tilespmem:s1+$0xFFFFFF40] =	vst v10;
	v7 =	vmul.f32 $1.442695020e+00, v7;
	v8 =	vadd.f32 v8, v16;
	(erf) = vrcp.f32 v15;
	v15 =	vpop (erf)  }
0x1b4: {  	s4 =	sor.u32 $0x420, s31;
	v10 =	vld [tilespmem:s26+$0xFFFFFF50];
	v9 =	vsub.f32 $0.0e+00, v9;
	v6 =	vmul.f32 v15, v6  }
0x1b5: {  	v14 =	vld [tilespmem:s4+$0x6000];
	(erf) = vpow2.f32 v7;
	v7 =	vadd.f32 $1.000000000e+00, v11;
	v8 =	vsub.f32 $0.0e+00, v8  }
0x1b6: {  	v9 =	vmul.f32 $1.442695020e+00, v9;
	v11 =	vld [tilespmem:s15+$0x50];
	[smem:$0x7C9] =	sst s15;
	[tilespmem:s23+$0xA0] =	vst v6  }
0x1b7: {  	v4 =	vmul.f32 v13, v4;
	v12 =	vadd.f32 v12, v17;
	(erf) = vrcp.f32 v7;
	v7 =	vld [tilespmem:s13+$0xB0]  }
0x1b8: {  	(erf) = vpow2.f32 v9;
	v9 =	vld [tilespmem:s21+$0x30];
	[smem:$0x7CB] =	sst s24;
	v6 =	vpop (erf)  }
0x1b9: {  	s6 =	sor.u32 $0x450, s24;
	v5 =	vmul.f32 v18, v5;
	v12 =	vsub.f32 $0.0e+00, v12;
	[tilespmem:s1+$0xFFFFFFC0] =	vst v4;
	v4 =	vmul.f32 $1.442695020e+00, v8;
	v8 =	vpop (erf)  }
0x1ba: {  	v13 =	vld [tilespmem:s6+$0x6000];
	v6 =	vadd.f32 $1.000000000e+00, v6;
	v8 =	vmul.f32 v8, v19  }
0x1bb: {  	v12 =	vmul.f32 $1.442695020e+00, v12;
	[tilespmem:s1+$0x40] =	vst v5;
	v5 =	vld [tilespmem:s16+$0x50]  }
0x1bc: {  	(erf) = vrcp.f32 v6;
	v6 =	vld [tilespmem:s26+$0xFFFFFFD0];
	[smem:$0x7CA] =	sst s16  }
0x1bd: {  	(erf) = vpow2.f32 v4;
	v4 =	vadd.f32 v11, v10;
	v10 =	vld [tilespmem:s26+$0x50];
	[tilespmem:s23+$0xFFFFFF20] =	vst v8  }
0x1be: {  	v7 =	vadd.f32 v9, v7;
	(erf) = vpow2.f32 v12;
	v11 =	vld [tilespmem:s13+$0xFFFFFF30];
	v8 =	vpop (erf)  }
0x1bf: {  	v9 =	vld [tilespmem:s10+$0x30];
	v4 =	vsub.f32 $0.0e+00, v4;
	v12 =	vpop (erf);
	v8 =	vmul.f32 v8, v14  }
0x1c0: {  	s9 =	simm.s32 $0x8;
	v7 =	vsub.f32 $0.0e+00, v7;
	v14 =	vld [tilespmem:s2+$0x50];
	[smem:$0x7E0] =	sst s2;
	v12 =	vadd.f32 $1.000000000e+00, v12  }
0x1c1: {  	s3 =	sand.u32 $0x7, s9;
	v4 =	vmul.f32 $1.442695020e+00, v4;
	[tilespmem:s23+$0xFFFFFFA0] =	vst v8  }
0x1c2: {  	s3 =	sshll.u32 s3, $0x7;
	v5 =	vadd.f32 v5, v6;
	v7 =	vmul.f32 $1.442695020e+00, v7;
	v8 =	vld [tilespmem:s13+$0xFFFFFFB0]  }
0x1c3: {  	s3 =	sadd.s32 $0x800, s3;
	v6 =	vpop (erf);
	(erf) = vrcp.f32 v12;
	v15 =	vld [tilespmem:s22+$0x30]  }
0x1c4: {  	s9 =	sadd.s32 $0x180, s3;
	v6 =	vmul.f32 v6, v20;
	v5 =	vsub.f32 $0.0e+00, v5;
	(erf) = vpow2.f32 v4;
	v12 =	vpop (erf)  }
0x1c5: {  	s7 =	smov.u32 s11;
	s11 =	sor.u32 $0x400, s9;
	[smem:$0x7C6] =	sst s22;
	v9 =	vadd.f32 v9, v11;
	(erf) = vpow2.f32 v7;
	v12 =	vadd.f32 $1.000000000e+00, v12;
	v4 =	vpop (erf)  }
0x1c6: {  	v16 =	vld [tilespmem:s11+$0x6000];
	[tilespmem:s23+$0x20] =	vst v6;
	v5 =	vmul.f32 $1.442695020e+00, v5;
	v6 =	vadd.f32 v14, v10;
	v4 =	vmul.f32 v4, v13;
	v7 =	vpop (erf)  }
0x1c7: {  	v10 =	vld [tilespmem:s13+$0x30];
	v9 =	vsub.f32 $0.0e+00, v9;
	(erf) = vrcp.f32 v12;
	v7 =	vadd.f32 $1.000000000e+00, v7;
	v11 =	vpop (erf)  }
0x1c8: {  	p0 =	por !p0, !p0;
	s4 =	simm.s32 $0x1;
	v12 =	vld [tilespmem:s18+$0x30];
	[tilespmem:s1+$0xD0] =	vst v4;
	v4 =	vadd.f32 $1.000000000e+00, v11;
	(erf) = vpow2.f32 v5;
	v5 =	vadd.f32 v15, v8  }
0x1c9: {  	s20 =	simm.s32 $0x4;
	s4 =	simm.s32 @!p0 $0x0;
	v6 =	vsub.f32 $0.0e+00, v6;
	v9 =	vmul.f32 $1.442695020e+00, v9;
	v8 =	vld [tilespmem:s26+$0xE0];
	(erf) = vrcp.f32 v7  }
0x1ca: {  	s4 =	sshll.u32 s4, $0x9;
	s6 =	sand.u32 $0x3, s20;
	v7 =	vld [tilespmem:s8+$0x60];
	(erf) = vrcp.f32 v4;
	v4 =	vsub.f32 $0.0e+00, v5  }
0x1cb: {  	s6 =	sshll.u32 s6, $0x8;
	s18 =	sadd.s32 $0x800, s4;
	v6 =	vmul.f32 $1.442695020e+00, v6  }
0x1cc: {  	s5 =	sadd.s32 $0x800, s6;
	s10 =	smov.u32 s8;
	s8 =	sor.u32 $0x400, s18;
	v4 =	vmul.f32 $1.442695020e+00, v4  }
0x1cd: {  	s20 =	sadd.s32 $0x100, s5;
	v5 =	vld [tilespmem:s8+$0x6000];
	(erf) = vpow2.f32 v9;
	v9 =	vpop (erf);
	v10 =	vadd.f32 v12, v10  }
0x1ce: {  	s29 =	sadd.s32 $0x80, s3;
	s11 =	sor.u32 $0x400, s20;
	v9 =	vmul.f32 v9, v16;
	(erf) = vpow2.f32 v6  }
0x1cf: {  	s3 =	sor.u32 $0x400, s29;
	v11 =	vld [tilespmem:s11+$0x6000];
	s8 =	simm.s32 $0xB500;
	v6 =	vpop (erf);
	(erf) = vpow2.f32 v4;
	v7 =	vadd.f32 v7, v8;
	v8 =	vsub.f32 $0.0e+00, v10  }
0x1d0: {  	v12 =	vld [tilespmem:s3+$0x6000];
	[tilespmem:s8+$0x80] =	vst v9;
	v4 =	vpop (erf)  }
0x1d1: {  	v6 =	vadd.f32 $1.000000000e+00, v6;
	v9 =	vld [tilespmem:s30+$0x90];
	v10 =	vpop (erf)  }
0x1d2: {  	v4 =	vadd.f32 $1.000000000e+00, v4;
	v5 =	vmul.f32 v10, v5;
	v10 =	vld [tilespmem:s14+$0x10]  }
0x1d3: {  	s5 =	sor.u32 $0x450, s19;
	v7 =	vsub.f32 $0.0e+00, v7;
	(erf) = vrcp.f32 v6;
	v6 =	vmul.f32 $1.442695020e+00, v8;
	v8 =	vpop (erf);
	[smem:$0x7D1] =	sst s19  }
0x1d4: {  	(erf) = vrcp.f32 v4;
	v4 =	vld [tilespmem:s5+$0x6000];
	v13 =	vpop (erf);
	[tilespmem:s8+$0xFFFFFF00] =	vst v5  }
0x1d5: {  	v5 =	vmul.f32 $1.442695020e+00, v7;
	v7 =	vmul.f32 v13, v12;
	v12 =	vpop (erf);
	v13 =	vld [tilespmem:s30+$0xFFFFFF10]  }
0x1d6: {  	s6 =	sor.u32 $0x430, s12;
	(erf) = vpow2.f32 v6;
	v6 =	vadd.f32 $1.000000000e+00, v8;
	v8 =	vpop (erf);
	v14 =	vld [tilespmem:s28+$0x10];
	v11 =	vmul.f32 v12, v11  }
0x1d7: {  	(erf) = vpow2.f32 v5;
	v5 =	vld [tilespmem:s6+$0x6000];
	[tilespmem:s8+$0xFFFFFF80] =	vst v7;
	v7 =	vadd.f32 $1.000000000e+00, v8;
	v8 =	vadd.f32 v10, v9;
	v9 =	vpop (erf)  }
0x1d8: {  	v10 =	vld [tilespmem:s30+$0xFFFFFF90];
	(erf) = vrcp.f32 v6;
	v6 =	vadd.f32 $1.000000000e+00, v9;
	v9 =	vpop (erf)  }
0x1d9: {  	[tilespmem:s8+$0x0] =	vst v11;
	(erf) = vrcp.f32 v7;
	v7 =	vld [tilespmem:s17+$0x10];
	v9 =	vadd.f32 $1.000000000e+00, v9  }
0x1da: {  	v11 =	vld [tilespmem:s30+$0x10]  }
0x1db: {  	s3 =	sor.u32 $0x430, s0;
	v12 =	vld [tilespmem:s25+$0x10];
	[smem:$0x7CC] =	sst s0  }
0x1dc: {  	s6 =	sor.u32 $0x430, s31;
	(erf) = vrcp.f32 v6;
	v6 =	vadd.f32 v14, v13;
	v13 =	vpop (erf);
	v14 =	vld [tilespmem:s3+$0x6000];
	[smem:$0x7CD] =	sst s31  }
0x1dd: {  	s5 =	smov.u32 s17;
	v8 =	vsub.f32 $0.0e+00, v8;
	(erf) = vrcp.f32 v9;
	v15 =	vld [tilespmem:s6+$0x6000];
	[smem:$0x7CE] =	sst s7;
	v9 =	vpop (erf)  }
0x1de: {  	s17 =	sor.u32 $0x430, s7;
	s6 =	smov.u32 s7;
	s7 =	sld [smem:$0x7D4];
	v5 =	vmul.f32 v9, v5  }
0x1df: {  	v8 =	vmul.f32 $1.442695020e+00, v8  }
0x1e0: {  	v6 =	vsub.f32 $0.0e+00, v6;
	[tilespmem:s23+$0xB0] =	vst v5  }
0x1e1: {  	(erf) = vpow2.f32 v8;
	v8 =	vld [tilespmem:s17+$0x6000];
	v7 =	vadd.f32 v7, v10;
	s3 =	sor.u32 $0x450, s7;
	s17 =	sld [smem:$0x7D2]  }
0x1e2: {  	v9 =	vpop (erf);
	v6 =	vmul.f32 $1.442695020e+00, v6;
	v16 =	vld [tilespmem:s3+$0x6000]  }
0x1e3: {  	v4 =	vmul.f32 v13, v4;
	v10 =	vadd.f32 v12, v11;
	v7 =	vsub.f32 $0.0e+00, v7;
	v11 =	vld [tilespmem:s13+$0xC0];
	v5 =	vpop (erf)  }
0x1e4: {  	(erf) = vpow2.f32 v6;
	v6 =	vld [tilespmem:s21+$0x40];
	v5 =	vadd.f32 $1.000000000e+00, v5;
	v12 =	vpop (erf);
	s3 =	sor.u32 $0x450, s17  }
0x1e5: {  	v10 =	vsub.f32 $0.0e+00, v10;
	[tilespmem:s1+$0xFFFFFF50] =	vst v4;
	v4 =	vadd.f32 $1.000000000e+00, v9;
	v7 =	vmul.f32 $1.442695020e+00, v7;
	v9 =	vpop (erf);
	v13 =	vld [tilespmem:s3+$0x6000]  }
0x1e6: {  	(erf) = vrcp.f32 v5;
	v5 =	vld [tilespmem:s26+$0xFFFFFF60];
	v9 =	vmul.f32 v9, v14  }
0x1e7: {  	v14 =	vld [tilespmem:s15+$0x60];
	s15 =	sor.u32 $0x410, s18;
	(erf) = vrcp.f32 v4;
	v4 =	vmul.f32 $1.442695020e+00, v10  }
0x1e8: {  	s17 =	smov.u32 s18;
	v17 =	vpop (erf);
	s18 =	sor.u32 $0x460, s24;
	v10 =	vld [tilespmem:s15+$0x6000]  }
0x1e9: {  	v18 =	vld [tilespmem:s18+$0x6000];
	(erf) = vpow2.f32 v7;
	v7 =	vpop (erf);
	[tilespmem:s23+$0xFFFFFF30] =	vst v9  }
0x1ea: {  	s24 =	sor.u32 $0x410, s29;
	v7 =	vmul.f32 v7, v15;
	v9 =	vld [tilespmem:s13+$0xFFFFFF40]  }
0x1eb: {  	s11 =	smov.u32 s28;
	(erf) = vpow2.f32 v4;
	s28 =	rddreg [dreg:$0x6];
	v15 =	vld [tilespmem:s24+$0x6000];
	v4 =	vpop (erf)  }
0x1ec: {  	v6 =	vadd.f32 v6, v11;
	v11 =	vld [tilespmem:s28+$0x40];
	[tilespmem:s23+$0xFFFFFFB0] =	vst v7;
	v4 =	vadd.f32 $1.000000000e+00, v4  }
0x1ed: {  	v5 =	vadd.f32 v14, v5;
	v7 =	vmul.f32 v12, v16;
	v14 =	vld [tilespmem:s22+$0x40]  }
0x1ee: {  	v6 =	vsub.f32 $0.0e+00, v6;
	(erf) = vrcp.f32 v4;
	v4 =	vld [tilespmem:s13+$0xFFFFFFC0];
	[smem:$0x7CF] =	sst s9  }
0x1ef: {  	v12 =	vpop (erf);
	[tilespmem:s1+$0xFFFFFFD0] =	vst v7  }
0x1f0: {  	v6 =	vmul.f32 $1.442695020e+00, v6;
	v7 =	vadd.f32 $1.000000000e+00, v12;
	v12 =	vld [tilespmem:s26+$0xFFFFFFE0]  }
0x1f1: {  	v9 =	vadd.f32 v11, v9;
	v11 =	vld [tilespmem:s16+$0x60]  }
0x1f2: {  	v5 =	vsub.f32 $0.0e+00, v5;
	v16 =	vpop (erf);
	(erf) = vpow2.f32 v6  }
0x1f3: {  	v6 =	vmul.f32 v16, v18;
	v16 =	vpop (erf);
	(erf) = vrcp.f32 v7;
	v4 =	vadd.f32 v14, v4  }
0x1f4: {  	s3 =	sor.u32 $0x410, s9;
	v13 =	vmul.f32 v17, v13  }
0x1f5: {  	v19 =	vld [tilespmem:s3+$0x6000];
	v5 =	vmul.f32 $1.442695020e+00, v5;
	v9 =	vsub.f32 $0.0e+00, v9;
	v7 =	vpop (erf);
	v4 =	vsub.f32 $0.0e+00, v4  }
0x1f6: {  	[tilespmem:s1+$0x50] =	vst v13;
	v8 =	vmul.f32 v16, v8;
	v7 =	vadd.f32 $1.000000000e+00, v7;
	v16 =	vpop (erf);
	v11 =	vadd.f32 v11, v12  }
0x1f7: {  	[tilespmem:s1+$0xE0] =	vst v6;
	(erf) = vpow2.f32 v5;
	v13 =	vadd.f32 $1.000000000e+00, v16;
	v4 =	vmul.f32 $1.442695020e+00, v4  }
0x1f8: {  	v6 =	vld [tilespmem:s10+$0x70];
	(erf) = vrcp.f32 v7;
	v7 =	vmul.f32 $1.442695020e+00, v9;
	v11 =	vsub.f32 $0.0e+00, v11  }
0x1f9: {  	v5 =	vld [tilespmem:s26+$0xF0];
	(erf) = vrcp.f32 v13;
	v9 =	vpop (erf)  }
0x1fa: {  	v14 =	vld [tilespmem:s26+$0x60];
	[tilespmem:s23+$0x30] =	vst v8;
	v9 =	vmul.f32 v9, v19;
	(erf) = vpow2.f32 v7  }
0x1fb: {  	v8 =	vld [tilespmem:s13+$0x40];
	s22 =	rddreg [dreg:$0x8];
	(erf) = vpow2.f32 v4;
	v4 =	vpop (erf)  }
0x1fc: {  	v12 =	vld [tilespmem:s22+$0x40];
	[tilespmem:s8+$0x90] =	vst v9;
	v9 =	vmul.f32 $1.442695020e+00, v11;
	v4 =	vadd.f32 $1.000000000e+00, v4;
	v11 =	vpop (erf)  }
0x1fd: {  	v7 =	vld [tilespmem:s2+$0x60];
	v10 =	vmul.f32 v11, v10;
	_ =	sdelay $0x2  }
0x1fe: {  	v5 =	vadd.f32 v6, v5;
	v6 =	vld [tilespmem:s30+$0xA0];
	(erf) = vrcp.f32 v4;
	v4 =	vpop (erf)  }
0x1ff: {  	s15 =	sor.u32 $0x410, s20;
	v8 =	vadd.f32 v12, v8;
	v16 =	vld [tilespmem:s14+$0x20];
	[tilespmem:s8+$0xFFFFFF10] =	vst v10;
	v10 =	vpop (erf)  }
0x200: {  	v13 =	vld [tilespmem:s15+$0x6000];
	v5 =	vsub.f32 $0.0e+00, v5;
	v7 =	vadd.f32 v7, v14;
	v10 =	vmul.f32 v10, v15  }
0x201: {  	v8 =	vsub.f32 $0.0e+00, v8  }
0x202: {  	v5 =	vmul.f32 $1.442695020e+00, v5;
	v7 =	vsub.f32 $0.0e+00, v7  }
0x203: {  	v8 =	vmul.f32 $1.442695020e+00, v8;
	(erf) = vpow2.f32 v9;
	v9 =	vld [tilespmem:s30+$0xFFFFFF20];
	[dreg:$0xa] =	wrdreg s11;
	v4 =	vadd.f32 $1.000000000e+00, v4;
	v11 =	vpop (erf)  }
0x204: {  	s18 =	sor.u32 $0x440, s12;
	(erf) = vpow2.f32 v5;
	v6 =	vadd.f32 v16, v6;
	v5 =	vld [tilespmem:s11+$0x20];
	v7 =	vmul.f32 $1.442695020e+00, v7;
	[tilespmem:s8+$0xFFFFFF90] =	vst v10;
	v10 =	vpop (erf)  }
0x205: {  	v12 =	vld [tilespmem:s18+$0x6000];
	v11 =	vmul.f32 v11, v13;
	(erf) = vrcp.f32 v4;
	v10 =	vadd.f32 $1.000000000e+00, v10  }
0x206: {  	v6 =	vsub.f32 $0.0e+00, v6;
	(erf) = vpow2.f32 v8;
	v4 =	vld [tilespmem:s30+$0xFFFFFFA0];
	v13 =	vpop (erf)  }
0x207: {  	[tilespmem:s8+$0x10] =	vst v11;
	v8 =	vld [tilespmem:s5+$0x20];
	(erf) = vpow2.f32 v7;
	v11 =	vadd.f32 $1.000000000e+00, v13  }
0x208: {  	v6 =	vmul.f32 $1.442695020e+00, v6;
	v7 =	vld [tilespmem:s30+$0x20];
	(erf) = vrcp.f32 v10  }
0x209: {  	v5 =	vadd.f32 v5, v9;
	v9 =	vld [tilespmem:s25+$0x20];
	(erf) = vrcp.f32 v11;
	v10 =	vpop (erf)  }
0x20a: {  	(erf) = vpow2.f32 v6;
	v6 =	vmul.f32 v10, v12  }
0x20b: {  	[smem:$0x7D0] =	sst s25;
	v5 =	vsub.f32 $0.0e+00, v5  }
0x20c: {  	v4 =	vadd.f32 v8, v4;
	[tilespmem:s23+$0xC0] =	vst v6  }
0x20d: {  	v5 =	vmul.f32 $1.442695020e+00, v5;
	v10 =	vpop (erf);
	v8 =	vld [tilespmem:s13+$0xD0]  }
0x20e: {  	v7 =	vadd.f32 v9, v7;
	v12 =	vsub.f32 $0.0e+00, v4;
	v9 =	vld [tilespmem:s21+$0x50];
	v6 =	vpop (erf)  }
0x20f: {  	v11 =	vadd.f32 $1.000000000e+00, v6  }
0x210: {  	v10 =	vadd.f32 $1.000000000e+00, v10;
	(erf) = vpow2.f32 v5;
	v4 =	vpop (erf)  }
0x211: {  	s4 =	sor.u32 $0x440, s6;
	s15 =	smov.u32 s5;
	v5 =	vpop (erf);
	(erf) = vrcp.f32 v11;
	v11 =	vmul.f32 $1.442695020e+00, v12  }
0x212: {  	s5 =	smov.u32 s25;
	s25 =	sor.u32 $0x460, s19;
	s19 =	simm.s32 $0x3F00;
	v16 =	vld [tilespmem:s4+$0x6000];
	v7 =	vsub.f32 $0.0e+00, v7;
	v12 =	vpop (erf);
	(erf) = vrcp.f32 v10  }
0x213: {  	s0 =	sor.u32 $0x440, s0;
	s24 =	smov.u32 s12;
	s12 =	simm.s32 $0xC00;
	v22 =	vld [tilespmem:s19+$0xFFFFFF80];
	v5 =	vadd.f32 $1.000000000e+00, v5;
	v14 =	vpop (erf);
	v8 =	vadd.f32 v9, v8;
	(erf) = vpow2.f32 v11  }
0x214: {  	s6 =	sand.u32 $0x3800, s12;
	s10 =	simm.s32 $0x780;
	v13 =	vld [tilespmem:s0+$0x6000];
	v7 =	vmul.f32 $1.442695020e+00, v7;
	v15 =	vpop (erf)  }
0x215: {  	s3 =	smov.u32 s14;
	s14 =	sadd.s32 $0x6000, s6;
	v6 =	vld [tilespmem:s25+$0x6000];
	s25 =	sand.u32 $0x380, s10;
	v11 =	vadd.f32 $1.000000000e+00, v12;
	v12 =	vpop (erf);
	(erf) = vrcp.f32 v5;
	v8 =	vsub.f32 $0.0e+00, v8  }
0x216: {  	s18 =	smov.u32 s21;
	s21 =	sor.u32 s25, s14;
	v9 =	vld [tilespmem:s19+$0x80];
	v5 =	vadd.f32 $1.000000000e+00, v12;
	(erf) = vpow2.f32 v7  }
0x217: {  	s2 =	sor.u32 $0x440, s31;
	s25 =	simm.s32 $0x600;
	v12 =	vld [tilespmem:s21+$0x0];
	(erf) = vrcp.f32 v11;
	v8 =	vmul.f32 $1.442695020e+00, v8  }
0x218: {  	s0 =	sor.u32 $0x460, s7;
	s7 =	sand.u32 $0x200, s25;
	v10 =	vld [tilespmem:s2+$0x6000];
	s2 =	sor.u32 $0x420, s9;
	(erf) = vrcp.f32 v5  }
0x219: {  	v17 =	vld [tilespmem:s2+$0x6000];
	s2 =	sor.u32 s7, s14;
	v18 =	vpop (erf)  }
0x21a: {  	v19 =	vld [tilespmem:s2+$0x0];
	v18 =	vadd.f32 $1.000000000e+00, v18;
	v5 =	vpop (erf)  }
0x21b: {  	s6 =	simm.s32 $0x680;
	v11 =	vld [tilespmem:s19+$0xFFFFFF00];
	(erf) = vpow2.f32 v8;
	v8 =	vpop (erf)  }
0x21c: {  	s4 =	sand.u32 $0x280, s6;
	v23 =	vld [tilespmem:s19+$0x0];
	s10 =	sor.u32 $0x420, s17;
	v9 =	vadd.f32 v12, v9;
	v21 =	vpop (erf)  }
0x21d: {  	v25 =	vld [tilespmem:s10+$0x6000];
	s9 =	simm.s32 $0x700;
	s7 =	sor.u32 s4, s14;
	v21 =	vadd.f32 $1.000000000e+00, v21  }
0x21e: {  	s6 =	sand.u32 $0x300, s9;
	s4 =	sor.u32 $0x420, s20;
	v20 =	vld [tilespmem:s7+$0x0];
	(erf) = vrcp.f32 v18;
	v9 =	vsub.f32 $0.0e+00, v9;
	v18 =	vpop (erf)  }
0x21f: {  	v13 =	vmul.f32 v14, v13;
	s14 =	sor.u32 s6, s14;
	v26 =	vld [tilespmem:s4+$0x6000];
	v24 =	vpop (erf)  }
0x220: {  	v12 =	vld [tilespmem:s14+$0x0];
	v14 =	vadd.f32 v19, v11;
	v9 =	vmul.f32 $1.442695020e+00, v9;
	v11 =	vpop (erf)  }
0x221: {  	v7 =	vld [tilespmem:s0+$0x6000];
	[tilespmem:s23+$0xFFFFFF40] =	vst v13;
	v10 =	vmul.f32 v15, v10;
	(erf) = vrcp.f32 v21;
	v21 =	vpop (erf)  }
0x222: {  	s0 =	sor.u32 $0x420, s29;
	v15 =	vld [tilespmem:s28+$0x50];
	v13 =	vsub.f32 $0.0e+00, v14;
	(erf) = vpow2.f32 v9;
	v9 =	vmul.f32 v21, v17  }
0x223: {  	v19 =	vld [tilespmem:s0+$0x6000];
	v14 =	vadd.f32 $1.000000000e+00, v24  }
0x224: {  	v13 =	vmul.f32 $1.442695020e+00, v13;
	v17 =	vadd.f32 v20, v22;
	v20 =	vld [tilespmem:s13+$0xFFFFFF50];
	[tilespmem:s8+$0xA0] =	vst v9  }
0x225: {  	v12 =	vadd.f32 v12, v23;
	(erf) = vrcp.f32 v14;
	v14 =	vld [tilespmem:s30+$0xB0]  }
0x226: {  	v16 =	vmul.f32 v18, v16;
	(erf) = vpow2.f32 v13;
	v17 =	vsub.f32 $0.0e+00, v17;
	v13 =	vld [tilespmem:s3+$0x30];
	[smem:$0x7E5] =	sst s3  }
0x227: {  	v12 =	vsub.f32 $0.0e+00, v12;
	[tilespmem:s23+$0xFFFFFFC0] =	vst v10  }
0x228: {  	v9 =	vpop (erf);
	[tilespmem:s23+$0x40] =	vst v16  }
0x229: {  	s6 =	sor.u32 $0x450, s24;
	v12 =	vmul.f32 $1.442695020e+00, v12;
	v9 =	vadd.f32 $1.000000000e+00, v9;
	s0 =	sld [smem:$0x7C6]  }
0x22a: {  	v18 =	vld [tilespmem:s6+$0x6000];
	v10 =	vmul.f32 $1.442695020e+00, v17;
	v17 =	vpop (erf)  }
0x22b: {  	(erf) = vrcp.f32 v9;
	v9 =	vld [tilespmem:s13+$0xFFFFFFD0];
	v17 =	vmul.f32 v17, v25  }
0x22c: {  	v16 =	vld [tilespmem:s0+$0x50];
	(erf) = vpow2.f32 v10;
	v10 =	vadd.f32 v15, v20  }
0x22d: {  	v15 =	vld [tilespmem:s13+$0x50];
	[tilespmem:s8+$0xFFFFFF20] =	vst v17;
	(erf) = vpow2.f32 v12;
	v12 =	vpop (erf)  }
0x22e: {  	v13 =	vadd.f32 v13, v14;
	v20 =	vpop (erf);
	v10 =	vsub.f32 $0.0e+00, v10;
	v14 =	vld [tilespmem:s11+$0x30];
	s11 =	simm.s32 $0xC  }
0x22f: {  	v17 =	vld [tilespmem:s30+$0xFFFFFF30];
	v19 =	vmul.f32 v12, v19;
	v20 =	vadd.f32 $1.000000000e+00, v20;
	[smem:$0x7C7] =	sst s11  }
0x230: {  	v13 =	vsub.f32 $0.0e+00, v13;
	v21 =	vld [tilespmem:s22+$0x50];
	v10 =	vmul.f32 $1.442695020e+00, v10  }
0x231: {  	s16 =	smov.u32 s20;
	s10 =	simm.s32 $0xC;
	v4 =	vmul.f32 v4, v6;
	s20 =	sld [smem:$0x7D2];
	[tilespmem:s8+$0xFFFFFFA0] =	vst v19;
	v9 =	vadd.f32 v16, v9  }
0x232: {  	s9 =	smov.u32 s17;
	s17 =	sand.u32 $0x7, s10;
	v13 =	vmul.f32 $1.442695020e+00, v13;
	v16 =	vpop (erf);
	(erf) = vrcp.f32 v20;
	v19 =	vld [tilespmem:s30+$0xFFFFFFB0]  }
0x233: {  	p0 =	por !p0, !p0;
	s1 =	sshll.u32 s17, $0x7;
	v22 =	vld [tilespmem:s15+$0x30];
	v16 =	vmul.f32 v16, v26;
	(erf) = vpow2.f32 v10;
	v20 =	vpop (erf);
	v9 =	vsub.f32 $0.0e+00, v9  }
0x234: {  	s10 =	sadd.s32 $0xC00, s1;
	s28 =	smov.u32 s3;
	s11 =	smov.u32 s22;
	v14 =	vadd.f32 v14, v17;
	(erf) = vpow2.f32 v13;
	v20 =	vadd.f32 $1.000000000e+00, v20;
	v10 =	vpop (erf)  }
0x235: {  	s22 =	simm.s32 $0x6;
	s4 =	sor.u32 $0x460, s20;
	s20 =	sadd.s32 $0x180, s10;
	v10 =	vmul.f32 v10, v18;
	v9 =	vmul.f32 $1.442695020e+00, v9;
	v13 =	vadd.f32 v21, v15;
	v15 =	vpop (erf)  }
0x236: {  	s6 =	sand.u32 $0x3, s22;
	v12 =	vld [tilespmem:s4+$0x6000];
	s3 =	sor.u32 $0x400, s20;
	s4 =	simm.s32 $0x6;
	[tilespmem:s8+$0x20] =	vst v16;
	v6 =	vsub.f32 $0.0e+00, v14;
	(erf) = vrcp.f32 v20;
	v14 =	vadd.f32 $1.000000000e+00, v15  }
0x237: {  	v23 =	vld [tilespmem:s3+$0x6000];
	[smem:$0x7C8] =	sst s4;
	s4 =	sshll.u32 s6, $0x8;
	s6 =	simm.s32 $0x1;
	(erf) = vpow2.f32 v9  }
0x238: {  	v16 =	vld [tilespmem:s30+$0x30];
	s6 =	simm.s32 @!p0 $0x0;
	[tilespmem:s23+$0xD0] =	vst v10;
	(erf) = vrcp.f32 v14;
	v14 =	vadd.f32 v22, v19  }
0x239: {  	v15 =	vpop (erf);
	s6 =	sshll.u32 s6, $0x9;
	v10 =	vsub.f32 $0.0e+00, v13;
	v9 =	vld [tilespmem:s13+$0xE0];
	s13 =	simm.s32 $0xB100  }
0x23a: {  	s17 =	smov.u32 s2;
	s1 =	smov.u32 s18;
	v7 =	vmul.f32 v8, v7;
	v17 =	vld [tilespmem:s5+$0x30];
	v13 =	vadd.f32 $1.000000000e+00, v15;
	s2 =	sadd.s32 $0xC00, s6;
	[tilespmem:s13+$0xFFFFFF60] =	vst v4;
	v8 =	vsub.f32 $0.0e+00, v14  }
0x23b: {  	s5 =	smov.u32 s0;
	v6 =	vmul.f32 $1.442695020e+00, v6;
	v15 =	vld [tilespmem:s18+$0x60];
	v10 =	vmul.f32 $1.442695020e+00, v10;
	s0 =	sor.u32 $0x400, s2;
	s18 =	sld [smem:$0x7C9]  }
0x23c: {  	s4 =	sadd.s32 $0xC00, s4;
	(erf) = vrcp.f32 v13;
	v13 =	vld [tilespmem:s0+$0x6000];
	v4 =	vpop (erf);
	v8 =	vmul.f32 $1.442695020e+00, v8  }
0x23d: {  	s4 =	sadd.s32 $0x100, s4;
	(erf) = vpow2.f32 v6;
	v4 =	vmul.f32 v4, v23  }
0x23e: {  	s22 =	sor.u32 $0x400, s4;
	[tilespmem:s13+$0xFFFFFFE0] =	vst v7;
	(erf) = vpow2.f32 v10;
	v14 =	vpop (erf);
	v10 =	vld [tilespmem:s18+$0x70];
	s18 =	simm.s32 $0xB700  }
0x23f: {  	v18 =	vld [tilespmem:s22+$0x6000];
	v7 =	vadd.f32 v17, v16;
	s0 =	sld [smem:$0x7CA];
	v16 =	vpop (erf);
	[tilespmem:s18+$0x80] =	vst v4  }
0x240: {  	s6 =	smov.u32 s21;
	s21 =	sadd.s32 $0x80, s10;
	v9 =	vadd.f32 v15, v9;
	(erf) = vpow2.f32 v8;
	v4 =	vadd.f32 $1.000000000e+00, v14;
	v14 =	vld [tilespmem:s19+$0x90];
	v8 =	vpop (erf)  }
0x241: {  	s3 =	sor.u32 $0x400, s21;
	v7 =	vsub.f32 $0.0e+00, v7;
	v8 =	vmul.f32 v8, v13;
	v13 =	vld [tilespmem:s6+$0x10]  }
0x242: {  	v6 =	vld [tilespmem:s3+$0x6000];
	v9 =	vsub.f32 $0.0e+00, v9  }
0x243: {  	s13 =	sor.u32 $0x430, s29;
	v19 =	vld [tilespmem:s26+$0xFFFFFFF0];
	v7 =	vmul.f32 $1.442695020e+00, v7  }
0x244: {  	v22 =	vld [tilespmem:s13+$0x6000];
	v16 =	vadd.f32 $1.000000000e+00, v16;
	[tilespmem:s18+$0xFFFFFF00] =	vst v8;
	v8 =	vmul.f32 $1.442695020e+00, v9  }
0x245: {  	(erf) = vrcp.f32 v4;
	v4 =	vpop (erf);
	v20 =	vld [tilespmem:s19+$0xFFFFFF10];
	s22 =	sld [smem:$0x7CB]  }
0x246: {  	(erf) = vrcp.f32 v16;
	v9 =	vpop (erf);
	v21 =	vld [tilespmem:s17+$0x10];
	s10 =	sld [smem:$0x7CC];
	v13 =	vadd.f32 v13, v14  }
0x247: {  	v15 =	vld [tilespmem:s26+$0xFFFFFF70];
	(erf) = vpow2.f32 v7;
	v7 =	vpop (erf);
	s13 =	sld [smem:$0x7CD]  }
0x248: {  	s3 =	sor.u32 $0x430, s9;
	v17 =	vld [tilespmem:s0+$0x70];
	v4 =	vadd.f32 $1.000000000e+00, v4;
	(erf) = vpow2.f32 v8;
	v8 =	vpop (erf)  }
0x249: {  	v6 =	vmul.f32 v9, v6;
	s0 =	sor.u32 $0x470, s22;
	s22 =	smov.u32 s9;
	s9 =	sor.u32 $0x450, s10;
	v8 =	vadd.f32 $1.000000000e+00, v8;
	v9 =	vpop (erf)  }
0x24a: {  	v14 =	vld [tilespmem:s9+$0x6000];
	(erf) = vrcp.f32 v4;
	v4 =	vsub.f32 $0.0e+00, v13;
	s9 =	sor.u32 $0x450, s13;
	v13 =	vpop (erf)  }
0x24b: {  	(erf) = vrcp.f32 v8;
	v8 =	vadd.f32 $1.000000000e+00, v13;
	v13 =	vadd.f32 v21, v20;
	v20 =	vld [tilespmem:s9+$0x6000];
	s9 =	sld [smem:$0x7CE]  }
0x24c: {  	v10 =	vadd.f32 v10, v15  }
0x24d: {  	v15 =	vld [tilespmem:s3+$0x6000];
	s3 =	sor.u32 $0x430, s16;
	v17 =	vadd.f32 v17, v19;
	v9 =	vadd.f32 $1.000000000e+00, v9  }
0x24e: {  	v19 =	vld [tilespmem:s3+$0x6000];
	s3 =	sor.u32 $0x450, s9  }
0x24f: {  	v17 =	vsub.f32 $0.0e+00, v17;
	v4 =	vmul.f32 $1.442695020e+00, v4;
	v21 =	vld [tilespmem:s3+$0x6000];
	s3 =	sld [smem:$0x7CF]  }
0x250: {  	v10 =	vsub.f32 $0.0e+00, v10;
	v16 =	vld [tilespmem:s0+$0x6000];
	v13 =	vsub.f32 $0.0e+00, v13;
	[tilespmem:s18+$0xFFFFFF80] =	vst v6  }
0x251: {  	(erf) = vrcp.f32 v9;
	v9 =	vpop (erf);
	v6 =	vmul.f32 $1.442695020e+00, v17;
	v17 =	vld [tilespmem:s19+$0xFFFFFF90]  }
0x252: {  	v10 =	vmul.f32 $1.442695020e+00, v10;
	(erf) = vrcp.f32 v8;
	v8 =	vpop (erf);
	v23 =	vld [tilespmem:s7+$0x10];
	s0 =	sor.u32 $0x430, s3  }
0x253: {  	v7 =	vmul.f32 v7, v18;
	(erf) = vpow2.f32 v4;
	v4 =	vpop (erf);
	v18 =	vld [tilespmem:s0+$0x6000]  }
0x254: {  	(erf) = vpow2.f32 v10;
	v10 =	vmul.f32 $1.442695020e+00, v13;
	v13 =	vpop (erf)  }
0x255: {  	[tilespmem:s18+$0x0] =	vst v7;
	(erf) = vpow2.f32 v6;
	v13 =	vadd.f32 $1.000000000e+00, v13  }
0x256: {  	v7 =	vld [tilespmem:s14+$0x10];
	(erf) = vpow2.f32 v10  }
0x257: {  	v6 =	vld [tilespmem:s19+$0x10];
	s0 =	sor.u32 $0x410, s2;
	(erf) = vrcp.f32 v13  }
0x258: {  	v10 =	vpop (erf);
	v41 =	vld [tilespmem:s0+$0x6000];
	s0 =	sor.u32 $0x410, s21;
	v17 =	vadd.f32 v23, v17;
	v8 =	vmul.f32 v8, v18  }
0x259: {  	v42 =	vpop (erf);
	v13 =	vld [tilespmem:s0+$0x6000];
	s0 =	sor.u32 $0x460, s24  }
0x25a: {  	v4 =	vadd.f32 $1.000000000e+00, v4;
	v23 =	vpop (erf);
	v43 =	vld [tilespmem:s0+$0x6000];
	v17 =	vsub.f32 $0.0e+00, v17;
	[tilespmem:s8+$0xB0] =	vst v8  }
0x25b: {  	v8 =	vmul.f32 v9, v14;
	v14 =	vpop (erf);
	v9 =	vld [tilespmem:s30+$0xC0]  }
0x25c: {  	v17 =	vmul.f32 $1.442695020e+00, v17;
	v27 =	vld [tilespmem:s28+$0x40];
	v28 =	vpop (erf)  }
0x25d: {  	s0 =	sor.u32 $0x410, s4;
	v6 =	vadd.f32 v7, v6;
	[tilespmem:s23+$0xFFFFFF50] =	vst v8;
	v8 =	vmul.f32 v42, v15;
	v15 =	vpop (erf)  }
0x25e: {  	(erf) = vrcp.f32 v4;
	v18 =	vld [tilespmem:s0+$0x6000];
	s0 =	sor.u32 $0x460, s10;
	v14 =	vmul.f32 v14, v22;
	v4 =	vpop (erf)  }
0x25f: {  	s31 =	simm.s32 $0x3B00;
	v6 =	vsub.f32 $0.0e+00, v6;
	v7 =	vld [tilespmem:s0+$0x6000];
	v22 =	vpop (erf)  }
0x260: {  	v44 =	vld [tilespmem:s31+$0xFFFFFF60];
	s0 =	rddreg [dreg:$0x6];
	(erf) = vpow2.f32 v17;
	[tilespmem:s8+$0xFFFFFFB0] =	vst v14;
	v17 =	vpop (erf)  }
0x261: {  	v6 =	vmul.f32 $1.442695020e+00, v6;
	v29 =	vld [tilespmem:s0+$0x60];
	[tilespmem:s8+$0xFFFFFF30] =	vst v8;
	s0 =	sor.u32 $0x440, s22;
	v27 =	vadd.f32 v27, v9;
	v14 =	vmul.f32 v17, v43  }
0x262: {  	v8 =	vld [tilespmem:s0+$0x6000]  }
0x263: {  	s28 =	smov.u32 s20;
	s20 =	sor.u32 $0x410, s20;
	(erf) = vpow2.f32 v6;
	v6 =	vadd.f32 $1.000000000e+00, v28;
	v47 =	vld [tilespmem:s30+$0xFFFFFF40];
	v45 =	vsub.f32 $0.0e+00, v27;
	[tilespmem:s23+$0xE0] =	vst v14  }
0x264: {  	v10 =	vmul.f32 v10, v20;
	v17 =	vld [tilespmem:s20+$0x6000];
	v14 =	vadd.f32 $1.000000000e+00, v15;
	s20 =	rddreg [dreg:$0xa]  }
0x265: {  	s0 =	sor.u32 $0x440, s29;
	(erf) = vrcp.f32 v6;
	v6 =	vmul.f32 $1.442695020e+00, v45;
	v20 =	vld [tilespmem:s20+$0x40]  }
0x266: {  	v9 =	vld [tilespmem:s0+$0x6000];
	v15 =	vadd.f32 v29, v44;
	(erf) = vrcp.f32 v14;
	v14 =	vadd.f32 $1.000000000e+00, v22  }
0x267: {  	v46 =	vld [tilespmem:s1+$0x70];
	[tilespmem:s23+$0xFFFFFFD0] =	vst v10;
	(erf) = vpow2.f32 v6  }
0x268: {  	v48 =	vpop (erf);
	v22 =	vld [tilespmem:s30+$0xFFFFFFC0];
	[dreg:$0xb] =	wrdreg s15;
	v15 =	vsub.f32 $0.0e+00, v15;
	(erf) = vrcp.f32 v14  }
0x269: {  	v14 =	vld [tilespmem:s31+$0xFFFFFFE0]  }
0x26a: {  	v10 =	vmul.f32 $1.442695020e+00, v15;
	v15 =	vld [tilespmem:s5+$0x60];
	v20 =	vadd.f32 v20, v47  }
0x26b: {  	v4 =	vadd.f32 $1.000000000e+00, v4;
	v6 =	vmul.f32 v48, v19;
	v19 =	vpop (erf)  }
0x26c: {  	v49 =	vld [tilespmem:s15+$0x40];
	v19 =	vadd.f32 $1.000000000e+00, v19;
	(erf) = vpow2.f32 v10  }
0x26d: {  	v21 =	vmul.f32 v23, v21;
	v23 =	vpop (erf);
	(erf) = vrcp.f32 v4  }
0x26e: {  	(erf) = vrcp.f32 v19;
	v19 =	vsub.f32 $0.0e+00, v20;
	v20 =	vpop (erf)  }
0x26f: {  	s1 =	sor.u32 $0x440, s16;
	v50 =	vld [tilespmem:s31+$0xF0];
	[tilespmem:s8+$0x30] =	vst v6;
	v15 =	vadd.f32 v15, v14;
	v14 =	vpop (erf)  }
0x270: {  	s20 =	smov.u32 s5;
	[tilespmem:s23+$0x50] =	vst v21;
	s5 =	sor.u32 $0x460, s13;
	v6 =	vld [tilespmem:s1+$0x6000];
	v17 =	vmul.f32 v20, v17;
	v20 =	vpop (erf)  }
0x271: {  	s23 =	smov.u32 s7;
	s7 =	sor.u32 $0x460, s9;
	v10 =	vld [tilespmem:s5+$0x6000];
	s1 =	sld [smem:$0x7D0];
	v21 =	vadd.f32 v49, v22;
	v52 =	vpop (erf)  }
0x272: {  	v22 =	vadd.f32 $1.000000000e+00, v23;
	v4 =	vld [tilespmem:s7+$0x6000];
	[tilespmem:s18+$0x90] =	vst v17;
	v17 =	vadd.f32 $1.000000000e+00, v20;
	v20 =	vmul.f32 v52, v41  }
0x273: {  	v23 =	vld [tilespmem:s31+$0x60];
	v21 =	vsub.f32 $0.0e+00, v21;
	v19 =	vmul.f32 $1.442695020e+00, v19  }
0x274: {  	v51 =	vld [tilespmem:s1+$0x40];
	(erf) = vrcp.f32 v22;
	[tilespmem:s18+$0xFFFFFF10] =	vst v20  }
0x275: {  	v25 =	vadd.f32 v46, v50;
	v21 =	vmul.f32 $1.442695020e+00, v21;
	(erf) = vpow2.f32 v19;
	v19 =	vld [tilespmem:s11+$0x60];
	s11 =	sld [smem:$0x7D2]  }
0x276: {  	v22 =	vld [tilespmem:s30+$0x40]  }
0x277: {  	v11 =	vmul.f32 v11, v12;
	(erf) = vpow2.f32 v21;
	v21 =	vsub.f32 $0.0e+00, v25;
	v12 =	vld [tilespmem:s19+$0xA0]  }
0x278: {  	v54 =	vld [tilespmem:s6+$0x20];
	s0 =	sor.u32 $0x470, s11  }
0x279: {  	s15 =	simm.s32 $0xB100;
	v20 =	vmul.f32 $1.442695020e+00, v21;
	v21 =	vld [tilespmem:s19+$0xFFFFFF20];
	[smem:$0x7D3] =	sst s0  }
0x27a: {  	v15 =	vsub.f32 $0.0e+00, v15;
	s8 =	sld [smem:$0x7D1];
	[tilespmem:s15+$0x60] =	vst v11  }
0x27b: {  	s0 =	sld [smem:$0x7D4];
	_ =	sdelay $0x1  }
0x27c: {  	v55 =	vpop (erf)  }
0x27d: {  	s9 =	sor.u32 $0x470, s9;
	v53 =	vmul.f32 $1.442695020e+00, v15;
	v15 =	vpop (erf);
	v57 =	vld [tilespmem:s17+$0x20];
	s0 =	sor.u32 $0x470, s0  }
0x27e: {  	s5 =	sor.u32 $0x420, s2;
	(erf) = vrcp.f32 v17;
	s7 =	sor.u32 $0x470, s8;
	v11 =	vpop (erf);
	v17 =	vld [tilespmem:s26+$0x70];
	[smem:$0x7D5] =	sst s0  }
0x27f: {  	s8 =	sor.u32 $0x470, s10;
	s10 =	sor.u32 $0x470, s13;
	v13 =	vmul.f32 v11, v13;
	v11 =	vld [tilespmem:s5+$0x6000];
	[dreg:$0xc] =	wrdreg s9  }
0x280: {  	v22 =	vadd.f32 v51, v22;
	s13 =	sor.u32 $0x440, s3;
	s15 =	sor.u32 $0x450, s22;
	[dreg:$0xd] =	wrdreg s10  }
0x281: {  	(erf) = vpow2.f32 v53;
	v19 =	vadd.f32 v19, v23;
	s9 =	smov.u32 s3;
	s3 =	sor.u32 $0x460, s22;
	v23 =	vld [tilespmem:s13+$0x6000];
	[smem:$0x7D6] =	sst s15  }
0x282: {  	(erf) = vpow2.f32 v20;
	v20 =	vsub.f32 $0.0e+00, v22;
	[smem:$0x7D7] =	sst s3  }
0x283: {  	s5 =	sor.u32 $0x450, s16;
	[tilespmem:s18+$0xFFFFFF90] =	vst v13  }
0x284: {  	s13 =	sor.u32 $0x460, s16;
	v13 =	vmul.f32 $1.442695020e+00, v20;
	v20 =	vld [tilespmem:s19+$0xFFFFFFA0];
	[smem:$0x7D8] =	sst s5  }
0x285: {  	s15 =	sor.u32 $0x450, s29;
	[dreg:$0x18] =	wrdreg s13  }
0x286: {  	s10 =	sor.u32 $0x470, s22;
	s22 =	sor.u32 $0x470, s16;
	[smem:$0x7D9] =	sst s15  }
0x287: {  	v22 =	vpop (erf);
	s3 =	sor.u32 $0x460, s29;
	[smem:$0x7DA] =	sst s22  }
0x288: {  	v18 =	vmul.f32 v22, v18;
	[smem:$0x7DB] =	sst s3;
	s13 =	sor.u32 $0x470, s29  }
0x289: {  	[dreg:$0x11] =	wrdreg s13  }
0x28a: {  	v56 =	vadd.f32 $1.000000000e+00, v55;
	v19 =	vsub.f32 $0.0e+00, v19;
	s15 =	sor.u32 $0x430, s2;
	[tilespmem:s18+$0x10] =	vst v18;
	v58 =	vld [tilespmem:s23+$0x20]  }
0x28b: {  	s22 =	sor.u32 $0x440, s2;
	v59 =	vld [tilespmem:s19+$0x20];
	[smem:$0x7DC] =	sst s15  }
0x28c: {  	(erf) = vrcp.f32 v56;
	v19 =	vmul.f32 $1.442695020e+00, v19;
	s16 =	smov.u32 s24;
	s24 =	sor.u32 $0x450, s2;
	[smem:$0x7DD] =	sst s22  }
0x28d: {  	v22 =	vpop (erf);
	(erf) = vpow2.f32 v13;
	[dreg:$0x1f] =	wrdreg s24  }
0x28e: {  	v12 =	vadd.f32 v54, v12;
	s3 =	sor.u32 $0x420, s21;
	(erf) = vpow2.f32 v19;
	s22 =	sor.u32 $0x430, s4;
	v19 =	vld [tilespmem:s14+$0x20]  }
0x28f: {  	s24 =	sor.u32 $0x440, s4;
	v13 =	vld [tilespmem:s3+$0x6000];
	[smem:$0x7DE] =	sst s22  }
0x290: {  	v12 =	vsub.f32 $0.0e+00, v12;
	v18 =	vadd.f32 v57, v21;
	v21 =	vpop (erf);
	[smem:$0x7DF] =	sst s24  }
0x291: {  	s13 =	sor.u32 $0x420, s4;
	v60 =	vpop (erf);
	s3 =	sor.u32 $0x450, s4;
	s24 =	sld [smem:$0x7E0]  }
0x292: {  	v61 =	vmul.f32 $1.442695020e+00, v12;
	v23 =	vmul.f32 v60, v23;
	v12 =	vld [tilespmem:s13+$0x6000];
	[dreg:$0x1d] =	wrdreg s3;
	s13 =	sor.u32 $0x470, s4  }
0x293: {  	s26 =	simm.s32 $0xB500;
	v18 =	vsub.f32 $0.0e+00, v18;
	[dreg:$0x14] =	wrdreg s13  }
0x294: {  	s29 =	sor.u32 $0x460, s2;
	s15 =	sor.u32 $0x470, s2;
	s2 =	sor.u32 $0x430, s21;
	[tilespmem:s26+$0xC0] =	vst v23  }
0x295: {  	s3 =	sor.u32 $0x440, s21;
	v62 =	vmul.f32 $1.442695020e+00, v18;
	v18 =	vld [tilespmem:s24+$0x70];
	[smem:$0x7E1] =	sst s2  }
0x296: {  	s22 =	sor.u32 $0x460, s4;
	s4 =	sor.u32 $0x450, s21;
	[smem:$0x7E2] =	sst s3  }
0x297: {  	s13 =	sor.u32 $0x460, s21;
	[smem:$0x7E3] =	sst s4  }
0x298: {  	v63 =	vmul.f32 v5, v16;
	v22 =	vadd.f32 $1.000000000e+00, v22;
	s21 =	sor.u32 $0x470, s21;
	[dreg:$0x1c] =	wrdreg s13  }
0x299: {  	s5 =	simm.s32 $0xB100;
	v21 =	vadd.f32 $1.000000000e+00, v21;
	[smem:$0x7E4] =	sst s21  }
0x29a: {  	[tilespmem:s5+$0xF0] =	vst v63  }
0x29b: {  	v20 =	vadd.f32 v58, v20;
	s24 =	sld [smem:$0x7E6]  }
0x29c: {  	(erf) = vrcp.f32 v22;
	v22 =	vpop (erf);
	s5 =	sld [smem:$0x7E5]  }
0x29d: {  	p0 =	por !p0, !p0;
	s11 =	simm.s32 $0x3D00;
	(erf) = vrcp.f32 v21;
	v21 =	vpop (erf)  }
0x29e: {  	s30 =	simm.s32 $0xB300;
	v5 =	vadd.f32 $1.000000000e+00, v22;
	(erf) = vpow2.f32 v61;
	v23 =	vadd.f32 $1.000000000e+00, v21;
	s21 =	simm.s32 $0xB100;
	v16 =	vld [tilespmem:s11+$0xD0];
	s0 =	sshll.u32 s24, $0x1  }
0x29f: {  	(erf) = vpow2.f32 v62;
	v21 =	vsub.f32 $0.0e+00, v20;
	v22 =	vadd.f32 v19, v59;
	v20 =	vpop (erf);
	v19 =	vld [tilespmem:s5+$0x50];
	s24 =	simm.s32 $0x3F00;
	[smem:$0x7E7] =	sst s0;
	s0 =	simm.s32 $0xC  }
.LBB2_5:
0x2a0: {  	[smem:$0x7E5] =	sst s5  }
0x2a1: {  	[smem:$0x7B2] =	sst s31  }
0x2a2: {  	[smem:$0x7B7] =	sst s29  }
0x2a3: {  	[smem:$0x7BD] =	sst s22  }
0x2a4: {  	s3 =	sld [smem:$0x7C8]  }
0x2a5: {  	s22 =	sld [smem:$0x7D5]  }
0x2a6: {  	s2 =	simm.s32 $0x1;
	s12 =	sadd.s32 $0x400, s12;
	[smem:$0x7B6] =	sst s6  }
0x2a7: {  	s16 =	sor.u32 $0x470, s16;
	[smem:$0x7BA] =	sst s14;
	s2 =	simm.s32 @!p0 $0x0  }
0x2a8: {  	v7 =	vmul.f32 v20, v7;
	v20 =	vld [tilespmem:s7+$0x6000];
	s4 =	smov.u32 s8;
	s2 =	sshll.u32 s2, $0x9;
	s7 =	sld [smem:$0x7D3]  }
0x2a9: {  	s5 =	smov.u32 s10;
	s25 =	sadd.s32 $0x200, s25;
	[smem:$0x7C4] =	sst s4  }
0x2aa: {  	v24 =	vpop (erf);
	s8 =	sand.u32 $0x3800, s12;
	s3 =	sadd.s32 $0x2, s3;
	[smem:$0x7C0] =	sst s5  }
0x2ab: {  	(erf) = vrcp.f32 v23;
	v28 =	vmul.f32 $1.442695020e+00, v21;
	v22 =	vsub.f32 $0.0e+00, v22;
	v57 =	vpop (erf);
	[smem:$0x7B0] =	sst s25;
	s10 =	sadd.s32 $0x180, s25;
	s5 =	sadd.s32 $0x6000, s8  }
0x2ac: {  	v23 =	vadd.f32 $1.000000000e+00, v24;
	v25 =	vld [tilespmem:s22+$0x6000];
	v26 =	vpop (erf);
	(erf) = vrcp.f32 v5;
	s22 =	sadd.s32 $0x80, s25;
	[smem:$0x7C8] =	sst s3;
	s13 =	sand.u32 $0x3, s3  }
0x2ad: {  	v17 =	vadd.f32 v18, v17;
	v18 =	vmul.f32 $1.442695020e+00, v22;
	(erf) = vpow2.f32 v28;
	v21 =	vpop (erf);
	s4 =	sshll.u32 s13, $0x8;
	s13 =	smov.u32 s6;
	s6 =	sand.u32 $0x380, s10  }
0x2ae: {  	[tilespmem:s30+$0xFFFFFF60] =	vst v7;
	s3 =	sadd.s32 $0x100, s25;
	v7 =	vld [tilespmem:s7+$0x6000];
	v27 =	vpop (erf);
	(erf) = vrcp.f32 v23;
	s7 =	sand.u32 $0x200, s25;
	s6 =	sor.u32 s6, s5  }
0x2af: {  	(erf) = vpow2.f32 v18;
	v18 =	vld [tilespmem:s16+$0x6000];
	s16 =	sand.u32 $0x280, s22;
	s22 =	sand.u32 $0x300, s3;
	s25 =	sor.u32 s7, s5  }
0x2b0: {  	s4 =	sadd.s32 s12, s4;
	s3 =	smov.u32 s15;
	[smem:$0x7B1] =	sst s6  }
0x2b1: {  	s29 =	sor.u32 s16, s5;
	s7 =	sor.u32 s22, s5;
	s5 =	sadd.s32 s2, s12  }
0x2b2: {  	v9 =	vmul.f32 v21, v9;
	v21 =	vld [tilespmem:s6+$0x0];
	[smem:$0x7B3] =	sst s3;
	s22 =	sadd.s32 $0x100, s4;
	s6 =	sor.u32 $0x410, s5  }
0x2b3: {  	s19 =	sadd.s32 $0x200, s19;
	s8 =	sor.u32 $0x410, s22;
	[smem:$0x7B4] =	sst s6  }
0x2b4: {  	v22 =	vld [tilespmem:s19+$0x80];
	v8 =	vmul.f32 v26, v8;
	v16 =	vadd.f32 v19, v16;
	s16 =	sor.u32 $0x420, s28;
	s10 =	sor.u32 $0x420, s22;
	[smem:$0x7B5] =	sst s8  }
0x2b5: {  	v24 =	vadd.f32 $1.000000000e+00, v57;
	v23 =	vadd.f32 $1.000000000e+00, v27;
	s15 =	sor.u32 $0x400, s5;
	[smem:$0x7C2] =	sst s10;
	s6 =	sor.u32 $0x420, s5  }
0x2b6: {  	v5 =	vld [tilespmem:s31+$0xFFFFFF70];
	[tilespmem:s26+$0xFFFFFF40] =	vst v8;
	v8 =	vsub.f32 $0.0e+00, v16;
	s2 =	sor.u32 $0x430, s5;
	s8 =	sor.u32 $0x440, s5;
	[smem:$0x7BF] =	sst s6  }
0x2b7: {  	v16 =	vsub.f32 $0.0e+00, v17;
	(erf) = vrcp.f32 v24;
	v17 =	vld [tilespmem:s19+$0xFFFFFF00];
	s10 =	smov.u32 s20;
	s20 =	sor.u32 $0x460, s5;
	[smem:$0x7B9] =	sst s8  }
0x2b8: {  	[tilespmem:s26+$0xFFFFFFC0] =	vst v9;
	v9 =	vmul.f32 v14, v20;
	v14 =	vld [tilespmem:s25+$0x0];
	v19 =	vpop (erf);
	v8 =	vmul.f32 $1.442695020e+00, v8;
	s6 =	sor.u32 $0x450, s5;
	[smem:$0x7B8] =	sst s20;
	s5 =	sor.u32 $0x470, s5  }
0x2b9: {  	s31 =	smov.u32 s17;
	(erf) = vrcp.f32 v23;
	v23 =	vpop (erf);
	[smem:$0x7C3] =	sst s5;
	v21 =	vadd.f32 v21, v22;
	v22 =	vld [tilespmem:s16+$0x6000];
	s16 =	sor.u32 $0x440, s22  }
0x2ba: {  	s17 =	smov.u32 s26;
	s26 =	sor.u32 $0x400, s22;
	(erf) = vpow2.f32 v8;
	v8 =	vmul.f32 v23, v18;
	[smem:$0x7BB] =	sst s16  }
0x2bb: {  	s3 =	sor.u32 $0x430, s22;
	s4 =	sor.u32 $0x450, s22;
	s16 =	rddreg [dreg:$0xc]  }
0x2bc: {  	v58 =	vadd.f32 $1.000000000e+00, v19;
	s5 =	sor.u32 $0x470, s22;
	v19 =	vpop (erf);
	[tilespmem:s30+$0xF0] =	vst v8;
	v8 =	vld [tilespmem:s26+$0x6000];
	s26 =	sor.u32 $0x460, s22;
	s22 =	sld [smem:$0x7DA]  }
0x2bd: {  	v20 =	vld [tilespmem:s29+$0x0];
	[tilespmem:s21+$0xFFFFFF70] =	vst v9;
	v14 =	vadd.f32 v14, v17;
	v9 =	vpop (erf);
	[smem:$0x7BE] =	sst s26  }
0x2be: {  	v17 =	vsub.f32 $0.0e+00, v21;
	v21 =	vadd.f32 $1.000000000e+00, v9;
	v9 =	vld [tilespmem:s15+$0x6000];
	s20 =	smov.u32 s16;
	s15 =	rddreg [dreg:$0x14]  }
0x2bf: {  	v16 =	vmul.f32 $1.442695020e+00, v16;
	v18 =	vld [tilespmem:s19+$0xFFFFFF80];
	(erf) = vrcp.f32 v58;
	[smem:$0x7D3] =	sst s20  }
0x2c0: {  	v25 =	vmul.f32 v15, v25;
	v15 =	vld [tilespmem:s7+$0x0];
	s16 =	smov.u32 s15;
	s20 =	smov.u32 s5;
	s5 =	rddreg [dreg:$0x11]  }
0x2c1: {  	v10 =	vmul.f32 v19, v10;
	(erf) = vpow2.f32 v16;
	v16 =	vld [tilespmem:s19+$0x0];
	[smem:$0x7DA] =	sst s16  }
0x2c2: {  	[tilespmem:s21+$0xFFFFFFF0] =	vst v25;
	v19 =	vpop (erf);
	[dreg:$0x14] =	wrdreg s20  }
0x2c3: {  	v23 =	vpop (erf);
	v6 =	vmul.f32 v19, v6;
	[tilespmem:s30+$0xFFFFFFE0] =	vst v10;
	v10 =	vsub.f32 $0.0e+00, v14;
	v14 =	vmul.f32 $1.442695020e+00, v17;
	s20 =	rddreg [dreg:$0xa]  }
0x2c4: {  	v19 =	vpop (erf);
	v18 =	vadd.f32 v20, v18;
	(erf) = vrcp.f32 v21;
	v21 =	vld [tilespmem:s11+$0xFFFFFF50];
	s26 =	smov.u32 s22;
	s22 =	rddreg [dreg:$0xd]  }
0x2c5: {  	v17 =	vadd.f32 $1.000000000e+00, v23;
	s15 =	smov.u32 s5;
	s5 =	rddreg [dreg:$0xb];
	v20 =	vpop (erf);
	v4 =	vmul.f32 v19, v4;
	(erf) = vpow2.f32 v14;
	v14 =	vld [tilespmem:s20+$0x50]  }
0x2c6: {  	s16 =	smov.u32 s9;
	s9 =	sld [smem:$0x7C7];
	[tilespmem:s17+$0x40] =	vst v6;
	v20 =	vmul.f32 v20, v22;
	v18 =	vsub.f32 $0.0e+00, v18;
	v15 =	vadd.f32 v15, v16;
	v16 =	vld [tilespmem:s11+$0xFFFFFFD0]  }
0x2c7: {  	[dreg:$0xc] =	wrdreg s26;
	v10 =	vmul.f32 $1.442695020e+00, v10;
	[tilespmem:s30+$0x60] =	vst v4;
	(erf) = vrcp.f32 v17;
	v4 =	vld [tilespmem:s5+$0x50];
	v6 =	vpop (erf)  }
0x2c8: {  	s26 =	smov.u32 s22;
	s22 =	sld [smem:$0x7E4];
	[tilespmem:s18+$0xA0] =	vst v20;
	v17 =	vmul.f32 $1.442695020e+00, v18;
	v15 =	vsub.f32 $0.0e+00, v15;
	v19 =	vpop (erf);
	v6 =	vadd.f32 $1.000000000e+00, v6;
	v20 =	vld [tilespmem:s11+$0x50]  }
0x2c9: {  	[dreg:$0xd] =	wrdreg s15;
	(erf) = vpow2.f32 v10;
	v18 =	vld [tilespmem:s24+$0xB0];
	v10 =	vmul.f32 v19, v11  }
0x2ca: {  	[smem:$0x7D5] =	sst s26;
	v11 =	vld [tilespmem:s13+$0x30];
	v19 =	vpop (erf);
	v15 =	vmul.f32 $1.442695020e+00, v15;
	(erf) = vrcp.f32 v6  }
0x2cb: {  	s26 =	smov.u32 s22;
	s13 =	sld [smem:$0x7DC];
	v6 =	vld [tilespmem:s1+$0x50];
	(erf) = vpow2.f32 v17;
	[tilespmem:s18+$0xFFFFFF20] =	vst v10  }
0x2cc: {  	[dreg:$0x11] =	wrdreg s26;
	s26 =	smov.u32 s2;
	v14 =	vadd.f32 v14, v21;
	v21 =	vadd.f32 $1.000000000e+00, v19;
	(erf) = vpow2.f32 v15;
	v15 =	vld [tilespmem:s24+$0xFFFFFF30]  }
0x2cd: {  	[smem:$0x7DC] =	sst s26;
	v17 =	vld [tilespmem:s31+$0x30]  }
0x2ce: {  	s2 =	sadd.s32 $0x4, s9;
	v16 =	vadd.f32 v4, v16;
	v4 =	vld [tilespmem:s13+$0x6000];
	s13 =	sld [smem:$0x7D6];
	v19 =	vpop (erf);
	(erf) = vrcp.f32 v21  }
0x2cf: {  	s22 =	sor.u32 $0x450, s16;
	[smem:$0x7C7] =	sst s2;
	v14 =	vsub.f32 $0.0e+00, v14;
	v13 =	vmul.f32 v19, v13;
	v11 =	vadd.f32 v11, v18  }
0x2d0: {  	s9 =	smov.u32 s6;
	v18 =	vld [tilespmem:s22+$0x6000];
	s22 =	rddreg [dreg:$0x1f];
	v10 =	vpop (erf)  }
0x2d1: {  	s15 =	smov.u32 s1;
	[dreg:$0x1f] =	wrdreg s9;
	v14 =	vmul.f32 $1.442695020e+00, v14;
	v10 =	vadd.f32 $1.000000000e+00, v10;
	[tilespmem:s18+$0xFFFFFFA0] =	vst v13;
	v13 =	vsub.f32 $0.0e+00, v11;
	v11 =	vld [tilespmem:s13+$0x6000];
	s13 =	sand.u32 $0x7, s2  }
0x2d2: {  	s26 =	smov.u32 s22;
	s22 =	sld [smem:$0x7E1];
	v19 =	vpop (erf);
	s1 =	sshll.u32 s13, $0x7;
	v15 =	vadd.f32 v17, v15;
	v17 =	vld [tilespmem:s23+$0x30]  }
0x2d3: {  	s8 =	smov.u32 s28;
	v6 =	vadd.f32 v6, v20;
	[smem:$0x7D6] =	sst s26;
	v21 =	vmul.f32 v19, v12;
	v19 =	vpop (erf);
	(erf) = vrcp.f32 v10;
	v10 =	vld [tilespmem:s24+$0xFFFFFFB0];
	s1 =	sadd.s32 s12, s1  }
0x2d4: {  	v16 =	vsub.f32 $0.0e+00, v16;
	s2 =	smov.u32 s12;
	v13 =	vmul.f32 $1.442695020e+00, v13;
	s12 =	sld [smem:$0x7E5];
	v12 =	vpop (erf);
	s9 =	sadd.s32 $0x80, s1  }
0x2d5: {  	v20 =	vsub.f32 $0.0e+00, v6;
	v19 =	vadd.f32 $1.000000000e+00, v19;
	v6 =	vld [tilespmem:s22+$0x6000];
	[tilespmem:s18+$0x20] =	vst v21;
	(erf) = vpow2.f32 v14;
	s13 =	sadd.s32 $0x180, s1;
	v14 =	vpop (erf);
	s28 =	sor.u32 $0x400, s9;
	s6 =	sor.u32 $0x420, s9  }
0x2d6: {  	(erf) = vpow2.f32 v13;
	v22 =	vmul.f32 v12, v18;
	s22 =	sor.u32 $0x410, s9;
	v18 =	vld [tilespmem:s14+$0x30];
	s14 =	sor.u32 $0x430, s9;
	v13 =	vadd.f32 $1.000000000e+00, v14;
	v14 =	vpop (erf);
	[smem:$0x7C1] =	sst s6  }
0x2d7: {  	v16 =	vmul.f32 $1.442695020e+00, v16;
	s26 =	sor.u32 $0x400, s13;
	s1 =	sor.u32 $0x450, s9;
	(erf) = vrcp.f32 v19;
	[smem:$0x7E1] =	sst s14;
	v12 =	vpop (erf)  }
0x2d8: {  	v19 =	vmul.f32 $1.442695020e+00, v20;
	v20 =	vld [tilespmem:s26+$0x6000];
	s26 =	sor.u32 $0x460, s9;
	s14 =	sld [smem:$0x7DE];
	v10 =	vadd.f32 v17, v10;
	v17 =	vmul.f32 v12, v7  }
0x2d9: {  	s6 =	sor.u32 $0x440, s9;
	s9 =	sor.u32 $0x470, s9;
	[smem:$0x7BC] =	sst s26  }
0x2da: {  	v21 =	vld [tilespmem:s24+$0x30];
	(erf) = vpow2.f32 v16;
	[smem:$0x7E4] =	sst s9;
	[tilespmem:s21+$0x70] =	vst v17  }
0x2db: {  	(erf) = vrcp.f32 v13;
	v13 =	vsub.f32 $0.0e+00, v10;
	v10 =	vld [tilespmem:s14+$0x6000];
	s14 =	sld [smem:$0x7E3]  }
0x2dc: {  	s9 =	sld [smem:$0x7D9];
	s21 =	smov.u32 s30  }
0x2dd: {  	v15 =	vsub.f32 $0.0e+00, v15;
	[tilespmem:s17+$0xD0] =	vst v22;
	s30 =	smov.u32 s17;
	s17 =	smov.u32 s3;
	s3 =	rddreg [dreg:$0x1d]  }
0x2de: {  	v14 =	vadd.f32 $1.000000000e+00, v14;
	[smem:$0x7DE] =	sst s17;
	s17 =	smov.u32 s14  }
0x2df: {  	v15 =	vmul.f32 $1.442695020e+00, v15;
	v16 =	vld [tilespmem:s11+$0xE0];
	s14 =	smov.u32 s1;
	[smem:$0x7D9] =	sst s17  }
0x2e0: {  	v12 =	vld [tilespmem:s12+$0x60];
	(erf) = vrcp.f32 v14;
	v7 =	vpop (erf);
	[smem:$0x7E3] =	sst s14  }
0x2e1: {  	(erf) = vpow2.f32 v15;
	v15 =	vadd.f32 v18, v21;
	v18 =	vld [tilespmem:s9+$0x6000];
	s9 =	smov.u32 s3;
	v22 =	vmul.f32 v7, v20;
	s17 =	sld [smem:$0x7D8]  }
0x2e2: {  	s26 =	smov.u32 s18;
	s18 =	sadd.s32 $0x200, s18;
	(erf) = vpow2.f32 v19;
	[smem:$0x7D8] =	sst s9  }
0x2e3: {  	v14 =	vld [tilespmem:s28+$0x6000];
	v17 =	vmul.f32 $1.442695020e+00, v13;
	v19 =	vpop (erf);
	s14 =	smov.u32 s4;
	[tilespmem:s18+$0x80] =	vst v22;
	s9 =	smov.u32 s31;
	s31 =	sld [smem:$0x7B1]  }
0x2e4: {  	v7 =	vpop (erf);
	v22 =	vadd.f32 $1.000000000e+00, v19;
	[dreg:$0x1d] =	wrdreg s14;
	v19 =	vld [tilespmem:s19+$0x90]  }
0x2e5: {  	v15 =	vsub.f32 $0.0e+00, v15;
	v12 =	vadd.f32 v12, v16;
	(erf) = vpow2.f32 v17;
	v20 =	vpop (erf);
	s14 =	sld [smem:$0x7B2];
	v13 =	vld [tilespmem:s17+$0x6000]  }
0x2e6: {  	v7 =	vadd.f32 $1.000000000e+00, v7;
	v9 =	vmul.f32 v20, v9;
	(erf) = vrcp.f32 v22;
	s17 =	rddreg [dreg:$0x6];
	v20 =	vld [tilespmem:s31+$0x10]  }
0x2e7: {  	v12 =	vsub.f32 $0.0e+00, v12;
	v17 =	vpop (erf);
	v16 =	vld [tilespmem:s17+$0x70]  }
0x2e8: {  	v15 =	vmul.f32 $1.442695020e+00, v15;
	v21 =	vpop (erf);
	(erf) = vrcp.f32 v7;
	v7 =	vadd.f32 $1.000000000e+00, v17;
	v17 =	vld [tilespmem:s14+$0xFFFFFFF0]  }
0x2e9: {  	v12 =	vmul.f32 $1.442695020e+00, v12;
	[tilespmem:s18+$0xFFFFFF00] =	vst v9;
	v9 =	vmul.f32 v21, v14;
	v14 =	vpop (erf);
	v21 =	vld [tilespmem:s10+$0x70]  }
0x2ea: {  	s17 =	smov.u32 s25;
	v22 =	vld [tilespmem:s19+$0xFFFFFF10];
	v8 =	vmul.f32 v14, v8;
	v14 =	vpop (erf);
	(erf) = vpow2.f32 v15  }
0x2eb: {  	s4 =	smov.u32 s20;
	s20 =	sor.u32 $0x430, s8;
	v15 =	vld [tilespmem:s17+$0x10];
	[tilespmem:s18+$0xFFFFFF80] =	vst v9;
	v9 =	vadd.f32 $1.000000000e+00, v14;
	v14 =	vpop (erf);
	(erf) = vpow2.f32 v12  }
0x2ec: {  	s3 =	smov.u32 s5;
	s5 =	smov.u32 s23;
	s23 =	smov.u32 s29;
	v12 =	vadd.f32 $1.000000000e+00, v14;
	(erf) = vrcp.f32 v7;
	v7 =	vld [tilespmem:s20+$0x6000]  }
0x2ed: {  	[tilespmem:s18+$0x0] =	vst v8;
	v8 =	vadd.f32 v20, v19;
	(erf) = vrcp.f32 v9;
	v9 =	vld [tilespmem:s23+$0x10];
	v5 =	vadd.f32 v16, v5  }
0x2ee: {  	v14 =	vpop (erf);
	v16 =	vld [tilespmem:s19+$0xFFFFFF90];
	(erf) = vrcp.f32 v12;
	v12 =	vadd.f32 v21, v17  }
0x2ef: {  	v17 =	vld [tilespmem:s19+$0x10];
	v8 =	vsub.f32 $0.0e+00, v8;
	v5 =	vsub.f32 $0.0e+00, v5;
	v20 =	vpop (erf)  }
0x2f0: {  	s20 =	sld [smem:$0x7B4];
	v23 =	vadd.f32 $1.000000000e+00, v14;
	v20 =	vmul.f32 v20, v11;
	v11 =	vld [tilespmem:s22+$0x6000]  }
0x2f1: {  	v8 =	vmul.f32 $1.442695020e+00, v8;
	s22 =	sld [smem:$0x7B5];
	v19 =	vmul.f32 $1.442695020e+00, v5;
	v5 =	vadd.f32 v15, v22;
	v15 =	vld [tilespmem:s7+$0x10]  }
0x2f2: {  	(erf) = vrcp.f32 v23;
	v14 =	vpop (erf)  }
0x2f3: {  	v21 =	vsub.f32 $0.0e+00, v12;
	v12 =	vld [tilespmem:s20+$0x6000];
	v23 =	vmul.f32 v14, v7;
	(erf) = vpow2.f32 v8  }
0x2f4: {  	v8 =	vadd.f32 v9, v16;
	v9 =	vpop (erf);
	[tilespmem:s30+$0xFFFFFF50] =	vst v20;
	v22 =	vsub.f32 $0.0e+00, v5;
	v5 =	vld [tilespmem:s22+$0x6000];
	s22 =	sld [smem:$0x7B6]  }
0x2f5: {  	v14 =	vmul.f32 $1.442695020e+00, v21;
	(erf) = vpow2.f32 v19;
	[tilespmem:s26+$0xB0] =	vst v23;
	v19 =	vld [tilespmem:s11+$0xFFFFFF60];
	v7 =	vpop (erf)  }
0x2f6: {  	v7 =	vadd.f32 $1.000000000e+00, v7;
	v20 =	vpop (erf);
	v21 =	vmul.f32 $1.442695020e+00, v22;
	v15 =	vadd.f32 v15, v17;
	v17 =	vld [tilespmem:s24+$0xC0]  }
0x2f7: {  	s20 =	sld [smem:$0x7D7];
	(erf) = vpow2.f32 v14;
	v8 =	vsub.f32 $0.0e+00, v8;
	v16 =	vpop (erf);
	v18 =	vmul.f32 v20, v18;
	v14 =	vld [tilespmem:s22+$0x40]  }
0x2f8: {  	s1 =	sld [smem:$0x7B7];
	v9 =	vadd.f32 $1.000000000e+00, v9;
	v4 =	vmul.f32 v16, v4;
	v16 =	vld [tilespmem:s4+$0x60];
	(erf) = vpow2.f32 v21  }
0x2f9: {  	[dreg:$0x6] =	wrdreg s4;
	v20 =	vpop (erf);
	v21 =	vmul.f32 $1.442695020e+00, v8;
	v15 =	vsub.f32 $0.0e+00, v15;
	(erf) = vrcp.f32 v7  }
0x2fa: {  	s4 =	sld [smem:$0x7B8];
	[tilespmem:s30+$0xFFFFFFD0] =	vst v18;
	v13 =	vmul.f32 v20, v13;
	v7 =	vld [tilespmem:s20+$0x6000];
	(erf) = vrcp.f32 v9  }
0x2fb: {  	s20 =	smov.u32 s1;
	[tilespmem:s26+$0xFFFFFF30] =	vst v4;
	v4 =	vld [tilespmem:s11+$0xFFFFFFE0];
	v8 =	vpop (erf);
	v18 =	vmul.f32 $1.442695020e+00, v15;
	(erf) = vpow2.f32 v21  }
0x2fc: {  	[smem:$0x7D7] =	sst s20;
	v6 =	vmul.f32 v8, v6;
	v15 =	vld [tilespmem:s24+$0xFFFFFF40];
	v9 =	vpop (erf);
	v14 =	vadd.f32 v14, v17  }
0x2fd: {  	s29 =	smov.u32 s4;
	[tilespmem:s30+$0x50] =	vst v13;
	s20 =	sor.u32 $0x460, s16;
	s4 =	sld [smem:$0x7DD];
	v13 =	vadd.f32 v16, v19;
	(erf) = vpow2.f32 v18;
	v18 =	vld [tilespmem:s9+$0x40];
	v20 =	vadd.f32 $1.000000000e+00, v9  }
0x2fe: {  	[dreg:$0xb] =	wrdreg s5;
	v16 =	vld [tilespmem:s20+$0x6000];
	[tilespmem:s26+$0xFFFFFFB0] =	vst v6  }
0x2ff: {  	v17 =	vpop (erf);
	v6 =	vsub.f32 $0.0e+00, v14;
	v13 =	vsub.f32 $0.0e+00, v13;
	(erf) = vrcp.f32 v20;
	v20 =	vld [tilespmem:s5+$0x40];
	s5 =	sld [smem:$0x7E2]  }
0x300: {  	v8 =	vld [tilespmem:s4+$0x6000];
	v14 =	vadd.f32 $1.000000000e+00, v17;
	v9 =	vpop (erf)  }
0x301: {  	[dreg:$0xa] =	wrdreg s9;
	v17 =	vld [tilespmem:s24+$0xFFFFFFC0];
	v21 =	vadd.f32 $1.000000000e+00, v9;
	v6 =	vmul.f32 $1.442695020e+00, v6;
	v13 =	vmul.f32 $1.442695020e+00, v13;
	v19 =	vpop (erf)  }
0x302: {  	s9 =	sld [smem:$0x7B9];
	(erf) = vrcp.f32 v14;
	v14 =	vadd.f32 $1.000000000e+00, v19;
	v15 =	vadd.f32 v18, v15;
	v9 =	vld [tilespmem:s5+$0x6000];
	v18 =	vpop (erf)  }
0x303: {  	s28 =	smov.u32 s13;
	s13 =	sor.u32 $0x410, s13;
	v19 =	vpop (erf);
	(erf) = vpow2.f32 v6;
	v6 =	vld [tilespmem:s3+$0x60];
	v22 =	vmul.f32 v18, v16  }
0x304: {  	s1 =	sld [smem:$0x7BD];
	v18 =	vld [tilespmem:s13+$0x6000];
	(erf) = vrcp.f32 v14;
	v14 =	vsub.f32 $0.0e+00, v15;
	v10 =	vmul.f32 v19, v10;
	v19 =	vpop (erf)  }
0x305: {  	s4 =	sld [smem:$0x7BA];
	s20 =	smov.u32 s9;
	v15 =	vld [tilespmem:s11+$0x60];
	[tilespmem:s30+$0xE0] =	vst v22;
	(erf) = vpow2.f32 v13;
	v13 =	vadd.f32 $1.000000000e+00, v19  }
0x306: {  	[smem:$0x7DD] =	sst s20;
	v16 =	vpop (erf);
	v19 =	vmul.f32 $1.442695020e+00, v14;
	v14 =	vadd.f32 v20, v17;
	v17 =	vld [tilespmem:s11+$0xF0];
	(erf) = vrcp.f32 v21  }
0x307: {  	s20 =	smov.u32 s3;
	s3 =	sld [smem:$0x7BB];
	[tilespmem:s26+$0x30] =	vst v10;
	v10 =	vadd.f32 $1.000000000e+00, v16;
	v16 =	vld [tilespmem:s12+$0x70];
	(erf) = vrcp.f32 v13  }
0x308: {  	s12 =	smov.u32 s2;
	v20 =	vld [tilespmem:s24+$0x40];
	s2 =	sld [smem:$0x7DF];
	v13 =	vsub.f32 $0.0e+00, v14;
	v4 =	vadd.f32 v6, v4  }
0x309: {  	s9 =	smov.u32 s6;
	s13 =	sld [smem:$0x7DB];
	v21 =	vld [tilespmem:s4+$0x40];
	v6 =	vpop (erf);
	(erf) = vrcp.f32 v10  }
0x30a: {  	[smem:$0x7E2] =	sst s9;
	v10 =	vmul.f32 v6, v18;
	v18 =	vld [tilespmem:s15+$0x60];
	v22 =	vmul.f32 $1.442695020e+00, v13;
	v4 =	vsub.f32 $0.0e+00, v4  }
0x30b: {  	s5 =	smov.u32 s22;
	s22 =	rddreg [dreg:$0x1c];
	s9 =	smov.u32 s3;
	v6 =	vld [tilespmem:s2+$0x6000];
	v14 =	vpop (erf);
	(erf) = vpow2.f32 v19  }
0x30c: {  	[smem:$0x7DF] =	sst s9;
	[tilespmem:s18+$0x90] =	vst v10;
	v10 =	vld [tilespmem:s13+$0x6000];
	(erf) = vpow2.f32 v22;
	v13 =	vpop (erf);
	v23 =	vadd.f32 v16, v17  }
0x30d: {  	s6 =	smov.u32 s31;
	s9 =	sld [smem:$0x7BC];
	v19 =	vmul.f32 $1.442695020e+00, v4;
	v16 =	vld [tilespmem:s19+$0xA0];
	v17 =	vpop (erf);
	v13 =	vadd.f32 $1.000000000e+00, v13  }
0x30e: {  	s2 =	smov.u32 s22;
	s22 =	rddreg [dreg:$0x18];
	v22 =	vld [tilespmem:s6+$0x20];
	v12 =	vmul.f32 v17, v12;
	v17 =	vadd.f32 v21, v20;
	v20 =	vsub.f32 $0.0e+00, v23;
	v4 =	vpop (erf)  }
0x30f: {  	v18 =	vadd.f32 v18, v15;
	(erf) = vrcp.f32 v13;
	v13 =	vadd.f32 $1.000000000e+00, v4;
	v4 =	vld [tilespmem:s22+$0x6000];
	v15 =	vpop (erf)  }
0x310: {  	s25 =	sld [smem:$0x7B0];
	s3 =	smov.u32 s1;
	[tilespmem:s18+$0xFFFFFF10] =	vst v12;
	v12 =	vsub.f32 $0.0e+00, v17;
	v20 =	vmul.f32 $1.442695020e+00, v20;
	v17 =	vld [tilespmem:s14+$0x70];
	v23 =	vpop (erf)  }
0x311: {  	[dreg:$0x18] =	wrdreg s3;
	s13 =	smov.u32 s9;
	(erf) = vpow2.f32 v19;
	v21 =	vld [tilespmem:s19+$0xFFFFFF20];
	v23 =	vmul.f32 v23, v11  }
0x312: {  	[dreg:$0x1c] =	wrdreg s13;
	v18 =	vsub.f32 $0.0e+00, v18;
	s14 =	sor.u32 $0x440, s8;
	v19 =	vld [tilespmem:s17+$0x20];
	v59 =	vpop (erf);
	(erf) = vpow2.f32 v20  }
0x313: {  	s13 =	sld [smem:$0x7BF];
	v60 =	vadd.f32 v22, v16;
	v12 =	vmul.f32 $1.442695020e+00, v12;
	v20 =	vld [tilespmem:s14+$0x6000];
	v5 =	vmul.f32 v59, v5;
	[tilespmem:s18+$0xFFFFFF90] =	vst v23  }
0x314: {  	[smem:$0x7DB] =	sst s2;
	v18 =	vmul.f32 $1.442695020e+00, v18;
	v22 =	vpop (erf);
	(erf) = vrcp.f32 v13;
	v23 =	vld [tilespmem:s19+$0xFFFFFFA0]  }
0x315: {  	s9 =	sld [smem:$0x7BE];
	v13 =	vadd.f32 $1.000000000e+00, v22;
	v22 =	vld [tilespmem:s23+$0x20];
	[tilespmem:s18+$0x10] =	vst v5;
	v5 =	vsub.f32 $0.0e+00, v60;
	v16 =	vpop (erf);
	(erf) = vpow2.f32 v12  }
0x316: {  	s2 =	sld [smem:$0x7C1];
	v11 =	vld [tilespmem:s13+$0x6000];
	v61 =	vadd.f32 $1.000000000e+00, v16;
	(erf) = vpow2.f32 v18  }
0x317: {  	s0 =	sadd.s32 $0x4, s0;
	s3 =	sld [smem:$0x7C2];
	v16 =	vadd.f32 v19, v21;
	v19 =	vld [tilespmem:s19+$0x20];
	v5 =	vmul.f32 $1.442695020e+00, v5;
	(erf) = vrcp.f32 v13  }
0x318: {  	p1 =	slt.u32 s0, $0x24;
	s10 =	sld [smem:$0x7B3];
	s22 =	smov.u32 s9;
	v62 =	vld [tilespmem:s7+$0x20];
	(erf) = vrcp.f32 v61;
	v12 =	vpop (erf)  }
.Ltmp5:
0x319: {  	s9 =	smov.u32 s8;
	s8 =	sld [smem:$0x7C0];
	v13 =	vld [tilespmem:s2+$0x6000];
	v16 =	vsub.f32 $0.0e+00, v16;
	(erf) = vpow2.f32 v5;
	v5 =	vmul.f32 v12, v20;
	(pc) =	sbr.rel @p1 .LBB2_5-.Ltmp5, $4  }
0x31a: {  	s31 =	smov.u32 s11;
	s13 =	rddreg [dreg:$0x8];
	v12 =	vld [tilespmem:s3+$0x6000];
	v18 =	vpop (erf);
	v21 =	vadd.f32 v22, v23  }
0x31b: {  	s11 =	smov.u32 s24;
	s14 =	smov.u32 s15;
	s15 =	sld [smem:$0x7C3];
	v63 =	vmul.f32 $1.442695020e+00, v16;
	[tilespmem:s26+$0xC0] =	vst v5;
	v5 =	vadd.f32 $1.000000000e+00, v18;
	v18 =	vld [tilespmem:s13+$0x70]  }
0x31c: {  	p0 =	por !p0, !p0;
	s1 =	smov.u32 s4;
	[dreg:$0x8] =	wrdreg s14;
	v22 =	vpop (erf);
	v21 =	vsub.f32 $0.0e+00, v21;
	v16 =	vld [tilespmem:s11+$0xD0]  }
0x31d: {  	s24 =	smov.u32 s19;
	s14 =	smov.u32 s7;
	s7 =	sld [smem:$0x7C4];
	v23 =	vadd.f32 $1.000000000e+00, v22;
	v22 =	vadd.f32 v62, v19;
	(erf) = vpow2.f32 v63;
	v19 =	vld [tilespmem:s5+$0x50];
	v20 =	vpop (erf)  }
0x31e: {  	v21 =	vmul.f32 $1.442695020e+00, v21  }
0x31f: {  	v24 =	vpop (erf)  }
0x320: {  	(erf) = vrcp.f32 v23;
	v22 =	vsub.f32 $0.0e+00, v22;
	v23 =	vpop (erf)  }
0x321: {  	v24 =	vadd.f32 $1.000000000e+00, v24;
	v25 =	vpop (erf);
	(erf) = vrcp.f32 v5  }
0x322: {  	s0 =	sld [smem:$0x7D5];
	v5 =	vmul.f32 $1.442695020e+00, v22;
	(erf) = vpow2.f32 v21;
	v21 =	vpop (erf)  }
0x323: {  	v22 =	vadd.f32 $1.000000000e+00, v23;
	v23 =	vpop (erf);
	(erf) = vrcp.f32 v24  }
0x324: {  	v23 =	vadd.f32 $1.000000000e+00, v23;
	(erf) = vpow2.f32 v5  }
0x325: {  	v7 =	vmul.f32 v20, v7;
	v16 =	vadd.f32 v19, v16;
	v19 =	vld [tilespmem:s0+$0x6000];
	(erf) = vrcp.f32 v22  }
0x326: {  	v8 =	vmul.f32 v25, v8;
	v5 =	vld [tilespmem:s7+$0x6000];
	(erf) = vrcp.f32 v23  }
0x327: {  	s16 =	sor.u32 $0x470, s16;
	[tilespmem:s30+$0xFFFFFF60] =	vst v7;
	v7 =	vadd.f32 v18, v17  }
0x328: {  	v9 =	vmul.f32 v21, v9;
	v16 =	vsub.f32 $0.0e+00, v16;
	v22 =	vld [tilespmem:s16+$0x6000];
	v20 =	vpop (erf)  }
0x329: {  	v7 =	vsub.f32 $0.0e+00, v7;
	[tilespmem:s26+$0xFFFFFF40] =	vst v8;
	v17 =	vpop (erf)  }
0x32a: {  	s19 =	sor.u32 $0x420, s28;
	[tilespmem:s26+$0xFFFFFFC0] =	vst v9;
	v16 =	vmul.f32 $1.442695020e+00, v16;
	v9 =	vmul.f32 v15, v19;
	v8 =	vpop (erf)  }
0x32b: {  	v7 =	vmul.f32 $1.442695020e+00, v7;
	v5 =	vmul.f32 v14, v5;
	v14 =	vld [tilespmem:s19+$0x6000];
	v15 =	vpop (erf)  }
0x32c: {  	(erf) = vpow2.f32 v16;
	v16 =	vadd.f32 $1.000000000e+00, v20;
	v18 =	vpop (erf)  }
0x32d: {  	v17 =	vmul.f32 v17, v22;
	v8 =	vmul.f32 v8, v10;
	[tilespmem:s21+$0xFFFFFF70] =	vst v5;
	v10 =	vpop (erf)  }
0x32e: {  	(erf) = vrcp.f32 v16;
	s25 =	sld [smem:$0x7D3];
	[tilespmem:s21+$0xFFFFFFF0] =	vst v9;
	v6 =	vmul.f32 v18, v6;
	v9 =	vpop (erf)  }
0x32f: {  	[tilespmem:s30+$0xF0] =	vst v17;
	(erf) = vpow2.f32 v7;
	v7 =	vpop (erf)  }
0x330: {  	v15 =	vadd.f32 $1.000000000e+00, v15;
	[tilespmem:s26+$0x40] =	vst v6;
	v6 =	vmul.f32 v7, v14  }
0x331: {  	[tilespmem:s30+$0xFFFFFFE0] =	vst v8  }
0x332: {  	v8 =	vld [tilespmem:s11+$0xFFFFFF50];
	(erf) = vrcp.f32 v15;
	s7 =	rddreg [dreg:$0xa];
	[tilespmem:s18+$0xA0] =	vst v6  }
0x333: {  	v6 =	vadd.f32 $1.000000000e+00, v10;
	v10 =	vld [tilespmem:s24+$0xB0]  }
0x334: {  	v16 =	vld [tilespmem:s6+$0x30]  }
0x335: {  	v7 =	vld [tilespmem:s7+$0x50];
	v15 =	vpop (erf)  }
0x336: {  	(erf) = vrcp.f32 v6;
	v6 =	vadd.f32 $1.000000000e+00, v15  }
0x337: {  	s2 =	sor.u32 $0x450, s9;
	v14 =	vld [tilespmem:s11+$0xFFFFFFD0];
	v17 =	vpop (erf)  }
0x338: {  	s3 =	smov.u32 s28;
	s28 =	rddreg [dreg:$0xb];
	v15 =	vld [tilespmem:s2+$0x6000];
	v11 =	vmul.f32 v17, v11;
	(erf) = vrcp.f32 v6  }
0x339: {  	v6 =	vld [tilespmem:s28+$0x50];
	v10 =	vadd.f32 v16, v10  }
0x33a: {  	v7 =	vadd.f32 v7, v8;
	v8 =	vld [tilespmem:s11+$0x50];
	[tilespmem:s18+$0xFFFFFF20] =	vst v11;
	v17 =	vpop (erf)  }
0x33b: {  	v18 =	vpop (erf);
	v16 =	vadd.f32 $1.000000000e+00, v17;
	v17 =	vld [tilespmem:s24+$0xFFFFFF30];
	v10 =	vsub.f32 $0.0e+00, v10  }
0x33c: {  	v7 =	vsub.f32 $0.0e+00, v7;
	v13 =	vmul.f32 v18, v13;
	v18 =	vld [tilespmem:s17+$0x30]  }
0x33d: {  	v11 =	vld [tilespmem:s1+$0x50];
	v10 =	vmul.f32 $1.442695020e+00, v10  }
0x33e: {  	v7 =	vmul.f32 $1.442695020e+00, v7;
	[tilespmem:s18+$0xFFFFFFA0] =	vst v13  }
0x33f: {  	(erf) = vrcp.f32 v16;
	v13 =	vld [tilespmem:s24+$0xFFFFFFB0];
	v16 =	vpop (erf)  }
0x340: {  	v6 =	vadd.f32 v6, v14;
	v20 =	vld [tilespmem:s23+$0x30];
	(erf) = vpow2.f32 v7;
	v7 =	vmul.f32 v16, v12  }
0x341: {  	(erf) = vpow2.f32 v10;
	v12 =	vadd.f32 v18, v17;
	v10 =	vpop (erf)  }
0x342: {  	v8 =	vadd.f32 v11, v8;
	v6 =	vsub.f32 $0.0e+00, v6;
	[tilespmem:s18+$0x20] =	vst v7;
	v7 =	vmul.f32 v10, v15  }
0x343: {  	v11 =	vsub.f32 $0.0e+00, v12;
	v10 =	vld [tilespmem:s24+$0x30]  }
0x344: {  	v8 =	vsub.f32 $0.0e+00, v8;
	v6 =	vmul.f32 $1.442695020e+00, v6;
	v12 =	vld [tilespmem:s14+$0x30];
	[tilespmem:s26+$0xD0] =	vst v7  }
0x345: {  	v11 =	vmul.f32 $1.442695020e+00, v11;
	v7 =	vadd.f32 v20, v13;
	v13 =	vld [tilespmem:s11+$0xE0]  }
0x346: {  	v8 =	vmul.f32 $1.442695020e+00, v8;
	(erf) = vpow2.f32 v6;
	v14 =	vld [tilespmem:s5+$0x60]  }
0x347: {  	(erf) = vpow2.f32 v11;
	v7 =	vsub.f32 $0.0e+00, v7  }
0x348: {  	v6 =	vpop (erf);
	(erf) = vpow2.f32 v8  }
0x349: {  	v11 =	vpop (erf);
	v7 =	vmul.f32 $1.442695020e+00, v7  }
0x34a: {  	v10 =	vadd.f32 v12, v10;
	v8 =	vpop (erf);
	v11 =	vadd.f32 $1.000000000e+00, v11  }
0x34b: {  	(erf) = vpow2.f32 v7;
	v7 =	vadd.f32 $1.000000000e+00, v8;
	v8 =	vadd.f32 v14, v13  }
0x34c: {  	v10 =	vsub.f32 $0.0e+00, v10;
	(erf) = vrcp.f32 v11  }
0x34d: {  	v19 =	vld [tilespmem:s31+$0xFFFFFF70];
	s4 =	rddreg [dreg:$0x6];
	(erf) = vrcp.f32 v7;
	v8 =	vsub.f32 $0.0e+00, v8  }
0x34e: {  	v10 =	vmul.f32 $1.442695020e+00, v10;
	v7 =	vld [tilespmem:s4+$0x70]  }
0x34f: {  	v13 =	vpop (erf);
	v8 =	vmul.f32 $1.442695020e+00, v8  }
0x350: {  	s12 =	sor.u32 $0x430, s3;
	(erf) = vpow2.f32 v10;
	v10 =	vadd.f32 $1.000000000e+00, v13;
	v14 =	vpop (erf)  }
0x351: {  	v12 =	vld [tilespmem:s12+$0x6000];
	(erf) = vpow2.f32 v8;
	v8 =	vadd.f32 $1.000000000e+00, v14;
	v14 =	vpop (erf)  }
0x352: {  	v11 =	vld [tilespmem:s20+$0x70];
	v14 =	vadd.f32 $1.000000000e+00, v14  }
0x353: {  	v13 =	vld [tilespmem:s31+$0xFFFFFFF0];
	v7 =	vadd.f32 v7, v19  }
0x354: {  	(erf) = vrcp.f32 v10;
	v10 =	vpop (erf)  }
0x355: {  	(erf) = vrcp.f32 v8;
	v7 =	vsub.f32 $0.0e+00, v7;
	v8 =	vpop (erf)  }
0x356: {  	s16 =	sld [smem:$0x7D6];
	(erf) = vrcp.f32 v14;
	v10 =	vadd.f32 $1.000000000e+00, v10;
	v14 =	vpop (erf)  }
0x357: {  	v7 =	vmul.f32 $1.442695020e+00, v7;
	v12 =	vmul.f32 v14, v12  }
0x358: {  	s13 =	sld [smem:$0x7DC];
	v11 =	vadd.f32 v11, v13;
	(erf) = vrcp.f32 v10  }
0x359: {  	v10 =	vld [tilespmem:s16+$0x6000];
	(erf) = vpow2.f32 v7;
	[tilespmem:s18+$0xB0] =	vst v12  }
0x35a: {  	v11 =	vsub.f32 $0.0e+00, v11;
	s19 =	sld [smem:$0x7E1]  }
0x35b: {  	v13 =	vld [tilespmem:s13+$0x6000]  }
0x35c: {  	v11 =	vmul.f32 $1.442695020e+00, v11;
	v7 =	vpop (erf);
	v12 =	vld [tilespmem:s24+$0xC0]  }
0x35d: {  	v14 =	vpop (erf);
	v16 =	vld [tilespmem:s19+$0x6000]  }
0x35e: {  	v15 =	vld [tilespmem:s6+$0x40];
	(erf) = vpow2.f32 v11;
	s20 =	sld [smem:$0x7D9];
	v8 =	vmul.f32 v8, v10;
	v10 =	vpop (erf)  }
0x35f: {  	v5 =	vld [tilespmem:s25+$0x6000];
	s2 =	sor.u32 $0x460, s9;
	s25 =	sld [smem:$0x7D8];
	v17 =	vpop (erf)  }
0x360: {  	v18 =	vld [tilespmem:s2+$0x6000];
	v14 =	vadd.f32 $1.000000000e+00, v14;
	[tilespmem:s26+$0xFFFFFF50] =	vst v8;
	v8 =	vmul.f32 v17, v13;
	v13 =	vpop (erf)  }
0x361: {  	v11 =	vld [tilespmem:s20+$0x6000];
	v17 =	vpop (erf)  }
0x362: {  	v7 =	vadd.f32 $1.000000000e+00, v7;
	(erf) = vrcp.f32 v14;
	v14 =	vld [tilespmem:s25+$0x6000];
	[tilespmem:s18+$0xFFFFFF30] =	vst v8;
	v8 =	vmul.f32 v17, v16;
	v16 =	vpop (erf)  }
0x363: {  	v12 =	vadd.f32 v15, v12;
	v15 =	vld [tilespmem:s11+$0xFFFFFF60];
	v16 =	vadd.f32 $1.000000000e+00, v16  }
0x364: {  	v19 =	vld [tilespmem:s7+$0x60]  }
0x365: {  	(erf) = vrcp.f32 v7;
	v12 =	vsub.f32 $0.0e+00, v12;
	v7 =	vld [tilespmem:s24+$0xFFFFFF40]  }
0x366: {  	v17 =	vld [tilespmem:s17+$0x40];
	[tilespmem:s18+$0xFFFFFFB0] =	vst v8;
	(erf) = vrcp.f32 v16  }
0x367: {  	v8 =	vmul.f32 $1.442695020e+00, v12;
	v12 =	vld [tilespmem:s24+$0xFFFFFFC0];
	v16 =	vpop (erf)  }
0x368: {  	v20 =	vld [tilespmem:s23+$0x40];
	s4 =	sld [smem:$0x7DE];
	_ =	sdelay $0x1  }
0x369: {  	(erf) = vpow2.f32 v8  }
0x36a: {  	v21 =	vld [tilespmem:s4+$0x6000]  }
0x36b: {  	v10 =	vmul.f32 v10, v11;
	v15 =	vadd.f32 v19, v15;
	v7 =	vadd.f32 v17, v7  }
0x36c: {  	v8 =	vpop (erf);
	v12 =	vadd.f32 v20, v12  }
0x36d: {  	v11 =	vsub.f32 $0.0e+00, v15;
	[tilespmem:s26+$0xFFFFFFD0] =	vst v10;
	v8 =	vmul.f32 v8, v18;
	v7 =	vsub.f32 $0.0e+00, v7  }
0x36e: {  	v10 =	vmul.f32 v13, v14;
	v13 =	vld [tilespmem:s11+$0xFFFFFFE0];
	v14 =	vpop (erf);
	v12 =	vsub.f32 $0.0e+00, v12  }
0x36f: {  	v11 =	vmul.f32 $1.442695020e+00, v11;
	v15 =	vld [tilespmem:s28+$0x60];
	[tilespmem:s26+$0xE0] =	vst v8;
	v14 =	vmul.f32 v14, v21  }
0x370: {  	[tilespmem:s26+$0x50] =	vst v10;
	v10 =	vadd.f32 $1.000000000e+00, v16;
	v8 =	vld [tilespmem:s5+$0x70]  }
0x371: {  	(erf) = vpow2.f32 v11;
	v11 =	vmul.f32 $1.442695020e+00, v7;
	v7 =	vpop (erf);
	[tilespmem:s18+$0x30] =	vst v14;
	v14 =	vld [tilespmem:s11+$0xF0]  }
0x372: {  	(erf) = vrcp.f32 v10;
	v10 =	vmul.f32 $1.442695020e+00, v12;
	v12 =	vpop (erf)  }
0x373: {  	v16 =	vld [tilespmem:s11+$0x60];
	(erf) = vpow2.f32 v11;
	v11 =	vadd.f32 $1.000000000e+00, v12  }
0x374: {  	v17 =	vld [tilespmem:s24+$0x40];
	(erf) = vpow2.f32 v10  }
0x375: {  	v10 =	vld [tilespmem:s1+$0x60];
	(erf) = vrcp.f32 v11;
	v11 =	vadd.f32 v15, v13  }
0x376: {  	v12 =	vld [tilespmem:s14+$0x40];
	v8 =	vadd.f32 v8, v14  }
0x377: {  	v11 =	vsub.f32 $0.0e+00, v11  }
0x378: {  	v8 =	vsub.f32 $0.0e+00, v8  }
0x379: {  	v11 =	vmul.f32 $1.442695020e+00, v11  }
0x37a: {  	s5 =	sor.u32 $0x440, s3;
	v15 =	vmul.f32 $1.442695020e+00, v8  }
0x37b: {  	v13 =	vld [tilespmem:s5+$0x6000];
	v14 =	vpop (erf);
	v10 =	vadd.f32 v10, v16;
	v12 =	vadd.f32 v12, v17  }
0x37c: {  	v8 =	vpop (erf)  }
0x37d: {  	v10 =	vsub.f32 $0.0e+00, v10;
	v12 =	vsub.f32 $0.0e+00, v12;
	(erf) = vpow2.f32 v11;
	v11 =	vpop (erf)  }
0x37e: {  	v14 =	vadd.f32 $1.000000000e+00, v14;
	(erf) = vpow2.f32 v15;
	v15 =	vpop (erf)  }
0x37f: {  	v10 =	vmul.f32 $1.442695020e+00, v10;
	v12 =	vmul.f32 $1.442695020e+00, v12;
	v16 =	vpop (erf)  }
0x380: {  	(erf) = vrcp.f32 v14;
	v13 =	vmul.f32 v16, v13  }
0x381: {  	(erf) = vpow2.f32 v12  }
0x382: {  	(erf) = vpow2.f32 v10;
	[tilespmem:s18+$0xC0] =	vst v13  }
0x383: {  	v10 =	vld [tilespmem:s24+$0xD0]  }
0x384: {  	v12 =	vld [tilespmem:s6+$0x50];
	_ =	sdelay $0x2  }
0x385: {  	v11 =	vadd.f32 $1.000000000e+00, v11;
	v13 =	vpop (erf)  }
0x386: {  	v14 =	vadd.f32 $1.000000000e+00, v15;
	v15 =	vpop (erf)  }
0x387: {  	(erf) = vrcp.f32 v11;
	v11 =	vadd.f32 $1.000000000e+00, v15;
	v15 =	vpop (erf);
	v10 =	vadd.f32 v12, v10  }
0x388: {  	v4 =	vmul.f32 v9, v4;
	(erf) = vrcp.f32 v14;
	v9 =	vadd.f32 $1.000000000e+00, v13;
	v12 =	vpop (erf)  }
0x389: {  	(erf) = vrcp.f32 v11;
	v11 =	vadd.f32 $1.000000000e+00, v12;
	v12 =	vpop (erf);
	v10 =	vsub.f32 $0.0e+00, v10  }
0x38a: {  	[tilespmem:s30+$0x60] =	vst v4;
	(erf) = vrcp.f32 v9;
	v12 =	vadd.f32 $1.000000000e+00, v12  }
0x38b: {  	s12 =	rddreg [dreg:$0x8];
	(erf) = vrcp.f32 v11;
	v4 =	vmul.f32 $1.442695020e+00, v10  }
0x38c: {  	s13 =	sld [smem:$0x7DD];
	v9 =	vld [tilespmem:s31+$0x70];
	(erf) = vrcp.f32 v12  }
0x38d: {  	v10 =	vld [tilespmem:s12+$0x70];
	(erf) = vpow2.f32 v4;
	_ =	sdelay $0x1  }
0x38e: {  	v12 =	vld [tilespmem:s13+$0x6000]  }
0x38f: {  	v11 =	vpop (erf)  }
0x390: {  	v13 =	vpop (erf)  }
0x391: {  	v9 =	vadd.f32 v10, v9;
	v4 =	vpop (erf)  }
0x392: {  	v10 =	vpop (erf)  }
0x393: {  	s16 =	sld [smem:$0x7E2];
	v11 =	vmul.f32 v11, v12;
	v9 =	vsub.f32 $0.0e+00, v9;
	v14 =	vpop (erf)  }
0x394: {  	v16 =	vpop (erf)  }
0x395: {  	[tilespmem:s18+$0xFFFFFF40] =	vst v11;
	v9 =	vmul.f32 $1.442695020e+00, v9;
	v12 =	vpop (erf)  }
0x396: {  	v17 =	vld [tilespmem:s16+$0x6000];
	s19 =	sld [smem:$0x7DF];
	v12 =	vadd.f32 $1.000000000e+00, v12  }
0x397: {  	v11 =	vld [tilespmem:s17+$0x50];
	(erf) = vpow2.f32 v9  }
0x398: {  	v9 =	vld [tilespmem:s24+$0xFFFFFF50];
	(erf) = vrcp.f32 v12  }
0x399: {  	v12 =	vld [tilespmem:s19+$0x6000];
	_ =	sdelay $0x2  }
0x39a: {  	s20 =	sor.u32 $0x450, s3;
	v13 =	vmul.f32 v13, v17  }
0x39b: {  	v18 =	vld [tilespmem:s20+$0x6000]  }
0x39c: {  	v9 =	vadd.f32 v11, v9;
	v11 =	vmul.f32 v14, v12  }
0x39d: {  	[tilespmem:s18+$0xFFFFFFC0] =	vst v13  }
0x39e: {  	v12 =	vld [tilespmem:s24+$0xFFFFFFD0];
	v13 =	vpop (erf);
	[tilespmem:s18+$0x40] =	vst v11  }
0x39f: {  	v9 =	vsub.f32 $0.0e+00, v9;
	v11 =	vld [tilespmem:s23+$0x50];
	s25 =	sld [smem:$0x7D7];
	v14 =	vpop (erf)  }
0x3a0: {  	v13 =	vadd.f32 $1.000000000e+00, v13;
	v17 =	vld [tilespmem:s24+$0x50];
	v14 =	vmul.f32 v14, v18  }
0x3a1: {  	v9 =	vmul.f32 $1.442695020e+00, v9;
	v18 =	vld [tilespmem:s14+$0x50]  }
0x3a2: {  	(erf) = vrcp.f32 v13;
	v13 =	vld [tilespmem:s25+$0x6000];
	[tilespmem:s18+$0xD0] =	vst v14  }
0x3a3: {  	(erf) = vpow2.f32 v9;
	v9 =	vld [tilespmem:s24+$0xE0]  }
0x3a4: {  	v14 =	vld [tilespmem:s6+$0x60];
	s2 =	sld [smem:$0x7DB]  }
0x3a5: {  	v11 =	vadd.f32 v11, v12  }
0x3a6: {  	v12 =	vadd.f32 v18, v17  }
0x3a7: {  	v11 =	vsub.f32 $0.0e+00, v11;
	v19 =	vld [tilespmem:s2+$0x6000]  }
0x3a8: {  	v12 =	vsub.f32 $0.0e+00, v12  }
0x3a9: {  	v13 =	vmul.f32 v15, v13;
	v11 =	vmul.f32 $1.442695020e+00, v11;
	v14 =	vadd.f32 v14, v9  }
0x3aa: {  	v12 =	vmul.f32 $1.442695020e+00, v12  }
0x3ab: {  	[tilespmem:s26+$0xFFFFFF60] =	vst v13;
	(erf) = vpow2.f32 v11;
	v13 =	vsub.f32 $0.0e+00, v14  }
0x3ac: {  	v9 =	vpop (erf);
	v14 =	vld [tilespmem:s7+$0x70];
	v10 =	vmul.f32 v10, v19;
	(erf) = vpow2.f32 v12  }
0x3ad: {  	v11 =	vpop (erf);
	v12 =	vmul.f32 $1.442695020e+00, v13;
	v13 =	vld [tilespmem:s11+$0xFFFFFF70]  }
0x3ae: {  	[tilespmem:s26+$0xFFFFFFE0] =	vst v10;
	v10 =	vadd.f32 $1.000000000e+00, v11  }
0x3af: {  	v11 =	vld [tilespmem:s28+$0x70]  }
0x3b0: {  	(erf) = vrcp.f32 v10;
	v10 =	vld [tilespmem:s11+$0xFFFFFFF0]  }
0x3b1: {  	(erf) = vpow2.f32 v12  }
0x3b2: {  	v12 =	vadd.f32 v14, v13;
	_ =	sdelay $0x1  }
0x3b3: {  	v13 =	vpop (erf);
	v12 =	vsub.f32 $0.0e+00, v12  }
0x3b4: {  	v10 =	vadd.f32 v11, v10;
	v11 =	vadd.f32 $1.000000000e+00, v13;
	v13 =	vpop (erf)  }
0x3b5: {  	v13 =	vadd.f32 $1.000000000e+00, v13;
	_ =	sdelay $0x1  }
0x3b6: {  	v10 =	vsub.f32 $0.0e+00, v10  }
0x3b7: {  	(erf) = vrcp.f32 v11;
	v11 =	vmul.f32 $1.442695020e+00, v12;
	v12 =	vpop (erf)  }
0x3b8: {  	(erf) = vrcp.f32 v13;
	v10 =	vmul.f32 $1.442695020e+00, v10;
	v13 =	vpop (erf)  }
0x3b9: {  	(erf) = vpow2.f32 v11;
	v11 =	vadd.f32 $1.000000000e+00, v13  }
0x3ba: {  	s5 =	rddreg [dreg:$0x1f];
	(erf) = vpow2.f32 v10  }
0x3bb: {  	s7 =	sld [smem:$0x7E3];
	(erf) = vrcp.f32 v11  }
0x3bc: {  	v13 =	vld [tilespmem:s5+$0x6000];
	_ =	sdelay $0x1  }
0x3bd: {  	v17 =	vld [tilespmem:s7+$0x6000]  }
0x3be: {  	s4 =	sor.u32 $0x460, s3  }
0x3bf: {  	v10 =	vld [tilespmem:s4+$0x6000];
	v11 =	vpop (erf)  }
0x3c0: {  	v12 =	vmul.f32 v12, v13;
	v14 =	vpop (erf)  }
0x3c1: {  	v15 =	vpop (erf)  }
0x3c2: {  	v11 =	vmul.f32 v11, v17;
	[tilespmem:s18+$0xFFFFFF50] =	vst v12;
	v18 =	vpop (erf)  }
0x3c3: {  	v12 =	vld [tilespmem:s24+$0xFFFFFF60];
	v19 =	vpop (erf)  }
0x3c4: {  	v13 =	vld [tilespmem:s17+$0x60];
	[tilespmem:s18+$0xFFFFFFD0] =	vst v11;
	v10 =	vmul.f32 v19, v10  }
0x3c5: {  	v11 =	vld [tilespmem:s24+$0xFFFFFFE0]  }
0x3c6: {  	v17 =	vld [tilespmem:s23+$0x60];
	[tilespmem:s18+$0xE0] =	vst v10  }
0x3c7: {  	v10 =	vld [tilespmem:s6+$0x70]  }
0x3c8: {  	v19 =	vld [tilespmem:s24+$0xF0]  }
0x3c9: {  	s12 =	rddreg [dreg:$0x1d]  }
0x3ca: {  	v12 =	vadd.f32 v13, v12;
	v20 =	vld [tilespmem:s12+$0x6000];
	_ =	sdelay $0x1  }
0x3cb: {  	v11 =	vadd.f32 v17, v11;
	v12 =	vsub.f32 $0.0e+00, v12  }
0x3cc: {  	v13 =	vadd.f32 $1.000000000e+00, v15;
	v10 =	vadd.f32 v10, v19  }
0x3cd: {  	v15 =	vadd.f32 $1.000000000e+00, v18;
	v11 =	vsub.f32 $0.0e+00, v11;
	v12 =	vmul.f32 $1.442695020e+00, v12  }
0x3ce: {  	(erf) = vrcp.f32 v13;
	v14 =	vmul.f32 v14, v20;
	v10 =	vsub.f32 $0.0e+00, v10  }
0x3cf: {  	v11 =	vmul.f32 $1.442695020e+00, v11;
	(erf) = vpow2.f32 v12  }
0x3d0: {  	(erf) = vrcp.f32 v15;
	[tilespmem:s18+$0x50] =	vst v14;
	v10 =	vmul.f32 $1.442695020e+00, v10  }
0x3d1: {  	(erf) = vpow2.f32 v11;
	v12 =	vld [tilespmem:s24+$0x60]  }
0x3d2: {  	v11 =	vld [tilespmem:s14+$0x60];
	(erf) = vpow2.f32 v10;
	_ =	sdelay $0x2  }
0x3d3: {  	s13 =	rddreg [dreg:$0x18]  }
0x3d4: {  	v10 =	vld [tilespmem:s13+$0x6000]  }
0x3d5: {  	v13 =	vpop (erf);
	v11 =	vadd.f32 v11, v12  }
0x3d6: {  	v12 =	vpop (erf)  }
0x3d7: {  	v14 =	vpop (erf);
	v11 =	vsub.f32 $0.0e+00, v11  }
0x3d8: {  	v12 =	vadd.f32 $1.000000000e+00, v12;
	v15 =	vpop (erf)  }
0x3d9: {  	v10 =	vmul.f32 v16, v10;
	v11 =	vmul.f32 $1.442695020e+00, v11;
	v16 =	vpop (erf)  }
0x3da: {  	(erf) = vrcp.f32 v12;
	v12 =	vadd.f32 $1.000000000e+00, v16  }
0x3db: {  	[tilespmem:s26+$0x60] =	vst v10;
	v10 =	vadd.f32 $1.000000000e+00, v15;
	(erf) = vpow2.f32 v11  }
0x3dc: {  	v11 =	vld [tilespmem:s11+$0x70];
	(erf) = vrcp.f32 v12  }
0x3dd: {  	v12 =	vld [tilespmem:s1+$0x70];
	(erf) = vrcp.f32 v10;
	_ =	sdelay $0x2  }
0x3de: {  	v10 =	vld [tilespmem:s29+$0x6000]  }
0x3df: {  	s16 =	rddreg [dreg:$0x1c]  }
0x3e0: {  	v15 =	vld [tilespmem:s16+$0x6000];
	v11 =	vadd.f32 v12, v11  }
0x3e1: {  	v12 =	vpop (erf)  }
0x3e2: {  	v16 =	vpop (erf);
	v11 =	vsub.f32 $0.0e+00, v11  }
0x3e3: {  	v10 =	vmul.f32 v12, v10;
	v12 =	vadd.f32 $1.000000000e+00, v16;
	v16 =	vpop (erf)  }
0x3e4: {  	v11 =	vmul.f32 $1.442695020e+00, v11;
	v17 =	vpop (erf)  }
0x3e5: {  	[tilespmem:s18+$0xFFFFFF60] =	vst v10;
	(erf) = vrcp.f32 v12;
	v10 =	vmul.f32 v17, v15  }
0x3e6: {  	v12 =	vld [tilespmem:s24+$0xFFFFFF70];
	(erf) = vpow2.f32 v11  }
0x3e7: {  	[tilespmem:s18+$0xFFFFFFE0] =	vst v10;
	v10 =	vld [tilespmem:s17+$0x70]  }
0x3e8: {  	v11 =	vld [tilespmem:s24+$0xFFFFFFF0]  }
0x3e9: {  	v15 =	vld [tilespmem:s23+$0x70];
	_ =	sdelay $0x2  }
0x3ea: {  	v17 =	vld [tilespmem:s22+$0x6000]  }
0x3eb: {  	v10 =	vadd.f32 v10, v12  }
0x3ec: {  	v12 =	vpop (erf);
	v11 =	vadd.f32 v15, v11  }
0x3ed: {  	v15 =	vpop (erf);
	v10 =	vsub.f32 $0.0e+00, v10  }
0x3ee: {  	v15 =	vadd.f32 $1.000000000e+00, v15;
	v11 =	vsub.f32 $0.0e+00, v11  }
0x3ef: {  	v12 =	vmul.f32 v12, v17;
	v10 =	vmul.f32 $1.442695020e+00, v10  }
0x3f0: {  	(erf) = vrcp.f32 v15;
	v11 =	vmul.f32 $1.442695020e+00, v11  }
0x3f1: {  	(erf) = vpow2.f32 v10  }
0x3f2: {  	[tilespmem:s18+$0x60] =	vst v12;
	(erf) = vpow2.f32 v11  }
0x3f3: {  	v10 =	vld [tilespmem:s24+$0x70]  }
0x3f4: {  	v11 =	vld [tilespmem:s14+$0x70];
	_ =	sdelay $0x4  }
0x3f5: {  	v10 =	vadd.f32 v11, v10;
	v12 =	vpop (erf)  }
0x3f6: {  	v11 =	vpop (erf)  }
0x3f7: {  	v10 =	vsub.f32 $0.0e+00, v10;
	v11 =	vadd.f32 $1.000000000e+00, v11;
	v15 =	vpop (erf)  }
0x3f8: {  	v15 =	vadd.f32 $1.000000000e+00, v15  }
0x3f9: {  	v10 =	vmul.f32 $1.442695020e+00, v10;
	(erf) = vrcp.f32 v11  }
0x3fa: {  	(erf) = vrcp.f32 v15  }
0x3fb: {  	s17 =	rddreg [dreg:$0xd];
	(erf) = vpow2.f32 v10;
	v10 =	vld [tilespmem:s8+$0x6000]  }
0x3fc: {  	v15 =	vld [tilespmem:s17+$0x6000];
	_ =	sdelay $0x1  }
0x3fd: {  	s19 =	sor.u32 $0x470, s9  }
0x3fe: {  	v5 =	vmul.f32 v6, v5;
	v18 =	vld [tilespmem:s19+$0x6000]  }
0x3ff: {  	s20 =	rddreg [dreg:$0xc];
	v7 =	vmul.f32 v7, v10  }
0x400: {  	s22 =	rddreg [dreg:$0x11];
	[tilespmem:s21+$0x70] =	vst v5;
	v20 =	vld [tilespmem:s20+$0x6000];
	v5 =	vmul.f32 v8, v15  }
0x401: {  	v11 =	vpop (erf);
	[tilespmem:s30+$0xFFFFFF70] =	vst v7  }
0x402: {  	v17 =	vpop (erf);
	s24 =	sld [smem:$0x7DA];
	[tilespmem:s30+$0xFFFFFFF0] =	vst v5  }
0x403: {  	v4 =	vmul.f32 v4, v18;
	v19 =	vpop (erf);
	s25 =	sld [smem:$0x7E7]  }
0x404: {  	v6 =	vld [tilespmem:s10+$0x6000];
	v19 =	vadd.f32 $1.000000000e+00, v19  }
0x405: {  	s23 =	sor.u32 $0x470, s3;
	v10 =	vld [tilespmem:s22+$0x6000];
	v5 =	vmul.f32 v9, v20;
	[tilespmem:s26+$0xF0] =	vst v4  }
0x406: {  	v8 =	vld [tilespmem:s23+$0x6000];
	s4 =	sld [smem:$0x7E4];
	(erf) = vrcp.f32 v19;
	s2 =	smul.u32 $0x29, s25  }
0x407: {  	[tilespmem:s30+$0x70] =	vst v5;
	v7 =	vld [tilespmem:s24+$0x6000]  }
0x408: {  	v9 =	vld [tilespmem:s15+$0x6000];
	s0 =	sshrl.u32 s2, $0xB;
	s2 =	sld [smem:$0x7E6]  }
0x409: {  	v4 =	vmul.f32 v13, v6;
	v6 =	vld [tilespmem:s4+$0x6000]  }
0x40a: {  	v5 =	vmul.f32 v14, v10;
	s5 =	rddreg [dreg:$0x14]  }
0x40b: {  	v10 =	vld [tilespmem:s5+$0x6000];
	[tilespmem:s26+$0xFFFFFF70] =	vst v4;
	v4 =	vmul.f32 v16, v8;
	s6 =	smulhi.u32 $0x51EB851F, s2  }
0x40c: {  	[tilespmem:s26+$0xFFFFFFF0] =	vst v5;
	s0 =	sand.u32 $0x1F, s0;
	v5 =	vmul.f32 v12, v7  }
0x40d: {  	s0 =	smul.u32 $0x32, s0;
	[tilespmem:s18+$0xF0] =	vst v4;
	v4 =	vmul.f32 v11, v9;
	s1 =	sshrl.u32 s6, $0x3  }
0x40e: {  	[tilespmem:s26+$0x70] =	vst v5;
	v5 =	vmul.f32 v17, v6;
	s1 =	smul.u32 $0x19, s1  }
0x40f: {  	s7 =	rddreg [dreg:$0x4];
	s8 =	simm.s32 $0xB000;
	s0 =	ssub.s32 s25, s0;
	[tilespmem:s18+$0xFFFFFF70] =	vst v4;
	v6 =	vpop (erf)  }
0x410: {  	s5 =	sadd.s32 $0x2, s25;
	s0 =	sand.u32 $0xFF, s0;
	[tilespmem:s18+$0xFFFFFFF0] =	vst v5;
	v4 =	vmul.f32 v6, v10;
	s1 =	ssub.s32 s2, s1  }
0x411: {  	s0 =	sshll.u32 s0, $0x7;
	[smem:$0x78F] =	sst s1;
	p0 =	seq.s32 s1, $0x18  }
0x412: {  	s4 =	simm.s32 $0x28;
	s0 =	sadd.s32 $0x1C00, s0;
	[tilespmem:s18+$0x70] =	vst v4;
	s1 =	smulhi.u32 @!p0 $0x51EB851F, s5  }
0x413: {  	[spmem:s7] =	stream.indirect.scatter.add.f32 [tilespmem:s8], [sflag:$0x5], $0x80, s0, s4, $0xb8;
	[tilespmem:$0x1FC80] =	vst v63  }
0x414: {  	s0 =	sshrl.u32 @!p0 s1, $0x4  }
0x415: {  	s9 =	simm.s32 $0x5;
	s0 =	smul.u32 @!p0 $0x32, s0  }
0x416: {  	_ =	swait.ge [sflag:s9], $0x1400  }
0x417: {  	[sflag:s9] =	ssyncset.done $0x0;
	s0 =	ssub.s32 @!p0 s5, s0  }
0x418: {  	s2 =	simm.s32 @!p0 $0x28;
	[sflag:s9] =	ssyncadd.s32 $0xFFFFEC00;
	s0 =	sshll.u32 @!p0 s0, $0x7  }
0x419: {  	s3 =	simm.s32 @!p0 $0x3800;
	s4 =	rddreg [dreg:$0x0];
	s1 =	sadd.s32 @!p0 $0x1C00, s0  }
0x41a: {  	[tilespmem:s3], [sflag:$0x1] =	stream.indirect.gather @!p0 [hbm4b:s4+s2], $0x80, s1, s2, $0xb8;
	[tilespmem:$0x1FC80] =	vst v63  }
0x41b: {  	v4 =	vld @!p0 [tilespmem:s0+$0x0];
	_ =	sdelay $0x4  }
0x41c: {  	v5 =	vshll.u32 @!p0 v4, $0x1  }
0x41d: {  	v6 =	vlaneseq.u32 @!p0;
	v4 =	vand.u32 @!p0 $0x7, v4;
	v5 =	vand.u32 @!p0 $0xFFFFFFF0, v5  }
0x41e: {  	v7 =	vshrl.u32 @!p0 v6, $0x3;
	v4 =	vor.u32 @!p0 v4, v5;
	v5 =	vand.u32 @!p0 $0x7, v6  }
0x41f: {  	v7 =	vmul.u32 @!p0 $0x8, v7;
	v8 =	vperm.xlane @!p0 v4, v5  }
0x420: {  	v6 =	vor.u32 @!p0 $0x8, v6  }
0x421: {  	v4 =	vperm.xlane @!p0 v4, v6;
	v8 =	vadd.s32 @!p0 v7, v8;
	_ =	sdelay $0x1  }
0x422: {  	v4 =	vadd.s32 @!p0 v7, v4;
	_ =	sdelay $0x1  }
0x423: {  	vm1 =	vmmov @!p0 $0xffff;
	s1 =	simm.s32 @!p0 $0x0;
	s2 =	simm.s32 @!p0 $0x6000;
	s3 =	rddreg [dreg:$0x1]  }
0x424: {  	[tilespmem:s2], [sflag:$0x3] =	stream.indirect_vreg.gather @!p0 [hbm4b:s3+s1], $0x80, v8, vm1, $0xb8;
	[tilespmem:$0x1FC80] =	vst v63  }
0x425: {  	s2 =	simm.s32 @!p0 $0x6800  }
0x426: {  	[tilespmem:s2], [sflag:$0x3] =	stream.indirect_vreg.gather @!p0 [hbm4b:s3+s1], $0x80, v4, vm1, $0xb8;
	[tilespmem:$0x1FC80] =	vst v63  }
0x427: {  	v4 =	vld @!p0 [tilespmem:s0+$0x10];
	_ =	sdelay $0x4  }
0x428: {  	v8 =	vshll.u32 @!p0 v4, $0x1  }
0x429: {  	v4 =	vand.u32 @!p0 $0x7, v4;
	v8 =	vand.u32 @!p0 $0xFFFFFFF0, v8  }
0x42a: {  	v4 =	vor.u32 @!p0 v4, v8  }
0x42b: {  	v8 =	vperm.xlane @!p0 v4, v5;
	_ =	sdelay $0x1  }
0x42c: {  	v4 =	vperm.xlane @!p0 v4, v6;
	v8 =	vadd.s32 @!p0 v7, v8;
	_ =	sdelay $0x1  }
0x42d: {  	v4 =	vadd.s32 @!p0 v7, v4;
	_ =	sdelay $0x1  }
0x42e: {  	s2 =	simm.s32 @!p0 $0x7000  }
0x42f: {  	[tilespmem:s2], [sflag:$0x3] =	stream.indirect_vreg.gather @!p0 [hbm4b:s3+s1], $0x80, v8, vm1, $0xb8;
	[tilespmem:$0x1FC80] =	vst v63  }
0x430: {  	s0 =	sor.u32 @!p0 $0x20, s0;
	s2 =	simm.s32 @!p0 $0x7800  }
0x431: {  	[tilespmem:s2], [sflag:$0x3] =	stream.indirect_vreg.gather @!p0 [hbm4b:s3+s1], $0x80, v4, vm1, $0xb8;
	[tilespmem:$0x1FC80] =	vst v63  }
0x432: {  	v4 =	vld.msk @!p0 [tilespmem:s0+$0x0], $0xff;
	_ =	sdelay $0x4  }
0x433: {  	v6 =	vshll.u32 @!p0 v4, $0x1  }
0x434: {  	v4 =	vand.u32 @!p0 $0x7, v4;
	v6 =	vand.u32 @!p0 $0xFFFFFFF0, v6  }
0x435: {  	v4 =	vor.u32 @!p0 v4, v6  }
0x436: {  	v4 =	vperm.xlane @!p0 v4, v5;
	_ =	sdelay $0x1  }
0x437: {  	v4 =	vadd.s32 @!p0 v7, v4;
	_ =	sdelay $0x3  }
0x438: {  	s10 =	simm.s32 $0x2;
	[smem:$0x790] =	sst s5;
	s0 =	simm.s32 @!p0 $0x8000  }
0x439: {  	[tilespmem:s0], [sflag:$0x3] =	stream.indirect_vreg.gather @!p0 [hbm4b:s3+s1], $0x80, v4, vm1, $0xb8;
	[tilespmem:$0x1FC80] =	vst v63  }
0x43a: {  	_ =	swait.ge [sflag:s10], $0x1400  }
0x43b: {  	[sflag:s10] =	ssyncset.done $0x0  }
0x43c: {  	s11 =	simm.s32 $0x4;
	[sflag:s10] =	ssyncadd.s32 $0xFFFFEC00  }
0x43d: {  	s12 =	simm.s32 $0x0;
	s13 =	simm.s32 $0x4DF0;
	_ =	swait.ge [sflag:s11], $0x2800  }
0x43e: {  	s16 =	sand.u32 $0x3800, s12;
	s17 =	simm.s32 $0x180;
	[sflag:s11] =	ssyncset.done $0x0  }
0x43f: {  	s19 =	sand.u32 $0x380, s17;
	s18 =	sadd.s32 $0x8800, s16;
	[sflag:s11] =	ssyncadd.s32 $0xFFFFD800  }
0x440: {  	s4 =	sor.u32 s19, s18;
	v4 =	vld [tilespmem:s13+$0xFFFFFF90]  }
0x441: {  	v5 =	vld [tilespmem:s4+$0x0];
	_ =	sdelay $0x2  }
0x442: {  	s20 =	sand.u32 $0x200, s12  }
0x443: {  	s21 =	simm.s32 $0x80;
	s14 =	sor.u32 s20, s18;
	v6 =	vld [tilespmem:s13+$0xFFFFFE10]  }
0x444: {  	s1 =	sand.u32 $0x280, s21;
	v7 =	vld [tilespmem:s14+$0x0];
	v4 =	vadd.f32 v5, v4  }
0x445: {  	s19 =	sor.u32 s1, s18;
	v8 =	vld [tilespmem:s13+$0xFFFFFE90]  }
0x446: {  	v5 =	vld [tilespmem:s19+$0x0];
	v4 =	vsub.f32 $0.0e+00, v4  }
0x447: {  	s22 =	simm.s32 $0x100  }
0x448: {  	s5 =	sand.u32 $0x300, s22;
	v4 =	vmul.f32 $1.442695020e+00, v4  }
0x449: {  	s23 =	sor.u32 s5, s18;
	v6 =	vadd.f32 v7, v6  }
0x44a: {  	v9 =	vld [tilespmem:s23+$0x0];
	(erf) = vpow2.f32 v4  }
0x44b: {  	v7 =	vld [tilespmem:s13+$0xFFFFFF10];
	v5 =	vadd.f32 v5, v8;
	v4 =	vsub.f32 $0.0e+00, v6;
	_ =	sdelay $0x1  }
0x44c: {  	v5 =	vsub.f32 $0.0e+00, v5;
	v4 =	vmul.f32 $1.442695020e+00, v4;
	_ =	sdelay $0x1  }
0x44d: {  	(erf) = vpow2.f32 v4;
	v4 =	vmul.f32 $1.442695020e+00, v5  }
0x44e: {  	v6 =	vadd.f32 v9, v7;
	_ =	sdelay $0x1  }
0x44f: {  	v5 =	vsub.f32 $0.0e+00, v6  }
0x450: {  	(erf) = vpow2.f32 v4;
	v4 =	vpop (erf)  }
0x451: {  	v5 =	vmul.f32 $1.442695020e+00, v5;
	v4 =	vadd.f32 $1.000000000e+00, v4;
	_ =	sdelay $0x1  }
0x452: {  	(erf) = vpow2.f32 v5;
	_ =	sdelay $0x1  }
0x453: {  	s24 =	sand.u32 $0x7, s12;
	(erf) = vrcp.f32 v4;
	v4 =	vpop (erf)  }
0x454: {  	s2 =	sshll.u32 s24, $0x7;
	v4 =	vadd.f32 $1.000000000e+00, v4  }
0x455: {  	s25 =	sadd.s32 $0x0, s2  }
0x456: {  	s7 =	simm.s32 $0x1;
	s15 =	sadd.s32 $0x180, s25;
	p0 =	por $0x0, $0x0;
	(erf) = vrcp.f32 v4  }
0x457: {  	s26 =	sor.u32 $0x400, s15;
	s7 =	simm.s32 @!p0 $0x0;
	v5 =	vpop (erf)  }
0x458: {  	s0 =	sshll.u32 s7, $0x9;
	v5 =	vadd.f32 $1.000000000e+00, v5;
	v4 =	vld [tilespmem:s26+$0x8800]  }
0x459: {  	s2 =	sadd.s32 $0x0, s0  }
0x45a: {  	s6 =	sor.u32 $0x400, s2;
	v6 =	vpop (erf)  }
0x45b: {  	v7 =	vld [tilespmem:s6+$0x8800];
	v6 =	vadd.f32 $1.000000000e+00, v6;
	(erf) = vrcp.f32 v5  }
0x45c: {  	v5 =	vpop (erf)  }
0x45d: {  	s3 =	sand.u32 $0x3, s12;
	s10 =	sadd.s32 $0x80, s25;
	(erf) = vrcp.f32 v6;
	v4 =	vmul.f32 v5, v4  }
0x45e: {  	s28 =	simm.s32 $0xB100;
	s3 =	sshll.u32 s3, $0x8;
	s5 =	sor.u32 $0x400, s10  }
0x45f: {  	s3 =	sadd.s32 $0x0, s3;
	v5 =	vld [tilespmem:s5+$0x8800];
	[tilespmem:s28+$0x80] =	vst v4;
	v6 =	vpop (erf)  }
0x460: {  	s11 =	sadd.s32 $0x100, s3;
	v4 =	vld [tilespmem:s13+$0xFFFFFFA0];
	v6 =	vmul.f32 v6, v7  }
0x461: {  	s3 =	sor.u32 $0x400, s11;
	v8 =	vld [tilespmem:s4+$0x10]  }
0x462: {  	v7 =	vld [tilespmem:s3+$0x8800];
	_ =	sdelay $0x1  }
0x463: {  	[tilespmem:s28+$0xFFFFFF00] =	vst v6;
	v6 =	vpop (erf)  }
0x464: {  	v5 =	vmul.f32 v6, v5  }
0x465: {  	v9 =	vld [tilespmem:s13+$0xFFFFFE20];
	v4 =	vadd.f32 v8, v4;
	v8 =	vpop (erf)  }
0x466: {  	v6 =	vld [tilespmem:s14+$0x10];
	v7 =	vmul.f32 v8, v7;
	[tilespmem:s28+$0xFFFFFF80] =	vst v5  }
0x467: {  	v5 =	vld [tilespmem:s13+$0xFFFFFEA0]  }
0x468: {  	v4 =	vsub.f32 $0.0e+00, v4;
	[tilespmem:s28+$0x0] =	vst v7;
	v7 =	vld [tilespmem:s19+$0x10];
	_ =	sdelay $0x1  }
0x469: {  	v4 =	vmul.f32 $1.442695020e+00, v4;
	v8 =	vld [tilespmem:s13+$0xFFFFFF20]  }
0x46a: {  	v6 =	vadd.f32 v6, v9;
	v9 =	vld [tilespmem:s23+$0x10]  }
0x46b: {  	(erf) = vpow2.f32 v4  }
0x46c: {  	v4 =	vsub.f32 $0.0e+00, v6;
	v5 =	vadd.f32 v7, v5;
	_ =	sdelay $0x1  }
0x46d: {  	v4 =	vmul.f32 $1.442695020e+00, v4;
	v5 =	vsub.f32 $0.0e+00, v5  }
0x46e: {  	v6 =	vadd.f32 v9, v8  }
0x46f: {  	(erf) = vpow2.f32 v4;
	v5 =	vmul.f32 $1.442695020e+00, v5  }
0x470: {  	v4 =	vsub.f32 $0.0e+00, v6  }
0x471: {  	(erf) = vpow2.f32 v5  }
0x472: {  	v4 =	vmul.f32 $1.442695020e+00, v4  }
0x473: {  	v5 =	vpop (erf)  }
0x474: {  	(erf) = vpow2.f32 v4;
	v5 =	vadd.f32 $1.000000000e+00, v5;
	_ =	sdelay $0x1  }
0x475: {  	(erf) = vrcp.f32 v5;
	_ =	sdelay $0x1  }
0x476: {  	v4 =	vpop (erf)  }
0x477: {  	v4 =	vadd.f32 $1.000000000e+00, v4  }
0x478: {  	s1 =	sor.u32 $0x410, s15;
	v5 =	vpop (erf)  }
0x479: {  	(erf) = vrcp.f32 v4;
	v4 =	vld [tilespmem:s1+$0x8800];
	v5 =	vadd.f32 $1.000000000e+00, v5;
	_ =	sdelay $0x1  }
0x47a: {  	v6 =	vpop (erf)  }
0x47b: {  	v6 =	vadd.f32 $1.000000000e+00, v6;
	(erf) = vrcp.f32 v5  }
0x47c: {  	s5 =	sor.u32 $0x410, s2;
	v5 =	vpop (erf)  }
0x47d: {  	v7 =	vld [tilespmem:s5+$0x8800];
	(erf) = vrcp.f32 v6;
	v4 =	vmul.f32 v5, v4  }
0x47e: {  	s6 =	sor.u32 $0x410, s10  }
0x47f: {  	v5 =	vld [tilespmem:s6+$0x8800];
	[tilespmem:s28+$0x90] =	vst v4  }
0x480: {  	v4 =	vld [tilespmem:s13+$0xFFFFFFB0]  }
0x481: {  	s7 =	sor.u32 $0x410, s11;
	v6 =	vpop (erf);
	v8 =	vld [tilespmem:s4+$0x20]  }
0x482: {  	v6 =	vmul.f32 v6, v7;
	v7 =	vld [tilespmem:s7+$0x8800];
	_ =	sdelay $0x1  }
0x483: {  	[tilespmem:s28+$0xFFFFFF10] =	vst v6;
	v9 =	vpop (erf)  }
0x484: {  	v6 =	vld [tilespmem:s13+$0xFFFFFE30];
	v5 =	vmul.f32 v9, v5  }
0x485: {  	v10 =	vld [tilespmem:s14+$0x20];
	v4 =	vadd.f32 v8, v4;
	v8 =	vpop (erf)  }
0x486: {  	v7 =	vmul.f32 v8, v7;
	[tilespmem:s28+$0xFFFFFF90] =	vst v5  }
0x487: {  	v5 =	vld [tilespmem:s13+$0xFFFFFEB0]  }
0x488: {  	v4 =	vsub.f32 $0.0e+00, v4;
	[tilespmem:s28+$0x10] =	vst v7;
	v7 =	vld [tilespmem:s19+$0x20];
	_ =	sdelay $0x1  }
0x489: {  	v4 =	vmul.f32 $1.442695020e+00, v4;
	v6 =	vadd.f32 v10, v6;
	v8 =	vld [tilespmem:s13+$0xFFFFFF30]  }
0x48a: {  	v9 =	vld [tilespmem:s23+$0x20]  }
0x48b: {  	(erf) = vpow2.f32 v4;
	v4 =	vsub.f32 $0.0e+00, v6  }
0x48c: {  	v5 =	vadd.f32 v7, v5  }
0x48d: {  	v4 =	vmul.f32 $1.442695020e+00, v4  }
0x48e: {  	v5 =	vsub.f32 $0.0e+00, v5  }
0x48f: {  	v6 =	vadd.f32 v9, v8;
	(erf) = vpow2.f32 v4  }
0x490: {  	v4 =	vmul.f32 $1.442695020e+00, v5  }
0x491: {  	s8 =	simm.s32 $0x400;
	v5 =	vsub.f32 $0.0e+00, v6  }
0x492: {  	s12 =	simm.s32 $0x380;
	s3 =	sand.u32 $0x3800, s8;
	(erf) = vpow2.f32 v4  }
0x493: {  	s18 =	simm.s32 $0x4FF0;
	s17 =	sand.u32 $0x380, s12;
	s16 =	sadd.s32 $0x8800, s3;
	v5 =	vmul.f32 $1.442695020e+00, v5  }
0x494: {  	s17 =	sor.u32 s17, s16;
	v6 =	vld [tilespmem:s18+$0xFFFFFF90];
	v4 =	vpop (erf)  }
0x495: {  	s20 =	simm.s32 $0x200;
	(erf) = vpow2.f32 v5;
	v5 =	vld [tilespmem:s17+$0x0];
	v4 =	vadd.f32 $1.000000000e+00, v4  }
0x496: {  	s5 =	sand.u32 $0x200, s20  }
0x497: {  	s25 =	sor.u32 s5, s16;
	(erf) = vrcp.f32 v4  }
0x498: {  	s21 =	simm.s32 $0x280;
	v7 =	vld [tilespmem:s25+$0x0];
	v8 =	vpop (erf)  }
0x499: {  	s7 =	sand.u32 $0x280, s21;
	v4 =	vld [tilespmem:s18+$0xFFFFFE10];
	v8 =	vadd.f32 $1.000000000e+00, v8  }
0x49a: {  	s22 =	simm.s32 $0x300;
	s30 =	sor.u32 s7, s16;
	v10 =	vld [tilespmem:s18+$0xFFFFFE90];
	v5 =	vadd.f32 v5, v6  }
0x49b: {  	s9 =	smov.u32 s23;
	s5 =	sand.u32 $0x300, s22;
	s23 =	sor.u32 $0x420, s15;
	v9 =	vld [tilespmem:s30+$0x0];
	(erf) = vrcp.f32 v8;
	v11 =	vpop (erf)  }
0x49c: {  	s12 =	sor.u32 s5, s16;
	v6 =	vld [tilespmem:s23+$0x8800];
	v5 =	vsub.f32 $0.0e+00, v5;
	v11 =	vadd.f32 $1.000000000e+00, v11  }
0x49d: {  	v8 =	vld [tilespmem:s12+$0x0]  }
0x49e: {  	v4 =	vadd.f32 v7, v4;
	v7 =	vld [tilespmem:s18+$0xFFFFFF10];
	v5 =	vmul.f32 $1.442695020e+00, v5  }
0x49f: {  	s24 =	sor.u32 $0x420, s2;
	v12 =	vpop (erf);
	(erf) = vrcp.f32 v11  }
0x4a0: {  	v13 =	vld [tilespmem:s24+$0x8800];
	v9 =	vadd.f32 v9, v10;
	(erf) = vpow2.f32 v5;
	v11 =	vpop (erf)  }
0x4a1: {  	v4 =	vsub.f32 $0.0e+00, v4;
	v5 =	vmul.f32 v11, v6  }
0x4a2: {  	s26 =	sor.u32 $0x420, s10;
	v9 =	vsub.f32 $0.0e+00, v9;
	v6 =	vadd.f32 $1.000000000e+00, v12  }
0x4a3: {  	v10 =	vld [tilespmem:s26+$0x8800];
	v4 =	vmul.f32 $1.442695020e+00, v4;
	v7 =	vadd.f32 v8, v7;
	[tilespmem:s28+$0xA0] =	vst v5  }
0x4a4: {  	(erf) = vrcp.f32 v6;
	v6 =	vmul.f32 $1.442695020e+00, v9;
	v8 =	vpop (erf);
	v5 =	vld [tilespmem:s13+$0xFFFFFFC0]  }
0x4a5: {  	v7 =	vsub.f32 $0.0e+00, v7;
	(erf) = vpow2.f32 v4;
	v4 =	vld [tilespmem:s4+$0x30];
	v8 =	vmul.f32 v8, v13  }
0x4a6: {  	(erf) = vpow2.f32 v6  }
0x4a7: {  	v7 =	vmul.f32 $1.442695020e+00, v7  }
0x4a8: {  	[tilespmem:s28+$0xFFFFFF20] =	vst v8;
	v6 =	vpop (erf)  }
0x4a9: {  	(erf) = vpow2.f32 v7;
	v7 =	vld [tilespmem:s13+$0xFFFFFE40];
	v8 =	vpop (erf);
	v6 =	vmul.f32 v6, v10  }
0x4aa: {  	s0 =	sor.u32 $0x420, s11;
	v4 =	vadd.f32 v4, v5;
	v5 =	vld [tilespmem:s14+$0x30];
	v8 =	vadd.f32 $1.000000000e+00, v8  }
0x4ab: {  	v9 =	vld [tilespmem:s0+$0x8800];
	[tilespmem:s28+$0xFFFFFFA0] =	vst v6  }
0x4ac: {  	v4 =	vsub.f32 $0.0e+00, v4;
	(erf) = vrcp.f32 v8;
	v8 =	vld [tilespmem:s13+$0xFFFFFEC0]  }
0x4ad: {  	v11 =	vld [tilespmem:s19+$0x30];
	v6 =	vpop (erf)  }
0x4ae: {  	s1 =	simm.s32 $0x4;
	v10 =	vpop (erf);
	v4 =	vmul.f32 $1.442695020e+00, v4  }
0x4af: {  	s5 =	sand.u32 $0x7, s1;
	v10 =	vadd.f32 $1.000000000e+00, v10;
	v5 =	vadd.f32 v5, v7;
	v7 =	vpop (erf)  }
0x4b0: {  	s5 =	sshll.u32 s5, $0x7;
	(erf) = vpow2.f32 v4;
	v4 =	vadd.f32 $1.000000000e+00, v7  }
0x4b1: {  	p0 =	por !p0, !p0;
	s3 =	sadd.s32 $0x400, s5;
	s6 =	simm.s32 $0x1;
	(erf) = vrcp.f32 v10  }
0x4b2: {  	s6 =	simm.s32 @!p0 $0x0;
	s21 =	sadd.s32 $0x180, s3;
	v6 =	vmul.f32 v6, v9;
	(erf) = vrcp.f32 v4;
	v4 =	vadd.f32 v11, v8  }
0x4b3: {  	s8 =	sshll.u32 s6, $0x9;
	s16 =	sor.u32 $0x400, s21;
	v5 =	vsub.f32 $0.0e+00, v5  }
0x4b4: {  	s5 =	sadd.s32 $0x400, s8;
	v9 =	vld [tilespmem:s16+$0x8800];
	[tilespmem:s28+$0x20] =	vst v6;
	v7 =	vpop (erf);
	v4 =	vsub.f32 $0.0e+00, v4  }
0x4b5: {  	s22 =	sor.u32 $0x400, s5;
	v6 =	vld [tilespmem:s13+$0xFFFFFF40];
	v7 =	vadd.f32 $1.000000000e+00, v7;
	v5 =	vmul.f32 $1.442695020e+00, v5  }
0x4b6: {  	v8 =	vld [tilespmem:s22+$0x8800];
	v4 =	vmul.f32 $1.442695020e+00, v4  }
0x4b7: {  	s20 =	simm.s32 $0x2;
	(erf) = vrcp.f32 v7;
	v7 =	vld [tilespmem:s9+$0x30]  }
0x4b8: {  	s6 =	sand.u32 $0x3, s20;
	(erf) = vpow2.f32 v5  }
0x4b9: {  	s6 =	sshll.u32 s6, $0x8;
	s23 =	sadd.s32 $0x80, s3;
	v5 =	vpop (erf)  }
0x4ba: {  	s6 =	sadd.s32 $0x400, s6;
	s24 =	sor.u32 $0x400, s23;
	(erf) = vpow2.f32 v4;
	v4 =	vpop (erf)  }
0x4bb: {  	s7 =	sadd.s32 $0x100, s6;
	v5 =	vmul.f32 v5, v9;
	v9 =	vld [tilespmem:s24+$0x8800];
	v11 =	vpop (erf)  }
0x4bc: {  	s26 =	sor.u32 $0x400, s7;
	v6 =	vadd.f32 v7, v6;
	v7 =	vmul.f32 v11, v8  }
0x4bd: {  	v10 =	vld [tilespmem:s26+$0x8800]  }
0x4be: {  	v4 =	vadd.f32 $1.000000000e+00, v4  }
0x4bf: {  	s24 =	simm.s32 $0xB300;
	v11 =	vpop (erf)  }
0x4c0: {  	(erf) = vrcp.f32 v4;
	v4 =	vsub.f32 $0.0e+00, v6;
	v6 =	vmul.f32 v11, v9;
	[tilespmem:s24+$0xFFFFFF00] =	vst v7;
	v7 =	vpop (erf)  }
0x4c1: {  	[tilespmem:s24+$0x80] =	vst v5;
	v11 =	vpop (erf)  }
0x4c2: {  	v5 =	vld [tilespmem:s18+$0xFFFFFFA0];
	[tilespmem:s24+$0xFFFFFF80] =	vst v6;
	v6 =	vmul.f32 v7, v10;
	v7 =	vadd.f32 $1.000000000e+00, v11  }
0x4c3: {  	v8 =	vld [tilespmem:s17+$0x10];
	v4 =	vmul.f32 $1.442695020e+00, v4  }
0x4c4: {  	v9 =	vld [tilespmem:s18+$0xFFFFFE20]  }
0x4c5: {  	v12 =	vld [tilespmem:s25+$0x10];
	(erf) = vpow2.f32 v4  }
0x4c6: {  	s0 =	sor.u32 $0x430, s15;
	(erf) = vrcp.f32 v7;
	v7 =	vpop (erf)  }
0x4c7: {  	v4 =	vld [tilespmem:s0+$0x8800];
	v7 =	vadd.f32 $1.000000000e+00, v7  }
0x4c8: {  	v5 =	vadd.f32 v8, v5  }
0x4c9: {  	v10 =	vld [tilespmem:s18+$0xFFFFFEA0]  }
0x4ca: {  	[tilespmem:s24+$0x0] =	vst v6;
	v6 =	vld [tilespmem:s30+$0x10];
	v5 =	vsub.f32 $0.0e+00, v5;
	v9 =	vadd.f32 v12, v9  }
0x4cb: {  	(erf) = vrcp.f32 v7;
	v7 =	vpop (erf)  }
0x4cc: {  	v8 =	vld [tilespmem:s18+$0xFFFFFF20];
	v5 =	vmul.f32 $1.442695020e+00, v5;
	v4 =	vmul.f32 v7, v4;
	v7 =	vsub.f32 $0.0e+00, v9  }
0x4cd: {  	s1 =	sor.u32 $0x430, s2;
	v11 =	vld [tilespmem:s12+$0x10];
	[smem:$0x79E] =	sst s10  }
0x4ce: {  	(erf) = vpow2.f32 v5;
	v5 =	vld [tilespmem:s1+$0x8800];
	[tilespmem:s28+$0xB0] =	vst v4;
	v4 =	vmul.f32 $1.442695020e+00, v7  }
0x4cf: {  	v6 =	vadd.f32 v6, v10  }
0x4d0: {  	s8 =	sor.u32 $0x430, s10  }
0x4d1: {  	v6 =	vsub.f32 $0.0e+00, v6;
	v9 =	vld [tilespmem:s8+$0x8800];
	v10 =	vpop (erf)  }
0x4d2: {  	v7 =	vadd.f32 v11, v8;
	v8 =	vld [tilespmem:s13+$0xFFFFFFD0];
	(erf) = vpow2.f32 v4;
	v4 =	vpop (erf)  }
0x4d3: {  	v11 =	vld [tilespmem:s4+$0x40];
	v4 =	vmul.f32 v4, v5;
	v5 =	vmul.f32 $1.442695020e+00, v6  }
0x4d4: {  	v10 =	vadd.f32 $1.000000000e+00, v10;
	v7 =	vsub.f32 $0.0e+00, v7;
	_ =	sdelay $0x1  }
0x4d5: {  	(erf) = vrcp.f32 v10;
	v6 =	vmul.f32 $1.442695020e+00, v7  }
0x4d6: {  	(erf) = vpow2.f32 v5;
	v5 =	vpop (erf)  }
0x4d7: {  	s3 =	smov.u32 s9;
	s9 =	sor.u32 $0x430, s11;
	(erf) = vpow2.f32 v6;
	v6 =	vadd.f32 v11, v8;
	v5 =	vmul.f32 v5, v9  }
0x4d8: {  	v7 =	vld [tilespmem:s9+$0x8800];
	[tilespmem:s28+$0xFFFFFF30] =	vst v4;
	v4 =	vpop (erf)  }
0x4d9: {  	v8 =	vld [tilespmem:s13+$0xFFFFFE50];
	v4 =	vadd.f32 $1.000000000e+00, v4;
	[tilespmem:s28+$0xFFFFFFB0] =	vst v5;
	v5 =	vsub.f32 $0.0e+00, v6  }
0x4da: {  	v9 =	vld [tilespmem:s14+$0x40]  }
0x4db: {  	(erf) = vrcp.f32 v4;
	v4 =	vld [tilespmem:s13+$0xFFFFFED0];
	v5 =	vmul.f32 $1.442695020e+00, v5  }
0x4dc: {  	v6 =	vld [tilespmem:s19+$0x40];
	_ =	sdelay $0x1  }
0x4dd: {  	v11 =	vpop (erf)  }
0x4de: {  	v11 =	vadd.f32 $1.000000000e+00, v11;
	(erf) = vpow2.f32 v5;
	v5 =	vpop (erf)  }
0x4df: {  	v8 =	vadd.f32 v9, v8;
	v5 =	vmul.f32 v5, v7;
	v9 =	vpop (erf)  }
0x4e0: {  	s26 =	sor.u32 $0x410, s21;
	(erf) = vrcp.f32 v11;
	v6 =	vadd.f32 v6, v4;
	v14 =	vpop (erf)  }
0x4e1: {  	v8 =	vsub.f32 $0.0e+00, v8;
	v7 =	vld [tilespmem:s26+$0x8800];
	[tilespmem:s28+$0x30] =	vst v5;
	v5 =	vadd.f32 $1.000000000e+00, v14  }
0x4e2: {  	v9 =	vadd.f32 $1.000000000e+00, v9;
	v6 =	vsub.f32 $0.0e+00, v6  }
0x4e3: {  	s8 =	smov.u32 s14;
	s14 =	sor.u32 $0x410, s5;
	v8 =	vmul.f32 $1.442695020e+00, v8  }
0x4e4: {  	v10 =	vld [tilespmem:s14+$0x8800];
	(erf) = vrcp.f32 v9;
	v6 =	vmul.f32 $1.442695020e+00, v6  }
0x4e5: {  	v9 =	vld [tilespmem:s13+$0xFFFFFF50];
	(erf) = vrcp.f32 v5;
	v5 =	vpop (erf)  }
0x4e6: {  	v14 =	vld [tilespmem:s3+$0x40];
	(erf) = vpow2.f32 v8;
	v7 =	vmul.f32 v5, v7  }
0x4e7: {  	s20 =	sor.u32 $0x410, s23;
	(erf) = vpow2.f32 v6  }
0x4e8: {  	v12 =	vld [tilespmem:s20+$0x8800];
	v6 =	vpop (erf);
	[tilespmem:s24+$0x90] =	vst v7  }
0x4e9: {  	v6 =	vadd.f32 $1.000000000e+00, v6;
	v8 =	vpop (erf);
	v7 =	vld [tilespmem:s18+$0xFFFFFFB0]  }
0x4ea: {  	s1 =	smov.u32 s23;
	s23 =	sor.u32 $0x410, s7;
	v8 =	vmul.f32 v8, v10;
	v15 =	vld [tilespmem:s17+$0x20]  }
0x4eb: {  	v13 =	vld [tilespmem:s23+$0x8800];
	(erf) = vrcp.f32 v6;
	v6 =	vadd.f32 v14, v9  }
0x4ec: {  	[tilespmem:s24+$0xFFFFFF10] =	vst v8  }
0x4ed: {  	v6 =	vsub.f32 $0.0e+00, v6;
	v8 =	vld [tilespmem:s18+$0xFFFFFE30];
	v9 =	vpop (erf)  }
0x4ee: {  	v10 =	vld [tilespmem:s25+$0x20];
	v9 =	vmul.f32 v9, v12;
	v12 =	vpop (erf)  }
0x4ef: {  	v6 =	vmul.f32 $1.442695020e+00, v6;
	v7 =	vadd.f32 v15, v7;
	v15 =	vpop (erf)  }
0x4f0: {  	s14 =	smov.u32 s7;
	s7 =	sor.u32 $0x440, s10;
	s10 =	sor.u32 $0x440, s15;
	v12 =	vmul.f32 v12, v13;
	[tilespmem:s24+$0xFFFFFF90] =	vst v9;
	v9 =	vadd.f32 $1.000000000e+00, v15;
	v13 =	vpop (erf)  }
0x4f1: {  	v14 =	vld [tilespmem:s10+$0x8800];
	(erf) = vpow2.f32 v6;
	v7 =	vsub.f32 $0.0e+00, v7;
	v6 =	vadd.f32 $1.000000000e+00, v13  }
0x4f2: {  	v15 =	vld [tilespmem:s18+$0xFFFFFEB0]  }
0x4f3: {  	[tilespmem:s24+$0x10] =	vst v12;
	v12 =	vld [tilespmem:s30+$0x20];
	v8 =	vadd.f32 v10, v8;
	(erf) = vrcp.f32 v9;
	v7 =	vmul.f32 $1.442695020e+00, v7  }
0x4f4: {  	(erf) = vrcp.f32 v6  }
0x4f5: {  	v6 =	vpop (erf);
	(erf) = vpow2.f32 v7;
	v7 =	vsub.f32 $0.0e+00, v8  }
0x4f6: {  	v10 =	vld [tilespmem:s12+$0x20];
	v6 =	vmul.f32 v6, v14  }
0x4f7: {  	v9 =	vld [tilespmem:s18+$0xFFFFFF30];
	v7 =	vmul.f32 $1.442695020e+00, v7  }
0x4f8: {  	[tilespmem:s28+$0xC0] =	vst v6;
	v6 =	vadd.f32 v12, v15  }
0x4f9: {  	(erf) = vpow2.f32 v7  }
0x4fa: {  	v8 =	vld [tilespmem:s13+$0xFFFFFFE0];
	v6 =	vsub.f32 $0.0e+00, v6  }
0x4fb: {  	v12 =	vld [tilespmem:s4+$0x50]  }
0x4fc: {  	v9 =	vadd.f32 v10, v9;
	v6 =	vmul.f32 $1.442695020e+00, v6  }
0x4fd: {  	s31 =	simm.s32 $0x51F0;
	v7 =	vpop (erf)  }
0x4fe: {  	v16 =	vld [tilespmem:s31+$0xFFFFFE90];
	v9 =	vsub.f32 $0.0e+00, v9;
	v10 =	vpop (erf);
	(erf) = vpow2.f32 v6  }
0x4ff: {  	s0 =	sor.u32 $0x440, s2;
	s20 =	simm.s32 $0x800;
	v17 =	vld [tilespmem:s31+$0xFFFFFF10];
	v7 =	vadd.f32 $1.000000000e+00, v7;
	v13 =	vpop (erf)  }
0x500: {  	s6 =	sand.u32 $0x3800, s20;
	s23 =	simm.s32 $0x580;
	s9 =	sor.u32 $0x440, s11;
	v11 =	vld [tilespmem:s0+$0x8800];
	v9 =	vmul.f32 $1.442695020e+00, v9;
	v8 =	vadd.f32 v12, v8;
	v6 =	vpop (erf)  }
0x501: {  	s16 =	smov.u32 s11;
	s6 =	sadd.s32 $0x8800, s6;
	v5 =	vld [tilespmem:s9+$0x8800];
	s9 =	sand.u32 $0x380, s23;
	(erf) = vrcp.f32 v7;
	v6 =	vadd.f32 $1.000000000e+00, v6  }
0x502: {  	s11 =	smov.u32 s15;
	s26 =	simm.s32 $0x400;
	s15 =	sor.u32 s9, s6;
	v12 =	vld [tilespmem:s31+$0xFFFFFF90];
	(erf) = vpow2.f32 v9;
	v8 =	vsub.f32 $0.0e+00, v8;
	v15 =	vpop (erf)  }
0x503: {  	s9 =	sand.u32 $0x200, s26;
	v7 =	vld [tilespmem:s15+$0x0];
	(erf) = vrcp.f32 v6;
	v15 =	vadd.f32 $1.000000000e+00, v15  }
0x504: {  	v4 =	vld [tilespmem:s7+$0x8800];
	s7 =	simm.s32 $0x480;
	s23 =	sor.u32 s9, s6;
	v8 =	vmul.f32 $1.442695020e+00, v8  }
0x505: {  	s10 =	sand.u32 $0x280, s7;
	v14 =	vld [tilespmem:s23+$0x0]  }
0x506: {  	s7 =	sor.u32 s10, s6;
	v9 =	vld [tilespmem:s31+$0xFFFFFE10];
	(erf) = vpow2.f32 v8  }
0x507: {  	s0 =	sor.u32 $0x420, s21;
	v8 =	vld [tilespmem:s7+$0x0];
	(erf) = vrcp.f32 v15;
	v15 =	vpop (erf)  }
0x508: {  	s20 =	simm.s32 $0x500;
	s26 =	sor.u32 $0x420, s5;
	v6 =	vld [tilespmem:s0+$0x8800];
	v7 =	vadd.f32 v7, v12;
	v15 =	vadd.f32 $1.000000000e+00, v15  }
0x509: {  	s22 =	smov.u32 s5;
	s5 =	sor.u32 $0x420, s14;
	s9 =	sand.u32 $0x300, s20;
	v19 =	vld [tilespmem:s26+$0x8800]  }
0x50a: {  	s20 =	sor.u32 s9, s6;
	v20 =	vld [tilespmem:s5+$0x8800];
	v10 =	vmul.f32 v10, v11;
	v7 =	vsub.f32 $0.0e+00, v7;
	v18 =	vpop (erf)  }
0x50b: {  	s0 =	sor.u32 $0x420, s1;
	v12 =	vld [tilespmem:s20+$0x0];
	v9 =	vadd.f32 v14, v9;
	v11 =	vpop (erf)  }
0x50c: {  	v14 =	vld [tilespmem:s0+$0x8800];
	v7 =	vmul.f32 $1.442695020e+00, v7;
	v8 =	vadd.f32 v8, v16;
	(erf) = vrcp.f32 v15;
	v15 =	vpop (erf);
	[tilespmem:s28+$0xFFFFFF40] =	vst v10  }
0x50d: {  	v9 =	vsub.f32 $0.0e+00, v9;
	v6 =	vmul.f32 v15, v6;
	v10 =	vld [tilespmem:s13+$0xFFFFFE60]  }
0x50e: {  	v8 =	vsub.f32 $0.0e+00, v8;
	(erf) = vpow2.f32 v7;
	v7 =	vadd.f32 $1.000000000e+00, v11;
	v11 =	vld [tilespmem:s8+$0x50];
	[smem:$0x793] =	sst s8  }
0x50f: {  	v9 =	vmul.f32 $1.442695020e+00, v9;
	[tilespmem:s24+$0xA0] =	vst v6  }
0x510: {  	v4 =	vmul.f32 v13, v4;
	v12 =	vadd.f32 v12, v17;
	(erf) = vrcp.f32 v7;
	v7 =	vld [tilespmem:s18+$0xFFFFFFC0]  }
0x511: {  	v5 =	vmul.f32 v18, v5;
	(erf) = vpow2.f32 v9;
	v9 =	vld [tilespmem:s17+$0x30];
	[smem:$0x795] =	sst s11;
	v6 =	vpop (erf)  }
0x512: {  	s0 =	smov.u32 s8;
	v12 =	vsub.f32 $0.0e+00, v12;
	s8 =	sor.u32 $0x450, s11;
	[tilespmem:s28+$0xFFFFFFC0] =	vst v4;
	v4 =	vmul.f32 $1.442695020e+00, v8;
	v6 =	vadd.f32 $1.000000000e+00, v6;
	v8 =	vpop (erf)  }
0x513: {  	v13 =	vld [tilespmem:s8+$0x8800];
	[tilespmem:s28+$0x40] =	vst v5;
	v8 =	vmul.f32 v8, v19  }
0x514: {  	v12 =	vmul.f32 $1.442695020e+00, v12;
	(erf) = vrcp.f32 v6;
	v6 =	vld [tilespmem:s13+$0xFFFFFEE0];
	[smem:$0x794] =	sst s19  }
0x515: {  	v5 =	vld [tilespmem:s19+$0x50]  }
0x516: {  	(erf) = vpow2.f32 v4;
	v4 =	vadd.f32 v11, v10;
	v10 =	vld [tilespmem:s13+$0xFFFFFF60];
	[tilespmem:s24+$0xFFFFFF20] =	vst v8  }
0x517: {  	v7 =	vadd.f32 v9, v7;
	(erf) = vpow2.f32 v12;
	v11 =	vld [tilespmem:s18+$0xFFFFFE40];
	v8 =	vpop (erf)  }
0x518: {  	v9 =	vld [tilespmem:s25+$0x30];
	[dreg:$0x7] =	wrdreg s25;
	v4 =	vsub.f32 $0.0e+00, v4;
	v12 =	vpop (erf);
	v8 =	vmul.f32 v8, v14  }
0x519: {  	s9 =	simm.s32 $0x8;
	v7 =	vsub.f32 $0.0e+00, v7;
	v14 =	vld [tilespmem:s3+$0x50];
	[smem:$0x7A9] =	sst s3;
	v12 =	vadd.f32 $1.000000000e+00, v12  }
0x51a: {  	s6 =	sand.u32 $0x7, s9;
	v4 =	vmul.f32 $1.442695020e+00, v4;
	[tilespmem:s24+$0xFFFFFFA0] =	vst v8  }
0x51b: {  	s6 =	sshll.u32 s6, $0x7;
	v7 =	vmul.f32 $1.442695020e+00, v7;
	v5 =	vadd.f32 v5, v6;
	v8 =	vld [tilespmem:s18+$0xFFFFFEC0]  }
0x51c: {  	s9 =	sadd.s32 $0x800, s6;
	v6 =	vpop (erf);
	(erf) = vrcp.f32 v12;
	v15 =	vld [tilespmem:s30+$0x30]  }
0x51d: {  	s29 =	sadd.s32 $0x180, s9;
	v6 =	vmul.f32 v6, v20;
	v5 =	vsub.f32 $0.0e+00, v5;
	(erf) = vpow2.f32 v4;
	v12 =	vpop (erf)  }
0x51e: {  	s10 =	sor.u32 $0x400, s29;
	v9 =	vadd.f32 v9, v11;
	(erf) = vpow2.f32 v7;
	v12 =	vadd.f32 $1.000000000e+00, v12;
	v4 =	vpop (erf)  }
0x51f: {  	v16 =	vld [tilespmem:s10+$0x8800];
	[tilespmem:s24+$0x20] =	vst v6;
	v6 =	vadd.f32 v14, v10;
	v5 =	vmul.f32 $1.442695020e+00, v5;
	v4 =	vmul.f32 v4, v13;
	v7 =	vpop (erf)  }
0x520: {  	p0 =	por !p0, !p0;
	s6 =	simm.s32 $0x1;
	v9 =	vsub.f32 $0.0e+00, v9;
	v10 =	vld [tilespmem:s18+$0xFFFFFF40];
	(erf) = vrcp.f32 v12;
	v7 =	vadd.f32 $1.000000000e+00, v7;
	v11 =	vpop (erf)  }
0x521: {  	s6 =	simm.s32 @!p0 $0x0;
	v12 =	vld [tilespmem:s12+$0x30];
	[tilespmem:s28+$0xD0] =	vst v4;
	v4 =	vadd.f32 $1.000000000e+00, v11;
	(erf) = vpow2.f32 v5;
	v5 =	vadd.f32 v15, v8  }
0x522: {  	s26 =	smov.u32 s11;
	s6 =	sshll.u32 s6, $0x9;
	s11 =	simm.s32 $0x4;
	v6 =	vsub.f32 $0.0e+00, v6;
	v9 =	vmul.f32 $1.442695020e+00, v9;
	v8 =	vld [tilespmem:s13+$0xFFFFFFF0];
	(erf) = vrcp.f32 v7  }
0x523: {  	s8 =	smov.u32 s19;
	s19 =	smov.u32 s3;
	s10 =	sand.u32 $0x3, s11;
	v7 =	vld [tilespmem:s4+$0x60];
	(erf) = vrcp.f32 v4;
	v4 =	vsub.f32 $0.0e+00, v5  }
0x524: {  	s3 =	smov.u32 s12;
	s12 =	sshll.u32 s10, $0x8;
	s10 =	sadd.s32 $0x800, s6;
	v6 =	vmul.f32 $1.442695020e+00, v6  }
0x525: {  	s5 =	sadd.s32 $0x800, s12;
	s12 =	sor.u32 $0x400, s10;
	v4 =	vmul.f32 $1.442695020e+00, v4  }
0x526: {  	s6 =	sadd.s32 $0x100, s5;
	v5 =	vld [tilespmem:s12+$0x8800];
	(erf) = vpow2.f32 v9;
	v9 =	vpop (erf);
	v10 =	vadd.f32 v12, v10  }
0x527: {  	s12 =	sadd.s32 $0x80, s9;
	s5 =	sor.u32 $0x400, s6;
	v9 =	vmul.f32 v9, v16  }
0x528: {  	v11 =	vld [tilespmem:s5+$0x8800];
	s11 =	sor.u32 $0x400, s12;
	(erf) = vpow2.f32 v6;
	v6 =	vpop (erf);
	v7 =	vadd.f32 v7, v8;
	v8 =	vsub.f32 $0.0e+00, v10  }
0x529: {  	s5 =	simm.s32 $0xB500;
	v12 =	vld [tilespmem:s11+$0x8800];
	(erf) = vpow2.f32 v4;
	v4 =	vpop (erf)  }
0x52a: {  	v6 =	vadd.f32 $1.000000000e+00, v6;
	[tilespmem:s5+$0x80] =	vst v9;
	v10 =	vpop (erf)  }
0x52b: {  	v9 =	vld [tilespmem:s31+$0xFFFFFFA0];
	v4 =	vadd.f32 $1.000000000e+00, v4;
	v5 =	vmul.f32 v10, v5  }
0x52c: {  	s11 =	sor.u32 $0x450, s2;
	v7 =	vsub.f32 $0.0e+00, v7;
	(erf) = vrcp.f32 v6;
	v6 =	vmul.f32 $1.442695020e+00, v8;
	v10 =	vld [tilespmem:s15+$0x10];
	v8 =	vpop (erf);
	[smem:$0x79C] =	sst s2  }
0x52d: {  	(erf) = vrcp.f32 v4;
	v4 =	vld [tilespmem:s11+$0x8800];
	v13 =	vpop (erf);
	[tilespmem:s5+$0xFFFFFF00] =	vst v5  }
0x52e: {  	v5 =	vmul.f32 $1.442695020e+00, v7;
	v7 =	vmul.f32 v13, v12;
	v12 =	vpop (erf);
	v13 =	vld [tilespmem:s31+$0xFFFFFE20]  }
0x52f: {  	s11 =	sor.u32 $0x430, s21;
	(erf) = vpow2.f32 v6;
	v6 =	vadd.f32 $1.000000000e+00, v8;
	v8 =	vpop (erf);
	v14 =	vld [tilespmem:s23+$0x10]  }
0x530: {  	v11 =	vmul.f32 v12, v11;
	(erf) = vpow2.f32 v5;
	v5 =	vld [tilespmem:s11+$0x8800];
	[tilespmem:s5+$0xFFFFFF80] =	vst v7;
	v7 =	vadd.f32 $1.000000000e+00, v8  }
0x531: {  	v8 =	vadd.f32 v10, v9;
	v9 =	vpop (erf);
	v10 =	vld [tilespmem:s31+$0xFFFFFEA0];
	(erf) = vrcp.f32 v6  }
0x532: {  	[tilespmem:s5+$0x0] =	vst v11;
	v6 =	vadd.f32 $1.000000000e+00, v9;
	(erf) = vrcp.f32 v7;
	v7 =	vld [tilespmem:s7+$0x10];
	v9 =	vpop (erf)  }
0x533: {  	v11 =	vld [tilespmem:s31+$0xFFFFFF20];
	v8 =	vsub.f32 $0.0e+00, v8;
	v9 =	vadd.f32 $1.000000000e+00, v9  }
0x534: {  	s11 =	sor.u32 $0x430, s22;
	v12 =	vld [tilespmem:s20+$0x10];
	[smem:$0x796] =	sst s22  }
0x535: {  	(erf) = vrcp.f32 v6;
	v6 =	vadd.f32 v14, v13;
	v14 =	vld [tilespmem:s11+$0x8800];
	[smem:$0x797] =	sst s1;
	s11 =	sor.u32 $0x430, s1;
	v8 =	vmul.f32 $1.442695020e+00, v8  }
0x536: {  	v13 =	vpop (erf);
	(erf) = vrcp.f32 v9;
	v15 =	vld [tilespmem:s11+$0x8800];
	s11 =	smov.u32 s14;
	[smem:$0x798] =	sst s14;
	s14 =	sor.u32 $0x430, s14  }
0x537: {  	v9 =	vpop (erf);
	(erf) = vpow2.f32 v8;
	v8 =	vld [tilespmem:s14+$0x8800];
	s14 =	sld [smem:$0x79E]  }
0x538: {  	v5 =	vmul.f32 v9, v5  }
0x539: {  	v6 =	vsub.f32 $0.0e+00, v6  }
0x53a: {  	v7 =	vadd.f32 v7, v10;
	s9 =	sor.u32 $0x450, s14  }
0x53b: {  	v9 =	vpop (erf);
	v6 =	vmul.f32 $1.442695020e+00, v6;
	[tilespmem:s24+$0xB0] =	vst v5;
	v16 =	vld [tilespmem:s9+$0x8800]  }
0x53c: {  	v4 =	vmul.f32 v13, v4;
	v10 =	vadd.f32 v12, v11;
	v7 =	vsub.f32 $0.0e+00, v7;
	v11 =	vld [tilespmem:s18+$0xFFFFFFD0];
	v5 =	vpop (erf)  }
0x53d: {  	v5 =	vadd.f32 $1.000000000e+00, v5;
	v12 =	vpop (erf);
	(erf) = vpow2.f32 v6;
	v6 =	vld [tilespmem:s17+$0x40];
	[smem:$0x79D] =	sst s16  }
0x53e: {  	v10 =	vsub.f32 $0.0e+00, v10;
	v7 =	vmul.f32 $1.442695020e+00, v7;
	[tilespmem:s28+$0xFFFFFF50] =	vst v4;
	v4 =	vadd.f32 $1.000000000e+00, v9  }
0x53f: {  	(erf) = vrcp.f32 v5  }
0x540: {  	v9 =	vpop (erf);
	v5 =	vld [tilespmem:s13+$0xFFFFFE70];
	(erf) = vrcp.f32 v4;
	v4 =	vmul.f32 $1.442695020e+00, v10  }
0x541: {  	s9 =	sor.u32 $0x450, s16;
	v9 =	vmul.f32 v9, v14;
	v14 =	vld [tilespmem:s0+$0x60];
	v17 =	vpop (erf)  }
0x542: {  	v13 =	vld [tilespmem:s9+$0x8800];
	s0 =	sor.u32 $0x410, s10;
	(erf) = vpow2.f32 v7;
	v7 =	vpop (erf)  }
0x543: {  	v10 =	vld [tilespmem:s0+$0x8800];
	[tilespmem:s24+$0xFFFFFF30] =	vst v9;
	v7 =	vmul.f32 v7, v15  }
0x544: {  	(erf) = vpow2.f32 v4;
	v9 =	vld [tilespmem:s18+$0xFFFFFE50];
	v4 =	vpop (erf)  }
0x545: {  	v6 =	vadd.f32 v6, v11;
	v11 =	vld [tilespmem:s25+$0x40];
	[tilespmem:s24+$0xFFFFFFB0] =	vst v7;
	v4 =	vadd.f32 $1.000000000e+00, v4  }
0x546: {  	v5 =	vadd.f32 v14, v5;
	v7 =	vmul.f32 v12, v16;
	v14 =	vld [tilespmem:s30+$0x40]  }
0x547: {  	s0 =	sor.u32 $0x460, s26;
	v6 =	vsub.f32 $0.0e+00, v6;
	(erf) = vrcp.f32 v4;
	v4 =	vld [tilespmem:s18+$0xFFFFFED0]  }
0x548: {  	v18 =	vld [tilespmem:s0+$0x8800];
	v12 =	vpop (erf);
	[tilespmem:s28+$0xFFFFFFD0] =	vst v7  }
0x549: {  	v6 =	vmul.f32 $1.442695020e+00, v6;
	v7 =	vadd.f32 $1.000000000e+00, v12;
	v12 =	vld [tilespmem:s13+$0xFFFFFEF0]  }
0x54a: {  	v9 =	vadd.f32 v11, v9;
	v11 =	vld [tilespmem:s8+$0x60]  }
0x54b: {  	(erf) = vpow2.f32 v6  }
0x54c: {  	v5 =	vsub.f32 $0.0e+00, v5;
	v16 =	vpop (erf);
	(erf) = vrcp.f32 v7;
	v4 =	vadd.f32 v14, v4  }
0x54d: {  	s0 =	sor.u32 $0x410, s29;
	v13 =	vmul.f32 v17, v13;
	v6 =	vmul.f32 v16, v18;
	v16 =	vpop (erf)  }
0x54e: {  	s26 =	sor.u32 $0x410, s12;
	v19 =	vld [tilespmem:s0+$0x8800];
	v5 =	vmul.f32 $1.442695020e+00, v5;
	v9 =	vsub.f32 $0.0e+00, v9;
	v7 =	vpop (erf);
	v4 =	vsub.f32 $0.0e+00, v4  }
0x54f: {  	v15 =	vld [tilespmem:s26+$0x8800];
	v8 =	vmul.f32 v16, v8;
	[tilespmem:s28+$0xE0] =	vst v6;
	v7 =	vadd.f32 $1.000000000e+00, v7;
	v16 =	vpop (erf);
	v11 =	vadd.f32 v11, v12  }
0x550: {  	[tilespmem:s28+$0x50] =	vst v13;
	(erf) = vpow2.f32 v5;
	v6 =	vld [tilespmem:s4+$0x70];
	v13 =	vadd.f32 $1.000000000e+00, v16;
	v4 =	vmul.f32 $1.442695020e+00, v4  }
0x551: {  	v5 =	vld [tilespmem:s13+$0x0];
	(erf) = vrcp.f32 v7;
	v7 =	vmul.f32 $1.442695020e+00, v9;
	v11 =	vsub.f32 $0.0e+00, v11  }
0x552: {  	v14 =	vld [tilespmem:s13+$0xFFFFFF70];
	[tilespmem:s24+$0x30] =	vst v8;
	(erf) = vrcp.f32 v13;
	v9 =	vpop (erf)  }
0x553: {  	s28 =	smov.u32 s3;
	v8 =	vld [tilespmem:s18+$0xFFFFFF50];
	(erf) = vpow2.f32 v7;
	v9 =	vmul.f32 v9, v19  }
0x554: {  	v12 =	vld [tilespmem:s3+$0x40];
	[dreg:$0x9] =	wrdreg s28;
	(erf) = vpow2.f32 v4;
	v4 =	vpop (erf)  }
0x555: {  	[tilespmem:s5+$0x90] =	vst v9;
	v9 =	vmul.f32 $1.442695020e+00, v11;
	v4 =	vadd.f32 $1.000000000e+00, v4;
	v11 =	vpop (erf)  }
0x556: {  	v7 =	vld [tilespmem:s19+$0x60];
	v10 =	vmul.f32 v11, v10;
	_ =	sdelay $0x1  }
0x557: {  	v5 =	vadd.f32 v6, v5  }
0x558: {  	v6 =	vld [tilespmem:s31+$0xFFFFFFB0];
	(erf) = vrcp.f32 v4;
	v4 =	vpop (erf)  }
0x559: {  	s8 =	sor.u32 $0x410, s6;
	v5 =	vsub.f32 $0.0e+00, v5;
	v16 =	vld [tilespmem:s15+$0x20];
	[tilespmem:s5+$0xFFFFFF10] =	vst v10;
	v10 =	vpop (erf)  }
0x55a: {  	v13 =	vld [tilespmem:s8+$0x8800];
	v8 =	vadd.f32 v12, v8;
	v7 =	vadd.f32 v7, v14;
	v10 =	vmul.f32 v10, v15  }
0x55b: {  	v5 =	vmul.f32 $1.442695020e+00, v5  }
0x55c: {  	v8 =	vsub.f32 $0.0e+00, v8;
	v7 =	vsub.f32 $0.0e+00, v7;
	(erf) = vpow2.f32 v9;
	v9 =	vld [tilespmem:s31+$0xFFFFFE30]  }
0x55d: {  	(erf) = vpow2.f32 v5;
	v5 =	vld [tilespmem:s23+$0x20];
	[smem:$0x79A] =	sst s23;
	v4 =	vadd.f32 $1.000000000e+00, v4;
	v11 =	vpop (erf)  }
0x55e: {  	s9 =	sor.u32 $0x440, s21;
	v8 =	vmul.f32 $1.442695020e+00, v8;
	v6 =	vadd.f32 v16, v6;
	v7 =	vmul.f32 $1.442695020e+00, v7;
	[tilespmem:s5+$0xFFFFFF90] =	vst v10;
	v10 =	vpop (erf)  }
0x55f: {  	v12 =	vld [tilespmem:s9+$0x8800];
	v11 =	vmul.f32 v11, v13;
	(erf) = vrcp.f32 v4;
	v10 =	vadd.f32 $1.000000000e+00, v10  }
0x560: {  	v6 =	vsub.f32 $0.0e+00, v6;
	(erf) = vpow2.f32 v8;
	v13 =	vpop (erf)  }
0x561: {  	[tilespmem:s5+$0x10] =	vst v11;
	(erf) = vpow2.f32 v7;
	v11 =	vadd.f32 $1.000000000e+00, v13  }
0x562: {  	v6 =	vmul.f32 $1.442695020e+00, v6;
	(erf) = vrcp.f32 v10  }
0x563: {  	v4 =	vld [tilespmem:s31+$0xFFFFFEB0];
	(erf) = vrcp.f32 v11;
	v10 =	vpop (erf)  }
0x564: {  	v8 =	vld [tilespmem:s7+$0x20];
	v5 =	vadd.f32 v5, v9;
	(erf) = vpow2.f32 v6;
	v6 =	vmul.f32 v10, v12;
	_ =	sdelay $0x1  }
0x565: {  	v7 =	vld [tilespmem:s31+$0xFFFFFF30];
	v5 =	vsub.f32 $0.0e+00, v5  }
0x566: {  	v9 =	vld [tilespmem:s20+$0x20];
	[smem:$0x79B] =	sst s20;
	v10 =	vpop (erf)  }
0x567: {  	v5 =	vmul.f32 $1.442695020e+00, v5;
	[tilespmem:s24+$0xC0] =	vst v6;
	v6 =	vpop (erf)  }
0x568: {  	v4 =	vadd.f32 v8, v4;
	v11 =	vadd.f32 $1.000000000e+00, v6  }
0x569: {  	v8 =	vld [tilespmem:s18+$0xFFFFFFE0]  }
0x56a: {  	s22 =	sor.u32 $0x440, s22;
	s0 =	smov.u32 s23;
	v4 =	vsub.f32 $0.0e+00, v4;
	v12 =	vld [tilespmem:s17+$0x50];
	v6 =	vpop (erf)  }
0x56b: {  	s25 =	smov.u32 s17;
	s26 =	simm.s32 $0xC00;
	s23 =	sor.u32 $0x440, s1;
	v9 =	vadd.f32 v9, v7;
	v10 =	vadd.f32 $1.000000000e+00, v10;
	(erf) = vpow2.f32 v5;
	v5 =	vpop (erf)  }
0x56c: {  	s8 =	simm.s32 $0x780;
	s19 =	sor.u32 $0x460, s2;
	s9 =	sand.u32 $0x3800, s26;
	v15 =	vld [tilespmem:s23+$0x8800];
	v4 =	vmul.f32 $1.442695020e+00, v4;
	(erf) = vrcp.f32 v11;
	v11 =	vpop (erf)  }
0x56d: {  	s2 =	simm.s32 $0xC00;
	s23 =	sand.u32 $0x380, s8;
	v13 =	vld [tilespmem:s22+$0x8800];
	v9 =	vsub.f32 $0.0e+00, v9;
	s17 =	sadd.s32 $0x8800, s9;
	(erf) = vrcp.f32 v10;
	v14 =	vpop (erf)  }
0x56e: {  	v7 =	vld [tilespmem:s19+$0x8800];
	[dreg:$0x16] =	wrdreg s2;
	s19 =	sor.u32 s23, s17;
	v5 =	vadd.f32 $1.000000000e+00, v5;
	(erf) = vpow2.f32 v4;
	v16 =	vpop (erf)  }
0x56f: {  	s26 =	simm.s32 $0x53F0;
	v9 =	vmul.f32 $1.442695020e+00, v9;
	v8 =	vadd.f32 v12, v8;
	v4 =	vadd.f32 $1.000000000e+00, v11;
	v11 =	vld [tilespmem:s19+$0x0];
	v10 =	vpop (erf)  }
0x570: {  	(erf) = vrcp.f32 v5;
	v5 =	vld [tilespmem:s26+$0xFFFFFF90];
	v10 =	vadd.f32 $1.000000000e+00, v10  }
0x571: {  	s1 =	sor.u32 $0x440, s11;
	v8 =	vsub.f32 $0.0e+00, v8;
	(erf) = vpow2.f32 v9  }
0x572: {  	v17 =	vld [tilespmem:s1+$0x8800];
	(erf) = vrcp.f32 v4  }
0x573: {  	s23 =	simm.s32 $0x600;
	v18 =	vld [tilespmem:s26+$0xFFFFFE10];
	v4 =	vmul.f32 $1.442695020e+00, v8;
	(erf) = vrcp.f32 v10  }
0x574: {  	s3 =	simm.s32 $0x680;
	v22 =	vld [tilespmem:s26+$0xFFFFFE90];
	s8 =	sand.u32 $0x200, s23;
	v10 =	vpop (erf)  }
0x575: {  	s9 =	sand.u32 $0x280, s3;
	v23 =	vld [tilespmem:s26+$0xFFFFFF10];
	s3 =	sor.u32 s8, s17;
	(erf) = vpow2.f32 v4;
	v5 =	vadd.f32 v11, v5;
	v8 =	vpop (erf);
	v4 =	vadd.f32 $1.000000000e+00, v10  }
0x576: {  	s1 =	sor.u32 $0x460, s14;
	s14 =	simm.s32 $0x700;
	s8 =	sor.u32 s9, s17;
	v19 =	vld [tilespmem:s3+$0x0];
	v10 =	vpop (erf)  }
0x577: {  	s2 =	sor.u32 $0x420, s29;
	s11 =	sand.u32 $0x300, s14;
	v20 =	vld [tilespmem:s8+$0x0];
	v21 =	vpop (erf);
	(erf) = vrcp.f32 v4;
	v4 =	vsub.f32 $0.0e+00, v5  }
0x578: {  	s22 =	smov.u32 s29;
	s29 =	sor.u32 s11, s17;
	v12 =	vld [tilespmem:s2+$0x8800];
	v21 =	vadd.f32 $1.000000000e+00, v21  }
0x579: {  	v11 =	vld [tilespmem:s29+$0x0];
	v5 =	vpop (erf)  }
0x57a: {  	v48 =	vpop (erf)  }
0x57b: {  	s17 =	sor.u32 $0x420, s10;
	v13 =	vmul.f32 v14, v13;
	v14 =	vadd.f32 v19, v18;
	v18 =	vmul.f32 $1.442695020e+00, v4;
	v4 =	vpop (erf)  }
0x57c: {  	v49 =	vld [tilespmem:s17+$0x8800];
	(erf) = vrcp.f32 v21;
	v21 =	vpop (erf)  }
0x57d: {  	v9 =	vld [tilespmem:s1+$0x8800];
	s1 =	sor.u32 $0x420, s12;
	[tilespmem:s24+$0xFFFFFF40] =	vst v13;
	(erf) = vpow2.f32 v18;
	v18 =	vadd.f32 v20, v22;
	v12 =	vmul.f32 v21, v12  }
0x57e: {  	v19 =	vld [tilespmem:s1+$0x8800];
	v13 =	vsub.f32 $0.0e+00, v14;
	s17 =	rddreg [dreg:$0x7];
	v11 =	vadd.f32 v11, v23  }
0x57f: {  	v15 =	vmul.f32 v16, v15;
	v16 =	vld [tilespmem:s17+$0x50];
	v14 =	vadd.f32 $1.000000000e+00, v48;
	v18 =	vsub.f32 $0.0e+00, v18  }
0x580: {  	v13 =	vmul.f32 $1.442695020e+00, v13;
	v20 =	vld [tilespmem:s18+$0xFFFFFE60];
	v11 =	vsub.f32 $0.0e+00, v11;
	[tilespmem:s5+$0xA0] =	vst v12  }
0x581: {  	(erf) = vrcp.f32 v14;
	v14 =	vld [tilespmem:s31+$0xFFFFFFC0];
	v12 =	vpop (erf)  }
0x582: {  	s2 =	sor.u32 $0x420, s6;
	(erf) = vpow2.f32 v13;
	v11 =	vmul.f32 $1.442695020e+00, v11;
	v13 =	vld [tilespmem:s15+$0x30];
	v12 =	vadd.f32 $1.000000000e+00, v12  }
0x583: {  	v26 =	vld [tilespmem:s2+$0x8800];
	[tilespmem:s24+$0xFFFFFFC0] =	vst v15;
	v5 =	vmul.f32 v5, v17;
	v15 =	vmul.f32 $1.442695020e+00, v18;
	v18 =	vpop (erf)  }
0x584: {  	v21 =	vld [tilespmem:s30+$0x50];
	v18 =	vmul.f32 v18, v49;
	(erf) = vrcp.f32 v12  }
0x585: {  	s9 =	sor.u32 $0x450, s21;
	[tilespmem:s24+$0x40] =	vst v5;
	v5 =	vadd.f32 v16, v20;
	v12 =	vld [tilespmem:s18+$0xFFFFFEE0];
	(erf) = vpow2.f32 v15  }
0x586: {  	v17 =	vld [tilespmem:s9+$0x8800];
	(erf) = vpow2.f32 v11;
	v11 =	vpop (erf)  }
0x587: {  	v15 =	vld [tilespmem:s18+$0xFFFFFF60];
	[tilespmem:s5+$0xFFFFFF20] =	vst v18;
	v13 =	vadd.f32 v13, v14;
	v14 =	vsub.f32 $0.0e+00, v5;
	v11 =	vmul.f32 v11, v19  }
0x588: {  	s14 =	simm.s32 $0xC;
	v16 =	vld [tilespmem:s31+$0xFFFFFE40];
	v18 =	vpop (erf)  }
0x589: {  	v20 =	vld [tilespmem:s0+$0x30];
	[smem:$0x791] =	sst s14;
	v13 =	vsub.f32 $0.0e+00, v13;
	v14 =	vmul.f32 $1.442695020e+00, v14;
	v18 =	vadd.f32 $1.000000000e+00, v18  }
0x58a: {  	s11 =	simm.s32 $0xC;
	v19 =	vld [tilespmem:s28+$0x50];
	v12 =	vadd.f32 v21, v12;
	[tilespmem:s5+$0xFFFFFFA0] =	vst v11  }
0x58b: {  	s4 =	sand.u32 $0x7, s11;
	v13 =	vmul.f32 $1.442695020e+00, v13;
	(erf) = vrcp.f32 v18;
	v18 =	vld [tilespmem:s31+$0xFFFFFEC0];
	v11 =	vpop (erf)  }
0x58c: {  	s4 =	sshll.u32 s4, $0x7;
	v22 =	vld [tilespmem:s7+$0x30];
	v12 =	vsub.f32 $0.0e+00, v12;
	(erf) = vpow2.f32 v14;
	v11 =	vmul.f32 v11, v26;
	v21 =	vpop (erf)  }
0x58d: {  	s16 =	sor.u32 $0x460, s16;
	s1 =	simm.s32 $0x6;
	s0 =	sadd.s32 $0xC00, s4;
	(erf) = vpow2.f32 v13;
	v21 =	vadd.f32 $1.000000000e+00, v21;
	v14 =	vpop (erf)  }
0x58e: {  	p0 =	por !p0, !p0;
	s14 =	sand.u32 $0x3, s1;
	v5 =	vld [tilespmem:s16+$0x8800];
	s16 =	sadd.s32 $0x180, s0;
	v16 =	vadd.f32 v20, v16;
	v12 =	vmul.f32 $1.442695020e+00, v12;
	[tilespmem:s5+$0x20] =	vst v11;
	v11 =	vmul.f32 v14, v17;
	v14 =	vpop (erf)  }
0x58f: {  	s28 =	smov.u32 s7;
	s2 =	sor.u32 $0x400, s16;
	s7 =	simm.s32 $0x6;
	(erf) = vrcp.f32 v21;
	v14 =	vadd.f32 $1.000000000e+00, v14  }
0x590: {  	s4 =	sshll.u32 s14, $0x8;
	s14 =	simm.s32 $0x1;
	v23 =	vld [tilespmem:s2+$0x8800];
	v13 =	vadd.f32 v19, v15;
	[smem:$0x792] =	sst s7;
	(erf) = vpow2.f32 v12  }
0x591: {  	v6 =	vmul.f32 v6, v7;
	s14 =	simm.s32 @!p0 $0x0;
	v15 =	vld [tilespmem:s31+$0xFFFFFF40];
	(erf) = vrcp.f32 v14;
	v14 =	vadd.f32 v22, v18  }
0x592: {  	s14 =	sshll.u32 s14, $0x9;
	v7 =	vsub.f32 $0.0e+00, v16;
	v16 =	vpop (erf);
	v17 =	vld [tilespmem:s20+$0x30];
	[tilespmem:s24+$0xD0] =	vst v11;
	v11 =	vsub.f32 $0.0e+00, v13  }
0x593: {  	v9 =	vmul.f32 v10, v9;
	v13 =	vadd.f32 $1.000000000e+00, v16;
	s20 =	sadd.s32 $0xC00, s14;
	v12 =	vld [tilespmem:s18+$0xFFFFFFF0];
	v10 =	vsub.f32 $0.0e+00, v14  }
0x594: {  	s11 =	sadd.s32 $0x80, s0;
	s2 =	simm.s32 $0xB100;
	v7 =	vmul.f32 $1.442695020e+00, v7;
	v16 =	vld [tilespmem:s25+$0x60];
	s0 =	sor.u32 $0x400, s20  }
0x595: {  	s4 =	sadd.s32 $0xC00, s4;
	[tilespmem:s2+$0xFFFFFF60] =	vst v6;
	(erf) = vrcp.f32 v13;
	v13 =	vld [tilespmem:s0+$0x8800];
	v6 =	vpop (erf);
	v10 =	vmul.f32 $1.442695020e+00, v10  }
0x596: {  	s1 =	sor.u32 $0x400, s11;
	s4 =	sadd.s32 $0x100, s4;
	s7 =	smov.u32 s25;
	v11 =	vmul.f32 $1.442695020e+00, v11;
	v6 =	vmul.f32 v6, v23  }
0x597: {  	s25 =	sor.u32 $0x400, s4;
	s9 =	sld [smem:$0x793];
	[tilespmem:s2+$0xFFFFFFE0] =	vst v9;
	(erf) = vpow2.f32 v7;
	v7 =	vld [tilespmem:s1+$0x8800];
	s1 =	simm.s32 $0xB700;
	v14 =	vpop (erf)  }
0x598: {  	v18 =	vld [tilespmem:s25+$0x8800];
	s14 =	sld [smem:$0x794];
	(erf) = vpow2.f32 v11;
	v9 =	vadd.f32 v17, v15;
	v17 =	vpop (erf);
	[tilespmem:s1+$0x80] =	vst v6  }
0x599: {  	v12 =	vadd.f32 v16, v12;
	(erf) = vpow2.f32 v10;
	v19 =	vld [tilespmem:s26+$0xFFFFFFA0];
	v10 =	vpop (erf)  }
0x59a: {  	v6 =	vadd.f32 $1.000000000e+00, v14;
	v9 =	vsub.f32 $0.0e+00, v9;
	v10 =	vmul.f32 v10, v13;
	v13 =	vld [tilespmem:s19+$0x10]  }
0x59b: {  	v11 =	vld [tilespmem:s9+$0x70];
	v12 =	vsub.f32 $0.0e+00, v12  }
0x59c: {  	v16 =	vld [tilespmem:s13+$0xFFFFFE80];
	v9 =	vmul.f32 $1.442695020e+00, v9  }
0x59d: {  	v15 =	vld [tilespmem:s14+$0x70];
	v14 =	vadd.f32 $1.000000000e+00, v17;
	[tilespmem:s1+$0xFFFFFF00] =	vst v10;
	v10 =	vmul.f32 $1.442695020e+00, v12  }
0x59e: {  	(erf) = vrcp.f32 v6;
	v6 =	vpop (erf);
	v20 =	vld [tilespmem:s26+$0xFFFFFE20]  }
0x59f: {  	(erf) = vrcp.f32 v14;
	v12 =	vpop (erf);
	v21 =	vld [tilespmem:s3+$0x10];
	v13 =	vadd.f32 v13, v19  }
0x5a0: {  	s2 =	sor.u32 $0x430, s10;
	v17 =	vld [tilespmem:s13+$0xFFFFFF00];
	(erf) = vpow2.f32 v9;
	s25 =	sld [smem:$0x795];
	v9 =	vpop (erf)  }
0x5a1: {  	v6 =	vadd.f32 $1.000000000e+00, v6;
	v11 =	vadd.f32 v11, v16;
	v16 =	vld [tilespmem:s2+$0x8800];
	s2 =	sld [smem:$0x796];
	(erf) = vpow2.f32 v10;
	v10 =	vpop (erf)  }
0x5a2: {  	s14 =	sor.u32 $0x430, s12;
	v7 =	vmul.f32 v12, v7;
	v9 =	vmul.f32 v9, v18;
	v10 =	vadd.f32 $1.000000000e+00, v10;
	v12 =	vpop (erf)  }
0x5a3: {  	v18 =	vld [tilespmem:s14+$0x8800];
	s14 =	sld [smem:$0x797];
	s0 =	sor.u32 $0x470, s25;
	(erf) = vrcp.f32 v6;
	v6 =	vsub.f32 $0.0e+00, v13;
	v12 =	vadd.f32 $1.000000000e+00, v12;
	v13 =	vpop (erf)  }
0x5a4: {  	s9 =	sor.u32 $0x450, s2;
	v14 =	vld [tilespmem:s0+$0x8800];
	(erf) = vrcp.f32 v10;
	v10 =	vadd.f32 $1.000000000e+00, v13;
	v13 =	vadd.f32 v21, v20  }
0x5a5: {  	v15 =	vadd.f32 v15, v17;
	s25 =	sor.u32 $0x430, s6;
	v19 =	vld [tilespmem:s9+$0x8800];
	v6 =	vmul.f32 $1.442695020e+00, v6  }
0x5a6: {  	v11 =	vsub.f32 $0.0e+00, v11;
	v17 =	vld [tilespmem:s25+$0x8800];
	s9 =	sor.u32 $0x450, s14;
	v13 =	vsub.f32 $0.0e+00, v13  }
0x5a7: {  	v15 =	vsub.f32 $0.0e+00, v15;
	s0 =	sor.u32 $0x430, s22;
	v20 =	vld [tilespmem:s9+$0x8800];
	(erf) = vrcp.f32 v12;
	s9 =	sld [smem:$0x798];
	v12 =	vpop (erf)  }
0x5a8: {  	v11 =	vmul.f32 $1.442695020e+00, v11;
	v22 =	vld [tilespmem:s0+$0x8800];
	[tilespmem:s1+$0xFFFFFF80] =	vst v7;
	(erf) = vrcp.f32 v10;
	v10 =	vpop (erf)  }
0x5a9: {  	v7 =	vmul.f32 $1.442695020e+00, v15;
	v23 =	vld [tilespmem:s26+$0xFFFFFEA0];
	(erf) = vpow2.f32 v6;
	v6 =	vpop (erf)  }
0x5aa: {  	v50 =	vld [tilespmem:s8+$0x10];
	s25 =	sor.u32 $0x450, s9;
	(erf) = vpow2.f32 v11;
	v11 =	vmul.f32 $1.442695020e+00, v13;
	v13 =	vpop (erf)  }
0x5ab: {  	v21 =	vld [tilespmem:s25+$0x8800];
	s25 =	smov.u32 s22;
	s22 =	sor.u32 $0x410, s20;
	(erf) = vpow2.f32 v7;
	v13 =	vadd.f32 $1.000000000e+00, v13  }
0x5ac: {  	[tilespmem:s1+$0x0] =	vst v9;
	v51 =	vld [tilespmem:s22+$0x8800];
	(erf) = vpow2.f32 v11  }
0x5ad: {  	v7 =	vld [tilespmem:s26+$0xFFFFFF20];
	v10 =	vmul.f32 v10, v22;
	(erf) = vrcp.f32 v13  }
0x5ae: {  	s22 =	sor.u32 $0x410, s11;
	v11 =	vld [tilespmem:s29+$0x10];
	v6 =	vadd.f32 $1.000000000e+00, v6;
	v9 =	vpop (erf)  }
0x5af: {  	v22 =	vpop (erf);
	v13 =	vld [tilespmem:s22+$0x8800];
	s22 =	sor.u32 $0x410, s4  }
0x5b0: {  	v12 =	vmul.f32 v12, v19;
	v23 =	vadd.f32 v50, v23;
	v52 =	vpop (erf);
	v15 =	vld [tilespmem:s22+$0x8800];
	[smem:$0x799] =	sst s21;
	s22 =	sor.u32 $0x460, s21  }
0x5b1: {  	v53 =	vld [tilespmem:s22+$0x8800];
	[tilespmem:s5+$0xB0] =	vst v10;
	v10 =	vpop (erf)  }
0x5b2: {  	v23 =	vsub.f32 $0.0e+00, v23;
	(erf) = vrcp.f32 v6;
	[tilespmem:s24+$0xFFFFFF50] =	vst v12;
	v12 =	vmul.f32 v22, v16;
	v19 =	vld [tilespmem:s31+$0xFFFFFFD0];
	v6 =	vpop (erf)  }
0x5b3: {  	s21 =	sor.u32 $0x460, s2;
	v11 =	vadd.f32 v11, v7;
	v27 =	vld [tilespmem:s15+$0x40];
	v28 =	vpop (erf)  }
0x5b4: {  	v16 =	vmul.f32 $1.442695020e+00, v23;
	v7 =	vld [tilespmem:s21+$0x8800];
	v22 =	vpop (erf)  }
0x5b5: {  	v23 =	vld [tilespmem:s18+$0xFFFFFE70];
	v10 =	vmul.f32 v10, v18;
	v29 =	vsub.f32 $0.0e+00, v11;
	v18 =	vpop (erf)  }
0x5b6: {  	v30 =	vld [tilespmem:s17+$0x60];
	s17 =	smov.u32 s16;
	s16 =	sor.u32 $0x410, s16;
	[tilespmem:s5+$0xFFFFFF30] =	vst v12;
	(erf) = vpow2.f32 v16;
	v12 =	vpop (erf)  }
0x5b7: {  	s22 =	smov.u32 s15;
	s21 =	sor.u32 $0x440, s10;
	v54 =	vld [tilespmem:s16+$0x8800];
	[tilespmem:s5+$0xFFFFFFB0] =	vst v10;
	v10 =	vmul.f32 $1.442695020e+00, v29;
	v16 =	vmul.f32 v12, v53  }
0x5b8: {  	s15 =	smov.u32 s2;
	s2 =	smov.u32 s3;
	s3 =	sor.u32 $0x440, s12;
	v6 =	vadd.f32 $1.000000000e+00, v6;
	v11 =	vld [tilespmem:s21+$0x8800];
	v19 =	vadd.f32 v27, v19  }
0x5b9: {  	v9 =	vmul.f32 v9, v20;
	v20 =	vadd.f32 $1.000000000e+00, v28;
	(erf) = vpow2.f32 v10;
	v12 =	vld [tilespmem:s3+$0x8800];
	[tilespmem:s24+$0xE0] =	vst v16  }
0x5ba: {  	v10 =	vsub.f32 $0.0e+00, v19;
	v19 =	vld [tilespmem:s31+$0xFFFFFE50];
	(erf) = vrcp.f32 v6;
	s21 =	sld [smem:$0x79A]  }
0x5bb: {  	(erf) = vrcp.f32 v20;
	v20 =	vld [tilespmem:s31+$0xFFFFFED0]  }
0x5bc: {  	v6 =	vpop (erf);
	v16 =	vadd.f32 v30, v23;
	v55 =	vld [tilespmem:s7+$0x70]  }
0x5bd: {  	v6 =	vmul.f32 v6, v17;
	v17 =	vld [tilespmem:s21+$0x40];
	[dreg:$0x17] =	wrdreg s28  }
0x5be: {  	v10 =	vmul.f32 $1.442695020e+00, v10;
	v16 =	vsub.f32 $0.0e+00, v16;
	v23 =	vld [tilespmem:s28+$0x40]  }
0x5bf: {  	v18 =	vadd.f32 $1.000000000e+00, v18  }
0x5c0: {  	(erf) = vpow2.f32 v10  }
0x5c1: {  	(erf) = vrcp.f32 v18;
	[tilespmem:s5+$0x30] =	vst v6;
	v6 =	vmul.f32 $1.442695020e+00, v16  }
0x5c2: {  	v4 =	vmul.f32 v4, v5;
	s3 =	sor.u32 $0x440, s6;
	[tilespmem:s24+$0xFFFFFFD0] =	vst v9;
	v9 =	vadd.f32 $1.000000000e+00, v22;
	v16 =	vpop (erf);
	v5 =	vadd.f32 v17, v19  }
0x5c3: {  	s5 =	sor.u32 $0x460, s14;
	v10 =	vld [tilespmem:s3+$0x8800];
	s3 =	smov.u32 s14;
	s14 =	simm.s32 $0xB100;
	(erf) = vpow2.f32 v6;
	v6 =	vadd.f32 $1.000000000e+00, v16;
	v16 =	vpop (erf);
	v19 =	vadd.f32 v23, v20  }
0x5c4: {  	[tilespmem:s14+$0x60] =	vst v4;
	(erf) = vrcp.f32 v9;
	v20 =	vadd.f32 $1.000000000e+00, v16;
	v4 =	vsub.f32 $0.0e+00, v5  }
0x5c5: {  	(erf) = vrcp.f32 v6  }
0x5c6: {  	(erf) = vrcp.f32 v20;
	v20 =	vmul.f32 $1.442695020e+00, v4  }
0x5c7: {  	v5 =	vsub.f32 $0.0e+00, v19;
	v19 =	vpop (erf)  }
0x5c8: {  	v21 =	vmul.f32 v52, v21;
	v18 =	vld [tilespmem:s18+$0xFFFFFEF0];
	v4 =	vpop (erf)  }
0x5c9: {  	v22 =	vld [tilespmem:s30+$0x60];
	v5 =	vmul.f32 $1.442695020e+00, v5;
	v23 =	vpop (erf)  }
0x5ca: {  	[tilespmem:s24+$0x50] =	vst v21;
	v21 =	vld [tilespmem:s31+$0xFFFFFF50];
	v19 =	vmul.f32 v19, v54;
	(erf) = vpow2.f32 v20;
	v20 =	vpop (erf)  }
0x5cb: {  	s16 =	smov.u32 s21;
	s21 =	smov.u32 s30;
	v56 =	vld [tilespmem:s18+$0xFFFFFF70];
	s30 =	rddreg [dreg:$0x9];
	(erf) = vpow2.f32 v5;
	v5 =	vmul.f32 v20, v51  }
0x5cc: {  	v16 =	vld [tilespmem:s13+$0xFFFFFF80];
	s13 =	sld [smem:$0x79B];
	[tilespmem:s1+$0x90] =	vst v19  }
0x5cd: {  	v9 =	vld [tilespmem:s5+$0x8800];
	[tilespmem:s1+$0xFFFFFF10] =	vst v5  }
0x5ce: {  	v17 =	vld [tilespmem:s18+$0x0];
	s0 =	sld [smem:$0x79C]  }
0x5cf: {  	s7 =	sor.u32 $0x460, s9;
	v18 =	vadd.f32 v22, v18;
	v22 =	vld [tilespmem:s13+$0x40];
	s18 =	sld [smem:$0x79D]  }
0x5d0: {  	v6 =	vld [tilespmem:s7+$0x8800];
	s7 =	sld [smem:$0x79E]  }
0x5d1: {  	v57 =	vld [tilespmem:s30+$0x60];
	v23 =	vadd.f32 $1.000000000e+00, v23  }
0x5d2: {  	s5 =	smov.u32 s9;
	v18 =	vsub.f32 $0.0e+00, v18;
	v19 =	vld [tilespmem:s26+$0xFFFFFFB0];
	s9 =	sor.u32 $0x470, s0;
	s0 =	sor.u32 $0x470, s18  }
0x5d3: {  	v20 =	vpop (erf);
	(erf) = vrcp.f32 v23;
	v23 =	vld [tilespmem:s19+$0x20];
	[dreg:$0x1b] =	wrdreg s0;
	s0 =	sor.u32 $0x470, s7  }
0x5d4: {  	v18 =	vmul.f32 $1.442695020e+00, v18;
	v21 =	vadd.f32 v22, v21;
	s18 =	sor.u32 $0x470, s15;
	v22 =	vld [tilespmem:s26+$0xFFFFFE30];
	[dreg:$0x1e] =	wrdreg s0  }
0x5d5: {  	v17 =	vadd.f32 v55, v17;
	v5 =	vpop (erf);
	[dreg:$0xf] =	wrdreg s18  }
0x5d6: {  	(erf) = vpow2.f32 v18;
	v18 =	vadd.f32 $1.000000000e+00, v20;
	v58 =	vpop (erf);
	s15 =	sor.u32 $0x470, s5;
	s7 =	sor.u32 $0x420, s20;
	v20 =	vld [tilespmem:s2+$0x20]  }
0x5d7: {  	s28 =	smov.u32 s2;
	v17 =	vsub.f32 $0.0e+00, v17;
	v25 =	vmul.f32 v58, v13;
	s18 =	sor.u32 $0x470, s3;
	v13 =	vld [tilespmem:s7+$0x8800];
	[dreg:$0x10] =	wrdreg s15  }
0x5d8: {  	s3 =	sor.u32 $0x450, s10;
	[dreg:$0x13] =	wrdreg s18;
	s2 =	sor.u32 $0x440, s25  }
0x5d9: {  	v17 =	vmul.f32 $1.442695020e+00, v17;
	s5 =	sor.u32 $0x460, s10;
	v60 =	vld [tilespmem:s2+$0x8800];
	[smem:$0x79F] =	sst s3  }
0x5da: {  	[smem:$0x7A0] =	sst s5  }
0x5db: {  	s31 =	smov.u32 s25;
	(erf) = vpow2.f32 v17;
	s25 =	sor.u32 $0x470, s10;
	s10 =	sor.u32 $0x450, s6;
	[tilespmem:s1+$0xFFFFFF90] =	vst v25  }
0x5dc: {  	(erf) = vrcp.f32 v18;
	v18 =	vadd.f32 v23, v19;
	s15 =	sor.u32 $0x460, s6;
	v19 =	vld [tilespmem:s26+$0xFFFFFEB0];
	[smem:$0x7A1] =	sst s10  }
0x5dd: {  	s18 =	sor.u32 $0x450, s12;
	[dreg:$0x19] =	wrdreg s15  }
0x5de: {  	s2 =	sor.u32 $0x470, s6;
	[smem:$0x7A2] =	sst s18  }
0x5df: {  	v59 =	vpop (erf);
	s3 =	sor.u32 $0x460, s12;
	[dreg:$0xe] =	wrdreg s2  }
0x5e0: {  	v21 =	vsub.f32 $0.0e+00, v21;
	v15 =	vmul.f32 v59, v15;
	s5 =	sor.u32 $0x470, s12;
	[smem:$0x7A3] =	sst s3  }
0x5e1: {  	[dreg:$0x12] =	wrdreg s5  }
0x5e2: {  	v61 =	vmul.f32 v8, v14;
	v8 =	vmul.f32 $1.442695020e+00, v21;
	s10 =	sor.u32 $0x430, s20;
	[tilespmem:s1+$0x10] =	vst v15;
	v21 =	vld [tilespmem:s8+$0x20]  }
0x5e3: {  	s12 =	sor.u32 $0x440, s20;
	v20 =	vadd.f32 v20, v22;
	v22 =	vld [tilespmem:s26+$0xFFFFFF30];
	[smem:$0x7A4] =	sst s10  }
0x5e4: {  	v17 =	vadd.f32 v57, v56;
	s15 =	sor.u32 $0x450, s20;
	[smem:$0x7A5] =	sst s12  }
0x5e5: {  	s2 =	sor.u32 $0x460, s20;
	v62 =	vld [tilespmem:s29+$0x20];
	[smem:$0x7A6] =	sst s15  }
0x5e6: {  	v17 =	vsub.f32 $0.0e+00, v17;
	v14 =	vpop (erf);
	[dreg:$0x1a] =	wrdreg s2  }
0x5e7: {  	s3 =	sor.u32 $0x420, s11;
	s5 =	sor.u32 $0x470, s20;
	v15 =	vpop (erf);
	s15 =	sld [smem:$0x7A9]  }
0x5e8: {  	(erf) = vpow2.f32 v8;
	v17 =	vmul.f32 $1.442695020e+00, v17;
	s18 =	smov.u32 s8;
	v8 =	vadd.f32 $1.000000000e+00, v15;
	s10 =	sor.u32 $0x430, s4;
	v15 =	vld [tilespmem:s3+$0x8800];
	[dreg:$0x15] =	wrdreg s5  }
0x5e9: {  	v18 =	vsub.f32 $0.0e+00, v18;
	v23 =	vadd.f32 $1.000000000e+00, v14;
	s8 =	sor.u32 $0x420, s4;
	v14 =	vpop (erf);
	s12 =	sor.u32 $0x450, s4;
	[smem:$0x7A7] =	sst s10  }
0x5ea: {  	(erf) = vpow2.f32 v17;
	s2 =	sor.u32 $0x440, s4;
	v17 =	vsub.f32 $0.0e+00, v20;
	v20 =	vmul.f32 v14, v60;
	v14 =	vld [tilespmem:s8+$0x8800];
	[smem:$0x7A8] =	sst s12  }
0x5eb: {  	p0 =	por !p0, !p0;
	s24 =	simm.s32 $0xB500;
	v63 =	vmul.f32 $1.442695020e+00, v18;
	v18 =	vld [tilespmem:s15+$0x70];
	[smem:$0x7AA] =	sst s2  }
0x5ec: {  	s14 =	simm.s32 $0x4FF0;
	s30 =	sor.u32 $0x460, s11;
	s3 =	sor.u32 $0x430, s11;
	[tilespmem:s24+$0xC0] =	vst v20  }
0x5ed: {  	s7 =	simm.s32 $0xB300;
	s5 =	sor.u32 $0x440, s11;
	[smem:$0x7AB] =	sst s3  }
0x5ee: {  	s6 =	smov.u32 s29;
	s8 =	sor.u32 $0x450, s11;
	v17 =	vmul.f32 $1.442695020e+00, v17;
	[smem:$0x7AC] =	sst s5  }
0x5ef: {  	s20 =	sor.u32 $0x470, s4;
	(erf) = vrcp.f32 v23;
	s10 =	sor.u32 $0x470, s11;
	v21 =	vadd.f32 v21, v19;
	[smem:$0x7AD] =	sst s8  }
0x5f0: {  	s29 =	simm.s32 $0x51F0;
	v23 =	vpop (erf);
	(erf) = vrcp.f32 v8;
	s11 =	simm.s32 $0xB100;
	[smem:$0x7AE] =	sst s10  }
0x5f1: {  	v8 =	vadd.f32 $1.000000000e+00, v23;
	s12 =	sor.u32 $0x460, s4;
	s15 =	simm.s32 $0xB100;
	v20 =	vpop (erf);
	(erf) = vpow2.f32 v63;
	v21 =	vsub.f32 $0.0e+00, v21;
	v19 =	vld [tilespmem:s29+$0xFFFFFFE0];
	[smem:$0x7AF] =	sst s11  }
0x5f2: {  	s4 =	smov.u32 s22;
	v22 =	vadd.f32 v62, v22;
	s3 =	simm.s32 $0xC;
	s5 =	simm.s32 $0x53F0;
	v23 =	vadd.f32 $1.000000000e+00, v20;
	(erf) = vpow2.f32 v17;
	[tilespmem:s15+$0xF0] =	vst v61;
	v20 =	vld [tilespmem:s22+$0x50];
	v17 =	vpop (erf)  }
.LBB2_7:
0x5f3: {  	[smem:$0x77D] =	sst s6  }
0x5f4: {  	[smem:$0x77E] =	sst s4  }
0x5f5: {  	[smem:$0x780] =	sst s21  }
0x5f6: {  	[smem:$0x787] =	sst s30  }
0x5f7: {  	[smem:$0x788] =	sst s12  }
0x5f8: {  	s8 =	sld [smem:$0x792]  }
0x5f9: {  	s0 =	rddreg [dreg:$0xf]  }
0x5fa: {  	s22 =	rddreg [dreg:$0x1e]  }
0x5fb: {  	s2 =	simm.s32 $0x1;
	s23 =	sadd.s32 $0x200, s23;
	s10 =	rddreg [dreg:$0x1b]  }
0x5fc: {  	[smem:$0x79B] =	sst s13;
	s2 =	simm.s32 @!p0 $0x0;
	s11 =	smov.u32 s0  }
0x5fd: {  	v25 =	vld [tilespmem:s22+$0x8800];
	s12 =	sadd.s32 $0x180, s23;
	s22 =	sadd.s32 $0x80, s23;
	s0 =	sadd.s32 $0x100, s23  }
0x5fe: {  	[smem:$0x785] =	sst s11;
	s2 =	sshll.u32 s2, $0x9;
	s8 =	sadd.s32 $0x2, s8  }
0x5ff: {  	s6 =	smov.u32 s25;
	s15 =	sand.u32 $0x380, s12;
	[smem:$0x792] =	sst s8  }
0x600: {  	v7 =	vmul.f32 v17, v7;
	v24 =	vpop (erf);
	s12 =	sand.u32 $0x280, s22;
	s21 =	sand.u32 $0x3, s8;
	s8 =	rddreg [dreg:$0x16]  }
0x601: {  	(erf) = vrcp.f32 v23;
	v28 =	vmul.f32 $1.442695020e+00, v21;
	v22 =	vsub.f32 $0.0e+00, v22;
	v17 =	vld [tilespmem:s9+$0x8800];
	v58 =	vpop (erf);
	s9 =	sshll.u32 s21, $0x8;
	s25 =	sadd.s32 $0x400, s8;
	s21 =	sld [smem:$0x799]  }
0x602: {  	v23 =	vadd.f32 $1.000000000e+00, v24;
	[dreg:$0xf] =	wrdreg s6;
	v26 =	vpop (erf);
	(erf) = vrcp.f32 v8;
	s6 =	smov.u32 s13;
	s11 =	sand.u32 $0x3800, s25  }
0x603: {  	v16 =	vadd.f32 v18, v16;
	v18 =	vmul.f32 $1.442695020e+00, v22;
	(erf) = vpow2.f32 v28;
	v21 =	vpop (erf);
	s9 =	sadd.s32 s25, s9;
	[dreg:$0x16] =	wrdreg s25;
	s8 =	sadd.s32 $0x8800, s11  }
0x604: {  	v8 =	vld [tilespmem:s10+$0x8800];
	v27 =	vpop (erf);
	(erf) = vrcp.f32 v23;
	s11 =	sand.u32 $0x200, s23;
	s10 =	sor.u32 $0x470, s21;
	s4 =	sor.u32 s15, s8  }
0x605: {  	v11 =	vmul.f32 v26, v11;
	(erf) = vpow2.f32 v18;
	s15 =	sand.u32 $0x300, s0;
	s13 =	sor.u32 s12, s8;
	s21 =	rddreg [dreg:$0x15];
	v18 =	vld [tilespmem:s10+$0x8800]  }
0x606: {  	[tilespmem:s7+$0xFFFFFF60] =	vst v7;
	v12 =	vmul.f32 v21, v12;
	[smem:$0x77F] =	sst s4;
	v21 =	vld [tilespmem:s4+$0x0];
	s4 =	sor.u32 s11, s8;
	s10 =	sor.u32 s15, s8  }
0x607: {  	v7 =	vld [tilespmem:s14+$0xFFFFFE80];
	[tilespmem:s24+$0xFFFFFF40] =	vst v11;
	s8 =	smov.u32 s19;
	s19 =	sadd.s32 s2, s25;
	s22 =	smov.u32 s21  }
0x608: {  	[tilespmem:s24+$0xFFFFFFC0] =	vst v12;
	s15 =	smov.u32 s24;
	s24 =	smov.u32 s7;
	s11 =	sld [smem:$0x7AF]  }
0x609: {  	s7 =	sadd.s32 $0x100, s9;
	[smem:$0x78A] =	sst s22;
	s2 =	sor.u32 $0x410, s19  }
0x60a: {  	s9 =	sor.u32 $0x410, s7;
	[smem:$0x781] =	sst s2  }
0x60b: {  	s26 =	sadd.s32 $0x200, s26;
	s12 =	sor.u32 $0x420, s7;
	[smem:$0x782] =	sst s9  }
0x60c: {  	v24 =	vadd.f32 $1.000000000e+00, v58;
	v22 =	vld [tilespmem:s26+$0xFFFFFF90];
	v19 =	vadd.f32 v20, v19;
	s0 =	sor.u32 $0x460, s19;
	[smem:$0x78E] =	sst s12  }
0x60d: {  	v20 =	vadd.f32 $1.000000000e+00, v27;
	s2 =	smov.u32 s18;
	s18 =	sor.u32 $0x420, s19;
	[smem:$0x783] =	sst s0  }
0x60e: {  	v11 =	vsub.f32 $0.0e+00, v19;
	(erf) = vrcp.f32 v24;
	v19 =	vld [tilespmem:s26+$0xFFFFFE10];
	v4 =	vmul.f32 v4, v17;
	v17 =	vpop (erf);
	s0 =	sor.u32 $0x460, s7;
	[smem:$0x78B] =	sst s18  }
0x60f: {  	(erf) = vrcp.f32 v20;
	v20 =	vld [tilespmem:s13+$0x0];
	v23 =	vpop (erf);
	s9 =	sor.u32 $0x420, s17;
	[smem:$0x789] =	sst s0  }
0x610: {  	v11 =	vmul.f32 $1.442695020e+00, v11;
	v59 =	vadd.f32 $1.000000000e+00, v17;
	v12 =	vld [tilespmem:s4+$0x0];
	[tilespmem:s11+$0xFFFFFF70] =	vst v4;
	v4 =	vmul.f32 v5, v25;
	v17 =	vpop (erf);
	s18 =	sor.u32 $0x440, s7;
	s0 =	smov.u32 s31;
	s31 =	rddreg [dreg:$0x17]  }
0x611: {  	s30 =	smov.u32 s17;
	v16 =	vsub.f32 $0.0e+00, v16;
	v9 =	vmul.f32 v17, v9;
	[smem:$0x786] =	sst s18;
	v60 =	vadd.f32 v21, v22;
	v22 =	vld [tilespmem:s9+$0x8800];
	s9 =	sor.u32 $0x440, s19  }
0x612: {  	s21 =	sor.u32 $0x400, s19;
	(erf) = vpow2.f32 v11;
	s17 =	sor.u32 $0x430, s19;
	v11 =	vmul.f32 v23, v18;
	v18 =	vld [tilespmem:s26+$0xFFFFFE90];
	[tilespmem:s11+$0xFFFFFFF0] =	vst v4;
	[smem:$0x784] =	sst s9  }
0x613: {  	v16 =	vmul.f32 $1.442695020e+00, v16;
	(erf) = vrcp.f32 v59;
	s18 =	sor.u32 $0x450, s19;
	[tilespmem:s24+$0xFFFFFFE0] =	vst v9;
	v9 =	vld [tilespmem:s21+$0x8800];
	s21 =	sor.u32 $0x470, s19;
	s19 =	rddreg [dreg:$0x10]  }
0x614: {  	v5 =	vld [tilespmem:s10+$0x0];
	v23 =	vpop (erf);
	[dreg:$0x15] =	wrdreg s21  }
0x615: {  	(erf) = vpow2.f32 v16;
	v17 =	vpop (erf);
	v23 =	vadd.f32 $1.000000000e+00, v23;
	[tilespmem:s24+$0xF0] =	vst v11;
	v11 =	vadd.f32 v12, v19;
	v12 =	vld [tilespmem:s26+$0xFFFFFF10];
	s21 =	smov.u32 s19;
	s19 =	rddreg [dreg:$0xe]  }
0x616: {  	s22 =	smov.u32 s28;
	v16 =	vsub.f32 $0.0e+00, v60;
	v21 =	vpop (erf);
	[dreg:$0x1b] =	wrdreg s21;
	s21 =	smov.u32 s19  }
0x617: {  	s28 =	sor.u32 $0x400, s7;
	v10 =	vmul.f32 v17, v10;
	v17 =	vadd.f32 $1.000000000e+00, v21;
	v21 =	vpop (erf);
	(erf) = vrcp.f32 v23;
	s19 =	smov.u32 s20;
	[dreg:$0x10] =	wrdreg s21  }
0x618: {  	s12 =	sor.u32 $0x430, s7;
	v4 =	vld [tilespmem:s28+$0x8800];
	v11 =	vsub.f32 $0.0e+00, v11;
	v16 =	vmul.f32 $1.442695020e+00, v16;
	v19 =	vpop (erf);
	[dreg:$0xe] =	wrdreg s19  }
0x619: {  	s9 =	sor.u32 $0x450, s7;
	s7 =	sor.u32 $0x470, s7;
	v6 =	vmul.f32 v21, v6;
	s19 =	rddreg [dreg:$0x13];
	v18 =	vadd.f32 v20, v18;
	v20 =	vld [tilespmem:s29+$0xFFFFFE60];
	v21 =	vmul.f32 v19, v22  }
0x61a: {  	[tilespmem:s15+$0x40] =	vst v10;
	s21 =	smov.u32 s7;
	s7 =	sld [smem:$0x7AE];
	(erf) = vpow2.f32 v16;
	v16 =	vld [tilespmem:s16+$0x50];
	v11 =	vmul.f32 $1.442695020e+00, v11;
	v5 =	vadd.f32 v5, v12  }
0x61b: {  	[smem:$0x78C] =	sst s21;
	[tilespmem:s24+$0x60] =	vst v6;
	v6 =	vld [tilespmem:s31+$0x50];
	v10 =	vpop (erf);
	v18 =	vsub.f32 $0.0e+00, v18;
	(erf) = vrcp.f32 v17  }
0x61c: {  	s21 =	smov.u32 s19;
	s19 =	rddreg [dreg:$0x12];
	v12 =	vld [tilespmem:s29+$0xFFFFFEE0];
	[tilespmem:s1+$0xA0] =	vst v21;
	v19 =	vpop (erf);
	v10 =	vadd.f32 $1.000000000e+00, v10;
	(erf) = vpow2.f32 v11;
	v5 =	vsub.f32 $0.0e+00, v5  }
0x61d: {  	[dreg:$0x1e] =	wrdreg s21;
	v11 =	vmul.f32 v19, v13;
	v13 =	vld [tilespmem:s8+$0x30];
	v17 =	vmul.f32 $1.442695020e+00, v18  }
0x61e: {  	s21 =	smov.u32 s19;
	s19 =	sld [smem:$0x7A4];
	v18 =	vld [tilespmem:s5+$0xFFFFFFC0];
	v19 =	vpop (erf);
	(erf) = vrcp.f32 v10;
	v5 =	vmul.f32 $1.442695020e+00, v5  }
0x61f: {  	[dreg:$0x13] =	wrdreg s21;
	s21 =	smov.u32 s7;
	[tilespmem:s1+$0xFFFFFF20] =	vst v11;
	v11 =	vld [tilespmem:s6+$0x50];
	v21 =	vadd.f32 $1.000000000e+00, v19;
	(erf) = vpow2.f32 v17  }
0x620: {  	[dreg:$0x12] =	wrdreg s21;
	s21 =	sor.u32 $0x450, s0;
	v16 =	vadd.f32 v16, v20;
	v20 =	vld [tilespmem:s29+$0xFFFFFF60];
	v19 =	vpop (erf);
	(erf) = vpow2.f32 v5  }
0x621: {  	s6 =	smov.u32 s17;
	(erf) = vrcp.f32 v21;
	v21 =	vmul.f32 v19, v15;
	v19 =	vld [tilespmem:s21+$0x8800];
	s21 =	sld [smem:$0x791]  }
0x622: {  	v17 =	vld [tilespmem:s5+$0xFFFFFE40];
	[smem:$0x7A4] =	sst s6  }
0x623: {  	s6 =	sld [smem:$0x79F];
	v6 =	vadd.f32 v6, v12;
	v12 =	vld [tilespmem:s22+$0x30]  }
0x624: {  	v5 =	vld [tilespmem:s19+$0x8800];
	s19 =	sld [smem:$0x7A6];
	s17 =	sadd.s32 $0x4, s21  }
0x625: {  	v16 =	vsub.f32 $0.0e+00, v16;
	v13 =	vadd.f32 v13, v18;
	v10 =	vpop (erf);
	[smem:$0x791] =	sst s17;
	s17 =	sand.u32 $0x7, s17  }
0x626: {  	v6 =	vsub.f32 $0.0e+00, v6;
	v18 =	vadd.f32 $1.000000000e+00, v10;
	v10 =	vld [tilespmem:s6+$0x8800];
	s6 =	smov.u32 s18;
	s18 =	sld [smem:$0x7AB];
	s7 =	sshll.u32 s17, $0x7  }
0x627: {  	s20 =	smov.u32 s30;
	v16 =	vmul.f32 $1.442695020e+00, v16;
	[tilespmem:s1+$0xFFFFFFA0] =	vst v21;
	v13 =	vsub.f32 $0.0e+00, v13;
	v15 =	vpop (erf);
	[smem:$0x7A6] =	sst s6;
	s7 =	sadd.s32 s25, s7  }
0x628: {  	v21 =	vmul.f32 $1.442695020e+00, v6;
	v6 =	vadd.f32 v11, v20;
	s21 =	smov.u32 s19;
	v11 =	vld [tilespmem:s5+$0xFFFFFEC0];
	v20 =	vmul.f32 v15, v14;
	s6 =	sld [smem:$0x77D];
	s28 =	sadd.s32 $0x80, s7  }
0x629: {  	v15 =	vpop (erf);
	v12 =	vadd.f32 v12, v17;
	v17 =	vld [tilespmem:s2+$0x30];
	[smem:$0x79F] =	sst s21;
	(erf) = vrcp.f32 v18;
	v13 =	vmul.f32 $1.442695020e+00, v13;
	s30 =	sadd.s32 $0x180, s7;
	s19 =	sor.u32 $0x420, s28  }
0x62a: {  	v18 =	vsub.f32 $0.0e+00, v6;
	v22 =	vadd.f32 $1.000000000e+00, v15;
	v14 =	vpop (erf);
	v6 =	vld [tilespmem:s18+$0x8800];
	[tilespmem:s1+$0x20] =	vst v20;
	(erf) = vpow2.f32 v16;
	s7 =	sor.u32 $0x400, s28;
	s25 =	sor.u32 $0x430, s28;
	[smem:$0x78D] =	sst s19  }
0x62b: {  	v23 =	vmul.f32 v14, v19;
	v16 =	vpop (erf);
	v20 =	vld [tilespmem:s5+$0xFFFFFF40];
	(erf) = vpow2.f32 v13;
	s21 =	sor.u32 $0x410, s28;
	s17 =	sor.u32 $0x470, s28;
	[smem:$0x7AB] =	sst s25  }
0x62c: {  	v14 =	vadd.f32 $1.000000000e+00, v16;
	(erf) = vrcp.f32 v22;
	v16 =	vld [tilespmem:s6+$0x30];
	s18 =	sor.u32 $0x400, s30;
	v15 =	vpop (erf);
	s19 =	sor.u32 $0x440, s28;
	[smem:$0x7AE] =	sst s17  }
0x62d: {  	v12 =	vsub.f32 $0.0e+00, v12;
	(erf) = vpow2.f32 v21;
	v15 =	vadd.f32 $1.000000000e+00, v15;
	v19 =	vld [tilespmem:s18+$0x8800];
	[tilespmem:s15+$0xD0] =	vst v23;
	v13 =	vpop (erf);
	s25 =	sor.u32 $0x450, s28;
	s18 =	sor.u32 $0x460, s28;
	s28 =	sld [smem:$0x77E]  }
0x62e: {  	(erf) = vrcp.f32 v14;
	s17 =	sld [smem:$0x7A7];
	v14 =	vld [tilespmem:s29+$0xFFFFFFF0];
	v8 =	vmul.f32 v13, v8  }
0x62f: {  	v12 =	vmul.f32 $1.442695020e+00, v12;
	(erf) = vrcp.f32 v15;
	v15 =	vld [tilespmem:s7+$0x8800];
	s7 =	smov.u32 s15;
	s15 =	smov.u32 s12;
	s12 =	sld [smem:$0x7AD]  }
0x630: {  	v11 =	vadd.f32 v17, v11;
	v13 =	vld [tilespmem:s28+$0x60];
	[tilespmem:s11+$0x70] =	vst v8;
	[smem:$0x7A7] =	sst s15  }
0x631: {  	v18 =	vmul.f32 $1.442695020e+00, v18;
	v8 =	vld [tilespmem:s17+$0x8800];
	s17 =	sld [smem:$0x7A2]  }
0x632: {  	v11 =	vsub.f32 $0.0e+00, v11;
	(erf) = vpow2.f32 v12;
	s11 =	smov.u32 s24;
	s15 =	smov.u32 s12;
	s12 =	sld [smem:$0x7A1]  }
0x633: {  	[smem:$0x7AF] =	sst s11;
	v12 =	vpop (erf);
	(erf) = vpow2.f32 v18  }
0x634: {  	s24 =	smov.u32 s1;
	v17 =	vmul.f32 $1.442695020e+00, v11;
	s1 =	sadd.s32 $0x200, s1;
	s11 =	rddreg [dreg:$0x7];
	v22 =	vmul.f32 v12, v19;
	v18 =	vld [tilespmem:s17+$0x8800]  }
0x635: {  	v16 =	vadd.f32 v16, v20;
	v19 =	vpop (erf);
	s17 =	smov.u32 s25;
	s25 =	smov.u32 s9;
	s9 =	sld [smem:$0x77F];
	v11 =	vld [tilespmem:s12+$0x8800]  }
0x636: {  	(erf) = vpow2.f32 v17;
	[smem:$0x7A2] =	sst s15;
	v12 =	vpop (erf);
	[tilespmem:s1+$0x80] =	vst v22;
	v22 =	vadd.f32 $1.000000000e+00, v19;
	v13 =	vadd.f32 v13, v14;
	v14 =	vld [tilespmem:s11+$0x70]  }
0x637: {  	v16 =	vsub.f32 $0.0e+00, v16;
	v20 =	vpop (erf);
	v12 =	vadd.f32 $1.000000000e+00, v12;
	v19 =	vld [tilespmem:s26+$0xFFFFFFA0];
	s12 =	sld [smem:$0x780]  }
0x638: {  	s15 =	sld [smem:$0x7A8];
	v9 =	vmul.f32 v20, v9;
	v17 =	vpop (erf);
	(erf) = vrcp.f32 v22;
	v20 =	vld [tilespmem:s9+$0x10];
	v13 =	vsub.f32 $0.0e+00, v13  }
0x639: {  	v16 =	vmul.f32 $1.442695020e+00, v16;
	v21 =	vpop (erf);
	(erf) = vrcp.f32 v12;
	v12 =	vadd.f32 $1.000000000e+00, v17;
	v17 =	vld [tilespmem:s14+$0xFFFFFF00]  }
0x63a: {  	[tilespmem:s1+$0xFFFFFF00] =	vst v9;
	v9 =	vmul.f32 v21, v15;
	v15 =	vpop (erf);
	v21 =	vld [tilespmem:s12+$0x70];
	v13 =	vmul.f32 $1.442695020e+00, v13  }
0x63b: {  	[smem:$0x7AD] =	sst s17;
	s17 =	smov.u32 s15;
	s15 =	smov.u32 s4;
	v22 =	vld [tilespmem:s26+$0xFFFFFE20];
	v4 =	vmul.f32 v15, v4;
	v15 =	vpop (erf);
	(erf) = vpow2.f32 v16  }
0x63c: {  	[smem:$0x7A1] =	sst s17;
	[tilespmem:s1+$0xFFFFFF80] =	vst v9;
	v7 =	vadd.f32 v14, v7;
	v14 =	vld [tilespmem:s15+$0x10];
	v9 =	vadd.f32 $1.000000000e+00, v15;
	v15 =	vpop (erf);
	(erf) = vpow2.f32 v13  }
0x63d: {  	s17 =	smov.u32 s22;
	s22 =	smov.u32 s13;
	s13 =	sor.u32 $0x430, s20;
	v16 =	vld [tilespmem:s26+$0xFFFFFEA0];
	[tilespmem:s1+$0x0] =	vst v4;
	v13 =	vadd.f32 $1.000000000e+00, v15;
	v4 =	vadd.f32 v20, v19;
	(erf) = vrcp.f32 v12  }
0x63e: {  	v12 =	vld [tilespmem:s13+$0x8800];
	(erf) = vrcp.f32 v9  }
0x63f: {  	v15 =	vpop (erf);
	v7 =	vsub.f32 $0.0e+00, v7;
	v20 =	vld [tilespmem:s10+$0x10];
	v4 =	vsub.f32 $0.0e+00, v4;
	(erf) = vrcp.f32 v13  }
0x640: {  	s11 =	smov.u32 s16;
	s16 =	sld [smem:$0x781];
	v23 =	vadd.f32 $1.000000000e+00, v15;
	v9 =	vld [tilespmem:s22+$0x10];
	v13 =	vadd.f32 v21, v17  }
0x641: {  	v17 =	vld [tilespmem:s26+$0xFFFFFF20];
	v7 =	vmul.f32 $1.442695020e+00, v7;
	v14 =	vadd.f32 v14, v22;
	v21 =	vpop (erf);
	v4 =	vmul.f32 $1.442695020e+00, v4  }
0x642: {  	(erf) = vrcp.f32 v23;
	v22 =	vsub.f32 $0.0e+00, v13;
	v19 =	vpop (erf);
	v10 =	vmul.f32 v21, v10  }
0x643: {  	v15 =	vld [tilespmem:s16+$0x8800];
	v21 =	vsub.f32 $0.0e+00, v14;
	(erf) = vpow2.f32 v4;
	v4 =	vmul.f32 v19, v12  }
0x644: {  	v13 =	vld [tilespmem:s21+$0x8800];
	v12 =	vpop (erf);
	[tilespmem:s7+$0xFFFFFF50] =	vst v10;
	v10 =	vmul.f32 $1.442695020e+00, v22;
	(erf) = vpow2.f32 v7  }
0x645: {  	v9 =	vadd.f32 v9, v16;
	v22 =	vmul.f32 $1.442695020e+00, v21;
	v12 =	vadd.f32 $1.000000000e+00, v12;
	[tilespmem:s24+$0xB0] =	vst v4;
	v4 =	vld [tilespmem:s29+$0xFFFFFE70];
	v16 =	vpop (erf)  }
0x646: {  	s21 =	sld [smem:$0x782];
	v17 =	vadd.f32 v20, v17;
	v19 =	vld [tilespmem:s5+$0xFFFFFFD0];
	v16 =	vadd.f32 $1.000000000e+00, v16;
	v20 =	vpop (erf);
	(erf) = vpow2.f32 v10  }
0x647: {  	s12 =	smov.u32 s2;
	s2 =	sld [smem:$0x7A0];
	v9 =	vsub.f32 $0.0e+00, v9;
	v10 =	vld [tilespmem:s8+$0x40];
	(erf) = vpow2.f32 v22;
	v7 =	vpop (erf);
	v18 =	vmul.f32 v20, v18  }
0x648: {  	v17 =	vsub.f32 $0.0e+00, v17;
	v20 =	vld [tilespmem:s11+$0x60];
	v5 =	vmul.f32 v7, v5;
	v21 =	vpop (erf);
	(erf) = vrcp.f32 v16  }
0x649: {  	v14 =	vld [tilespmem:s21+$0x8800];
	v9 =	vmul.f32 $1.442695020e+00, v9;
	(erf) = vrcp.f32 v12  }
0x64a: {  	v7 =	vld [tilespmem:s2+$0x8800];
	v17 =	vmul.f32 $1.442695020e+00, v17;
	[tilespmem:s24+$0xFFFFFF30] =	vst v5  }
0x64b: {  	[smem:$0x7A8] =	sst s25;
	s4 =	smov.u32 s0;
	(erf) = vpow2.f32 v9;
	v16 =	vpop (erf);
	v9 =	vld [tilespmem:s5+$0xFFFFFE50]  }
0x64c: {  	[dreg:$0x7] =	wrdreg s11;
	s0 =	sor.u32 $0x460, s4;
	(erf) = vpow2.f32 v17;
	v17 =	vld [tilespmem:s17+$0x40];
	v6 =	vmul.f32 v16, v6;
	v10 =	vadd.f32 v10, v19;
	v12 =	vpop (erf)  }
0x64d: {  	[smem:$0x799] =	sst s4;
	[tilespmem:s7+$0xFFFFFFD0] =	vst v18;
	v11 =	vmul.f32 v21, v11;
	v16 =	vld [tilespmem:s0+$0x8800];
	v4 =	vadd.f32 v20, v4;
	v21 =	vadd.f32 $1.000000000e+00, v12;
	v18 =	vpop (erf)  }
0x64e: {  	s4 =	sld [smem:$0x7A5];
	v5 =	vld [tilespmem:s29+$0xFFFFFEF0];
	[tilespmem:s24+$0xFFFFFFB0] =	vst v6;
	v6 =	vsub.f32 $0.0e+00, v10;
	v10 =	vadd.f32 $1.000000000e+00, v18  }
0x64f: {  	s16 =	sld [smem:$0x783];
	v18 =	vld [tilespmem:s5+$0xFFFFFED0];
	v4 =	vsub.f32 $0.0e+00, v4;
	(erf) = vrcp.f32 v21;
	v12 =	vpop (erf)  }
0x650: {  	s25 =	smov.u32 s14;
	s11 =	rddreg [dreg:$0x1a];
	v20 =	vld [tilespmem:s12+$0x40];
	v6 =	vmul.f32 $1.442695020e+00, v6;
	v19 =	vpop (erf);
	(erf) = vrcp.f32 v10  }
0x651: {  	s14 =	smov.u32 s31;
	s13 =	smov.u32 s11;
	s11 =	sld [smem:$0x784];
	[tilespmem:s7+$0x50] =	vst v11;
	v11 =	vld [tilespmem:s4+$0x8800];
	v9 =	vadd.f32 v17, v9;
	v4 =	vmul.f32 $1.442695020e+00, v4;
	v10 =	vadd.f32 $1.000000000e+00, v19;
	v17 =	vpop (erf)  }
0x652: {  	s4 =	smov.u32 s8;
	s8 =	sld [smem:$0x786];
	v19 =	vpop (erf);
	(erf) = vpow2.f32 v6;
	v6 =	vld [tilespmem:s14+$0x60];
	v22 =	vmul.f32 v17, v16  }
0x653: {  	s2 =	sld [smem:$0x7AA];
	s0 =	sor.u32 $0x410, s30;
	v17 =	vld [tilespmem:s29+$0xFFFFFF70];
	(erf) = vrcp.f32 v10;
	v8 =	vmul.f32 v19, v8  }
0x654: {  	s21 =	smov.u32 s16;
	s16 =	smov.u32 s17;
	s17 =	sld [smem:$0x7AC];
	v21 =	vadd.f32 $1.000000000e+00, v12;
	v10 =	vld [tilespmem:s0+$0x8800];
	v19 =	vpop (erf);
	[tilespmem:s7+$0xE0] =	vst v22  }
0x655: {  	[smem:$0x7A0] =	sst s13;
	s13 =	smov.u32 s11;
	s11 =	smov.u32 s8;
	v18 =	vadd.f32 v20, v18;
	(erf) = vpow2.f32 v4;
	v4 =	vadd.f32 $1.000000000e+00, v19;
	v16 =	vpop (erf);
	[tilespmem:s24+$0x30] =	vst v8;
	v8 =	vld [tilespmem:s29+$0x0]  }
0x656: {  	[smem:$0x7AA] =	sst s11;
	v9 =	vsub.f32 $0.0e+00, v9;
	v16 =	vadd.f32 $1.000000000e+00, v16;
	v19 =	vld [tilespmem:s28+$0x70];
	(erf) = vrcp.f32 v21  }
0x657: {  	s11 =	sld [smem:$0x79B];
	v12 =	vld [tilespmem:s17+$0x8800];
	v21 =	vsub.f32 $0.0e+00, v18;
	(erf) = vrcp.f32 v4;
	v5 =	vadd.f32 v6, v5  }
0x658: {  	[dreg:$0x17] =	wrdreg s12;
	v9 =	vmul.f32 $1.442695020e+00, v9;
	v18 =	vld [tilespmem:s5+$0xFFFFFF50]  }
0x659: {  	s12 =	sld [smem:$0x7A3];
	(erf) = vrcp.f32 v16;
	v16 =	vld [tilespmem:s6+$0x40];
	v20 =	vmul.f32 $1.442695020e+00, v21;
	v6 =	vpop (erf);
	v5 =	vsub.f32 $0.0e+00, v5  }
0x65a: {  	v21 =	vld [tilespmem:s11+$0x60];
	v22 =	vmul.f32 v6, v10;
	v4 =	vpop (erf);
	(erf) = vpow2.f32 v9  }
0x65b: {  	v10 =	vld [tilespmem:s2+$0x8800];
	(erf) = vpow2.f32 v20;
	v6 =	vpop (erf);
	v20 =	vmul.f32 $1.442695020e+00, v5;
	v5 =	vadd.f32 v19, v8  }
0x65c: {  	[dreg:$0x1a] =	wrdreg s21;
	v9 =	vld [tilespmem:s12+$0x8800];
	[tilespmem:s1+$0x90] =	vst v22;
	v19 =	vpop (erf)  }
0x65d: {  	s21 =	smov.u32 s19;
	s19 =	smov.u32 s9;
	[smem:$0x7A5] =	sst s13;
	v8 =	vld [tilespmem:s26+$0xFFFFFFB0];
	v6 =	vadd.f32 $1.000000000e+00, v6;
	v15 =	vmul.f32 v19, v15  }
0x65e: {  	s8 =	rddreg [dreg:$0x19];
	v16 =	vadd.f32 v16, v18;
	v19 =	vld [tilespmem:s19+$0x20];
	v22 =	vsub.f32 $0.0e+00, v5;
	v18 =	vpop (erf)  }
0x65f: {  	s13 =	sld [smem:$0x787];
	(erf) = vrcp.f32 v6;
	v6 =	vld [tilespmem:s8+$0x8800];
	[tilespmem:s1+$0xFFFFFF10] =	vst v15;
	v5 =	vpop (erf)  }
0x660: {  	[smem:$0x7AC] =	sst s21;
	s21 =	smov.u32 s14;
	v17 =	vadd.f32 v21, v17;
	v21 =	vmul.f32 $1.442695020e+00, v22;
	v22 =	vld [tilespmem:s26+$0xFFFFFE30];
	v23 =	vpop (erf)  }
0x661: {  	s17 =	smov.u32 s30;
	s30 =	smov.u32 s18;
	s12 =	sld [smem:$0x788];
	v15 =	vsub.f32 $0.0e+00, v16;
	(erf) = vpow2.f32 v20;
	v20 =	vld [tilespmem:s15+$0x20];
	v23 =	vmul.f32 v23, v13  }
0x662: {  	s18 =	sld [smem:$0x78B];
	s14 =	smov.u32 s13;
	s0 =	sor.u32 $0x440, s20;
	v18 =	vadd.f32 $1.000000000e+00, v18;
	v17 =	vsub.f32 $0.0e+00, v17;
	v16 =	vld [tilespmem:s25+$0xFFFFFF80];
	v61 =	vpop (erf);
	(erf) = vpow2.f32 v21  }
0x663: {  	[smem:$0x7A3] =	sst s14;
	v15 =	vmul.f32 $1.442695020e+00, v15;
	v14 =	vmul.f32 v61, v14;
	v8 =	vadd.f32 v19, v8;
	v19 =	vld [tilespmem:s0+$0x8800];
	[tilespmem:s1+$0xFFFFFF90] =	vst v23  }
0x664: {  	s14 =	sld [smem:$0x789];
	s13 =	smov.u32 s12;
	v17 =	vmul.f32 $1.442695020e+00, v17;
	v21 =	vpop (erf);
	(erf) = vrcp.f32 v18;
	v18 =	vld [tilespmem:s26+$0xFFFFFEB0]  }
0x665: {  	[dreg:$0x19] =	wrdreg s13;
	[tilespmem:s1+$0x10] =	vst v14;
	v8 =	vsub.f32 $0.0e+00, v8;
	v62 =	vadd.f32 $1.000000000e+00, v21;
	v21 =	vpop (erf);
	(erf) = vpow2.f32 v15;
	v23 =	vld [tilespmem:s22+$0x20]  }
0x666: {  	s8 =	sld [smem:$0x78D];
	v15 =	vadd.f32 $1.000000000e+00, v21;
	(erf) = vpow2.f32 v17;
	v17 =	vadd.f32 v20, v22;
	v20 =	vld [tilespmem:s26+$0xFFFFFF30]  }
0x667: {  	s3 =	sadd.s32 $0x4, s3;
	s13 =	sld [smem:$0x78E];
	v22 =	vld [tilespmem:s10+$0x20];
	v8 =	vmul.f32 $1.442695020e+00, v8;
	(erf) = vrcp.f32 v62  }
0x668: {  	p1 =	slt.u32 s3, $0x24;
	p0 =	por !p0, !p0;
	s9 =	sld [smem:$0x785];
	v13 =	vld [tilespmem:s18+$0x8800];
	(erf) = vrcp.f32 v15;
	v14 =	vpop (erf)  }
.Ltmp6:
0x669: {  	s31 =	smov.u32 s20;
	s20 =	sld [smem:$0x78C];
	v17 =	vsub.f32 $0.0e+00, v17;
	v15 =	vld [tilespmem:s8+$0x8800];
	(erf) = vpow2.f32 v8;
	v8 =	vmul.f32 v14, v19;
	(pc) =	sbr.rel @p1 .LBB2_7-.Ltmp6, $4  }
0x66a: {  	s28 =	smov.u32 s15;
	s12 =	smov.u32 s14;
	s15 =	rddreg [dreg:$0x9];
	v14 =	vld [tilespmem:s13+$0x8800]  }
0x66b: {  	s14 =	smov.u32 s29;
	s29 =	smov.u32 s5;
	s5 =	smov.u32 s26;
	v19 =	vpop (erf);
	v63 =	vmul.f32 $1.442695020e+00, v17;
	v21 =	vadd.f32 v23, v18;
	v18 =	vld [tilespmem:s15+$0x70];
	[tilespmem:s24+$0xC0] =	vst v8  }
0x66c: {  	s25 =	sld [smem:$0x78A];
	s18 =	smov.u32 s22;
	s22 =	smov.u32 s11;
	v8 =	vadd.f32 $1.000000000e+00, v19;
	v23 =	vpop (erf);
	v22 =	vadd.f32 v22, v20;
	v19 =	vld [tilespmem:s29+$0xFFFFFFE0]  }
0x66d: {  	[dreg:$0x9] =	wrdreg s22;
	s13 =	smov.u32 s6;
	s6 =	smov.u32 s10;
	v23 =	vadd.f32 $1.000000000e+00, v23;
	v21 =	vsub.f32 $0.0e+00, v21;
	(erf) = vpow2.f32 v63;
	v20 =	vld [tilespmem:s4+$0x50];
	v17 =	vpop (erf)  }
0x66e: {  	v24 =	vpop (erf)  }
0x66f: {  	v22 =	vsub.f32 $0.0e+00, v22;
	(erf) = vrcp.f32 v23;
	v21 =	vmul.f32 $1.442695020e+00, v21;
	v54 =	vpop (erf)  }
0x670: {  	v24 =	vadd.f32 $1.000000000e+00, v24;
	v25 =	vpop (erf);
	(erf) = vrcp.f32 v8  }
0x671: {  	v55 =	vmul.f32 $1.442695020e+00, v22;
	(erf) = vpow2.f32 v21;
	v56 =	vpop (erf)  }
0x672: {  	v57 =	vadd.f32 $1.000000000e+00, v54;
	v58 =	vpop (erf);
	(erf) = vrcp.f32 v24;
	v59 =	vadd.f32 v20, v19  }
0x673: {  	v23 =	vadd.f32 $1.000000000e+00, v58;
	(erf) = vpow2.f32 v55  }
0x674: {  	(erf) = vrcp.f32 v57;
	v8 =	vsub.f32 $0.0e+00, v59  }
0x675: {  	(erf) = vrcp.f32 v23;
	_ =	sdelay $0x1  }
0x676: {  	v60 =	vpop (erf)  }
0x677: {  	v16 =	vadd.f32 v18, v16;
	v61 =	vmul.f32 $1.442695020e+00, v8;
	v8 =	vpop (erf)  }
0x678: {  	s2 =	sor.u32 $0x420, s17;
	v62 =	vpop (erf)  }
0x679: {  	v63 =	vld [tilespmem:s2+$0x8800];
	v16 =	vsub.f32 $0.0e+00, v16;
	v28 =	vpop (erf)  }
0x67a: {  	v19 =	vadd.f32 $1.000000000e+00, v60;
	(erf) = vpow2.f32 v61;
	v29 =	vpop (erf)  }
0x67b: {  	v16 =	vmul.f32 $1.442695020e+00, v16;
	v30 =	vpop (erf)  }
0x67c: {  	v25 =	vmul.f32 v25, v11;
	(erf) = vrcp.f32 v19;
	v18 =	vadd.f32 $1.000000000e+00, v28;
	v11 =	vpop (erf)  }
0x67d: {  	(erf) = vpow2.f32 v16;
	v31 =	vpop (erf)  }
0x67e: {  	[tilespmem:s24+$0xFFFFFF40] =	vst v25;
	(erf) = vrcp.f32 v18;
	v16 =	vmul.f32 v31, v63  }
0x67f: {  	v32 =	vld [tilespmem:s29+$0xFFFFFE60]  }
0x680: {  	v33 =	vld [tilespmem:s16+$0x50];
	[tilespmem:s1+$0xA0] =	vst v16  }
0x681: {  	v35 =	vld [tilespmem:s5+$0xFFFFFFC0]  }
0x682: {  	v12 =	vmul.f32 v56, v12;
	v34 =	vadd.f32 $1.000000000e+00, v30;
	v37 =	vld [tilespmem:s19+$0x30]  }
0x683: {  	s8 =	sor.u32 $0x450, s31;
	v10 =	vmul.f32 v29, v10;
	v36 =	vpop (erf)  }
0x684: {  	v39 =	vld [tilespmem:s8+$0x8800];
	[tilespmem:s24+$0xFFFFFFC0] =	vst v12;
	(erf) = vrcp.f32 v34;
	v38 =	vadd.f32 $1.000000000e+00, v36  }
0x685: {  	v12 =	vld [tilespmem:s29+$0xFFFFFEE0];
	[tilespmem:s24+$0x40] =	vst v10;
	v40 =	vpop (erf)  }
0x686: {  	v18 =	vadd.f32 v33, v32;
	v43 =	vld [tilespmem:s29+$0xFFFFFF60];
	s15 =	rddreg [dreg:$0x17];
	v13 =	vmul.f32 v40, v13;
	v42 =	vpop (erf);
	(erf) = vrcp.f32 v38  }
0x687: {  	v41 =	vld [tilespmem:s15+$0x50];
	v44 =	vpop (erf);
	v22 =	vadd.f32 v37, v35  }
0x688: {  	v45 =	vld [tilespmem:s13+$0x50];
	v18 =	vsub.f32 $0.0e+00, v18;
	[tilespmem:s1+$0xFFFFFF20] =	vst v13;
	v15 =	vmul.f32 v44, v15  }
0x689: {  	v16 =	vadd.f32 $1.000000000e+00, v42;
	v46 =	vld [tilespmem:s5+$0xFFFFFE40];
	v22 =	vsub.f32 $0.0e+00, v22  }
0x68a: {  	v18 =	vmul.f32 $1.442695020e+00, v18;
	v47 =	vld [tilespmem:s28+$0x30];
	[tilespmem:s1+$0xFFFFFFA0] =	vst v15  }
0x68b: {  	(erf) = vrcp.f32 v16;
	v15 =	vld [tilespmem:s5+$0xFFFFFEC0];
	v48 =	vmul.f32 $1.442695020e+00, v22  }
0x68c: {  	(erf) = vpow2.f32 v18;
	v10 =	vadd.f32 v41, v12;
	v50 =	vld [tilespmem:s18+$0x30]  }
0x68d: {  	v49 =	vpop (erf);
	(erf) = vpow2.f32 v48  }
0x68e: {  	v14 =	vmul.f32 v49, v14;
	v10 =	vsub.f32 $0.0e+00, v10  }
0x68f: {  	v52 =	vadd.f32 v47, v46;
	v51 =	vpop (erf)  }
0x690: {  	v13 =	vadd.f32 v45, v43;
	[tilespmem:s1+$0x20] =	vst v14;
	v10 =	vmul.f32 $1.442695020e+00, v10;
	v12 =	vmul.f32 v51, v39  }
0x691: {  	v14 =	vld [tilespmem:s5+$0xFFFFFF40];
	v16 =	vsub.f32 $0.0e+00, v52;
	v54 =	vadd.f32 v50, v15  }
0x692: {  	v13 =	vsub.f32 $0.0e+00, v13;
	v53 =	vld [tilespmem:s6+$0x30];
	[tilespmem:s24+$0xD0] =	vst v12  }
0x693: {  	v7 =	vmul.f32 v17, v7;
	v16 =	vmul.f32 $1.442695020e+00, v16;
	v12 =	vsub.f32 $0.0e+00, v54;
	v55 =	vld [tilespmem:s29+$0xFFFFFFF0]  }
0x694: {  	v13 =	vmul.f32 $1.442695020e+00, v13;
	(erf) = vpow2.f32 v10;
	v10 =	vpop (erf);
	v56 =	vld [tilespmem:s4+$0x60]  }
0x695: {  	v57 =	vpop (erf);
	(erf) = vpow2.f32 v16;
	v12 =	vmul.f32 $1.442695020e+00, v12  }
0x696: {  	v16 =	vadd.f32 $1.000000000e+00, v57;
	(erf) = vpow2.f32 v13;
	v58 =	vpop (erf)  }
0x697: {  	[tilespmem:s7+$0xFFFFFF60] =	vst v7;
	(erf) = vpow2.f32 v12;
	v59 =	vadd.f32 $1.000000000e+00, v58  }
0x698: {  	v9 =	vmul.f32 v62, v9;
	v62 =	vld [tilespmem:s14+$0xFFFFFE80];
	v14 =	vadd.f32 v53, v14;
	s0 =	rddreg [dreg:$0x7];
	(erf) = vrcp.f32 v16  }
0x699: {  	v61 =	vld [tilespmem:s0+$0x70];
	v60 =	vadd.f32 v56, v55;
	(erf) = vrcp.f32 v59  }
0x69a: {  	v14 =	vsub.f32 $0.0e+00, v14  }
0x69b: {  	v7 =	vsub.f32 $0.0e+00, v60  }
0x69c: {  	s10 =	sor.u32 $0x430, s17;
	v63 =	vmul.f32 $1.442695020e+00, v14  }
0x69d: {  	v21 =	vld [tilespmem:s10+$0x8800];
	[tilespmem:s7+$0xFFFFFFE0] =	vst v9;
	v22 =	vpop (erf);
	v7 =	vmul.f32 $1.442695020e+00, v7  }
0x69e: {  	v20 =	vld [tilespmem:s21+$0x70];
	v23 =	vadd.f32 $1.000000000e+00, v22;
	v26 =	vadd.f32 v61, v62;
	(erf) = vpow2.f32 v63;
	v25 =	vpop (erf)  }
0x69f: {  	v24 =	vld [tilespmem:s14+$0xFFFFFF00];
	v27 =	vadd.f32 $1.000000000e+00, v25;
	v28 =	vpop (erf);
	(erf) = vpow2.f32 v7  }
0x6a0: {  	s21 =	sld [smem:$0x79F];
	v7 =	vsub.f32 $0.0e+00, v26;
	(erf) = vrcp.f32 v23;
	v29 =	vpop (erf)  }
0x6a1: {  	v13 =	vadd.f32 $1.000000000e+00, v28;
	(erf) = vrcp.f32 v27;
	v30 =	vpop (erf)  }
0x6a2: {  	s11 =	sld [smem:$0x7A4];
	v9 =	vadd.f32 $1.000000000e+00, v29;
	v7 =	vmul.f32 $1.442695020e+00, v7;
	v31 =	vpop (erf)  }
0x6a3: {  	v33 =	vld [tilespmem:s21+$0x8800];
	(erf) = vrcp.f32 v13;
	v13 =	vmul.f32 v31, v21  }
0x6a4: {  	v14 =	vadd.f32 v20, v24;
	(erf) = vrcp.f32 v9  }
0x6a5: {  	v32 =	vld [tilespmem:s11+$0x8800];
	(erf) = vpow2.f32 v7;
	[tilespmem:s1+$0xB0] =	vst v13  }
0x6a6: {  	v14 =	vsub.f32 $0.0e+00, v14;
	v13 =	vld [tilespmem:s5+$0xFFFFFFD0];
	s22 =	sld [smem:$0x7AB]  }
0x6a7: {  	v34 =	vpop (erf);
	v36 =	vld [tilespmem:s19+$0x40]  }
0x6a8: {  	v14 =	vmul.f32 $1.442695020e+00, v14;
	v9 =	vmul.f32 v30, v33;
	v35 =	vpop (erf)  }
0x6a9: {  	s23 =	sld [smem:$0x7A2];
	v16 =	vadd.f32 $1.000000000e+00, v35;
	v39 =	vpop (erf);
	v37 =	vld [tilespmem:s22+$0x8800]  }
0x6aa: {  	(erf) = vpow2.f32 v14;
	s26 =	sld [smem:$0x7A1];
	[tilespmem:s24+$0xFFFFFF50] =	vst v9;
	v41 =	vpop (erf)  }
0x6ab: {  	v45 =	vld [tilespmem:s29+$0xFFFFFE70];
	(erf) = vrcp.f32 v16;
	v43 =	vmul.f32 v41, v32  }
0x6ac: {  	v47 =	vld [tilespmem:s16+$0x60];
	v44 =	vpop (erf);
	v13 =	vadd.f32 v36, v13  }
0x6ad: {  	v38 =	vld [tilespmem:s23+$0x8800];
	v46 =	vpop (erf);
	[tilespmem:s1+$0xFFFFFF30] =	vst v43  }
0x6ae: {  	v7 =	vadd.f32 $1.000000000e+00, v34;
	v49 =	vpop (erf);
	v50 =	vld [tilespmem:s5+$0xFFFFFE50];
	v13 =	vsub.f32 $0.0e+00, v13;
	v48 =	vmul.f32 v46, v37  }
0x6af: {  	s2 =	sor.u32 $0x460, s31;
	v18 =	vadd.f32 $1.000000000e+00, v49;
	v51 =	vld [tilespmem:s28+$0x40]  }
0x6b0: {  	v42 =	vld [tilespmem:s2+$0x8800];
	(erf) = vrcp.f32 v7;
	v52 =	vmul.f32 $1.442695020e+00, v13;
	[tilespmem:s1+$0xFFFFFFB0] =	vst v48  }
0x6b1: {  	(erf) = vrcp.f32 v18;
	v53 =	vld [tilespmem:s5+$0xFFFFFED0]  }
0x6b2: {  	v55 =	vld [tilespmem:s18+$0x40];
	(erf) = vpow2.f32 v52;
	s3 =	sld [smem:$0x7A7]  }
0x6b3: {  	v40 =	vld [tilespmem:s26+$0x8800];
	v54 =	vpop (erf);
	v17 =	vadd.f32 v47, v45  }
0x6b4: {  	v12 =	vmul.f32 v39, v38;
	v7 =	vadd.f32 v51, v50;
	v56 =	vpop (erf)  }
0x6b5: {  	v58 =	vsub.f32 $0.0e+00, v17;
	v9 =	vmul.f32 v56, v42;
	v57 =	vld [tilespmem:s3+$0x8800]  }
0x6b6: {  	[tilespmem:s24+$0xFFFFFFD0] =	vst v12;
	v7 =	vsub.f32 $0.0e+00, v7  }
0x6b7: {  	v14 =	vmul.f32 $1.442695020e+00, v58;
	v60 =	vld [tilespmem:s29+$0xFFFFFEF0];
	[tilespmem:s24+$0xE0] =	vst v9;
	v13 =	vadd.f32 v55, v53  }
0x6b8: {  	v59 =	vmul.f32 v44, v40;
	v9 =	vld [tilespmem:s4+$0x70]  }
0x6b9: {  	v62 =	vadd.f32 $1.000000000e+00, v54;
	(erf) = vpow2.f32 v14;
	v61 =	vpop (erf);
	v23 =	vld [tilespmem:s29+$0x0];
	v13 =	vsub.f32 $0.0e+00, v13  }
0x6ba: {  	[tilespmem:s24+$0x50] =	vst v59;
	v63 =	vld [tilespmem:s15+$0x60];
	v22 =	vmul.f32 $1.442695020e+00, v7;
	v7 =	vpop (erf);
	v16 =	vmul.f32 v61, v57  }
0x6bb: {  	v21 =	vld [tilespmem:s29+$0xFFFFFF70];
	(erf) = vrcp.f32 v62;
	v24 =	vmul.f32 $1.442695020e+00, v13;
	v25 =	vpop (erf)  }
0x6bc: {  	v28 =	vld [tilespmem:s13+$0x60];
	(erf) = vpow2.f32 v22;
	[tilespmem:s1+$0x30] =	vst v16;
	v13 =	vadd.f32 $1.000000000e+00, v25  }
0x6bd: {  	v26 =	vld [tilespmem:s5+$0xFFFFFF50];
	(erf) = vpow2.f32 v24  }
0x6be: {  	v9 =	vadd.f32 v9, v23;
	v27 =	vld [tilespmem:s6+$0x40];
	(erf) = vrcp.f32 v13;
	_ =	sdelay $0x1  }
0x6bf: {  	v29 =	vadd.f32 v63, v60;
	v9 =	vsub.f32 $0.0e+00, v9;
	_ =	sdelay $0x1  }
0x6c0: {  	s8 =	sor.u32 $0x440, s17;
	v12 =	vadd.f32 v28, v21;
	v13 =	vsub.f32 $0.0e+00, v29  }
0x6c1: {  	v30 =	vld [tilespmem:s8+$0x8800];
	v31 =	vpop (erf);
	v14 =	vadd.f32 v27, v26  }
0x6c2: {  	v12 =	vsub.f32 $0.0e+00, v12;
	v13 =	vmul.f32 $1.442695020e+00, v13;
	v32 =	vmul.f32 $1.442695020e+00, v9;
	v9 =	vpop (erf)  }
0x6c3: {  	v33 =	vpop (erf);
	v14 =	vsub.f32 $0.0e+00, v14  }
0x6c4: {  	v12 =	vmul.f32 $1.442695020e+00, v12;
	v16 =	vadd.f32 $1.000000000e+00, v31;
	(erf) = vpow2.f32 v13;
	v34 =	vpop (erf)  }
0x6c5: {  	(erf) = vpow2.f32 v32;
	v14 =	vmul.f32 $1.442695020e+00, v14;
	v35 =	vpop (erf)  }
0x6c6: {  	(erf) = vrcp.f32 v16;
	v15 =	vmul.f32 v35, v30  }
0x6c7: {  	(erf) = vpow2.f32 v14  }
0x6c8: {  	(erf) = vpow2.f32 v12;
	[tilespmem:s1+$0xC0] =	vst v15  }
0x6c9: {  	v36 =	vld [tilespmem:s5+$0xFFFFFFE0]  }
0x6ca: {  	v37 =	vld [tilespmem:s19+$0x50];
	_ =	sdelay $0x2  }
0x6cb: {  	v13 =	vadd.f32 $1.000000000e+00, v33;
	v38 =	vpop (erf)  }
0x6cc: {  	v39 =	vadd.f32 $1.000000000e+00, v34;
	v40 =	vpop (erf)  }
0x6cd: {  	(erf) = vrcp.f32 v13;
	v41 =	vadd.f32 $1.000000000e+00, v40;
	v42 =	vpop (erf);
	v12 =	vadd.f32 v37, v36  }
0x6ce: {  	v6 =	vmul.f32 v11, v6;
	(erf) = vrcp.f32 v39;
	v43 =	vadd.f32 $1.000000000e+00, v38;
	v44 =	vpop (erf)  }
0x6cf: {  	(erf) = vrcp.f32 v41;
	v45 =	vadd.f32 $1.000000000e+00, v44;
	v46 =	vpop (erf);
	v12 =	vsub.f32 $0.0e+00, v12  }
0x6d0: {  	[tilespmem:s7+$0x60] =	vst v6;
	(erf) = vrcp.f32 v43;
	v14 =	vadd.f32 $1.000000000e+00, v46  }
0x6d1: {  	s10 =	rddreg [dreg:$0x9];
	(erf) = vrcp.f32 v45;
	v47 =	vmul.f32 $1.442695020e+00, v12  }
0x6d2: {  	v48 =	vld [tilespmem:s14+$0xFFFFFF80];
	s11 =	sld [smem:$0x7A5];
	(erf) = vrcp.f32 v14  }
0x6d3: {  	v49 =	vld [tilespmem:s10+$0x70];
	(erf) = vpow2.f32 v47;
	_ =	sdelay $0x1  }
0x6d4: {  	v51 =	vld [tilespmem:s11+$0x8800]  }
0x6d5: {  	v50 =	vpop (erf)  }
0x6d6: {  	v52 =	vpop (erf)  }
0x6d7: {  	v11 =	vadd.f32 v49, v48;
	v6 =	vpop (erf)  }
0x6d8: {  	v53 =	vpop (erf)  }
0x6d9: {  	s14 =	sld [smem:$0x7AC];
	v11 =	vsub.f32 $0.0e+00, v11;
	v13 =	vmul.f32 v50, v51;
	v54 =	vpop (erf)  }
0x6da: {  	v12 =	vpop (erf)  }
0x6db: {  	v11 =	vmul.f32 $1.442695020e+00, v11;
	[tilespmem:s1+$0xFFFFFF40] =	vst v13;
	v55 =	vpop (erf)  }
0x6dc: {  	v56 =	vld [tilespmem:s14+$0x8800];
	s21 =	sld [smem:$0x7AA];
	v14 =	vadd.f32 $1.000000000e+00, v55  }
0x6dd: {  	(erf) = vpow2.f32 v11;
	v57 =	vld [tilespmem:s5+$0xFFFFFE60]  }
0x6de: {  	v13 =	vld [tilespmem:s28+$0x50];
	(erf) = vrcp.f32 v14  }
0x6df: {  	v58 =	vld [tilespmem:s21+$0x8800];
	_ =	sdelay $0x2  }
0x6e0: {  	s22 =	sor.u32 $0x450, s17  }
0x6e1: {  	v59 =	vld [tilespmem:s22+$0x8800];
	v15 =	vmul.f32 v52, v56  }
0x6e2: {  	v11 =	vadd.f32 v13, v57;
	v60 =	vmul.f32 v54, v58  }
0x6e3: {  	[tilespmem:s1+$0xFFFFFFC0] =	vst v15  }
0x6e4: {  	v61 =	vld [tilespmem:s5+$0xFFFFFEE0];
	v11 =	vsub.f32 $0.0e+00, v11;
	v62 =	vpop (erf);
	[tilespmem:s1+$0x40] =	vst v60  }
0x6e5: {  	v63 =	vld [tilespmem:s18+$0x50];
	v15 =	vadd.f32 $1.000000000e+00, v62;
	s23 =	sld [smem:$0x7A0];
	v23 =	vpop (erf)  }
0x6e6: {  	v11 =	vmul.f32 $1.442695020e+00, v11;
	v24 =	vld [tilespmem:s5+$0xFFFFFF60];
	v18 =	vmul.f32 v23, v59  }
0x6e7: {  	v25 =	vld [tilespmem:s6+$0x50];
	(erf) = vrcp.f32 v15  }
0x6e8: {  	(erf) = vpow2.f32 v11;
	v26 =	vld [tilespmem:s23+$0x8800];
	[tilespmem:s1+$0xD0] =	vst v18  }
0x6e9: {  	v27 =	vld [tilespmem:s5+$0xFFFFFFF0];
	s26 =	sld [smem:$0x7A3]  }
0x6ea: {  	v18 =	vld [tilespmem:s19+$0x60]  }
0x6eb: {  	v13 =	vadd.f32 v63, v61  }
0x6ec: {  	v29 =	vadd.f32 v25, v24;
	v28 =	vld [tilespmem:s26+$0x8800]  }
0x6ed: {  	v13 =	vsub.f32 $0.0e+00, v13  }
0x6ee: {  	v14 =	vsub.f32 $0.0e+00, v29  }
0x6ef: {  	v13 =	vmul.f32 $1.442695020e+00, v13;
	v15 =	vmul.f32 v42, v26;
	v30 =	vadd.f32 v18, v27  }
0x6f0: {  	v14 =	vmul.f32 $1.442695020e+00, v14;
	v11 =	vpop (erf)  }
0x6f1: {  	(erf) = vpow2.f32 v13;
	v31 =	vpop (erf);
	[tilespmem:s24+$0xFFFFFF60] =	vst v15;
	v32 =	vsub.f32 $0.0e+00, v30;
	v16 =	vmul.f32 v53, v28  }
0x6f2: {  	(erf) = vpow2.f32 v14;
	v13 =	vadd.f32 $1.000000000e+00, v31;
	v33 =	vld [tilespmem:s16+$0x70]  }
0x6f3: {  	v35 =	vld [tilespmem:s29+$0xFFFFFE80];
	v15 =	vmul.f32 $1.442695020e+00, v32;
	[tilespmem:s24+$0xFFFFFFE0] =	vst v16  }
0x6f4: {  	(erf) = vrcp.f32 v13;
	v34 =	vld [tilespmem:s15+$0x70]  }
0x6f5: {  	v36 =	vld [tilespmem:s29+$0xFFFFFF00];
	(erf) = vpow2.f32 v15;
	_ =	sdelay $0x3  }
0x6f6: {  	v37 =	vadd.f32 v33, v35  }
0x6f7: {  	v38 =	vpop (erf);
	v13 =	vadd.f32 v34, v36  }
0x6f8: {  	v39 =	vadd.f32 $1.000000000e+00, v38;
	v40 =	vpop (erf);
	v15 =	vsub.f32 $0.0e+00, v37  }
0x6f9: {  	v16 =	vadd.f32 $1.000000000e+00, v40;
	v13 =	vsub.f32 $0.0e+00, v13  }
0x6fa: {  	v42 =	vpop (erf);
	(erf) = vrcp.f32 v39;
	v41 =	vmul.f32 $1.442695020e+00, v15  }
0x6fb: {  	(erf) = vrcp.f32 v16;
	v13 =	vmul.f32 $1.442695020e+00, v13;
	v43 =	vpop (erf)  }
0x6fc: {  	s3 =	sld [smem:$0x7A6];
	(erf) = vpow2.f32 v41;
	v44 =	vadd.f32 $1.000000000e+00, v43  }
0x6fd: {  	(erf) = vpow2.f32 v13  }
0x6fe: {  	s4 =	sld [smem:$0x7AD];
	(erf) = vrcp.f32 v44  }
0x6ff: {  	v47 =	vld [tilespmem:s3+$0x8800];
	_ =	sdelay $0x1  }
0x700: {  	v50 =	vld [tilespmem:s4+$0x8800]  }
0x701: {  	s2 =	sor.u32 $0x460, s17  }
0x702: {  	v45 =	vld [tilespmem:s2+$0x8800];
	v46 =	vpop (erf)  }
0x703: {  	v15 =	vmul.f32 v42, v47;
	v48 =	vpop (erf)  }
0x704: {  	v49 =	vpop (erf)  }
0x705: {  	[tilespmem:s1+$0xFFFFFF50] =	vst v15;
	v14 =	vmul.f32 v46, v50;
	v51 =	vpop (erf)  }
0x706: {  	v15 =	vld [tilespmem:s5+$0xFFFFFE70];
	v52 =	vpop (erf)  }
0x707: {  	v53 =	vld [tilespmem:s28+$0x60];
	[tilespmem:s1+$0xFFFFFFD0] =	vst v14;
	v13 =	vmul.f32 v52, v45  }
0x708: {  	v14 =	vld [tilespmem:s5+$0xFFFFFEF0]  }
0x709: {  	v54 =	vld [tilespmem:s18+$0x60];
	[tilespmem:s1+$0xE0] =	vst v13  }
0x70a: {  	v13 =	vld [tilespmem:s19+$0x70];
	s8 =	sld [smem:$0x7A8]  }
0x70b: {  	v55 =	vld [tilespmem:s5+$0x0];
	_ =	sdelay $0x1  }
0x70c: {  	v15 =	vadd.f32 v53, v15;
	v56 =	vld [tilespmem:s8+$0x8800]  }
0x70d: {  	v57 =	vadd.f32 $1.000000000e+00, v49  }
0x70e: {  	v15 =	vsub.f32 $0.0e+00, v15;
	v14 =	vadd.f32 v54, v14  }
0x70f: {  	v13 =	vadd.f32 v13, v55  }
0x710: {  	(erf) = vrcp.f32 v57;
	v15 =	vmul.f32 $1.442695020e+00, v15;
	v14 =	vsub.f32 $0.0e+00, v14  }
0x711: {  	v58 =	vadd.f32 $1.000000000e+00, v51;
	v13 =	vsub.f32 $0.0e+00, v13;
	v17 =	vmul.f32 v48, v56  }
0x712: {  	(erf) = vpow2.f32 v15;
	v14 =	vmul.f32 $1.442695020e+00, v14  }
0x713: {  	(erf) = vrcp.f32 v58;
	v13 =	vmul.f32 $1.442695020e+00, v13;
	[tilespmem:s1+$0x50] =	vst v17  }
0x714: {  	(erf) = vpow2.f32 v14;
	v59 =	vld [tilespmem:s5+$0xFFFFFF70]  }
0x715: {  	v60 =	vld [tilespmem:s6+$0x60];
	(erf) = vpow2.f32 v13;
	_ =	sdelay $0x2  }
0x716: {  	s10 =	rddreg [dreg:$0x19]  }
0x717: {  	v61 =	vld [tilespmem:s10+$0x8800]  }
0x718: {  	v16 =	vpop (erf);
	v14 =	vadd.f32 v60, v59  }
0x719: {  	v62 =	vpop (erf)  }
0x71a: {  	v63 =	vpop (erf);
	v14 =	vsub.f32 $0.0e+00, v14  }
0x71b: {  	v15 =	vadd.f32 $1.000000000e+00, v62;
	v21 =	vpop (erf)  }
0x71c: {  	v12 =	vmul.f32 v12, v61;
	v14 =	vmul.f32 $1.442695020e+00, v14;
	v22 =	vpop (erf)  }
0x71d: {  	(erf) = vrcp.f32 v15;
	v23 =	vadd.f32 $1.000000000e+00, v22  }
0x71e: {  	v24 =	vadd.f32 $1.000000000e+00, v21;
	[tilespmem:s24+$0x60] =	vst v12;
	(erf) = vpow2.f32 v14  }
0x71f: {  	v12 =	vld [tilespmem:s29+$0xFFFFFF80];
	(erf) = vrcp.f32 v23  }
0x720: {  	v25 =	vld [tilespmem:s13+$0x70];
	(erf) = vrcp.f32 v24;
	_ =	sdelay $0x1  }
0x721: {  	s11 =	rddreg [dreg:$0x1a]  }
0x722: {  	v26 =	vld [tilespmem:s11+$0x8800];
	_ =	sdelay $0x1  }
0x723: {  	v27 =	vld [tilespmem:s30+$0x8800];
	v12 =	vadd.f32 v25, v12  }
0x724: {  	v28 =	vpop (erf)  }
0x725: {  	v12 =	vsub.f32 $0.0e+00, v12;
	v29 =	vpop (erf)  }
0x726: {  	v14 =	vmul.f32 v28, v26;
	v30 =	vpop (erf);
	v13 =	vadd.f32 $1.000000000e+00, v29  }
0x727: {  	v12 =	vmul.f32 $1.442695020e+00, v12;
	v31 =	vpop (erf)  }
0x728: {  	[tilespmem:s1+$0xFFFFFF60] =	vst v14;
	v15 =	vmul.f32 v31, v27;
	(erf) = vrcp.f32 v13  }
0x729: {  	v32 =	vld [tilespmem:s28+$0x70];
	(erf) = vpow2.f32 v12  }
0x72a: {  	v14 =	vld [tilespmem:s5+$0xFFFFFE80];
	[tilespmem:s1+$0xFFFFFFE0] =	vst v15  }
0x72b: {  	v33 =	vld [tilespmem:s18+$0x70]  }
0x72c: {  	v15 =	vld [tilespmem:s5+$0xFFFFFF00];
	_ =	sdelay $0x2  }
0x72d: {  	v34 =	vld [tilespmem:s12+$0x8800]  }
0x72e: {  	v13 =	vadd.f32 v32, v14  }
0x72f: {  	v12 =	vadd.f32 v33, v15;
	v35 =	vpop (erf)  }
0x730: {  	v13 =	vsub.f32 $0.0e+00, v13;
	v36 =	vpop (erf)  }
0x731: {  	v12 =	vsub.f32 $0.0e+00, v12;
	v15 =	vadd.f32 $1.000000000e+00, v36  }
0x732: {  	v13 =	vmul.f32 $1.442695020e+00, v13;
	v14 =	vmul.f32 v35, v34  }
0x733: {  	v12 =	vmul.f32 $1.442695020e+00, v12;
	(erf) = vrcp.f32 v15  }
0x734: {  	(erf) = vpow2.f32 v13  }
0x735: {  	[tilespmem:s1+$0x60] =	vst v14;
	(erf) = vpow2.f32 v12  }
0x736: {  	v37 =	vld [tilespmem:s5+$0xFFFFFF80]  }
0x737: {  	v38 =	vld [tilespmem:s6+$0x70];
	_ =	sdelay $0x4  }
0x738: {  	v12 =	vadd.f32 v38, v37;
	v39 =	vpop (erf)  }
0x739: {  	v40 =	vpop (erf)  }
0x73a: {  	v12 =	vsub.f32 $0.0e+00, v12;
	v13 =	vadd.f32 $1.000000000e+00, v40;
	v41 =	vpop (erf)  }
0x73b: {  	s12 =	rddreg [dreg:$0x1e];
	v15 =	vadd.f32 $1.000000000e+00, v41  }
0x73c: {  	v42 =	vld [tilespmem:s9+$0x8800];
	s13 =	rddreg [dreg:$0x1b];
	v12 =	vmul.f32 $1.442695020e+00, v12;
	(erf) = vrcp.f32 v13  }
0x73d: {  	s14 =	sld [smem:$0x799];
	v43 =	vld [tilespmem:s12+$0x8800];
	(erf) = vrcp.f32 v15  }
0x73e: {  	v44 =	vld [tilespmem:s13+$0x8800];
	(erf) = vpow2.f32 v12  }
0x73f: {  	s15 =	rddreg [dreg:$0xf]  }
0x740: {  	s21 =	sld [smem:$0x7AF];
	v46 =	vld [tilespmem:s15+$0x8800];
	s0 =	sor.u32 $0x470, s14  }
0x741: {  	v4 =	vmul.f32 v4, v42;
	s16 =	rddreg [dreg:$0x13];
	v45 =	vld [tilespmem:s0+$0x8800]  }
0x742: {  	s18 =	rddreg [dreg:$0x10];
	v48 =	vld [tilespmem:s16+$0x8800];
	v5 =	vmul.f32 v5, v43  }
0x743: {  	v50 =	vld [tilespmem:s18+$0x8800];
	[tilespmem:s21+$0xFFFFFF70] =	vst v4;
	v4 =	vmul.f32 v10, v44  }
0x744: {  	[tilespmem:s21+$0xFFFFFFF0] =	vst v5  }
0x745: {  	[tilespmem:s21+$0x70] =	vst v4;
	v5 =	vmul.f32 v7, v46;
	v47 =	vpop (erf)  }
0x746: {  	v8 =	vmul.f32 v8, v45;
	s0 =	rddreg [dreg:$0x12];
	v49 =	vpop (erf)  }
0x747: {  	s19 =	sor.u32 $0x470, s31;
	v56 =	vmul.f32 v9, v48;
	s22 =	rddreg [dreg:$0xe];
	[tilespmem:s7+$0xFFFFFF70] =	vst v5;
	v51 =	vpop (erf)  }
0x748: {  	v52 =	vld [tilespmem:s19+$0x8800];
	v5 =	vmul.f32 v11, v50;
	[tilespmem:s7+$0xF0] =	vst v8;
	v53 =	vadd.f32 $1.000000000e+00, v51  }
0x749: {  	s23 =	sor.u32 $0x470, s17;
	v54 =	vld [tilespmem:s25+$0x8800];
	s25 =	rddreg [dreg:$0x15];
	[tilespmem:s7+$0xFFFFFFF0] =	vst v56  }
0x74a: {  	v57 =	vld [tilespmem:s23+$0x8800];
	[tilespmem:s7+$0x70] =	vst v5;
	(erf) = vrcp.f32 v53  }
0x74b: {  	v4 =	vld [tilespmem:s0+$0x8800];
	s26 =	sld [smem:$0x7AE]  }
0x74c: {  	v55 =	vld [tilespmem:s22+$0x8800]  }
0x74d: {  	v6 =	vmul.f32 v6, v52;
	v58 =	vld [tilespmem:s25+$0x8800]  }
0x74e: {  	v59 =	vmul.f32 v16, v54;
	v5 =	vld [tilespmem:s26+$0x8800]  }
0x74f: {  	v62 =	vmul.f32 v30, v57;
	v60 =	vld [tilespmem:s20+$0x8800];
	[tilespmem:s24+$0xF0] =	vst v6  }
0x750: {  	[tilespmem:s24+$0xFFFFFF70] =	vst v59;
	v4 =	vmul.f32 v63, v4  }
0x751: {  	[tilespmem:s1+$0xF0] =	vst v62;
	v61 =	vmul.f32 v39, v55  }
0x752: {  	[tilespmem:s24+$0xFFFFFFF0] =	vst v4;
	v4 =	vmul.f32 v47, v58  }
0x753: {  	[tilespmem:s24+$0x70] =	vst v61;
	v5 =	vmul.f32 v49, v5;
	v63 =	vpop (erf)  }
0x754: {  	[tilespmem:s1+$0xFFFFFF70] =	vst v4;
	v4 =	vmul.f32 v63, v60  }
0x755: {  	[tilespmem:s1+$0xFFFFFFF0] =	vst v5  }
0x756: {  	[tilespmem:s1+$0x70] =	vst v4  }
0x757: {  	s3 =	sld [smem:$0x7C5]  }
0x758: {  	s30 =	simm.s32 $0x28  }
0x759: {  	s31 =	simm.s32 $0x5;
	s29 =	simm.s32 $0xB000;
	s28 =	rddreg [dreg:$0x4]  }
0x75a: {  	[spmem:s28] =	stream.indirect.scatter.add.f32 [tilespmem:s29], [sflag:$0x5], $0x80, s3, s30, $0xb8;
	[tilespmem:$0x1FC80] =	vst v63  }
0x75b: {  	_ =	swait.ge [sflag:s31], $0x1400  }
0x75c: {  	s6 =	sld [smem:$0x7E6];
	_ =	sdelay $0x2  }
0x75d: {  	p0 =	seq.s32 s6, $0x7C  }
.Ltmp7:
0x75e: {  	_ = 	snop;
	(pc) =	sbr.rel @p0 .LBB2_10-.Ltmp7, $3  }
0x75f: {  	_ =	sdelay $0x1  }
0x760: {  	[sflag:s31] =	ssyncset.done $0x0  }
0x761: {  	[sflag:s31] =	ssyncadd.s32 $0xFFFFEC00  }
0x762: {  	s0 =	sld [smem:$0x78F]  }
0x763: {  	s4 =	sld [smem:$0x790];
	_ =	sdelay $0x1  }
0x764: {  	p0 =	sne.s32 s0, $0x18  }
0x765: {  	s0 =	smulhi.u32 @!p0 $0x51EB851F, s4;
	_ =	sdelay $0x1  }
0x766: {  	s2 =	sld [smem:$0x7F6];
	s0 =	sshrl.u32 @!p0 s0, $0x4  }
0x767: {  	s1 =	smul.u32 @!p0 $0x1C00, s0;
	_ =	sdelay $0x1  }
0x768: {  	s1 =	sadd.s32 @!p0 s2, s1;
	s2 =	sld [smem:$0x7F9];
	_ =	sdelay $0x1  }
0x769: {  	s1 =	sshrl.u32 @!p0 s1, $0x3  }
0x76a: {  	s1 =	sadd.s32 @!p0 s2, s1;
	s2 =	simm.s32 @!p0 $0x0  }
0x76b: {  	[tilespmem:s2], [sflag:$0x5] =	stream.linear.gather @!p0 [hbm4b:s1+s2], $0x1900, $0x38;
	[tilespmem:$0x1FC80] =	vst v63  }
0x76c: {  	s3 =	simm.s32 @!p0 $0x1C00;
	s1 =	sadd.s32 @!p0 $0x23000, s1  }
0x76d: {  	[tilespmem:s3], [sflag:$0x5] =	stream.linear.gather @!p0 [hbm4b:s1+s2], $0x1900, $0x38;
	[tilespmem:$0x1FC80] =	vst v63  }
0x76e: {  	s0 =	smul.u32 @!p0 $0x32, s0;
	s1 =	simm.s32 @!p0 $0x5  }
0x76f: {  	_ =	swait.ge @!p0 [sflag:s1], $0x3200  }
0x770: {  	s0 =	ssub.s32 @!p0 s4, s0;
	[sflag:s1] =	ssyncset.done @!p0 $0x0  }
0x771: {  	s4 =	simm.s32 @!p0 $0x3800;
	s0 =	sshll.u32 @!p0 s0, $0x7;
	[sflag:s1] =	ssyncadd.s32 @!p0 $0xFFFFCE00  }
0x772: {  	s3 =	simm.s32 @!p0 $0x28;
	s1 =	sadd.s32 @!p0 $0x1C00, s0;
	s5 =	rddreg [dreg:$0x0]  }
0x773: {  	[tilespmem:s4], [sflag:$0x1] =	stream.indirect.gather @!p0 [hbm4b:s5+s3], $0x80, s1, s3, $0xb8;
	[tilespmem:$0x1FC80] =	vst v63  }
0x774: {  	v4 =	vld @!p0 [tilespmem:s0+$0x0];
	_ =	sdelay $0x4  }
0x775: {  	v5 =	vshll.u32 @!p0 v4, $0x1  }
0x776: {  	v6 =	vlaneseq.u32 @!p0;
	v4 =	vand.u32 @!p0 $0x7, v4;
	v5 =	vand.u32 @!p0 $0xFFFFFFF0, v5  }
0x777: {  	v7 =	vshrl.u32 @!p0 v6, $0x3;
	v4 =	vor.u32 @!p0 v4, v5;
	v5 =	vand.u32 @!p0 $0x7, v6  }
0x778: {  	v7 =	vmul.u32 @!p0 $0x8, v7;
	v8 =	vperm.xlane @!p0 v4, v5  }
0x779: {  	v6 =	vor.u32 @!p0 $0x8, v6  }
0x77a: {  	v4 =	vperm.xlane @!p0 v4, v6;
	v8 =	vadd.s32 @!p0 v7, v8;
	_ =	sdelay $0x1  }
0x77b: {  	v4 =	vadd.s32 @!p0 v7, v4;
	_ =	sdelay $0x1  }
0x77c: {  	vm1 =	vmmov @!p0 $0xffff;
	s1 =	simm.s32 @!p0 $0x6000;
	s3 =	rddreg [dreg:$0x1]  }
0x77d: {  	[tilespmem:s1], [sflag:$0x3] =	stream.indirect_vreg.gather @!p0 [hbm4b:s3+s2], $0x80, v8, vm1, $0xb8;
	[tilespmem:$0x1FC80] =	vst v63  }
0x77e: {  	s1 =	simm.s32 @!p0 $0x6800  }
0x77f: {  	[tilespmem:s1], [sflag:$0x3] =	stream.indirect_vreg.gather @!p0 [hbm4b:s3+s2], $0x80, v4, vm1, $0xb8;
	[tilespmem:$0x1FC80] =	vst v63  }
0x780: {  	v4 =	vld @!p0 [tilespmem:s0+$0x10];
	_ =	sdelay $0x4  }
0x781: {  	v8 =	vshll.u32 @!p0 v4, $0x1  }
0x782: {  	v4 =	vand.u32 @!p0 $0x7, v4;
	v8 =	vand.u32 @!p0 $0xFFFFFFF0, v8  }
0x783: {  	v4 =	vor.u32 @!p0 v4, v8  }
0x784: {  	v8 =	vperm.xlane @!p0 v4, v5;
	_ =	sdelay $0x1  }
0x785: {  	v4 =	vperm.xlane @!p0 v4, v6;
	v8 =	vadd.s32 @!p0 v7, v8;
	_ =	sdelay $0x1  }
0x786: {  	v4 =	vadd.s32 @!p0 v7, v4;
	_ =	sdelay $0x1  }
0x787: {  	s1 =	simm.s32 @!p0 $0x7000  }
0x788: {  	[tilespmem:s1], [sflag:$0x3] =	stream.indirect_vreg.gather @!p0 [hbm4b:s3+s2], $0x80, v8, vm1, $0xb8;
	[tilespmem:$0x1FC80] =	vst v63  }
0x789: {  	s0 =	sor.u32 @!p0 $0x20, s0;
	s1 =	simm.s32 @!p0 $0x7800  }
0x78a: {  	[tilespmem:s1], [sflag:$0x3] =	stream.indirect_vreg.gather @!p0 [hbm4b:s3+s2], $0x80, v4, vm1, $0xb8;
	[tilespmem:$0x1FC80] =	vst v63  }
0x78b: {  	v4 =	vld.msk @!p0 [tilespmem:s0+$0x0], $0xff;
	_ =	sdelay $0x4  }
0x78c: {  	v6 =	vshll.u32 @!p0 v4, $0x1  }
0x78d: {  	v4 =	vand.u32 @!p0 $0x7, v4;
	v6 =	vand.u32 @!p0 $0xFFFFFFF0, v6  }
0x78e: {  	v4 =	vor.u32 @!p0 v4, v6  }
0x78f: {  	v4 =	vperm.xlane @!p0 v4, v5;
	_ =	sdelay $0x1  }
0x790: {  	v4 =	vadd.s32 @!p0 v7, v4  }
.Ltmp8:
0x791: {  	_ = 	snop;
	(pc) =	sbr.rel .LBB2_10-.Ltmp8, $3  }
0x792: {  	_ =	sdelay $0x1  }
0x793: {  	s0 =	simm.s32 @!p0 $0x8000  }
0x794: {  	[tilespmem:s0], [sflag:$0x3] =	stream.indirect_vreg.gather @!p0 [hbm4b:s3+s2], $0x80, v4, vm1, $0xb8;
	[tilespmem:$0x1FC80] =	vst v63  }
.LBB2_12:
0x795: {  	_ =	sfence.sel $0x180000  }
0x796: {  	[bflag:$0x0] =	sbarrier.arrive $0xFFFF  }
0x797: {  	_ =	strace $0x90000047  }
0x798: {  	s0 =	stileid.u32;
	[bflag:$0x2] =	sbarrier.arrive $0xFFFF  }
0x799: {  	p0 =	sne.s32 s0, $0x0;
	s0 =	rddreg [dreg:$0x5]  }
0x79a: {  	s0 =	sadd.s32 @!p0 $0x100000, s0  }
0x79b: {  	[sflag:s0] =	ssyncadd.tile.s32 @!p0 $0x1;
	_ =	shalt  }
.Lfunc_end2:
_tile_overlayer_lowered:
.L_overlay_start_2:
0x79c: {  	(tag) =	ssettag $0x2  }
0x79d: {  	s0 =	rddreg [dreg:$0x0];
	s2 =	stileid.u32  }
0x79e: {  	s1 =	rddreg [dreg:$0x1];
	p0 =	sne.s32 s2, $0x0  }
0x79f: {  	s3 =	rddreg [dreg:$0x2];
	[bflag:$0x3] =	sbarrier.arrive $0xFFFF;
	s2 =	simm.s32 @!p0 $0x1C05  }
0x7a0: {  	[timem:s3], [sflag:s2] =	dma.local @!p0 [hbm:s0], s1  }
0x7a1: {  	s0 =	simm.s32 @!p0 $0x5  }
0x7a2: {  	_ =	swait.ge @!p0 [sflag:s0], s1  }
0x7a3: {  	s1 =	ssub.s32 @!p0 $0x0, s1;
	[sflag:s0] =	ssyncset.done @!p0 $0x0  }
0x7a4: {  	[sflag:s0] =	ssyncadd.s32 @!p0 s1  }
0x7a5: {  	[bflag:$0x3] =	sbarrier.arrive $0xFFFF  }
0x7a6: {  	_ =	shalt  }

</sc_bundles>
